<compile_context>
chip_gen: v7x
topology: tpu7x:2x2x1
jax: 0.10.2.dev20260603
libtpu: 0.0.44.dev20260713+nightly
codegen_flags: <defaults>
</compile_context>

<pallas_src>
import functools

import jax
import jax.numpy as jnp
from jax import lax
from jax.experimental import pallas as pl
from jax.experimental.pallas import tpu as pltpu
from jax.experimental.pallas import tpu_sc as plsc

N_ATOMS = 10000
N_PROBES = 8000
N_EDGES = 160000
B = 4
P_MAX = 2000
F_HID = 128
D_RBF = 32
CUTOFF = 5.0

NC = 2
NS = 16
LANES = 16
NW = NC * NS

ROW = 4 * F_HID
E_PAD = 163840
EPW = E_PAD // NW
CH = 64
CHX = 1280
NCH = EPW // CHX
DUMP = 8191

P_PAD = 8192
SEG = P_PAD // NS

TBLK = 1280
NH = 8
E_HALF = E_PAD // NH
EPW_G = E_HALF // NW
NTB = E_HALF // TBLK

_MESH = dict(core_axis_name="c", subcore_axis_name="s",
             num_cores=NC, num_subcores=NS)


def _gather_body(tbl_hbm, ea_hbm, outg_hbm, idx_v, rows_v, semg, sems):
    wid = lax.axis_index("s") * NC + lax.axis_index("c")
    base0 = wid * EPW_G
    nchk = EPW_G // CH
    pltpu.sync_copy(ea_hbm.at[pl.ds(base0, EPW_G)], idx_v)
    pltpu.async_copy(tbl_hbm.at[idx_v.at[pl.ds(0, CH)]], rows_v.at[0], semg)

    def rows(c, carry):
        slot = lax.rem(c, 2)
        nxt = lax.rem(c + 1, 2)
        pltpu.make_async_copy(
            tbl_hbm.at[idx_v.at[pl.ds(c * CH, CH)]],
            rows_v.at[slot], semg).wait()

        @pl.when(c + 1 < nchk)
        def _start_next():
            @pl.when(c >= 1)
            def _drain_prev_store():
                pltpu.make_async_copy(
                    rows_v.at[nxt],
                    outg_hbm.at[pl.ds(base0, CH)], sems).wait()
            pltpu.async_copy(
                tbl_hbm.at[idx_v.at[pl.ds((c + 1) * CH, CH)]],
                rows_v.at[nxt], semg)

        pltpu.async_copy(
            rows_v.at[slot], outg_hbm.at[pl.ds(base0 + c * CH, CH)], sems)
        return carry

    lax.fori_loop(0, nchk, rows, 0)
    for _ in range(2):
        pltpu.make_async_copy(
            rows_v.at[0], outg_hbm.at[pl.ds(base0, CH)], sems).wait()


@functools.lru_cache(maxsize=None)
def _gather_call():
    return pl.kernel(
        _gather_body,
        out_type=jax.ShapeDtypeStruct((E_HALF, ROW), jnp.float32),
        mesh=plsc.VectorSubcoreMesh(**_MESH),
        scratch_types=[
            pltpu.VMEM((EPW_G,), jnp.int32),
            pltpu.VMEM((2, CH, ROW), jnp.float32),
            pltpu.SemaphoreType.DMA,
            pltpu.SemaphoreType.DMA,
        ],
        compiler_params=pltpu.CompilerParams(needs_layout_passes=False),
    )


def _xyz_body(xyz6_hbm, ea_hbm, ep_hbm, outx_hbm,
              tabs_v, idxa_v, idxp_v, stage_v):
    wid = lax.axis_index("s") * NC + lax.axis_index("c")
    base0 = wid * EPW
    pltpu.sync_copy(xyz6_hbm, tabs_v)

    def superchunk(cx, carry):
        base = base0 + cx * CHX
        pltpu.sync_copy(ea_hbm.at[pl.ds(base, CHX)], idxa_v)
        pltpu.sync_copy(ep_hbm.at[pl.ds(base, CHX)], idxp_v)

        def xyz(g, carry2):
            off = g * LANES
            ia = idxa_v[pl.ds(off, LANES)]
            ip = idxp_v[pl.ds(off, LANES)]
            for k in range(3):
                stage_v[k, pl.ds(off, LANES)] = plsc.load_gather(
                    tabs_v.at[k], [ia])
                stage_v[3 + k, pl.ds(off, LANES)] = plsc.load_gather(
                    tabs_v.at[3 + k], [ip])
            return carry2

        lax.fori_loop(0, CHX // LANES, xyz, 0)
        for k in range(6):
            pltpu.sync_copy(stage_v.at[k], outx_hbm.at[k, pl.ds(base, CHX)])
        return carry

    lax.fori_loop(0, NCH, superchunk, 0)


@functools.lru_cache(maxsize=None)
def _xyz_call():
    return pl.kernel(
        _xyz_body,
        out_type=jax.ShapeDtypeStruct((8, E_PAD), jnp.float32),
        mesh=plsc.VectorSubcoreMesh(**_MESH),
        scratch_types=[
            pltpu.VMEM((6, N_ATOMS), jnp.float32),
            pltpu.VMEM((CHX,), jnp.int32),
            pltpu.VMEM((CHX,), jnp.int32),
            pltpu.VMEM((6, CHX), jnp.float32),
        ],
        compiler_params=pltpu.CompilerParams(
            use_tc_tiling_on_sc=False, needs_layout_passes=False),
    )


def _scatter_body(mw_hbm, ep_hbm, out_hbm, mw_v, ep_v, rho_v, red_v, acc_v, shared):
    cid = lax.axis_index("c")
    sid = lax.axis_index("s")
    wid = sid * NC + cid
    base = wid * EPW
    pltpu.sync_copy(mw_hbm.at[pl.ds(base, EPW)], mw_v)
    pltpu.sync_copy(ep_hbm.at[pl.ds(base, EPW)], ep_v)

    def zero(j, carry):
        rho_v[pl.ds(j * LANES, LANES)] = jnp.zeros((LANES,), jnp.float32)
        return carry

    lax.fori_loop(0, P_PAD // LANES, zero, 0)

    def scat(i, carry):
        idx = ep_v[pl.ds(i * LANES, LANES)]
        val = mw_v[pl.ds(i * LANES, LANES)]
        plsc.addupdate_scatter(rho_v, [idx], val)
        return carry

    lax.fori_loop(0, EPW // LANES, scat, 0)

    pltpu.sync_copy(rho_v, shared.at[sid])
    plsc.subcore_barrier()

    def rd(k, carry):
        pltpu.sync_copy(shared.at[k, pl.ds(sid * SEG, SEG)], red_v.at[k])
        return carry

    lax.fori_loop(0, NS, rd, 0)

    def red(j, carry):
        s = red_v[0, pl.ds(j * LANES, LANES)]
        for k in range(1, NS):
            s = s + red_v[k, pl.ds(j * LANES, LANES)]
        acc_v[pl.ds(j * LANES, LANES)] = s
        return carry

    lax.fori_loop(0, SEG // LANES, red, 0)
    pltpu.sync_copy(acc_v, out_hbm.at[cid, pl.ds(sid * SEG, SEG)])


@functools.lru_cache(maxsize=None)
def _scatter_call():
    return pl.kernel(
        _scatter_body,
        out_type=jax.ShapeDtypeStruct((NC, P_PAD), jnp.float32),
        mesh=plsc.VectorSubcoreMesh(**_MESH),
        scratch_types=[
            pltpu.VMEM((EPW,), jnp.float32),
            pltpu.VMEM((EPW,), jnp.int32),
            pltpu.VMEM((P_PAD,), jnp.float32),
            pltpu.VMEM((NS, SEG), jnp.float32),
            pltpu.VMEM((SEG,), jnp.float32),
            pltpu.VMEM_SHARED((NS, P_PAD), jnp.float32),
        ],
        compiler_params=pltpu.CompilerParams(
            use_tc_tiling_on_sc=False, needs_layout_passes=False),
    )


def _mlp_body(g_ref, x_ref, pk_ref, cmt_ref, w1a_ref, w1b_ref, w1c_ref,
              w1d_ref, b1_ref, w2_ref, b2_ref, w3_ref, b3_ref, out_ref):
    g = g_ref[...]
    s_e = g[:, 0:F_HID]
    v0 = g[:, F_HID:2 * F_HID]
    v1 = g[:, 2 * F_HID:3 * F_HID]
    v2 = g[:, 3 * F_HID:4 * F_HID]
    axt = x_ref[0:3, :]
    pxt = x_ref[3:6, :]
    dispt = pk_ref[0:3, :]
    pft = pk_ref[3:4, :]

    dot = functools.partial(jnp.dot, preferred_element_type=jnp.float32)
    bft = jnp.floor(pft * (1.0 / P_MAX))
    iota4 = lax.broadcasted_iota(jnp.int32, (B, 1), 0).astype(jnp.float32)
    oht = (bft == iota4).astype(jnp.float32)
    dvallt = jnp.dot(cmt_ref[0:3 * B, 0:3], dispt,
                     preferred_element_type=jnp.float32,
                     precision=lax.Precision.HIGHEST)
    dvt = (oht[0:1] * dvallt[0:3] + oht[1:2] * dvallt[3:6] +
           oht[2:3] * dvallt[6:9] + oht[3:4] * dvallt[9:12])
    difft = pxt - (axt + dvt)
    d2t = jnp.sum(difft * difft, axis=0, keepdims=True)
    distt = jnp.sqrt(d2t)
    invt = 1.0 / (distt + 1e-8)
    inv0t = 1.0 / distt
    cwt = 0.5 * (jnp.cos(distt * (jnp.pi / CUTOFF)) + 1.0)
    cwt = jnp.where(distt < CUTOFF, cwt, 0.0)
    nvec = lax.broadcasted_iota(jnp.int32, (D_RBF, 1), 0).astype(
        jnp.float32) + 1.0
    e_pit = jnp.sin(distt * nvec * (jnp.pi / CUTOFF)) * inv0t
    e_pi = jnp.transpose(e_pit)
    rhat = jnp.transpose(difft * invt)
    q_pi = v0 * rhat[:, 0:1] + v1 * rhat[:, 1:2] + v2 * rhat[:, 2:3]
    n_e = jnp.sqrt(v0 * v0 + v1 * v1 + v2 * v2)

    pre1 = (dot(e_pi, w1a_ref[...]) + dot(q_pi, w1b_ref[...]) +
            dot(n_e, w1c_ref[...]) + dot(s_e, w1d_ref[...]) + b1_ref[...])
    h1 = pre1 * jax.nn.sigmoid(pre1)
    pre2 = dot(h1, w2_ref[...]) + b2_ref[...]
    h2 = pre2 * jax.nn.sigmoid(pre2)
    m = jnp.sum(h2 * w3_ref[...], axis=1, keepdims=True) + b3_ref[...]
    out_ref[...] = m * jnp.transpose(cwt)


_mlp = pl.pallas_call(
    _mlp_body,
    grid=(NTB,),
    in_specs=[
        pl.BlockSpec((TBLK, ROW), lambda i: (i, 0)),
        pl.BlockSpec((8, TBLK), lambda i: (0, i)),
        pl.BlockSpec((8, TBLK), lambda i: (0, i)),
        pl.BlockSpec((16, 8), lambda i: (0, 0)),
        pl.BlockSpec((D_RBF, F_HID), lambda i: (0, 0)),
        pl.BlockSpec((F_HID, F_HID), lambda i: (0, 0)),
        pl.BlockSpec((F_HID, F_HID), lambda i: (0, 0)),
        pl.BlockSpec((F_HID, F_HID), lambda i: (0, 0)),
        pl.BlockSpec((1, F_HID), lambda i: (0, 0)),
        pl.BlockSpec((F_HID, F_HID // 2), lambda i: (0, 0)),
        pl.BlockSpec((1, F_HID // 2), lambda i: (0, 0)),
        pl.BlockSpec((1, F_HID // 2), lambda i: (0, 0)),
        pl.BlockSpec((1, 1), lambda i: (0, 0)),
    ],
    out_specs=pl.BlockSpec((TBLK, 1), lambda i: (i, 0)),
    out_shape=jax.ShapeDtypeStruct((E_HALF, 1), jnp.float32),
    compiler_params=pltpu.CompilerParams(
        dimension_semantics=("arbitrary",)),
)


def kernel(atom_xyz, probe_xyz, cell, edge_atom, edge_probe,
           probe_edges_displacement, S_JK, V_JK, W1, b1, W2, b2, W3, b3):
    f32 = jnp.float32
    tbl = jnp.concatenate(
        [S_JK, V_JK[:, 0, :], V_JK[:, 1, :], V_JK[:, 2, :]], axis=1)
    xyz6 = jnp.zeros((6, N_ATOMS), f32)
    xyz6 = xyz6.at[0:3, :].set(jnp.transpose(atom_xyz))
    xyz6 = xyz6.at[3:6, 0:N_PROBES].set(jnp.transpose(probe_xyz))

    npad = E_PAD - N_EDGES
    ea_pad = jnp.concatenate([edge_atom, jnp.zeros((npad,), jnp.int32)])
    ep_pad = jnp.concatenate([edge_probe, jnp.zeros((npad,), jnp.int32)])
    xyzt = _xyz_call()(xyz6, ea_pad, ep_pad)

    packedt = jnp.zeros((8, E_PAD), f32)
    packedt = packedt.at[0:3, 0:N_EDGES].set(
        jnp.transpose(probe_edges_displacement))
    packedt = packedt.at[3, 0:N_EDGES].set(edge_probe.astype(f32))
    cmt = jnp.zeros((16, 8), f32).at[:3 * B, :3].set(
        jnp.transpose(cell, (0, 2, 1)).reshape(3 * B, 3))
    mw_halves = []
    for h in range(NH):
        lo = h * E_HALF
        g_h = _gather_call()(tbl, lax.slice_in_dim(ea_pad, lo, lo + E_HALF))
        mw_h = _mlp(g_h, lax.slice_in_dim(xyzt, lo, lo + E_HALF, axis=1),
                    lax.slice_in_dim(packedt, lo, lo + E_HALF, axis=1), cmt,
                    W1[0:D_RBF], W1[D_RBF:D_RBF + F_HID],
                    W1[D_RBF + F_HID:D_RBF + 2 * F_HID],
                    W1[D_RBF + 2 * F_HID:D_RBF + 3 * F_HID],
                    b1[None, :], W2, b2[None, :],
                    W3.reshape(1, F_HID // 2), b3.reshape(1, 1))
        mw_halves.append(mw_h[:, 0])
    mw = jnp.concatenate(mw_halves)

    ep_scat = jnp.concatenate(
        [edge_probe, jnp.full((npad,), DUMP, jnp.int32)])
    part = _scatter_call()(mw, ep_scat)
    rho = part[0, :N_PROBES] + part[1, :N_PROBES]
    return rho.reshape(B, P_MAX)

# --- scband reference (transcript-rebuilt; emitter-appended) ---
"""Pipeline reference for scband-info-bottleneck-readout-56349970923947 (READ-ONLY COPY).

The authoritative reference and input builder live on the scoring server;
editing this copy changes nothing except your own understanding.
"""

import jax, jax.numpy as jnp
import numpy as np

N_ATOMS = 10000
N_PROBES = 8000
N_EDGES = 160000
B = 4
P_MAX = 2000
F_HID = 128
D_RBF = 32
CUTOFF = 5.0
IN_DIM = D_RBF + 3 * F_HID


def setup_inputs(seed: int = 0) -> dict:
    key = jax.random.key(seed)
    ks = jax.random.split(key, 14)
    inp = {}
    inp["atom_xyz"] = jax.random.normal(ks[0], (N_ATOMS, 3), dtype=jnp.float32)
    inp["probe_xyz"] = jax.random.normal(ks[1], (N_PROBES, 3), dtype=jnp.float32)
    inp["cell"] = jax.random.normal(ks[2], (B, 3, 3), dtype=jnp.float32)
    inp["edge_atom"] = jax.random.randint(ks[3], (N_EDGES,), 0, N_ATOMS, dtype=jnp.int32)
    inp["edge_probe"] = jax.random.randint(ks[4], (N_EDGES,), 0, N_PROBES, dtype=jnp.int32)
    inp["probe_edges_displacement"] = jax.random.normal(ks[5], (N_EDGES, 3), dtype=jnp.float32)
    inp["S_JK"] = jax.random.normal(ks[6], (N_ATOMS, F_HID), dtype=jnp.float32)
    inp["V_JK"] = jax.random.normal(ks[7], (N_ATOMS, 3, F_HID), dtype=jnp.float32)
    inp["W1"] = jax.random.normal(ks[8], (IN_DIM, F_HID), dtype=jnp.float32) / np.sqrt(IN_DIM)
    inp["b1"] = jnp.zeros((F_HID,), dtype=jnp.float32)
    inp["W2"] = jax.random.normal(ks[9], (F_HID, F_HID // 2), dtype=jnp.float32) / np.sqrt(F_HID)
    inp["b2"] = jnp.zeros((F_HID // 2,), dtype=jnp.float32)
    inp["W3"] = jax.random.normal(ks[10], (F_HID // 2, 1), dtype=jnp.float32) / np.sqrt(F_HID // 2)
    inp["b3"] = jnp.zeros((1,), dtype=jnp.float32)
    return inp


def reference(atom_xyz, probe_xyz, cell, edge_atom, edge_probe, probe_edges_displacement, S_JK, V_JK, W1, b1, W2, b2, W3, b3):
    # Step 5.0 -- geometry per probe-edge (calc_distance_to_probe): flattened batch,
    # uniform num_probes=P_MAX per sample so edge batch id = probe_idx // P_MAX.
    batch_e = edge_probe // P_MAX
    cell_e = cell[batch_e]
    disp_vec = jnp.einsum('ej,ejk->ek', probe_edges_displacement, cell_e)
    atom_pos = atom_xyz[edge_atom] + disp_vec
    diff = probe_xyz[edge_probe] - atom_pos
    dist = jnp.linalg.norm(diff, axis=-1, keepdims=True)  # [E, 1]
    # Step 5.1 -- spatial invariants
    n = jnp.arange(1, D_RBF + 1, dtype=jnp.float32)
    e_pi = jnp.sin(n[None, :] * jnp.pi * dist / CUTOFF) / dist  # sinc RBF expansion [E, D_RBF]
    r_hat = diff / (jnp.linalg.norm(diff, axis=-1, keepdims=True) + 1e-08)
    V_e = V_JK[edge_atom]  # gather [E, 3, F]
    q_pi = jnp.sum(V_e * r_hat[:, :, None], axis=1)  # [E, F]
    n_i = jnp.linalg.norm(V_JK, axis=1)  # [N, F]
    n_e = n_i[edge_atom]
    S_e = S_JK[edge_atom]
    # Step 5.2 -- fuse + message MLP
    h = jnp.concatenate([e_pi, q_pi, n_e, S_e], axis=-1)  # [E, D_RBF + 3F]
    h1 = jax.nn.silu(h @ W1 + b1)
    h2 = jax.nn.silu(h1 @ W2 + b2)
    m_pi = (h2 @ W3 + b3)[:, 0]
    # Step 5.3 -- cosine-cutoff weighted scatter-add onto probes
    d = dist[:, 0]
    cw = 0.5 * (jnp.cos(jnp.pi * d / CUTOFF) + 1.0) * (d < CUTOFF).astype(jnp.float32)
    m_w = m_pi * cw
    rho = jnp.zeros((N_PROBES,), dtype=jnp.float32).at[edge_probe].add(m_w)
    # pad_and_stack with uniform num_probes collapses to a reshape
    return rho.reshape(B, P_MAX)

if __name__ == "__main__":
    import jax
    _d = setup_inputs()
    print(jax.jit(kernel)(*tuple(_d.values())))

</pallas_src>

<mosaic_0001>
#map = affine_map<(d0, d1) -> (0, 0)>
#map1 = affine_map<(d0, d1) -> (0)>
module attributes {stable_mosaic.version = 14 : i64} {
  func.func @_gather_body(%arg0: i32, %arg1: i32, %arg2: memref<10000x512xf32, #tpu.memory_space<hbm>>, %arg3: memref<20480xi32, #tpu.memory_space<hbm>>, %arg4: memref<20480x512xf32, #tpu.memory_space<hbm>>, %arg5: memref<640xi32, #tpu.memory_space<vmem>>, %arg6: memref<2x64x512xf32, #tpu.memory_space<vmem>>, %arg7: memref<!tpu.dma_semaphore, #tpu.memory_space<semaphore_mem>>, %arg8: memref<!tpu.dma_semaphore, #tpu.memory_space<semaphore_mem>>) attributes {dimension_semantics = [#tpu.dimension_semantics<core_parallel>, #tpu.dimension_semantics<subcore_parallel>], iteration_bounds = array<i64: 2, 16>, scalar_prefetch = 0 : i64, scratch_operands = 4 : i64, tpu.core_type = #tpu.core_type<sc_vector_subcore>, window_params = [{transform_indices = #map}, {transform_indices = #map1}, {transform_indices = #map}]} {
    %mul3A = arith.constant 2 : i32
    %mul3A_0 = arith.muli %arg1, %mul3A : i32
    %add3A = arith.addi %mul3A_0, %arg0 : i32
    %mul3A_1 = arith.constant 640 : i32
    %mul3A_2 = arith.muli %add3A, %mul3A_1 : i32
    "tpu.region"() ({
      %run_scoped3A = tpu.sem_alloc : memref<!tpu.dma_semaphore, #tpu.memory_space<semaphore_mem>>
      %dma_start3A_42 = tpu.memref_slice %arg3[%mul3A_2] : memref<20480xi32, #tpu.memory_space<hbm>> -> memref<640xi32, #tpu.memory_space<hbm>>
      %dma_start3A_43 = tpu.memref_slice %arg3[%mul3A_2] : memref<20480xi32, #tpu.memory_space<hbm>> -> memref<640xi32, #tpu.memory_space<hbm>>
      tpu.enqueue_dma source(%dma_start3A_43 : memref<640xi32, #tpu.memory_space<hbm>>) target(%arg5 : memref<640xi32, #tpu.memory_space<vmem>>) target_semaphore(%run_scoped3A : memref<!tpu.dma_semaphore, #tpu.memory_space<semaphore_mem>>)
      %dma_wait3A_44 = tpu.memref_slice %arg3[%mul3A_2] : memref<20480xi32, #tpu.memory_space<hbm>> -> memref<640xi32, #tpu.memory_space<hbm>>
      %dma_wait3A_45 = tpu.memref_slice %arg3[%mul3A_2] : memref<20480xi32, #tpu.memory_space<hbm>> -> memref<640xi32, #tpu.memory_space<hbm>>
      tpu.wait_dma2 semaphore(%run_scoped3A : memref<!tpu.dma_semaphore, #tpu.memory_space<semaphore_mem>>) src(%dma_wait3A_45 : memref<640xi32, #tpu.memory_space<hbm>>) dst(%arg5 : memref<640xi32, #tpu.memory_space<vmem>>)
      tpu.yield
    }) : () -> ()
    %dma_start3A = arith.constant 0 : i32
    %dma_start3A_3 = arith.constant 0 : i32
    %dma_start3A_4 = arith.constant 0 : i32
    %dma_start3A_5 = tpu.memref_slice %arg6[%dma_start3A, %dma_start3A_3, %dma_start3A_4] : memref<2x64x512xf32, #tpu.memory_space<vmem>> -> memref<1x64x512xf32, #tpu.memory_space<vmem>>
    %dma_start3A_6 = tpu.memref_squeeze %dma_start3A_5 : memref<1x64x512xf32, #tpu.memory_space<vmem>> -> memref<64x512xf32, #tpu.memory_space<vmem>>
    %dma_start3A_7 = arith.constant 0 : i32
    %dma_start3A_8 = tpu.memref_slice %arg5[%dma_start3A_7] : memref<640xi32, #tpu.memory_space<vmem>> -> memref<64xi32, #tpu.memory_space<vmem>>
    %dma_start3A_9 = arith.constant 0 : i32
    %dma_start3A_10 = arith.constant 0 : i32
    %dma_start3A_11 = tpu.memref_slice %arg2[%dma_start3A_9, %dma_start3A_10] : memref<10000x512xf32, #tpu.memory_space<hbm>> -> memref<10000x512xf32, #tpu.memory_space<hbm>>
    tpu.enqueue_indirect_dma source(%dma_start3A_11 : memref<10000x512xf32, #tpu.memory_space<hbm>>) target(%dma_start3A_6 : memref<64x512xf32, #tpu.memory_space<vmem>>) offsets(%dma_start3A_8 : memref<64xi32, #tpu.memory_space<vmem>>) semaphore(%arg7 : memref<!tpu.dma_semaphore, #tpu.memory_space<semaphore_mem>>)
    %scan3A = arith.constant 0 : i32
    %scan3A_12 = arith.constant 0 : i32
    %scan3A_13 = arith.constant 10 : i32
    %scan3A_14 = arith.addi %scan3A_12, %scan3A_13 : i32
    %scan3A_15 = arith.constant 1 : i32
    scf.for %scan3A_42 = %scan3A_12 to %scan3A_14 step %scan3A_15  : i32 {
      %rem3A = arith.constant 2 : i32
      %rem3A_43 = arith.remsi %scan3A_42, %rem3A : i32
      %add3A_44 = arith.constant 1 : i32
      %add3A_45 = arith.addi %scan3A_42, %add3A_44 : i32
      %rem3A_46 = arith.constant 2 : i32
      %rem3A_47 = arith.remsi %add3A_45, %rem3A_46 : i32
      %mul3A_48 = arith.constant 64 : i32
      %mul3A_49 = arith.muli %scan3A_42, %mul3A_48 : i32
      %dma_wait3A_50 = arith.constant 0 : i32
      %dma_wait3A_51 = arith.constant 0 : i32
      %dma_wait3A_52 = tpu.memref_slice %arg6[%rem3A_43, %dma_wait3A_50, %dma_wait3A_51] : memref<2x64x512xf32, #tpu.memory_space<vmem>> -> memref<1x64x512xf32, #tpu.memory_space<vmem>>
      %dma_wait3A_53 = tpu.memref_squeeze %dma_wait3A_52 : memref<1x64x512xf32, #tpu.memory_space<vmem>> -> memref<64x512xf32, #tpu.memory_space<vmem>>
      %dma_wait3A_54 = tpu.memref_slice %arg5[%mul3A_49] : memref<640xi32, #tpu.memory_space<vmem>> -> memref<64xi32, #tpu.memory_space<vmem>>
      %dma_wait3A_55 = arith.constant 0 : i32
      %dma_wait3A_56 = arith.constant 0 : i32
      %dma_wait3A_57 = tpu.memref_slice %arg2[%dma_wait3A_55, %dma_wait3A_56] : memref<10000x512xf32, #tpu.memory_space<hbm>> -> memref<10000x512xf32, #tpu.memory_space<hbm>>
      tpu.wait_indirect_dma semaphore(%arg7 : memref<!tpu.dma_semaphore, #tpu.memory_space<semaphore_mem>>) src(%dma_wait3A_57 : memref<10000x512xf32, #tpu.memory_space<hbm>>) dst(%dma_wait3A_53 : memref<64x512xf32, #tpu.memory_space<vmem>>)
      %add3A_58 = arith.constant 1 : i32
      %add3A_59 = arith.addi %scan3A_42, %add3A_58 : i32
      %lt3A = arith.constant 10 : i32
      %lt3A_60 = arith.cmpi slt, %add3A_59, %lt3A : i32
      %convert_element_type3A = arith.extui %lt3A_60 : i1 to i32
      %cond3A = arith.constant 0 : i32
      %cond3A_61 = arith.cmpi ne, %convert_element_type3A, %cond3A : i32
      scf.if %cond3A_61 {
        %ge3A = arith.constant 1 : i32
        %ge3A_77 = arith.cmpi sge, %scan3A_42, %ge3A : i32
        %convert_element_type3A_78 = arith.extui %ge3A_77 : i1 to i32
        %cond3A_79 = arith.constant 0 : i32
        %cond3A_80 = arith.cmpi ne, %convert_element_type3A_78, %cond3A_79 : i32
        scf.if %cond3A_80 {
          %dma_wait3A_93 = arith.constant 0 : i32
          %dma_wait3A_94 = arith.constant 0 : i32
          %dma_wait3A_95 = tpu.memref_slice %arg6[%rem3A_47, %dma_wait3A_93, %dma_wait3A_94] : memref<2x64x512xf32, #tpu.memory_space<vmem>> -> memref<1x64x512xf32, #tpu.memory_space<vmem>>
          %dma_wait3A_96 = tpu.memref_squeeze %dma_wait3A_95 : memref<1x64x512xf32, #tpu.memory_space<vmem>> -> memref<64x512xf32, #tpu.memory_space<vmem>>
          %dma_wait3A_97 = arith.constant 0 : i32
          %dma_wait3A_98 = tpu.memref_slice %arg4[%mul3A_2, %dma_wait3A_97] : memref<20480x512xf32, #tpu.memory_space<hbm>> -> memref<64x512xf32, #tpu.memory_space<hbm>>
          %dma_wait3A_99 = arith.constant 0 : i32
          %dma_wait3A_100 = tpu.memref_slice %arg4[%mul3A_2, %dma_wait3A_99] : memref<20480x512xf32, #tpu.memory_space<hbm>> -> memref<64x512xf32, #tpu.memory_space<hbm>>
          %dma_wait3A_101 = arith.constant 0 : i32
          %dma_wait3A_102 = arith.constant 0 : i32
          %dma_wait3A_103 = tpu.memref_slice %arg6[%rem3A_47, %dma_wait3A_101, %dma_wait3A_102] : memref<2x64x512xf32, #tpu.memory_space<vmem>> -> memref<1x64x512xf32, #tpu.memory_space<vmem>>
          %dma_wait3A_104 = tpu.memref_squeeze %dma_wait3A_103 : memref<1x64x512xf32, #tpu.memory_space<vmem>> -> memref<64x512xf32, #tpu.memory_space<vmem>>
          tpu.wait_dma2 semaphore(%arg8 : memref<!tpu.dma_semaphore, #tpu.memory_space<semaphore_mem>>) src(%dma_wait3A_104 : memref<64x512xf32, #tpu.memory_space<vmem>>) dst(%dma_wait3A_100 : memref<64x512xf32, #tpu.memory_space<hbm>>)
        } else {
        }
        %add3A_81 = arith.constant 1 : i32
        %add3A_82 = arith.addi %scan3A_42, %add3A_81 : i32
        %mul3A_83 = arith.constant 64 : i32
        %mul3A_84 = arith.muli %add3A_82, %mul3A_83 : i32
        %dma_start3A_85 = arith.constant 0 : i32
        %dma_start3A_86 = arith.constant 0 : i32
        %dma_start3A_87 = tpu.memref_slice %arg6[%rem3A_47, %dma_start3A_85, %dma_start3A_86] : memref<2x64x512xf32, #tpu.memory_space<vmem>> -> memref<1x64x512xf32, #tpu.memory_space<vmem>>
        %dma_start3A_88 = tpu.memref_squeeze %dma_start3A_87 : memref<1x64x512xf32, #tpu.memory_space<vmem>> -> memref<64x512xf32, #tpu.memory_space<vmem>>
        %dma_start3A_89 = tpu.memref_slice %arg5[%mul3A_84] : memref<640xi32, #tpu.memory_space<vmem>> -> memref<64xi32, #tpu.memory_space<vmem>>
        %dma_start3A_90 = arith.constant 0 : i32
        %dma_start3A_91 = arith.constant 0 : i32
        %dma_start3A_92 = tpu.memref_slice %arg2[%dma_start3A_90, %dma_start3A_91] : memref<10000x512xf32, #tpu.memory_space<hbm>> -> memref<10000x512xf32, #tpu.memory_space<hbm>>
        tpu.enqueue_indirect_dma source(%dma_start3A_92 : memref<10000x512xf32, #tpu.memory_space<hbm>>) target(%dma_start3A_88 : memref<64x512xf32, #tpu.memory_space<vmem>>) offsets(%dma_start3A_89 : memref<64xi32, #tpu.memory_space<vmem>>) semaphore(%arg7 : memref<!tpu.dma_semaphore, #tpu.memory_space<semaphore_mem>>)
      } else {
      }
      %mul3A_62 = arith.constant 64 : i32
      %mul3A_63 = arith.muli %scan3A_42, %mul3A_62 : i32
      %add3A_64 = arith.addi %mul3A_2, %mul3A_63 : i32
      %dma_start3A_65 = arith.constant 0 : i32
      %dma_start3A_66 = arith.constant 0 : i32
      %dma_start3A_67 = tpu.memref_slice %arg6[%rem3A_43, %dma_start3A_65, %dma_start3A_66] : memref<2x64x512xf32, #tpu.memory_space<vmem>> -> memref<1x64x512xf32, #tpu.memory_space<vmem>>
      %dma_start3A_68 = tpu.memref_squeeze %dma_start3A_67 : memref<1x64x512xf32, #tpu.memory_space<vmem>> -> memref<64x512xf32, #tpu.memory_space<vmem>>
      %dma_start3A_69 = arith.constant 0 : i32
      %dma_start3A_70 = tpu.memref_slice %arg4[%add3A_64, %dma_start3A_69] : memref<20480x512xf32, #tpu.memory_space<hbm>> -> memref<64x512xf32, #tpu.memory_space<hbm>>
      %dma_start3A_71 = arith.constant 0 : i32
      %dma_start3A_72 = tpu.memref_slice %arg4[%add3A_64, %dma_start3A_71] : memref<20480x512xf32, #tpu.memory_space<hbm>> -> memref<64x512xf32, #tpu.memory_space<hbm>>
      %dma_start3A_73 = arith.constant 0 : i32
      %dma_start3A_74 = arith.constant 0 : i32
      %dma_start3A_75 = tpu.memref_slice %arg6[%rem3A_43, %dma_start3A_73, %dma_start3A_74] : memref<2x64x512xf32, #tpu.memory_space<vmem>> -> memref<1x64x512xf32, #tpu.memory_space<vmem>>
      %dma_start3A_76 = tpu.memref_squeeze %dma_start3A_75 : memref<1x64x512xf32, #tpu.memory_space<vmem>> -> memref<64x512xf32, #tpu.memory_space<vmem>>
      tpu.enqueue_dma source(%dma_start3A_76 : memref<64x512xf32, #tpu.memory_space<vmem>>) target(%dma_start3A_72 : memref<64x512xf32, #tpu.memory_space<hbm>>) target_semaphore(%arg8 : memref<!tpu.dma_semaphore, #tpu.memory_space<semaphore_mem>>)
    }
    %scan3A_16 = arith.constant 10 : i32
    %dma_wait3A = arith.constant 0 : i32
    %dma_wait3A_17 = arith.constant 0 : i32
    %dma_wait3A_18 = arith.constant 0 : i32
    %dma_wait3A_19 = tpu.memref_slice %arg6[%dma_wait3A, %dma_wait3A_17, %dma_wait3A_18] : memref<2x64x512xf32, #tpu.memory_space<vmem>> -> memref<1x64x512xf32, #tpu.memory_space<vmem>>
    %dma_wait3A_20 = tpu.memref_squeeze %dma_wait3A_19 : memref<1x64x512xf32, #tpu.memory_space<vmem>> -> memref<64x512xf32, #tpu.memory_space<vmem>>
    %dma_wait3A_21 = arith.constant 0 : i32
    %dma_wait3A_22 = tpu.memref_slice %arg4[%mul3A_2, %dma_wait3A_21] : memref<20480x512xf32, #tpu.memory_space<hbm>> -> memref<64x512xf32, #tpu.memory_space<hbm>>
    %dma_wait3A_23 = arith.constant 0 : i32
    %dma_wait3A_24 = tpu.memref_slice %arg4[%mul3A_2, %dma_wait3A_23] : memref<20480x512xf32, #tpu.memory_space<hbm>> -> memref<64x512xf32, #tpu.memory_space<hbm>>
    %dma_wait3A_25 = arith.constant 0 : i32
    %dma_wait3A_26 = arith.constant 0 : i32
    %dma_wait3A_27 = tpu.memref_slice %arg6[%dma_wait3A, %dma_wait3A_25, %dma_wait3A_26] : memref<2x64x512xf32, #tpu.memory_space<vmem>> -> memref<1x64x512xf32, #tpu.memory_space<vmem>>
    %dma_wait3A_28 = tpu.memref_squeeze %dma_wait3A_27 : memref<1x64x512xf32, #tpu.memory_space<vmem>> -> memref<64x512xf32, #tpu.memory_space<vmem>>
    tpu.wait_dma2 semaphore(%arg8 : memref<!tpu.dma_semaphore, #tpu.memory_space<semaphore_mem>>) src(%dma_wait3A_28 : memref<64x512xf32, #tpu.memory_space<vmem>>) dst(%dma_wait3A_24 : memref<64x512xf32, #tpu.memory_space<hbm>>)
    %dma_wait3A_29 = arith.constant 0 : i32
    %dma_wait3A_30 = arith.constant 0 : i32
    %dma_wait3A_31 = arith.constant 0 : i32
    %dma_wait3A_32 = tpu.memref_slice %arg6[%dma_wait3A_29, %dma_wait3A_30, %dma_wait3A_31] : memref<2x64x512xf32, #tpu.memory_space<vmem>> -> memref<1x64x512xf32, #tpu.memory_space<vmem>>
    %dma_wait3A_33 = tpu.memref_squeeze %dma_wait3A_32 : memref<1x64x512xf32, #tpu.memory_space<vmem>> -> memref<64x512xf32, #tpu.memory_space<vmem>>
    %dma_wait3A_34 = arith.constant 0 : i32
    %dma_wait3A_35 = tpu.memref_slice %arg4[%mul3A_2, %dma_wait3A_34] : memref<20480x512xf32, #tpu.memory_space<hbm>> -> memref<64x512xf32, #tpu.memory_space<hbm>>
    %dma_wait3A_36 = arith.constant 0 : i32
    %dma_wait3A_37 = tpu.memref_slice %arg4[%mul3A_2, %dma_wait3A_36] : memref<20480x512xf32, #tpu.memory_space<hbm>> -> memref<64x512xf32, #tpu.memory_space<hbm>>
    %dma_wait3A_38 = arith.constant 0 : i32
    %dma_wait3A_39 = arith.constant 0 : i32
    %dma_wait3A_40 = tpu.memref_slice %arg6[%dma_wait3A_29, %dma_wait3A_38, %dma_wait3A_39] : memref<2x64x512xf32, #tpu.memory_space<vmem>> -> memref<1x64x512xf32, #tpu.memory_space<vmem>>
    %dma_wait3A_41 = tpu.memref_squeeze %dma_wait3A_40 : memref<1x64x512xf32, #tpu.memory_space<vmem>> -> memref<64x512xf32, #tpu.memory_space<vmem>>
    tpu.wait_dma2 semaphore(%arg8 : memref<!tpu.dma_semaphore, #tpu.memory_space<semaphore_mem>>) src(%dma_wait3A_41 : memref<64x512xf32, #tpu.memory_space<vmem>>) dst(%dma_wait3A_37 : memref<64x512xf32, #tpu.memory_space<hbm>>)
    return
  }
}

#map = affine_map<(d0, d1) -> (0, 0)>
#map1 = affine_map<(d0, d1) -> (0)>
module attributes {stable_mosaic.version = 14 : i64} {
  func.func @_gather_body(%arg0: i32, %arg1: i32, %arg2: memref<10000x512xf32, #tpu.memory_space<hbm>>, %arg3: memref<20480xi32, #tpu.memory_space<hbm>>, %arg4: memref<20480x512xf32, #tpu.memory_space<hbm>>, %arg5: memref<640xi32, #tpu.memory_space<vmem>>, %arg6: memref<2x64x512xf32, #tpu.memory_space<vmem>>, %arg7: memref<!tpu.dma_semaphore, #tpu.memory_space<semaphore_mem>>, %arg8: memref<!tpu.dma_semaphore, #tpu.memory_space<semaphore_mem>>) attributes {dimension_semantics = [#tpu.dimension_semantics<core_parallel>, #tpu.dimension_semantics<subcore_parallel>], iteration_bounds = array<i64: 2, 16>, scalar_prefetch = 0 : i64, scratch_operands = 4 : i64, tpu.core_type = #tpu.core_type<sc_vector_subcore>, window_params = [{transform_indices = #map}, {transform_indices = #map1}, {transform_indices = #map}]} {
    %mul3A = arith.constant 2 : i32
    %mul3A_0 = arith.muli %arg1, %mul3A : i32
    %add3A = arith.addi %mul3A_0, %arg0 : i32
    %mul3A_1 = arith.constant 640 : i32
    %mul3A_2 = arith.muli %add3A, %mul3A_1 : i32
    "tpu.region"() ({
      %run_scoped3A = tpu.sem_alloc : memref<!tpu.dma_semaphore, #tpu.memory_space<semaphore_mem>>
      %dma_start3A_42 = tpu.memref_slice %arg3[%mul3A_2] : memref<20480xi32, #tpu.memory_space<hbm>> -> memref<640xi32, #tpu.memory_space<hbm>>
      %dma_start3A_43 = tpu.memref_slice %arg3[%mul3A_2] : memref<20480xi32, #tpu.memory_space<hbm>> -> memref<640xi32, #tpu.memory_space<hbm>>
      tpu.enqueue_dma source(%dma_start3A_43 : memref<640xi32, #tpu.memory_space<hbm>>) target(%arg5 : memref<640xi32, #tpu.memory_space<vmem>>) target_semaphore(%run_scoped3A : memref<!tpu.dma_semaphore, #tpu.memory_space<semaphore_mem>>)
      %dma_wait3A_44 = tpu.memref_slice %arg3[%mul3A_2] : memref<20480xi32, #tpu.memory_space<hbm>> -> memref<640xi32, #tpu.memory_space<hbm>>
      %dma_wait3A_45 = tpu.memref_slice %arg3[%mul3A_2] : memref<20480xi32, #tpu.memory_space<hbm>> -> memref<640xi32, #tpu.memory_space<hbm>>
      tpu.wait_dma2 semaphore(%run_scoped3A : memref<!tpu.dma_semaphore, #tpu.memory_space<semaphore_mem>>) src(%dma_wait3A_45 : memref<640xi32, #tpu.memory_space<hbm>>) dst(%arg5 : memref<640xi32, #tpu.memory_space<vmem>>)
      tpu.yield
    }) : () -> ()
    %dma_start3A = arith.constant 0 : i32
    %dma_start3A_3 = arith.constant 0 : i32
    %dma_start3A_4 = arith.constant 0 : i32
    %dma_start3A_5 = tpu.memref_slice %arg6[%dma_start3A, %dma_start3A_3, %dma_start3A_4] : memref<2x64x512xf32, #tpu.memory_space<vmem>> -> memref<1x64x512xf32, #tpu.memory_space<vmem>>
    %dma_start3A_6 = tpu.memref_squeeze %dma_start3A_5 : memref<1x64x512xf32, #tpu.memory_space<vmem>> -> memref<64x512xf32, #tpu.memory_space<vmem>>
    %dma_start3A_7 = arith.constant 0 : i32
    %dma_start3A_8 = tpu.memref_slice %arg5[%dma_start3A_7] : memref<640xi32, #tpu.memory_space<vmem>> -> memref<64xi32, #tpu.memory_space<vmem>>
    %dma_start3A_9 = arith.constant 0 : i32
    %dma_start3A_10 = arith.constant 0 : i32
    %dma_start3A_11 = tpu.memref_slice %arg2[%dma_start3A_9, %dma_start3A_10] : memref<10000x512xf32, #tpu.memory_space<hbm>> -> memref<10000x512xf32, #tpu.memory_space<hbm>>
    tpu.enqueue_indirect_dma source(%dma_start3A_11 : memref<10000x512xf32, #tpu.memory_space<hbm>>) target(%dma_start3A_6 : memref<64x512xf32, #tpu.memory_space<vmem>>) offsets(%dma_start3A_8 : memref<64xi32, #tpu.memory_space<vmem>>) semaphore(%arg7 : memref<!tpu.dma_semaphore, #tpu.memory_space<semaphore_mem>>)
    %scan3A = arith.constant 0 : i32
    %scan3A_12 = arith.constant 0 : i32
    %scan3A_13 = arith.constant 10 : i32
    %scan3A_14 = arith.addi %scan3A_12, %scan3A_13 : i32
    %scan3A_15 = arith.constant 1 : i32
    scf.for %scan3A_42 = %scan3A_12 to %scan3A_14 step %scan3A_15  : i32 {
      %rem3A = arith.constant 2 : i32
      %rem3A_43 = arith.remsi %scan3A_42, %rem3A : i32
      %add3A_44 = arith.constant 1 : i32
      %add3A_45 = arith.addi %scan3A_42, %add3A_44 : i32
      %rem3A_46 = arith.constant 2 : i32
      %rem3A_47 = arith.remsi %add3A_45, %rem3A_46 : i32
      %mul3A_48 = arith.constant 64 : i32
      %mul3A_49 = arith.muli %scan3A_42, %mul3A_48 : i32
      %dma_wait3A_50 = arith.constant 0 : i32
      %dma_wait3A_51 = arith.constant 0 : i32
      %dma_wait3A_52 = tpu.memref_slice %arg6[%rem3A_43, %dma_wait3A_50, %dma_wait3A_51] : memref<2x64x512xf32, #tpu.memory_space<vmem>> -> memref<1x64x512xf32, #tpu.memory_space<vmem>>
      %dma_wait3A_53 = tpu.memref_squeeze %dma_wait3A_52 : memref<1x64x512xf32, #tpu.memory_space<vmem>> -> memref<64x512xf32, #tpu.memory_space<vmem>>
      %dma_wait3A_54 = tpu.memref_slice %arg5[%mul3A_49] : memref<640xi32, #tpu.memory_space<vmem>> -> memref<64xi32, #tpu.memory_space<vmem>>
      %dma_wait3A_55 = arith.constant 0 : i32
      %dma_wait3A_56 = arith.constant 0 : i32
      %dma_wait3A_57 = tpu.memref_slice %arg2[%dma_wait3A_55, %dma_wait3A_56] : memref<10000x512xf32, #tpu.memory_space<hbm>> -> memref<10000x512xf32, #tpu.memory_space<hbm>>
      tpu.wait_indirect_dma semaphore(%arg7 : memref<!tpu.dma_semaphore, #tpu.memory_space<semaphore_mem>>) src(%dma_wait3A_57 : memref<10000x512xf32, #tpu.memory_space<hbm>>) dst(%dma_wait3A_53 : memref<64x512xf32, #tpu.memory_space<vmem>>)
      %add3A_58 = arith.constant 1 : i32
      %add3A_59 = arith.addi %scan3A_42, %add3A_58 : i32
      %lt3A = arith.constant 10 : i32
      %lt3A_60 = arith.cmpi slt, %add3A_59, %lt3A : i32
      %convert_element_type3A = arith.extui %lt3A_60 : i1 to i32
      %cond3A = arith.constant 0 : i32
      %cond3A_61 = arith.cmpi ne, %convert_element_type3A, %cond3A : i32
      scf.if %cond3A_61 {
        %ge3A = arith.constant 1 : i32
        %ge3A_77 = arith.cmpi sge, %scan3A_42, %ge3A : i32
        %convert_element_type3A_78 = arith.extui %ge3A_77 : i1 to i32
        %cond3A_79 = arith.constant 0 : i32
        %cond3A_80 = arith.cmpi ne, %convert_element_type3A_78, %cond3A_79 : i32
        scf.if %cond3A_80 {
          %dma_wait3A_93 = arith.constant 0 : i32
          %dma_wait3A_94 = arith.constant 0 : i32
          %dma_wait3A_95 = tpu.memref_slice %arg6[%rem3A_47, %dma_wait3A_93, %dma_wait3A_94] : memref<2x64x512xf32, #tpu.memory_space<vmem>> -> memref<1x64x512xf32, #tpu.memory_space<vmem>>
          %dma_wait3A_96 = tpu.memref_squeeze %dma_wait3A_95 : memref<1x64x512xf32, #tpu.memory_space<vmem>> -> memref<64x512xf32, #tpu.memory_space<vmem>>
          %dma_wait3A_97 = arith.constant 0 : i32
          %dma_wait3A_98 = tpu.memref_slice %arg4[%mul3A_2, %dma_wait3A_97] : memref<20480x512xf32, #tpu.memory_space<hbm>> -> memref<64x512xf32, #tpu.memory_space<hbm>>
          %dma_wait3A_99 = arith.constant 0 : i32
          %dma_wait3A_100 = tpu.memref_slice %arg4[%mul3A_2, %dma_wait3A_99] : memref<20480x512xf32, #tpu.memory_space<hbm>> -> memref<64x512xf32, #tpu.memory_space<hbm>>
          %dma_wait3A_101 = arith.constant 0 : i32
          %dma_wait3A_102 = arith.constant 0 : i32
          %dma_wait3A_103 = tpu.memref_slice %arg6[%rem3A_47, %dma_wait3A_101, %dma_wait3A_102] : memref<2x64x512xf32, #tpu.memory_space<vmem>> -> memref<1x64x512xf32, #tpu.memory_space<vmem>>
          %dma_wait3A_104 = tpu.memref_squeeze %dma_wait3A_103 : memref<1x64x512xf32, #tpu.memory_space<vmem>> -> memref<64x512xf32, #tpu.memory_space<vmem>>
          tpu.wait_dma2 semaphore(%arg8 : memref<!tpu.dma_semaphore, #tpu.memory_space<semaphore_mem>>) src(%dma_wait3A_104 : memref<64x512xf32, #tpu.memory_space<vmem>>) dst(%dma_wait3A_100 : memref<64x512xf32, #tpu.memory_space<hbm>>)
        } else {
        }
        %add3A_81 = arith.constant 1 : i32
        %add3A_82 = arith.addi %scan3A_42, %add3A_81 : i32
        %mul3A_83 = arith.constant 64 : i32
        %mul3A_84 = arith.muli %add3A_82, %mul3A_83 : i32
        %dma_start3A_85 = arith.constant 0 : i32
        %dma_start3A_86 = arith.constant 0 : i32
        %dma_start3A_87 = tpu.memref_slice %arg6[%rem3A_47, %dma_start3A_85, %dma_start3A_86] : memref<2x64x512xf32, #tpu.memory_space<vmem>> -> memref<1x64x512xf32, #tpu.memory_space<vmem>>
        %dma_start3A_88 = tpu.memref_squeeze %dma_start3A_87 : memref<1x64x512xf32, #tpu.memory_space<vmem>> -> memref<64x512xf32, #tpu.memory_space<vmem>>
        %dma_start3A_89 = tpu.memref_slice %arg5[%mul3A_84] : memref<640xi32, #tpu.memory_space<vmem>> -> memref<64xi32, #tpu.memory_space<vmem>>
        %dma_start3A_90 = arith.constant 0 : i32
        %dma_start3A_91 = arith.constant 0 : i32
        %dma_start3A_92 = tpu.memref_slice %arg2[%dma_start3A_90, %dma_start3A_91] : memref<10000x512xf32, #tpu.memory_space<hbm>> -> memref<10000x512xf32, #tpu.memory_space<hbm>>
        tpu.enqueue_indirect_dma source(%dma_start3A_92 : memref<10000x512xf32, #tpu.memory_space<hbm>>) target(%dma_start3A_88 : memref<64x512xf32, #tpu.memory_space<vmem>>) offsets(%dma_start3A_89 : memref<64xi32, #tpu.memory_space<vmem>>) semaphore(%arg7 : memref<!tpu.dma_semaphore, #tpu.memory_space<semaphore_mem>>)
      } else {
      }
      %mul3A_62 = arith.constant 64 : i32
      %mul3A_63 = arith.muli %scan3A_42, %mul3A_62 : i32
      %add3A_64 = arith.addi %mul3A_2, %mul3A_63 : i32
      %dma_start3A_65 = arith.constant 0 : i32
      %dma_start3A_66 = arith.constant 0 : i32
      %dma_start3A_67 = tpu.memref_slice %arg6[%rem3A_43, %dma_start3A_65, %dma_start3A_66] : memref<2x64x512xf32, #tpu.memory_space<vmem>> -> memref<1x64x512xf32, #tpu.memory_space<vmem>>
      %dma_start3A_68 = tpu.memref_squeeze %dma_start3A_67 : memref<1x64x512xf32, #tpu.memory_space<vmem>> -> memref<64x512xf32, #tpu.memory_space<vmem>>
      %dma_start3A_69 = arith.constant 0 : i32
      %dma_start3A_70 = tpu.memref_slice %arg4[%add3A_64, %dma_start3A_69] : memref<20480x512xf32, #tpu.memory_space<hbm>> -> memref<64x512xf32, #tpu.memory_space<hbm>>
      %dma_start3A_71 = arith.constant 0 : i32
      %dma_start3A_72 = tpu.memref_slice %arg4[%add3A_64, %dma_start3A_71] : memref<20480x512xf32, #tpu.memory_space<hbm>> -> memref<64x512xf32, #tpu.memory_space<hbm>>
      %dma_start3A_73 = arith.constant 0 : i32
      %dma_start3A_74 = arith.constant 0 : i32
      %dma_start3A_75 = tpu.memref_slice %arg6[%rem3A_43, %dma_start3A_73, %dma_start3A_74] : memref<2x64x512xf32, #tpu.memory_space<vmem>> -> memref<1x64x512xf32, #tpu.memory_space<vmem>>
      %dma_start3A_76 = tpu.memref_squeeze %dma_start3A_75 : memref<1x64x512xf32, #tpu.memory_space<vmem>> -> memref<64x512xf32, #tpu.memory_space<vmem>>
      tpu.enqueue_dma source(%dma_start3A_76 : memref<64x512xf32, #tpu.memory_space<vmem>>) target(%dma_start3A_72 : memref<64x512xf32, #tpu.memory_space<hbm>>) target_semaphore(%arg8 : memref<!tpu.dma_semaphore, #tpu.memory_space<semaphore_mem>>)
    }
    %scan3A_16 = arith.constant 10 : i32
    %dma_wait3A = arith.constant 0 : i32
    %dma_wait3A_17 = arith.constant 0 : i32
    %dma_wait3A_18 = arith.constant 0 : i32
    %dma_wait3A_19 = tpu.memref_slice %arg6[%dma_wait3A, %dma_wait3A_17, %dma_wait3A_18] : memref<2x64x512xf32, #tpu.memory_space<vmem>> -> memref<1x64x512xf32, #tpu.memory_space<vmem>>
    %dma_wait3A_20 = tpu.memref_squeeze %dma_wait3A_19 : memref<1x64x512xf32, #tpu.memory_space<vmem>> -> memref<64x512xf32, #tpu.memory_space<vmem>>
    %dma_wait3A_21 = arith.constant 0 : i32
    %dma_wait3A_22 = tpu.memref_slice %arg4[%mul3A_2, %dma_wait3A_21] : memref<20480x512xf32, #tpu.memory_space<hbm>> -> memref<64x512xf32, #tpu.memory_space<hbm>>
    %dma_wait3A_23 = arith.constant 0 : i32
    %dma_wait3A_24 = tpu.memref_slice %arg4[%mul3A_2, %dma_wait3A_23] : memref<20480x512xf32, #tpu.memory_space<hbm>> -> memref<64x512xf32, #tpu.memory_space<hbm>>
    %dma_wait3A_25 = arith.constant 0 : i32
    %dma_wait3A_26 = arith.constant 0 : i32
    %dma_wait3A_27 = tpu.memref_slice %arg6[%dma_wait3A, %dma_wait3A_25, %dma_wait3A_26] : memref<2x64x512xf32, #tpu.memory_space<vmem>> -> memref<1x64x512xf32, #tpu.memory_space<vmem>>
    %dma_wait3A_28 = tpu.memref_squeeze %dma_wait3A_27 : memref<1x64x512xf32, #tpu.memory_space<vmem>> -> memref<64x512xf32, #tpu.memory_space<vmem>>
    tpu.wait_dma2 semaphore(%arg8 : memref<!tpu.dma_semaphore, #tpu.memory_space<semaphore_mem>>) src(%dma_wait3A_28 : memref<64x512xf32, #tpu.memory_space<vmem>>) dst(%dma_wait3A_24 : memref<64x512xf32, #tpu.memory_space<hbm>>)
    %dma_wait3A_29 = arith.constant 0 : i32
    %dma_wait3A_30 = arith.constant 0 : i32
    %dma_wait3A_31 = arith.constant 0 : i32
    %dma_wait3A_32 = tpu.memref_slice %arg6[%dma_wait3A_29, %dma_wait3A_30, %dma_wait3A_31] : memref<2x64x512xf32, #tpu.memory_space<vmem>> -> memref<1x64x512xf32, #tpu.memory_space<vmem>>
    %dma_wait3A_33 = tpu.memref_squeeze %dma_wait3A_32 : memref<1x64x512xf32, #tpu.memory_space<vmem>> -> memref<64x512xf32, #tpu.memory_space<vmem>>
    %dma_wait3A_34 = arith.constant 0 : i32
    %dma_wait3A_35 = tpu.memref_slice %arg4[%mul3A_2, %dma_wait3A_34] : memref<20480x512xf32, #tpu.memory_space<hbm>> -> memref<64x512xf32, #tpu.memory_space<hbm>>
    %dma_wait3A_36 = arith.constant 0 : i32
    %dma_wait3A_37 = tpu.memref_slice %arg4[%mul3A_2, %dma_wait3A_36] : memref<20480x512xf32, #tpu.memory_space<hbm>> -> memref<64x512xf32, #tpu.memory_space<hbm>>
    %dma_wait3A_38 = arith.constant 0 : i32
    %dma_wait3A_39 = arith.constant 0 : i32
    %dma_wait3A_40 = tpu.memref_slice %arg6[%dma_wait3A_29, %dma_wait3A_38, %dma_wait3A_39] : memref<2x64x512xf32, #tpu.memory_space<vmem>> -> memref<1x64x512xf32, #tpu.memory_space<vmem>>
    %dma_wait3A_41 = tpu.memref_squeeze %dma_wait3A_40 : memref<1x64x512xf32, #tpu.memory_space<vmem>> -> memref<64x512xf32, #tpu.memory_space<vmem>>
    tpu.wait_dma2 semaphore(%arg8 : memref<!tpu.dma_semaphore, #tpu.memory_space<semaphore_mem>>) src(%dma_wait3A_41 : memref<64x512xf32, #tpu.memory_space<vmem>>) dst(%dma_wait3A_37 : memref<64x512xf32, #tpu.memory_space<hbm>>)
    return
  }
}

#map = affine_map<(d0, d1) -> (0, 0)>
#map1 = affine_map<(d0, d1) -> (0)>
module attributes {stable_mosaic.version = 14 : i64} {
  func.func @_gather_body(%arg0: i32, %arg1: i32, %arg2: memref<10000x512xf32, #tpu.memory_space<hbm>>, %arg3: memref<20480xi32, #tpu.memory_space<hbm>>, %arg4: memref<20480x512xf32, #tpu.memory_space<hbm>>, %arg5: memref<640xi32, #tpu.memory_space<vmem>>, %arg6: memref<2x64x512xf32, #tpu.memory_space<vmem>>, %arg7: memref<!tpu.dma_semaphore, #tpu.memory_space<semaphore_mem>>, %arg8: memref<!tpu.dma_semaphore, #tpu.memory_space<semaphore_mem>>) attributes {dimension_semantics = [#tpu.dimension_semantics<core_parallel>, #tpu.dimension_semantics<subcore_parallel>], iteration_bounds = array<i64: 2, 16>, scalar_prefetch = 0 : i64, scratch_operands = 4 : i64, tpu.core_type = #tpu.core_type<sc_vector_subcore>, window_params = [{transform_indices = #map}, {transform_indices = #map1}, {transform_indices = #map}]} {
    %mul3A = arith.constant 2 : i32
    %mul3A_0 = arith.muli %arg1, %mul3A : i32
    %add3A = arith.addi %mul3A_0, %arg0 : i32
    %mul3A_1 = arith.constant 640 : i32
    %mul3A_2 = arith.muli %add3A, %mul3A_1 : i32
    "tpu.region"() ({
      %run_scoped3A = tpu.sem_alloc : memref<!tpu.dma_semaphore, #tpu.memory_space<semaphore_mem>>
      %dma_start3A_42 = tpu.memref_slice %arg3[%mul3A_2] : memref<20480xi32, #tpu.memory_space<hbm>> -> memref<640xi32, #tpu.memory_space<hbm>>
      %dma_start3A_43 = tpu.memref_slice %arg3[%mul3A_2] : memref<20480xi32, #tpu.memory_space<hbm>> -> memref<640xi32, #tpu.memory_space<hbm>>
      tpu.enqueue_dma source(%dma_start3A_43 : memref<640xi32, #tpu.memory_space<hbm>>) target(%arg5 : memref<640xi32, #tpu.memory_space<vmem>>) target_semaphore(%run_scoped3A : memref<!tpu.dma_semaphore, #tpu.memory_space<semaphore_mem>>)
      %dma_wait3A_44 = tpu.memref_slice %arg3[%mul3A_2] : memref<20480xi32, #tpu.memory_space<hbm>> -> memref<640xi32, #tpu.memory_space<hbm>>
      %dma_wait3A_45 = tpu.memref_slice %arg3[%mul3A_2] : memref<20480xi32, #tpu.memory_space<hbm>> -> memref<640xi32, #tpu.memory_space<hbm>>
      tpu.wait_dma2 semaphore(%run_scoped3A : memref<!tpu.dma_semaphore, #tpu.memory_space<semaphore_mem>>) src(%dma_wait3A_45 : memref<640xi32, #tpu.memory_space<hbm>>) dst(%arg5 : memref<640xi32, #tpu.memory_space<vmem>>)
      tpu.yield
    }) : () -> ()
    %dma_start3A = arith.constant 0 : i32
    %dma_start3A_3 = arith.constant 0 : i32
    %dma_start3A_4 = arith.constant 0 : i32
    %dma_start3A_5 = tpu.memref_slice %arg6[%dma_start3A, %dma_start3A_3, %dma_start3A_4] : memref<2x64x512xf32, #tpu.memory_space<vmem>> -> memref<1x64x512xf32, #tpu.memory_space<vmem>>
    %dma_start3A_6 = tpu.memref_squeeze %dma_start3A_5 : memref<1x64x512xf32, #tpu.memory_space<vmem>> -> memref<64x512xf32, #tpu.memory_space<vmem>>
    %dma_start3A_7 = arith.constant 0 : i32
    %dma_start3A_8 = tpu.memref_slice %arg5[%dma_start3A_7] : memref<640xi32, #tpu.memory_space<vmem>> -> memref<64xi32, #tpu.memory_space<vmem>>
    %dma_start3A_9 = arith.constant 0 : i32
    %dma_start3A_10 = arith.constant 0 : i32
    %dma_start3A_11 = tpu.memref_slice %arg2[%dma_start3A_9, %dma_start3A_10] : memref<10000x512xf32, #tpu.memory_space<hbm>> -> memref<10000x512xf32, #tpu.memory_space<hbm>>
    tpu.enqueue_indirect_dma source(%dma_start3A_11 : memref<10000x512xf32, #tpu.memory_space<hbm>>) target(%dma_start3A_6 : memref<64x512xf32, #tpu.memory_space<vmem>>) offsets(%dma_start3A_8 : memref<64xi32, #tpu.memory_space<vmem>>) semaphore(%arg7 : memref<!tpu.dma_semaphore, #tpu.memory_space<semaphore_mem>>)
    %scan3A = arith.constant 0 : i32
    %scan3A_12 = arith.constant 0 : i32
    %scan3A_13 = arith.constant 10 : i32
    %scan3A_14 = arith.addi %scan3A_12, %scan3A_13 : i32
    %scan3A_15 = arith.constant 1 : i32
    scf.for %scan3A_42 = %scan3A_12 to %scan3A_14 step %scan3A_15  : i32 {
      %rem3A = arith.constant 2 : i32
      %rem3A_43 = arith.remsi %scan3A_42, %rem3A : i32
      %add3A_44 = arith.constant 1 : i32
      %add3A_45 = arith.addi %scan3A_42, %add3A_44 : i32
      %rem3A_46 = arith.constant 2 : i32
      %rem3A_47 = arith.remsi %add3A_45, %rem3A_46 : i32
      %mul3A_48 = arith.constant 64 : i32
      %mul3A_49 = arith.muli %scan3A_42, %mul3A_48 : i32
      %dma_wait3A_50 = arith.constant 0 : i32
      %dma_wait3A_51 = arith.constant 0 : i32
      %dma_wait3A_52 = tpu.memref_slice %arg6[%rem3A_43, %dma_wait3A_50, %dma_wait3A_51] : memref<2x64x512xf32, #tpu.memory_space<vmem>> -> memref<1x64x512xf32, #tpu.memory_space<vmem>>
      %dma_wait3A_53 = tpu.memref_squeeze %dma_wait3A_52 : memref<1x64x512xf32, #tpu.memory_space<vmem>> -> memref<64x512xf32, #tpu.memory_space<vmem>>
      %dma_wait3A_54 = tpu.memref_slice %arg5[%mul3A_49] : memref<640xi32, #tpu.memory_space<vmem>> -> memref<64xi32, #tpu.memory_space<vmem>>
      %dma_wait3A_55 = arith.constant 0 : i32
      %dma_wait3A_56 = arith.constant 0 : i32
      %dma_wait3A_57 = tpu.memref_slice %arg2[%dma_wait3A_55, %dma_wait3A_56] : memref<10000x512xf32, #tpu.memory_space<hbm>> -> memref<10000x512xf32, #tpu.memory_space<hbm>>
      tpu.wait_indirect_dma semaphore(%arg7 : memref<!tpu.dma_semaphore, #tpu.memory_space<semaphore_mem>>) src(%dma_wait3A_57 : memref<10000x512xf32, #tpu.memory_space<hbm>>) dst(%dma_wait3A_53 : memref<64x512xf32, #tpu.memory_space<vmem>>)
      %add3A_58 = arith.constant 1 : i32
      %add3A_59 = arith.addi %scan3A_42, %add3A_58 : i32
      %lt3A = arith.constant 10 : i32
      %lt3A_60 = arith.cmpi slt, %add3A_59, %lt3A : i32
      %convert_element_type3A = arith.extui %lt3A_60 : i1 to i32
      %cond3A = arith.constant 0 : i32
      %cond3A_61 = arith.cmpi ne, %convert_element_type3A, %cond3A : i32
      scf.if %cond3A_61 {
        %ge3A = arith.constant 1 : i32
        %ge3A_77 = arith.cmpi sge, %scan3A_42, %ge3A : i32
        %convert_element_type3A_78 = arith.extui %ge3A_77 : i1 to i32
        %cond3A_79 = arith.constant 0 : i32
        %cond3A_80 = arith.cmpi ne, %convert_element_type3A_78, %cond3A_79 : i32
        scf.if %cond3A_80 {
          %dma_wait3A_93 = arith.constant 0 : i32
          %dma_wait3A_94 = arith.constant 0 : i32
          %dma_wait3A_95 = tpu.memref_slice %arg6[%rem3A_47, %dma_wait3A_93, %dma_wait3A_94] : memref<2x64x512xf32, #tpu.memory_space<vmem>> -> memref<1x64x512xf32, #tpu.memory_space<vmem>>
          %dma_wait3A_96 = tpu.memref_squeeze %dma_wait3A_95 : memref<1x64x512xf32, #tpu.memory_space<vmem>> -> memref<64x512xf32, #tpu.memory_space<vmem>>
          %dma_wait3A_97 = arith.constant 0 : i32
          %dma_wait3A_98 = tpu.memref_slice %arg4[%mul3A_2, %dma_wait3A_97] : memref<20480x512xf32, #tpu.memory_space<hbm>> -> memref<64x512xf32, #tpu.memory_space<hbm>>
          %dma_wait3A_99 = arith.constant 0 : i32
          %dma_wait3A_100 = tpu.memref_slice %arg4[%mul3A_2, %dma_wait3A_99] : memref<20480x512xf32, #tpu.memory_space<hbm>> -> memref<64x512xf32, #tpu.memory_space<hbm>>
          %dma_wait3A_101 = arith.constant 0 : i32
          %dma_wait3A_102 = arith.constant 0 : i32
          %dma_wait3A_103 = tpu.memref_slice %arg6[%rem3A_47, %dma_wait3A_101, %dma_wait3A_102] : memref<2x64x512xf32, #tpu.memory_space<vmem>> -> memref<1x64x512xf32, #tpu.memory_space<vmem>>
          %dma_wait3A_104 = tpu.memref_squeeze %dma_wait3A_103 : memref<1x64x512xf32, #tpu.memory_space<vmem>> -> memref<64x512xf32, #tpu.memory_space<vmem>>
          tpu.wait_dma2 semaphore(%arg8 : memref<!tpu.dma_semaphore, #tpu.memory_space<semaphore_mem>>) src(%dma_wait3A_104 : memref<64x512xf32, #tpu.memory_space<vmem>>) dst(%dma_wait3A_100 : memref<64x512xf32, #tpu.memory_space<hbm>>)
        } else {
        }
        %add3A_81 = arith.constant 1 : i32
        %add3A_82 = arith.addi %scan3A_42, %add3A_81 : i32
        %mul3A_83 = arith.constant 64 : i32
        %mul3A_84 = arith.muli %add3A_82, %mul3A_83 : i32
        %dma_start3A_85 = arith.constant 0 : i32
        %dma_start3A_86 = arith.constant 0 : i32
        %dma_start3A_87 = tpu.memref_slice %arg6[%rem3A_47, %dma_start3A_85, %dma_start3A_86] : memref<2x64x512xf32, #tpu.memory_space<vmem>> -> memref<1x64x512xf32, #tpu.memory_space<vmem>>
        %dma_start3A_88 = tpu.memref_squeeze %dma_start3A_87 : memref<1x64x512xf32, #tpu.memory_space<vmem>> -> memref<64x512xf32, #tpu.memory_space<vmem>>
        %dma_start3A_89 = tpu.memref_slice %arg5[%mul3A_84] : memref<640xi32, #tpu.memory_space<vmem>> -> memref<64xi32, #tpu.memory_space<vmem>>
        %dma_start3A_90 = arith.constant 0 : i32
        %dma_start3A_91 = arith.constant 0 : i32
        %dma_start3A_92 = tpu.memref_slice %arg2[%dma_start3A_90, %dma_start3A_91] : memref<10000x512xf32, #tpu.memory_space<hbm>> -> memref<10000x512xf32, #tpu.memory_space<hbm>>
        tpu.enqueue_indirect_dma source(%dma_start3A_92 : memref<10000x512xf32, #tpu.memory_space<hbm>>) target(%dma_start3A_88 : memref<64x512xf32, #tpu.memory_space<vmem>>) offsets(%dma_start3A_89 : memref<64xi32, #tpu.memory_space<vmem>>) semaphore(%arg7 : memref<!tpu.dma_semaphore, #tpu.memory_space<semaphore_mem>>)
      } else {
      }
      %mul3A_62 = arith.constant 64 : i32
      %mul3A_63 = arith.muli %scan3A_42, %mul3A_62 : i32
      %add3A_64 = arith.addi %mul3A_2, %mul3A_63 : i32
      %dma_start3A_65 = arith.constant 0 : i32
      %dma_start3A_66 = arith.constant 0 : i32
      %dma_start3A_67 = tpu.memref_slice %arg6[%rem3A_43, %dma_start3A_65, %dma_start3A_66] : memref<2x64x512xf32, #tpu.memory_space<vmem>> -> memref<1x64x512xf32, #tpu.memory_space<vmem>>
      %dma_start3A_68 = tpu.memref_squeeze %dma_start3A_67 : memref<1x64x512xf32, #tpu.memory_space<vmem>> -> memref<64x512xf32, #tpu.memory_space<vmem>>
      %dma_start3A_69 = arith.constant 0 : i32
      %dma_start3A_70 = tpu.memref_slice %arg4[%add3A_64, %dma_start3A_69] : memref<20480x512xf32, #tpu.memory_space<hbm>> -> memref<64x512xf32, #tpu.memory_space<hbm>>
      %dma_start3A_71 = arith.constant 0 : i32
      %dma_start3A_72 = tpu.memref_slice %arg4[%add3A_64, %dma_start3A_71] : memref<20480x512xf32, #tpu.memory_space<hbm>> -> memref<64x512xf32, #tpu.memory_space<hbm>>
      %dma_start3A_73 = arith.constant 0 : i32
      %dma_start3A_74 = arith.constant 0 : i32
      %dma_start3A_75 = tpu.memref_slice %arg6[%rem3A_43, %dma_start3A_73, %dma_start3A_74] : memref<2x64x512xf32, #tpu.memory_space<vmem>> -> memref<1x64x512xf32, #tpu.memory_space<vmem>>
      %dma_start3A_76 = tpu.memref_squeeze %dma_start3A_75 : memref<1x64x512xf32, #tpu.memory_space<vmem>> -> memref<64x512xf32, #tpu.memory_space<vmem>>
      tpu.enqueue_dma source(%dma_start3A_76 : memref<64x512xf32, #tpu.memory_space<vmem>>) target(%dma_start3A_72 : memref<64x512xf32, #tpu.memory_space<hbm>>) target_semaphore(%arg8 : memref<!tpu.dma_semaphore, #tpu.memory_space<semaphore_mem>>)
    }
    %scan3A_16 = arith.constant 10 : i32
    %dma_wait3A = arith.constant 0 : i32
    %dma_wait3A_17 = arith.constant 0 : i32
    %dma_wait3A_18 = arith.constant 0 : i32
    %dma_wait3A_19 = tpu.memref_slice %arg6[%dma_wait3A, %dma_wait3A_17, %dma_wait3A_18] : memref<2x64x512xf32, #tpu.memory_space<vmem>> -> memref<1x64x512xf32, #tpu.memory_space<vmem>>
    %dma_wait3A_20 = tpu.memref_squeeze %dma_wait3A_19 : memref<1x64x512xf32, #tpu.memory_space<vmem>> -> memref<64x512xf32, #tpu.memory_space<vmem>>
    %dma_wait3A_21 = arith.constant 0 : i32
    %dma_wait3A_22 = tpu.memref_slice %arg4[%mul3A_2, %dma_wait3A_21] : memref<20480x512xf32, #tpu.memory_space<hbm>> -> memref<64x512xf32, #tpu.memory_space<hbm>>
    %dma_wait3A_23 = arith.constant 0 : i32
    %dma_wait3A_24 = tpu.memref_slice %arg4[%mul3A_2, %dma_wait3A_23] : memref<20480x512xf32, #tpu.memory_space<hbm>> -> memref<64x512xf32, #tpu.memory_space<hbm>>
    %dma_wait3A_25 = arith.constant 0 : i32
    %dma_wait3A_26 = arith.constant 0 : i32
    %dma_wait3A_27 = tpu.memref_slice %arg6[%dma_wait3A, %dma_wait3A_25, %dma_wait3A_26] : memref<2x64x512xf32, #tpu.memory_space<vmem>> -> memref<1x64x512xf32, #tpu.memory_space<vmem>>
    %dma_wait3A_28 = tpu.memref_squeeze %dma_wait3A_27 : memref<1x64x512xf32, #tpu.memory_space<vmem>> -> memref<64x512xf32, #tpu.memory_space<vmem>>
    tpu.wait_dma2 semaphore(%arg8 : memref<!tpu.dma_semaphore, #tpu.memory_space<semaphore_mem>>) src(%dma_wait3A_28 : memref<64x512xf32, #tpu.memory_space<vmem>>) dst(%dma_wait3A_24 : memref<64x512xf32, #tpu.memory_space<hbm>>)
    %dma_wait3A_29 = arith.constant 0 : i32
    %dma_wait3A_30 = arith.constant 0 : i32
    %dma_wait3A_31 = arith.constant 0 : i32
    %dma_wait3A_32 = tpu.memref_slice %arg6[%dma_wait3A_29, %dma_wait3A_30, %dma_wait3A_31] : memref<2x64x512xf32, #tpu.memory_space<vmem>> -> memref<1x64x512xf32, #tpu.memory_space<vmem>>
    %dma_wait3A_33 = tpu.memref_squeeze %dma_wait3A_32 : memref<1x64x512xf32, #tpu.memory_space<vmem>> -> memref<64x512xf32, #tpu.memory_space<vmem>>
    %dma_wait3A_34 = arith.constant 0 : i32
    %dma_wait3A_35 = tpu.memref_slice %arg4[%mul3A_2, %dma_wait3A_34] : memref<20480x512xf32, #tpu.memory_space<hbm>> -> memref<64x512xf32, #tpu.memory_space<hbm>>
    %dma_wait3A_36 = arith.constant 0 : i32
    %dma_wait3A_37 = tpu.memref_slice %arg4[%mul3A_2, %dma_wait3A_36] : memref<20480x512xf32, #tpu.memory_space<hbm>> -> memref<64x512xf32, #tpu.memory_space<hbm>>
    %dma_wait3A_38 = arith.constant 0 : i32
    %dma_wait3A_39 = arith.constant 0 : i32
    %dma_wait3A_40 = tpu.memref_slice %arg6[%dma_wait3A_29, %dma_wait3A_38, %dma_wait3A_39] : memref<2x64x512xf32, #tpu.memory_space<vmem>> -> memref<1x64x512xf32, #tpu.memory_space<vmem>>
    %dma_wait3A_41 = tpu.memref_squeeze %dma_wait3A_40 : memref<1x64x512xf32, #tpu.memory_space<vmem>> -> memref<64x512xf32, #tpu.memory_space<vmem>>
    tpu.wait_dma2 semaphore(%arg8 : memref<!tpu.dma_semaphore, #tpu.memory_space<semaphore_mem>>) src(%dma_wait3A_41 : memref<64x512xf32, #tpu.memory_space<vmem>>) dst(%dma_wait3A_37 : memref<64x512xf32, #tpu.memory_space<hbm>>)
    return
  }
}

#map = affine_map<(d0, d1) -> (0, 0)>
#map1 = affine_map<(d0, d1) -> (0)>
module attributes {stable_mosaic.version = 14 : i64} {
  func.func @_xyz_body(%arg0: i32, %arg1: i32, %arg2: memref<6x10000xf32, #tpu.memory_space<hbm>>, %arg3: memref<163840xi32, #tpu.memory_space<hbm>>, %arg4: memref<163840xi32, #tpu.memory_space<hbm>>, %arg5: memref<8x163840xf32, #tpu.memory_space<hbm>>, %arg6: memref<6x10000xf32, #tpu.memory_space<vmem>>, %arg7: memref<1280xi32, #tpu.memory_space<vmem>>, %arg8: memref<1280xi32, #tpu.memory_space<vmem>>, %arg9: memref<6x1280xf32, #tpu.memory_space<vmem>>) attributes {dimension_semantics = [#tpu.dimension_semantics<core_parallel>, #tpu.dimension_semantics<subcore_parallel>], iteration_bounds = array<i64: 2, 16>, scalar_prefetch = 0 : i64, scratch_operands = 4 : i64, tpu.core_type = #tpu.core_type<sc_vector_subcore>, window_params = [{transform_indices = #map}, {transform_indices = #map1}, {transform_indices = #map1}, {transform_indices = #map}]} {
    %mul3A = arith.constant 2 : i32
    %mul3A_0 = arith.muli %arg1, %mul3A : i32
    %add3A = arith.addi %mul3A_0, %arg0 : i32
    %mul3A_1 = arith.constant 5120 : i32
    %mul3A_2 = arith.muli %add3A, %mul3A_1 : i32
    "tpu.region"() ({
      %run_scoped3A = tpu.sem_alloc : memref<!tpu.dma_semaphore, #tpu.memory_space<semaphore_mem>>
      tpu.enqueue_dma source(%arg2 : memref<6x10000xf32, #tpu.memory_space<hbm>>) target(%arg6 : memref<6x10000xf32, #tpu.memory_space<vmem>>) target_semaphore(%run_scoped3A : memref<!tpu.dma_semaphore, #tpu.memory_space<semaphore_mem>>)
      tpu.wait_dma2 semaphore(%run_scoped3A : memref<!tpu.dma_semaphore, #tpu.memory_space<semaphore_mem>>) src(%arg2 : memref<6x10000xf32, #tpu.memory_space<hbm>>) dst(%arg6 : memref<6x10000xf32, #tpu.memory_space<vmem>>)
      tpu.yield
    }) : () -> ()
    %scan3A = arith.constant 0 : i32
    %scan3A_3 = arith.constant 0 : i32
    %scan3A_4 = arith.constant 4 : i32
    %scan3A_5 = arith.addi %scan3A_3, %scan3A_4 : i32
    %scan3A_6 = arith.constant 1 : i32
    scf.for %scan3A_8 = %scan3A_3 to %scan3A_5 step %scan3A_6  : i32 {
      %mul3A_9 = arith.constant 1280 : i32
      %mul3A_10 = arith.muli %scan3A_8, %mul3A_9 : i32
      %add3A_11 = arith.addi %mul3A_2, %mul3A_10 : i32
      "tpu.region"() ({
        %run_scoped3A_29 = tpu.sem_alloc : memref<!tpu.dma_semaphore, #tpu.memory_space<semaphore_mem>>
        %dma_start3A = tpu.memref_slice %arg3[%add3A_11] : memref<163840xi32, #tpu.memory_space<hbm>> -> memref<1280xi32, #tpu.memory_space<hbm>>
        %dma_start3A_30 = tpu.memref_slice %arg3[%add3A_11] : memref<163840xi32, #tpu.memory_space<hbm>> -> memref<1280xi32, #tpu.memory_space<hbm>>
        tpu.enqueue_dma source(%dma_start3A_30 : memref<1280xi32, #tpu.memory_space<hbm>>) target(%arg7 : memref<1280xi32, #tpu.memory_space<vmem>>) target_semaphore(%run_scoped3A_29 : memref<!tpu.dma_semaphore, #tpu.memory_space<semaphore_mem>>)
        %dma_wait3A = tpu.memref_slice %arg3[%add3A_11] : memref<163840xi32, #tpu.memory_space<hbm>> -> memref<1280xi32, #tpu.memory_space<hbm>>
        %dma_wait3A_31 = tpu.memref_slice %arg3[%add3A_11] : memref<163840xi32, #tpu.memory_space<hbm>> -> memref<1280xi32, #tpu.memory_space<hbm>>
        tpu.wait_dma2 semaphore(%run_scoped3A_29 : memref<!tpu.dma_semaphore, #tpu.memory_space<semaphore_mem>>) src(%dma_wait3A_31 : memref<1280xi32, #tpu.memory_space<hbm>>) dst(%arg7 : memref<1280xi32, #tpu.memory_space<vmem>>)
        tpu.yield
      }) : () -> ()
      "tpu.region"() ({
        %run_scoped3A_29 = tpu.sem_alloc : memref<!tpu.dma_semaphore, #tpu.memory_space<semaphore_mem>>
        %dma_start3A = tpu.memref_slice %arg4[%add3A_11] : memref<163840xi32, #tpu.memory_space<hbm>> -> memref<1280xi32, #tpu.memory_space<hbm>>
        %dma_start3A_30 = tpu.memref_slice %arg4[%add3A_11] : memref<163840xi32, #tpu.memory_space<hbm>> -> memref<1280xi32, #tpu.memory_space<hbm>>
        tpu.enqueue_dma source(%dma_start3A_30 : memref<1280xi32, #tpu.memory_space<hbm>>) target(%arg8 : memref<1280xi32, #tpu.memory_space<vmem>>) target_semaphore(%run_scoped3A_29 : memref<!tpu.dma_semaphore, #tpu.memory_space<semaphore_mem>>)
        %dma_wait3A = tpu.memref_slice %arg4[%add3A_11] : memref<163840xi32, #tpu.memory_space<hbm>> -> memref<1280xi32, #tpu.memory_space<hbm>>
        %dma_wait3A_31 = tpu.memref_slice %arg4[%add3A_11] : memref<163840xi32, #tpu.memory_space<hbm>> -> memref<1280xi32, #tpu.memory_space<hbm>>
        tpu.wait_dma2 semaphore(%run_scoped3A_29 : memref<!tpu.dma_semaphore, #tpu.memory_space<semaphore_mem>>) src(%dma_wait3A_31 : memref<1280xi32, #tpu.memory_space<hbm>>) dst(%arg8 : memref<1280xi32, #tpu.memory_space<vmem>>)
        tpu.yield
      }) : () -> ()
      %scan3A_12 = arith.constant 0 : i32
      %scan3A_13 = arith.constant 0 : i32
      %scan3A_14 = arith.constant 80 : i32
      %scan3A_15 = arith.addi %scan3A_13, %scan3A_14 : i32
      %scan3A_16 = arith.constant 1 : i32
      scf.for %scan3A_29 = %scan3A_13 to %scan3A_15 step %scan3A_16  : i32 {
        %mul3A_30 = arith.constant 16 : i32
        %mul3A_31 = arith.muli %scan3A_29, %mul3A_30 : i32
        %get3A = arith.index_cast %mul3A_31 : i32 to index
        %get3A_32 = tpu.vector_load %arg7[%get3A] {strides = array<i32>} : memref<1280xi32, #tpu.memory_space<vmem>>, vector<16xi32>,
        %get3A_33 = arith.index_cast %mul3A_31 : i32 to index
        %get3A_34 = tpu.vector_load %arg8[%get3A_33] {strides = array<i32>} : memref<1280xi32, #tpu.memory_space<vmem>>, vector<16xi32>,
        %gather3A = arith.constant 0 : i32
        %gather3A_35 = arith.constant 0 : i32
        %gather3A_36 = tpu.memref_slice %arg6[%gather3A, %gather3A_35] : memref<6x10000xf32, #tpu.memory_space<vmem>> -> memref<1x10000xf32, #tpu.memory_space<vmem>>
        %gather3A_37 = tpu.memref_squeeze %gather3A_36 : memref<1x10000xf32, #tpu.memory_space<vmem>> -> memref<10000xf32, #tpu.memory_space<vmem>>
        %gather3A_38 = tpu.vector_load_idx %gather3A_37[%get3A_32] : memref<10000xf32, #tpu.memory_space<vmem>>[vector<16xi32>], vector<16xf32>,
        %swap3A = arith.constant 0 : i32
        %swap3A_39 = arith.index_cast %swap3A : i32 to index
        %swap3A_40 = arith.index_cast %mul3A_31 : i32 to index
        %swap3A_41 = tpu.vector_load %arg9[%swap3A_39, %swap3A_40] {strides = array<i32>} : memref<6x1280xf32, #tpu.memory_space<vmem>>, vector<16xf32>,
        tpu.vector_store %arg9[%swap3A_39, %swap3A_40], %gather3A_38 {strides = array<i32>} : memref<6x1280xf32, #tpu.memory_space<vmem>>, vector<16xf32>,
        %gather3A_42 = arith.constant 3 : i32
        %gather3A_43 = arith.constant 0 : i32
        %gather3A_44 = tpu.memref_slice %arg6[%gather3A_42, %gather3A_43] : memref<6x10000xf32, #tpu.memory_space<vmem>> -> memref<1x10000xf32, #tpu.memory_space<vmem>>
        %gather3A_45 = tpu.memref_squeeze %gather3A_44 : memref<1x10000xf32, #tpu.memory_space<vmem>> -> memref<10000xf32, #tpu.memory_space<vmem>>
        %gather3A_46 = tpu.vector_load_idx %gather3A_45[%get3A_34] : memref<10000xf32, #tpu.memory_space<vmem>>[vector<16xi32>], vector<16xf32>,
        %swap3A_47 = arith.constant 3 : i32
        %swap3A_48 = arith.index_cast %swap3A_47 : i32 to index
        %swap3A_49 = arith.index_cast %mul3A_31 : i32 to index
        %swap3A_50 = tpu.vector_load %arg9[%swap3A_48, %swap3A_49] {strides = array<i32>} : memref<6x1280xf32, #tpu.memory_space<vmem>>, vector<16xf32>,
        tpu.vector_store %arg9[%swap3A_48, %swap3A_49], %gather3A_46 {strides = array<i32>} : memref<6x1280xf32, #tpu.memory_space<vmem>>, vector<16xf32>,
        %gather3A_51 = arith.constant 1 : i32
        %gather3A_52 = arith.constant 0 : i32
        %gather3A_53 = tpu.memref_slice %arg6[%gather3A_51, %gather3A_52] : memref<6x10000xf32, #tpu.memory_space<vmem>> -> memref<1x10000xf32, #tpu.memory_space<vmem>>
        %gather3A_54 = tpu.memref_squeeze %gather3A_53 : memref<1x10000xf32, #tpu.memory_space<vmem>> -> memref<10000xf32, #tpu.memory_space<vmem>>
        %gather3A_55 = tpu.vector_load_idx %gather3A_54[%get3A_32] : memref<10000xf32, #tpu.memory_space<vmem>>[vector<16xi32>], vector<16xf32>,
        %swap3A_56 = arith.constant 1 : i32
        %swap3A_57 = arith.index_cast %swap3A_56 : i32 to index
        %swap3A_58 = arith.index_cast %mul3A_31 : i32 to index
        %swap3A_59 = tpu.vector_load %arg9[%swap3A_57, %swap3A_58] {strides = array<i32>} : memref<6x1280xf32, #tpu.memory_space<vmem>>, vector<16xf32>,
        tpu.vector_store %arg9[%swap3A_57, %swap3A_58], %gather3A_55 {strides = array<i32>} : memref<6x1280xf32, #tpu.memory_space<vmem>>, vector<16xf32>,
        %gather3A_60 = arith.constant 4 : i32
        %gather3A_61 = arith.constant 0 : i32
        %gather3A_62 = tpu.memref_slice %arg6[%gather3A_60, %gather3A_61] : memref<6x10000xf32, #tpu.memory_space<vmem>> -> memref<1x10000xf32, #tpu.memory_space<vmem>>
        %gather3A_63 = tpu.memref_squeeze %gather3A_62 : memref<1x10000xf32, #tpu.memory_space<vmem>> -> memref<10000xf32, #tpu.memory_space<vmem>>
        %gather3A_64 = tpu.vector_load_idx %gather3A_63[%get3A_34] : memref<10000xf32, #tpu.memory_space<vmem>>[vector<16xi32>], vector<16xf32>,
        %swap3A_65 = arith.constant 4 : i32
        %swap3A_66 = arith.index_cast %swap3A_65 : i32 to index
        %swap3A_67 = arith.index_cast %mul3A_31 : i32 to index
        %swap3A_68 = tpu.vector_load %arg9[%swap3A_66, %swap3A_67] {strides = array<i32>} : memref<6x1280xf32, #tpu.memory_space<vmem>>, vector<16xf32>,
        tpu.vector_store %arg9[%swap3A_66, %swap3A_67], %gather3A_64 {strides = array<i32>} : memref<6x1280xf32, #tpu.memory_space<vmem>>, vector<16xf32>,
        %gather3A_69 = arith.constant 2 : i32
        %gather3A_70 = arith.constant 0 : i32
        %gather3A_71 = tpu.memref_slice %arg6[%gather3A_69, %gather3A_70] : memref<6x10000xf32, #tpu.memory_space<vmem>> -> memref<1x10000xf32, #tpu.memory_space<vmem>>
        %gather3A_72 = tpu.memref_squeeze %gather3A_71 : memref<1x10000xf32, #tpu.memory_space<vmem>> -> memref<10000xf32, #tpu.memory_space<vmem>>
        %gather3A_73 = tpu.vector_load_idx %gather3A_72[%get3A_32] : memref<10000xf32, #tpu.memory_space<vmem>>[vector<16xi32>], vector<16xf32>,
        %swap3A_74 = arith.constant 2 : i32
        %swap3A_75 = arith.index_cast %swap3A_74 : i32 to index
        %swap3A_76 = arith.index_cast %mul3A_31 : i32 to index
        %swap3A_77 = tpu.vector_load %arg9[%swap3A_75, %swap3A_76] {strides = array<i32>} : memref<6x1280xf32, #tpu.memory_space<vmem>>, vector<16xf32>,
        tpu.vector_store %arg9[%swap3A_75, %swap3A_76], %gather3A_73 {strides = array<i32>} : memref<6x1280xf32, #tpu.memory_space<vmem>>, vector<16xf32>,
        %gather3A_78 = arith.constant 5 : i32
        %gather3A_79 = arith.constant 0 : i32
        %gather3A_80 = tpu.memref_slice %arg6[%gather3A_78, %gather3A_79] : memref<6x10000xf32, #tpu.memory_space<vmem>> -> memref<1x10000xf32, #tpu.memory_space<vmem>>
        %gather3A_81 = tpu.memref_squeeze %gather3A_80 : memref<1x10000xf32, #tpu.memory_space<vmem>> -> memref<10000xf32, #tpu.memory_space<vmem>>
        %gather3A_82 = tpu.vector_load_idx %gather3A_81[%get3A_34] : memref<10000xf32, #tpu.memory_space<vmem>>[vector<16xi32>], vector<16xf32>,
        %swap3A_83 = arith.constant 5 : i32
        %swap3A_84 = arith.index_cast %swap3A_83 : i32 to index
        %swap3A_85 = arith.index_cast %mul3A_31 : i32 to index
        %swap3A_86 = tpu.vector_load %arg9[%swap3A_84, %swap3A_85] {strides = array<i32>} : memref<6x1280xf32, #tpu.memory_space<vmem>>, vector<16xf32>,
        tpu.vector_store %arg9[%swap3A_84, %swap3A_85], %gather3A_82 {strides = array<i32>} : memref<6x1280xf32, #tpu.memory_space<vmem>>, vector<16xf32>,
      }
      %scan3A_17 = arith.constant 80 : i32
      %run_scoped3A = arith.constant 0 : i32
      %run_scoped3A_18 = arith.constant 0 : i32
      "tpu.region"() ({
        %run_scoped3A_29 = tpu.sem_alloc : memref<!tpu.dma_semaphore, #tpu.memory_space<semaphore_mem>>
        %dma_start3A = arith.constant 0 : i32
        %dma_start3A_30 = tpu.memref_slice %arg9[%run_scoped3A, %dma_start3A] : memref<6x1280xf32, #tpu.memory_space<vmem>> -> memref<1x1280xf32, #tpu.memory_space<vmem>>
        %dma_start3A_31 = tpu.memref_squeeze %dma_start3A_30 : memref<1x1280xf32, #tpu.memory_space<vmem>> -> memref<1280xf32, #tpu.memory_space<vmem>>
        %dma_start3A_32 = tpu.memref_slice %arg5[%run_scoped3A_18, %add3A_11] : memref<8x163840xf32, #tpu.memory_space<hbm>> -> memref<1x1280xf32, #tpu.memory_space<hbm>>
        %dma_start3A_33 = tpu.memref_squeeze %dma_start3A_32 : memref<1x1280xf32, #tpu.memory_space<hbm>> -> memref<1280xf32, #tpu.memory_space<hbm>>
        %dma_start3A_34 = tpu.memref_slice %arg5[%run_scoped3A_18, %add3A_11] : memref<8x163840xf32, #tpu.memory_space<hbm>> -> memref<1x1280xf32, #tpu.memory_space<hbm>>
        %dma_start3A_35 = tpu.memref_squeeze %dma_start3A_34 : memref<1x1280xf32, #tpu.memory_space<hbm>> -> memref<1280xf32, #tpu.memory_space<hbm>>
        %dma_start3A_36 = arith.constant 0 : i32
        %dma_start3A_37 = tpu.memref_slice %arg9[%run_scoped3A, %dma_start3A_36] : memref<6x1280xf32, #tpu.memory_space<vmem>> -> memref<1x1280xf32, #tpu.memory_space<vmem>>
        %dma_start3A_38 = tpu.memref_squeeze %dma_start3A_37 : memref<1x1280xf32, #tpu.memory_space<vmem>> -> memref<1280xf32, #tpu.memory_space<vmem>>
        tpu.enqueue_dma source(%dma_start3A_38 : memref<1280xf32, #tpu.memory_space<vmem>>) target(%dma_start3A_35 : memref<1280xf32, #tpu.memory_space<hbm>>) target_semaphore(%run_scoped3A_29 : memref<!tpu.dma_semaphore, #tpu.memory_space<semaphore_mem>>)
        %dma_wait3A = arith.constant 0 : i32
        %dma_wait3A_39 = tpu.memref_slice %arg9[%run_scoped3A, %dma_wait3A] : memref<6x1280xf32, #tpu.memory_space<vmem>> -> memref<1x1280xf32, #tpu.memory_space<vmem>>
        %dma_wait3A_40 = tpu.memref_squeeze %dma_wait3A_39 : memref<1x1280xf32, #tpu.memory_space<vmem>> -> memref<1280xf32, #tpu.memory_space<vmem>>
        %dma_wait3A_41 = tpu.memref_slice %arg5[%run_scoped3A_18, %add3A_11] : memref<8x163840xf32, #tpu.memory_space<hbm>> -> memref<1x1280xf32, #tpu.memory_space<hbm>>
        %dma_wait3A_42 = tpu.memref_squeeze %dma_wait3A_41 : memref<1x1280xf32, #tpu.memory_space<hbm>> -> memref<1280xf32, #tpu.memory_space<hbm>>
        %dma_wait3A_43 = tpu.memref_slice %arg5[%run_scoped3A_18, %add3A_11] : memref<8x163840xf32, #tpu.memory_space<hbm>> -> memref<1x1280xf32, #tpu.memory_space<hbm>>
        %dma_wait3A_44 = tpu.memref_squeeze %dma_wait3A_43 : memref<1x1280xf32, #tpu.memory_space<hbm>> -> memref<1280xf32, #tpu.memory_space<hbm>>
        %dma_wait3A_45 = arith.constant 0 : i32
        %dma_wait3A_46 = tpu.memref_slice %arg9[%run_scoped3A, %dma_wait3A_45] : memref<6x1280xf32, #tpu.memory_space<vmem>> -> memref<1x1280xf32, #tpu.memory_space<vmem>>
        %dma_wait3A_47 = tpu.memref_squeeze %dma_wait3A_46 : memref<1x1280xf32, #tpu.memory_space<vmem>> -> memref<1280xf32, #tpu.memory_space<vmem>>
        tpu.wait_dma2 semaphore(%run_scoped3A_29 : memref<!tpu.dma_semaphore, #tpu.memory_space<semaphore_mem>>) src(%dma_wait3A_47 : memref<1280xf32, #tpu.memory_space<vmem>>) dst(%dma_wait3A_44 : memref<1280xf32, #tpu.memory_space<hbm>>)
        tpu.yield
      }) : () -> ()
      %run_scoped3A_19 = arith.constant 1 : i32
      %run_scoped3A_20 = arith.constant 1 : i32
      "tpu.region"() ({
        %run_scoped3A_29 = tpu.sem_alloc : memref<!tpu.dma_semaphore, #tpu.memory_space<semaphore_mem>>
        %dma_start3A = arith.constant 0 : i32
        %dma_start3A_30 = tpu.memref_slice %arg9[%run_scoped3A_19, %dma_start3A] : memref<6x1280xf32, #tpu.memory_space<vmem>> -> memref<1x1280xf32, #tpu.memory_space<vmem>>
        %dma_start3A_31 = tpu.memref_squeeze %dma_start3A_30 : memref<1x1280xf32, #tpu.memory_space<vmem>> -> memref<1280xf32, #tpu.memory_space<vmem>>
        %dma_start3A_32 = tpu.memref_slice %arg5[%run_scoped3A_20, %add3A_11] : memref<8x163840xf32, #tpu.memory_space<hbm>> -> memref<1x1280xf32, #tpu.memory_space<hbm>>
        %dma_start3A_33 = tpu.memref_squeeze %dma_start3A_32 : memref<1x1280xf32, #tpu.memory_space<hbm>> -> memref<1280xf32, #tpu.memory_space<hbm>>
        %dma_start3A_34 = tpu.memref_slice %arg5[%run_scoped3A_20, %add3A_11] : memref<8x163840xf32, #tpu.memory_space<hbm>> -> memref<1x1280xf32, #tpu.memory_space<hbm>>
        %dma_start3A_35 = tpu.memref_squeeze %dma_start3A_34 : memref<1x1280xf32, #tpu.memory_space<hbm>> -> memref<1280xf32, #tpu.memory_space<hbm>>
        %dma_start3A_36 = arith.constant 0 : i32
        %dma_start3A_37 = tpu.memref_slice %arg9[%run_scoped3A_19, %dma_start3A_36] : memref<6x1280xf32, #tpu.memory_space<vmem>> -> memref<1x1280xf32, #tpu.memory_space<vmem>>
        %dma_start3A_38 = tpu.memref_squeeze %dma_start3A_37 : memref<1x1280xf32, #tpu.memory_space<vmem>> -> memref<1280xf32, #tpu.memory_space<vmem>>
        tpu.enqueue_dma source(%dma_start3A_38 : memref<1280xf32, #tpu.memory_space<vmem>>) target(%dma_start3A_35 : memref<1280xf32, #tpu.memory_space<hbm>>) target_semaphore(%run_scoped3A_29 : memref<!tpu.dma_semaphore, #tpu.memory_space<semaphore_mem>>)
        %dma_wait3A = arith.constant 0 : i32
        %dma_wait3A_39 = tpu.memref_slice %arg9[%run_scoped3A_19, %dma_wait3A] : memref<6x1280xf32, #tpu.memory_space<vmem>> -> memref<1x1280xf32, #tpu.memory_space<vmem>>
        %dma_wait3A_40 = tpu.memref_squeeze %dma_wait3A_39 : memref<1x1280xf32, #tpu.memory_space<vmem>> -> memref<1280xf32, #tpu.memory_space<vmem>>
        %dma_wait3A_41 = tpu.memref_slice %arg5[%run_scoped3A_20, %add3A_11] : memref<8x163840xf32, #tpu.memory_space<hbm>> -> memref<1x1280xf32, #tpu.memory_space<hbm>>
        %dma_wait3A_42 = tpu.memref_squeeze %dma_wait3A_41 : memref<1x1280xf32, #tpu.memory_space<hbm>> -> memref<1280xf32, #tpu.memory_space<hbm>>
        %dma_wait3A_43 = tpu.memref_slice %arg5[%run_scoped3A_20, %add3A_11] : memref<8x163840xf32, #tpu.memory_space<hbm>> -> memref<1x1280xf32, #tpu.memory_space<hbm>>
        %dma_wait3A_44 = tpu.memref_squeeze %dma_wait3A_43 : memref<1x1280xf32, #tpu.memory_space<hbm>> -> memref<1280xf32, #tpu.memory_space<hbm>>
        %dma_wait3A_45 = arith.constant 0 : i32
        %dma_wait3A_46 = tpu.memref_slice %arg9[%run_scoped3A_19, %dma_wait3A_45] : memref<6x1280xf32, #tpu.memory_space<vmem>> -> memref<1x1280xf32, #tpu.memory_space<vmem>>
        %dma_wait3A_47 = tpu.memref_squeeze %dma_wait3A_46 : memref<1x1280xf32, #tpu.memory_space<vmem>> -> memref<1280xf32, #tpu.memory_space<vmem>>
        tpu.wait_dma2 semaphore(%run_scoped3A_29 : memref<!tpu.dma_semaphore, #tpu.memory_space<semaphore_mem>>) src(%dma_wait3A_47 : memref<1280xf32, #tpu.memory_space<vmem>>) dst(%dma_wait3A_44 : memref<1280xf32, #tpu.memory_space<hbm>>)
        tpu.yield
      }) : () -> ()
      %run_scoped3A_21 = arith.constant 2 : i32
      %run_scoped3A_22 = arith.constant 2 : i32
      "tpu.region"() ({
        %run_scoped3A_29 = tpu.sem_alloc : memref<!tpu.dma_semaphore, #tpu.memory_space<semaphore_mem>>
        %dma_start3A = arith.constant 0 : i32
        %dma_start3A_30 = tpu.memref_slice %arg9[%run_scoped3A_21, %dma_start3A] : memref<6x1280xf32, #tpu.memory_space<vmem>> -> memref<1x1280xf32, #tpu.memory_space<vmem>>
        %dma_start3A_31 = tpu.memref_squeeze %dma_start3A_30 : memref<1x1280xf32, #tpu.memory_space<vmem>> -> memref<1280xf32, #tpu.memory_space<vmem>>
        %dma_start3A_32 = tpu.memref_slice %arg5[%run_scoped3A_22, %add3A_11] : memref<8x163840xf32, #tpu.memory_space<hbm>> -> memref<1x1280xf32, #tpu.memory_space<hbm>>
        %dma_start3A_33 = tpu.memref_squeeze %dma_start3A_32 : memref<1x1280xf32, #tpu.memory_space<hbm>> -> memref<1280xf32, #tpu.memory_space<hbm>>
        %dma_start3A_34 = tpu.memref_slice %arg5[%run_scoped3A_22, %add3A_11] : memref<8x163840xf32, #tpu.memory_space<hbm>> -> memref<1x1280xf32, #tpu.memory_space<hbm>>
        %dma_start3A_35 = tpu.memref_squeeze %dma_start3A_34 : memref<1x1280xf32, #tpu.memory_space<hbm>> -> memref<1280xf32, #tpu.memory_space<hbm>>
        %dma_start3A_36 = arith.constant 0 : i32
        %dma_start3A_37 = tpu.memref_slice %arg9[%run_scoped3A_21, %dma_start3A_36] : memref<6x1280xf32, #tpu.memory_space<vmem>> -> memref<1x1280xf32, #tpu.memory_space<vmem>>
        %dma_start3A_38 = tpu.memref_squeeze %dma_start3A_37 : memref<1x1280xf32, #tpu.memory_space<vmem>> -> memref<1280xf32, #tpu.memory_space<vmem>>
        tpu.enqueue_dma source(%dma_start3A_38 : memref<1280xf32, #tpu.memory_space<vmem>>) target(%dma_start3A_35 : memref<1280xf32, #tpu.memory_space<hbm>>) target_semaphore(%run_scoped3A_29 : memref<!tpu.dma_semaphore, #tpu.memory_space<semaphore_mem>>)
        %dma_wait3A = arith.constant 0 : i32
        %dma_wait3A_39 = tpu.memref_slice %arg9[%run_scoped3A_21, %dma_wait3A] : memref<6x1280xf32, #tpu.memory_space<vmem>> -> memref<1x1280xf32, #tpu.memory_space<vmem>>
        %dma_wait3A_40 = tpu.memref_squeeze %dma_wait3A_39 : memref<1x1280xf32, #tpu.memory_space<vmem>> -> memref<1280xf32, #tpu.memory_space<vmem>>
        %dma_wait3A_41 = tpu.memref_slice %arg5[%run_scoped3A_22, %add3A_11] : memref<8x163840xf32, #tpu.memory_space<hbm>> -> memref<1x1280xf32, #tpu.memory_space<hbm>>
        %dma_wait3A_42 = tpu.memref_squeeze %dma_wait3A_41 : memref<1x1280xf32, #tpu.memory_space<hbm>> -> memref<1280xf32, #tpu.memory_space<hbm>>
        %dma_wait3A_43 = tpu.memref_slice %arg5[%run_scoped3A_22, %add3A_11] : memref<8x163840xf32, #tpu.memory_space<hbm>> -> memref<1x1280xf32, #tpu.memory_space<hbm>>
        %dma_wait3A_44 = tpu.memref_squeeze %dma_wait3A_43 : memref<1x1280xf32, #tpu.memory_space<hbm>> -> memref<1280xf32, #tpu.memory_space<hbm>>
        %dma_wait3A_45 = arith.constant 0 : i32
        %dma_wait3A_46 = tpu.memref_slice %arg9[%run_scoped3A_21, %dma_wait3A_45] : memref<6x1280xf32, #tpu.memory_space<vmem>> -> memref<1x1280xf32, #tpu.memory_space<vmem>>
        %dma_wait3A_47 = tpu.memref_squeeze %dma_wait3A_46 : memref<1x1280xf32, #tpu.memory_space<vmem>> -> memref<1280xf32, #tpu.memory_space<vmem>>
        tpu.wait_dma2 semaphore(%run_scoped3A_29 : memref<!tpu.dma_semaphore, #tpu.memory_space<semaphore_mem>>) src(%dma_wait3A_47 : memref<1280xf32, #tpu.memory_space<vmem>>) dst(%dma_wait3A_44 : memref<1280xf32, #tpu.memory_space<hbm>>)
        tpu.yield
      }) : () -> ()
      %run_scoped3A_23 = arith.constant 3 : i32
      %run_scoped3A_24 = arith.constant 3 : i32
      "tpu.region"() ({
        %run_scoped3A_29 = tpu.sem_alloc : memref<!tpu.dma_semaphore, #tpu.memory_space<semaphore_mem>>
        %dma_start3A = arith.constant 0 : i32
        %dma_start3A_30 = tpu.memref_slice %arg9[%run_scoped3A_23, %dma_start3A] : memref<6x1280xf32, #tpu.memory_space<vmem>> -> memref<1x1280xf32, #tpu.memory_space<vmem>>
        %dma_start3A_31 = tpu.memref_squeeze %dma_start3A_30 : memref<1x1280xf32, #tpu.memory_space<vmem>> -> memref<1280xf32, #tpu.memory_space<vmem>>
        %dma_start3A_32 = tpu.memref_slice %arg5[%run_scoped3A_24, %add3A_11] : memref<8x163840xf32, #tpu.memory_space<hbm>> -> memref<1x1280xf32, #tpu.memory_space<hbm>>
        %dma_start3A_33 = tpu.memref_squeeze %dma_start3A_32 : memref<1x1280xf32, #tpu.memory_space<hbm>> -> memref<1280xf32, #tpu.memory_space<hbm>>
        %dma_start3A_34 = tpu.memref_slice %arg5[%run_scoped3A_24, %add3A_11] : memref<8x163840xf32, #tpu.memory_space<hbm>> -> memref<1x1280xf32, #tpu.memory_space<hbm>>
        %dma_start3A_35 = tpu.memref_squeeze %dma_start3A_34 : memref<1x1280xf32, #tpu.memory_space<hbm>> -> memref<1280xf32, #tpu.memory_space<hbm>>
        %dma_start3A_36 = arith.constant 0 : i32
        %dma_start3A_37 = tpu.memref_slice %arg9[%run_scoped3A_23, %dma_start3A_36] : memref<6x1280xf32, #tpu.memory_space<vmem>> -> memref<1x1280xf32, #tpu.memory_space<vmem>>
        %dma_start3A_38 = tpu.memref_squeeze %dma_start3A_37 : memref<1x1280xf32, #tpu.memory_space<vmem>> -> memref<1280xf32, #tpu.memory_space<vmem>>
        tpu.enqueue_dma source(%dma_start3A_38 : memref<1280xf32, #tpu.memory_space<vmem>>) target(%dma_start3A_35 : memref<1280xf32, #tpu.memory_space<hbm>>) target_semaphore(%run_scoped3A_29 : memref<!tpu.dma_semaphore, #tpu.memory_space<semaphore_mem>>)
        %dma_wait3A = arith.constant 0 : i32
        %dma_wait3A_39 = tpu.memref_slice %arg9[%run_scoped3A_23, %dma_wait3A] : memref<6x1280xf32, #tpu.memory_space<vmem>> -> memref<1x1280xf32, #tpu.memory_space<vmem>>
        %dma_wait3A_40 = tpu.memref_squeeze %dma_wait3A_39 : memref<1x1280xf32, #tpu.memory_space<vmem>> -> memref<1280xf32, #tpu.memory_space<vmem>>
        %dma_wait3A_41 = tpu.memref_slice %arg5[%run_scoped3A_24, %add3A_11] : memref<8x163840xf32, #tpu.memory_space<hbm>> -> memref<1x1280xf32, #tpu.memory_space<hbm>>
        %dma_wait3A_42 = tpu.memref_squeeze %dma_wait3A_41 : memref<1x1280xf32, #tpu.memory_space<hbm>> -> memref<1280xf32, #tpu.memory_space<hbm>>
        %dma_wait3A_43 = tpu.memref_slice %arg5[%run_scoped3A_24, %add3A_11] : memref<8x163840xf32, #tpu.memory_space<hbm>> -> memref<1x1280xf32, #tpu.memory_space<hbm>>
        %dma_wait3A_44 = tpu.memref_squeeze %dma_wait3A_43 : memref<1x1280xf32, #tpu.memory_space<hbm>> -> memref<1280xf32, #tpu.memory_space<hbm>>
        %dma_wait3A_45 = arith.constant 0 : i32
        %dma_wait3A_46 = tpu.memref_slice %arg9[%run_scoped3A_23, %dma_wait3A_45] : memref<6x1280xf32, #tpu.memory_space<vmem>> -> memref<1x1280xf32, #tpu.memory_space<vmem>>
        %dma_wait3A_47 = tpu.memref_squeeze %dma_wait3A_46 : memref<1x1280xf32, #tpu.memory_space<vmem>> -> memref<1280xf32, #tpu.memory_space<vmem>>
        tpu.wait_dma2 semaphore(%run_scoped3A_29 : memref<!tpu.dma_semaphore, #tpu.memory_space<semaphore_mem>>) src(%dma_wait3A_47 : memref<1280xf32, #tpu.memory_space<vmem>>) dst(%dma_wait3A_44 : memref<1280xf32, #tpu.memory_space<hbm>>)
        tpu.yield
      }) : () -> ()
      %run_scoped3A_25 = arith.constant 4 : i32
      %run_scoped3A_26 = arith.constant 4 : i32
      "tpu.region"() ({
        %run_scoped3A_29 = tpu.sem_alloc : memref<!tpu.dma_semaphore, #tpu.memory_space<semaphore_mem>>
        %dma_start3A = arith.constant 0 : i32
        %dma_start3A_30 = tpu.memref_slice %arg9[%run_scoped3A_25, %dma_start3A] : memref<6x1280xf32, #tpu.memory_space<vmem>> -> memref<1x1280xf32, #tpu.memory_space<vmem>>
        %dma_start3A_31 = tpu.memref_squeeze %dma_start3A_30 : memref<1x1280xf32, #tpu.memory_space<vmem>> -> memref<1280xf32, #tpu.memory_space<vmem>>
        %dma_start3A_32 = tpu.memref_slice %arg5[%run_scoped3A_26, %add3A_11] : memref<8x163840xf32, #tpu.memory_space<hbm>> -> memref<1x1280xf32, #tpu.memory_space<hbm>>
        %dma_start3A_33 = tpu.memref_squeeze %dma_start3A_32 : memref<1x1280xf32, #tpu.memory_space<hbm>> -> memref<1280xf32, #tpu.memory_space<hbm>>
        %dma_start3A_34 = tpu.memref_slice %arg5[%run_scoped3A_26, %add3A_11] : memref<8x163840xf32, #tpu.memory_space<hbm>> -> memref<1x1280xf32, #tpu.memory_space<hbm>>
        %dma_start3A_35 = tpu.memref_squeeze %dma_start3A_34 : memref<1x1280xf32, #tpu.memory_space<hbm>> -> memref<1280xf32, #tpu.memory_space<hbm>>
        %dma_start3A_36 = arith.constant 0 : i32
        %dma_start3A_37 = tpu.memref_slice %arg9[%run_scoped3A_25, %dma_start3A_36] : memref<6x1280xf32, #tpu.memory_space<vmem>> -> memref<1x1280xf32, #tpu.memory_space<vmem>>
        %dma_start3A_38 = tpu.memref_squeeze %dma_start3A_37 : memref<1x1280xf32, #tpu.memory_space<vmem>> -> memref<1280xf32, #tpu.memory_space<vmem>>
        tpu.enqueue_dma source(%dma_start3A_38 : memref<1280xf32, #tpu.memory_space<vmem>>) target(%dma_start3A_35 : memref<1280xf32, #tpu.memory_space<hbm>>) target_semaphore(%run_scoped3A_29 : memref<!tpu.dma_semaphore, #tpu.memory_space<semaphore_mem>>)
        %dma_wait3A = arith.constant 0 : i32
        %dma_wait3A_39 = tpu.memref_slice %arg9[%run_scoped3A_25, %dma_wait3A] : memref<6x1280xf32, #tpu.memory_space<vmem>> -> memref<1x1280xf32, #tpu.memory_space<vmem>>
        %dma_wait3A_40 = tpu.memref_squeeze %dma_wait3A_39 : memref<1x1280xf32, #tpu.memory_space<vmem>> -> memref<1280xf32, #tpu.memory_space<vmem>>
        %dma_wait3A_41 = tpu.memref_slice %arg5[%run_scoped3A_26, %add3A_11] : memref<8x163840xf32, #tpu.memory_space<hbm>> -> memref<1x1280xf32, #tpu.memory_space<hbm>>
        %dma_wait3A_42 = tpu.memref_squeeze %dma_wait3A_41 : memref<1x1280xf32, #tpu.memory_space<hbm>> -> memref<1280xf32, #tpu.memory_space<hbm>>
        %dma_wait3A_43 = tpu.memref_slice %arg5[%run_scoped3A_26, %add3A_11] : memref<8x163840xf32, #tpu.memory_space<hbm>> -> memref<1x1280xf32, #tpu.memory_space<hbm>>
        %dma_wait3A_44 = tpu.memref_squeeze %dma_wait3A_43 : memref<1x1280xf32, #tpu.memory_space<hbm>> -> memref<1280xf32, #tpu.memory_space<hbm>>
        %dma_wait3A_45 = arith.constant 0 : i32
        %dma_wait3A_46 = tpu.memref_slice %arg9[%run_scoped3A_25, %dma_wait3A_45] : memref<6x1280xf32, #tpu.memory_space<vmem>> -> memref<1x1280xf32, #tpu.memory_space<vmem>>
        %dma_wait3A_47 = tpu.memref_squeeze %dma_wait3A_46 : memref<1x1280xf32, #tpu.memory_space<vmem>> -> memref<1280xf32, #tpu.memory_space<vmem>>
        tpu.wait_dma2 semaphore(%run_scoped3A_29 : memref<!tpu.dma_semaphore, #tpu.memory_space<semaphore_mem>>) src(%dma_wait3A_47 : memref<1280xf32, #tpu.memory_space<vmem>>) dst(%dma_wait3A_44 : memref<1280xf32, #tpu.memory_space<hbm>>)
        tpu.yield
      }) : () -> ()
      %run_scoped3A_27 = arith.constant 5 : i32
      %run_scoped3A_28 = arith.constant 5 : i32
      "tpu.region"() ({
        %run_scoped3A_29 = tpu.sem_alloc : memref<!tpu.dma_semaphore, #tpu.memory_space<semaphore_mem>>
        %dma_start3A = arith.constant 0 : i32
        %dma_start3A_30 = tpu.memref_slice %arg9[%run_scoped3A_27, %dma_start3A] : memref<6x1280xf32, #tpu.memory_space<vmem>> -> memref<1x1280xf32, #tpu.memory_space<vmem>>
        %dma_start3A_31 = tpu.memref_squeeze %dma_start3A_30 : memref<1x1280xf32, #tpu.memory_space<vmem>> -> memref<1280xf32, #tpu.memory_space<vmem>>
        %dma_start3A_32 = tpu.memref_slice %arg5[%run_scoped3A_28, %add3A_11] : memref<8x163840xf32, #tpu.memory_space<hbm>> -> memref<1x1280xf32, #tpu.memory_space<hbm>>
        %dma_start3A_33 = tpu.memref_squeeze %dma_start3A_32 : memref<1x1280xf32, #tpu.memory_space<hbm>> -> memref<1280xf32, #tpu.memory_space<hbm>>
        %dma_start3A_34 = tpu.memref_slice %arg5[%run_scoped3A_28, %add3A_11] : memref<8x163840xf32, #tpu.memory_space<hbm>> -> memref<1x1280xf32, #tpu.memory_space<hbm>>
        %dma_start3A_35 = tpu.memref_squeeze %dma_start3A_34 : memref<1x1280xf32, #tpu.memory_space<hbm>> -> memref<1280xf32, #tpu.memory_space<hbm>>
        %dma_start3A_36 = arith.constant 0 : i32
        %dma_start3A_37 = tpu.memref_slice %arg9[%run_scoped3A_27, %dma_start3A_36] : memref<6x1280xf32, #tpu.memory_space<vmem>> -> memref<1x1280xf32, #tpu.memory_space<vmem>>
        %dma_start3A_38 = tpu.memref_squeeze %dma_start3A_37 : memref<1x1280xf32, #tpu.memory_space<vmem>> -> memref<1280xf32, #tpu.memory_space<vmem>>
        tpu.enqueue_dma source(%dma_start3A_38 : memref<1280xf32, #tpu.memory_space<vmem>>) target(%dma_start3A_35 : memref<1280xf32, #tpu.memory_space<hbm>>) target_semaphore(%run_scoped3A_29 : memref<!tpu.dma_semaphore, #tpu.memory_space<semaphore_mem>>)
        %dma_wait3A = arith.constant 0 : i32
        %dma_wait3A_39 = tpu.memref_slice %arg9[%run_scoped3A_27, %dma_wait3A] : memref<6x1280xf32, #tpu.memory_space<vmem>> -> memref<1x1280xf32, #tpu.memory_space<vmem>>
        %dma_wait3A_40 = tpu.memref_squeeze %dma_wait3A_39 : memref<1x1280xf32, #tpu.memory_space<vmem>> -> memref<1280xf32, #tpu.memory_space<vmem>>
        %dma_wait3A_41 = tpu.memref_slice %arg5[%run_scoped3A_28, %add3A_11] : memref<8x163840xf32, #tpu.memory_space<hbm>> -> memref<1x1280xf32, #tpu.memory_space<hbm>>
        %dma_wait3A_42 = tpu.memref_squeeze %dma_wait3A_41 : memref<1x1280xf32, #tpu.memory_space<hbm>> -> memref<1280xf32, #tpu.memory_space<hbm>>
        %dma_wait3A_43 = tpu.memref_slice %arg5[%run_scoped3A_28, %add3A_11] : memref<8x163840xf32, #tpu.memory_space<hbm>> -> memref<1x1280xf32, #tpu.memory_space<hbm>>
        %dma_wait3A_44 = tpu.memref_squeeze %dma_wait3A_43 : memref<1x1280xf32, #tpu.memory_space<hbm>> -> memref<1280xf32, #tpu.memory_space<hbm>>
        %dma_wait3A_45 = arith.constant 0 : i32
        %dma_wait3A_46 = tpu.memref_slice %arg9[%run_scoped3A_27, %dma_wait3A_45] : memref<6x1280xf32, #tpu.memory_space<vmem>> -> memref<1x1280xf32, #tpu.memory_space<vmem>>
        %dma_wait3A_47 = tpu.memref_squeeze %dma_wait3A_46 : memref<1x1280xf32, #tpu.memory_space<vmem>> -> memref<1280xf32, #tpu.memory_space<vmem>>
        tpu.wait_dma2 semaphore(%run_scoped3A_29 : memref<!tpu.dma_semaphore, #tpu.memory_space<semaphore_mem>>) src(%dma_wait3A_47 : memref<1280xf32, #tpu.memory_space<vmem>>) dst(%dma_wait3A_44 : memref<1280xf32, #tpu.memory_space<hbm>>)
        tpu.yield
      }) : () -> ()
    }
    %scan3A_7 = arith.constant 4 : i32
    return
  }
}

#map = affine_map<(d0, d1) -> (0, 0)>
#map1 = affine_map<(d0, d1) -> (0)>
module attributes {stable_mosaic.version = 14 : i64} {
  func.func @_gather_body(%arg0: i32, %arg1: i32, %arg2: memref<10000x512xf32, #tpu.memory_space<hbm>>, %arg3: memref<20480xi32, #tpu.memory_space<hbm>>, %arg4: memref<20480x512xf32, #tpu.memory_space<hbm>>, %arg5: memref<640xi32, #tpu.memory_space<vmem>>, %arg6: memref<2x64x512xf32, #tpu.memory_space<vmem>>, %arg7: memref<!tpu.dma_semaphore, #tpu.memory_space<semaphore_mem>>, %arg8: memref<!tpu.dma_semaphore, #tpu.memory_space<semaphore_mem>>) attributes {dimension_semantics = [#tpu.dimension_semantics<core_parallel>, #tpu.dimension_semantics<subcore_parallel>], iteration_bounds = array<i64: 2, 16>, scalar_prefetch = 0 : i64, scratch_operands = 4 : i64, tpu.core_type = #tpu.core_type<sc_vector_subcore>, window_params = [{transform_indices = #map}, {transform_indices = #map1}, {transform_indices = #map}]} {
    %mul3A = arith.constant 2 : i32
    %mul3A_0 = arith.muli %arg1, %mul3A : i32
    %add3A = arith.addi %mul3A_0, %arg0 : i32
    %mul3A_1 = arith.constant 640 : i32
    %mul3A_2 = arith.muli %add3A, %mul3A_1 : i32
    "tpu.region"() ({
      %run_scoped3A = tpu.sem_alloc : memref<!tpu.dma_semaphore, #tpu.memory_space<semaphore_mem>>
      %dma_start3A_42 = tpu.memref_slice %arg3[%mul3A_2] : memref<20480xi32, #tpu.memory_space<hbm>> -> memref<640xi32, #tpu.memory_space<hbm>>
      %dma_start3A_43 = tpu.memref_slice %arg3[%mul3A_2] : memref<20480xi32, #tpu.memory_space<hbm>> -> memref<640xi32, #tpu.memory_space<hbm>>
      tpu.enqueue_dma source(%dma_start3A_43 : memref<640xi32, #tpu.memory_space<hbm>>) target(%arg5 : memref<640xi32, #tpu.memory_space<vmem>>) target_semaphore(%run_scoped3A : memref<!tpu.dma_semaphore, #tpu.memory_space<semaphore_mem>>)
      %dma_wait3A_44 = tpu.memref_slice %arg3[%mul3A_2] : memref<20480xi32, #tpu.memory_space<hbm>> -> memref<640xi32, #tpu.memory_space<hbm>>
      %dma_wait3A_45 = tpu.memref_slice %arg3[%mul3A_2] : memref<20480xi32, #tpu.memory_space<hbm>> -> memref<640xi32, #tpu.memory_space<hbm>>
      tpu.wait_dma2 semaphore(%run_scoped3A : memref<!tpu.dma_semaphore, #tpu.memory_space<semaphore_mem>>) src(%dma_wait3A_45 : memref<640xi32, #tpu.memory_space<hbm>>) dst(%arg5 : memref<640xi32, #tpu.memory_space<vmem>>)
      tpu.yield
    }) : () -> ()
    %dma_start3A = arith.constant 0 : i32
    %dma_start3A_3 = arith.constant 0 : i32
    %dma_start3A_4 = arith.constant 0 : i32
    %dma_start3A_5 = tpu.memref_slice %arg6[%dma_start3A, %dma_start3A_3, %dma_start3A_4] : memref<2x64x512xf32, #tpu.memory_space<vmem>> -> memref<1x64x512xf32, #tpu.memory_space<vmem>>
    %dma_start3A_6 = tpu.memref_squeeze %dma_start3A_5 : memref<1x64x512xf32, #tpu.memory_space<vmem>> -> memref<64x512xf32, #tpu.memory_space<vmem>>
    %dma_start3A_7 = arith.constant 0 : i32
    %dma_start3A_8 = tpu.memref_slice %arg5[%dma_start3A_7] : memref<640xi32, #tpu.memory_space<vmem>> -> memref<64xi32, #tpu.memory_space<vmem>>
    %dma_start3A_9 = arith.constant 0 : i32
    %dma_start3A_10 = arith.constant 0 : i32
    %dma_start3A_11 = tpu.memref_slice %arg2[%dma_start3A_9, %dma_start3A_10] : memref<10000x512xf32, #tpu.memory_space<hbm>> -> memref<10000x512xf32, #tpu.memory_space<hbm>>
    tpu.enqueue_indirect_dma source(%dma_start3A_11 : memref<10000x512xf32, #tpu.memory_space<hbm>>) target(%dma_start3A_6 : memref<64x512xf32, #tpu.memory_space<vmem>>) offsets(%dma_start3A_8 : memref<64xi32, #tpu.memory_space<vmem>>) semaphore(%arg7 : memref<!tpu.dma_semaphore, #tpu.memory_space<semaphore_mem>>)
    %scan3A = arith.constant 0 : i32
    %scan3A_12 = arith.constant 0 : i32
    %scan3A_13 = arith.constant 10 : i32
    %scan3A_14 = arith.addi %scan3A_12, %scan3A_13 : i32
    %scan3A_15 = arith.constant 1 : i32
    scf.for %scan3A_42 = %scan3A_12 to %scan3A_14 step %scan3A_15  : i32 {
      %rem3A = arith.constant 2 : i32
      %rem3A_43 = arith.remsi %scan3A_42, %rem3A : i32
      %add3A_44 = arith.constant 1 : i32
      %add3A_45 = arith.addi %scan3A_42, %add3A_44 : i32
      %rem3A_46 = arith.constant 2 : i32
      %rem3A_47 = arith.remsi %add3A_45, %rem3A_46 : i32
      %mul3A_48 = arith.constant 64 : i32
      %mul3A_49 = arith.muli %scan3A_42, %mul3A_48 : i32
      %dma_wait3A_50 = arith.constant 0 : i32
      %dma_wait3A_51 = arith.constant 0 : i32
      %dma_wait3A_52 = tpu.memref_slice %arg6[%rem3A_43, %dma_wait3A_50, %dma_wait3A_51] : memref<2x64x512xf32, #tpu.memory_space<vmem>> -> memref<1x64x512xf32, #tpu.memory_space<vmem>>
      %dma_wait3A_53 = tpu.memref_squeeze %dma_wait3A_52 : memref<1x64x512xf32, #tpu.memory_space<vmem>> -> memref<64x512xf32, #tpu.memory_space<vmem>>
      %dma_wait3A_54 = tpu.memref_slice %arg5[%mul3A_49] : memref<640xi32, #tpu.memory_space<vmem>> -> memref<64xi32, #tpu.memory_space<vmem>>
      %dma_wait3A_55 = arith.constant 0 : i32
      %dma_wait3A_56 = arith.constant 0 : i32
      %dma_wait3A_57 = tpu.memref_slice %arg2[%dma_wait3A_55, %dma_wait3A_56] : memref<10000x512xf32, #tpu.memory_space<hbm>> -> memref<10000x512xf32, #tpu.memory_space<hbm>>
      tpu.wait_indirect_dma semaphore(%arg7 : memref<!tpu.dma_semaphore, #tpu.memory_space<semaphore_mem>>) src(%dma_wait3A_57 : memref<10000x512xf32, #tpu.memory_space<hbm>>) dst(%dma_wait3A_53 : memref<64x512xf32, #tpu.memory_space<vmem>>)
      %add3A_58 = arith.constant 1 : i32
      %add3A_59 = arith.addi %scan3A_42, %add3A_58 : i32
      %lt3A = arith.constant 10 : i32
      %lt3A_60 = arith.cmpi slt, %add3A_59, %lt3A : i32
      %convert_element_type3A = arith.extui %lt3A_60 : i1 to i32
      %cond3A = arith.constant 0 : i32
      %cond3A_61 = arith.cmpi ne, %convert_element_type3A, %cond3A : i32
      scf.if %cond3A_61 {
        %ge3A = arith.constant 1 : i32
        %ge3A_77 = arith.cmpi sge, %scan3A_42, %ge3A : i32
        %convert_element_type3A_78 = arith.extui %ge3A_77 : i1 to i32
        %cond3A_79 = arith.constant 0 : i32
        %cond3A_80 = arith.cmpi ne, %convert_element_type3A_78, %cond3A_79 : i32
        scf.if %cond3A_80 {
          %dma_wait3A_93 = arith.constant 0 : i32
          %dma_wait3A_94 = arith.constant 0 : i32
          %dma_wait3A_95 = tpu.memref_slice %arg6[%rem3A_47, %dma_wait3A_93, %dma_wait3A_94] : memref<2x64x512xf32, #tpu.memory_space<vmem>> -> memref<1x64x512xf32, #tpu.memory_space<vmem>>
          %dma_wait3A_96 = tpu.memref_squeeze %dma_wait3A_95 : memref<1x64x512xf32, #tpu.memory_space<vmem>> -> memref<64x512xf32, #tpu.memory_space<vmem>>
          %dma_wait3A_97 = arith.constant 0 : i32
          %dma_wait3A_98 = tpu.memref_slice %arg4[%mul3A_2, %dma_wait3A_97] : memref<20480x512xf32, #tpu.memory_space<hbm>> -> memref<64x512xf32, #tpu.memory_space<hbm>>
          %dma_wait3A_99 = arith.constant 0 : i32
          %dma_wait3A_100 = tpu.memref_slice %arg4[%mul3A_2, %dma_wait3A_99] : memref<20480x512xf32, #tpu.memory_space<hbm>> -> memref<64x512xf32, #tpu.memory_space<hbm>>
          %dma_wait3A_101 = arith.constant 0 : i32
          %dma_wait3A_102 = arith.constant 0 : i32
          %dma_wait3A_103 = tpu.memref_slice %arg6[%rem3A_47, %dma_wait3A_101, %dma_wait3A_102] : memref<2x64x512xf32, #tpu.memory_space<vmem>> -> memref<1x64x512xf32, #tpu.memory_space<vmem>>
          %dma_wait3A_104 = tpu.memref_squeeze %dma_wait3A_103 : memref<1x64x512xf32, #tpu.memory_space<vmem>> -> memref<64x512xf32, #tpu.memory_space<vmem>>
          tpu.wait_dma2 semaphore(%arg8 : memref<!tpu.dma_semaphore, #tpu.memory_space<semaphore_mem>>) src(%dma_wait3A_104 : memref<64x512xf32, #tpu.memory_space<vmem>>) dst(%dma_wait3A_100 : memref<64x512xf32, #tpu.memory_space<hbm>>)
        } else {
        }
        %add3A_81 = arith.constant 1 : i32
        %add3A_82 = arith.addi %scan3A_42, %add3A_81 : i32
        %mul3A_83 = arith.constant 64 : i32
        %mul3A_84 = arith.muli %add3A_82, %mul3A_83 : i32
        %dma_start3A_85 = arith.constant 0 : i32
        %dma_start3A_86 = arith.constant 0 : i32
        %dma_start3A_87 = tpu.memref_slice %arg6[%rem3A_47, %dma_start3A_85, %dma_start3A_86] : memref<2x64x512xf32, #tpu.memory_space<vmem>> -> memref<1x64x512xf32, #tpu.memory_space<vmem>>
        %dma_start3A_88 = tpu.memref_squeeze %dma_start3A_87 : memref<1x64x512xf32, #tpu.memory_space<vmem>> -> memref<64x512xf32, #tpu.memory_space<vmem>>
        %dma_start3A_89 = tpu.memref_slice %arg5[%mul3A_84] : memref<640xi32, #tpu.memory_space<vmem>> -> memref<64xi32, #tpu.memory_space<vmem>>
        %dma_start3A_90 = arith.constant 0 : i32
        %dma_start3A_91 = arith.constant 0 : i32
        %dma_start3A_92 = tpu.memref_slice %arg2[%dma_start3A_90, %dma_start3A_91] : memref<10000x512xf32, #tpu.memory_space<hbm>> -> memref<10000x512xf32, #tpu.memory_space<hbm>>
        tpu.enqueue_indirect_dma source(%dma_start3A_92 : memref<10000x512xf32, #tpu.memory_space<hbm>>) target(%dma_start3A_88 : memref<64x512xf32, #tpu.memory_space<vmem>>) offsets(%dma_start3A_89 : memref<64xi32, #tpu.memory_space<vmem>>) semaphore(%arg7 : memref<!tpu.dma_semaphore, #tpu.memory_space<semaphore_mem>>)
      } else {
      }
      %mul3A_62 = arith.constant 64 : i32
      %mul3A_63 = arith.muli %scan3A_42, %mul3A_62 : i32
      %add3A_64 = arith.addi %mul3A_2, %mul3A_63 : i32
      %dma_start3A_65 = arith.constant 0 : i32
      %dma_start3A_66 = arith.constant 0 : i32
      %dma_start3A_67 = tpu.memref_slice %arg6[%rem3A_43, %dma_start3A_65, %dma_start3A_66] : memref<2x64x512xf32, #tpu.memory_space<vmem>> -> memref<1x64x512xf32, #tpu.memory_space<vmem>>
      %dma_start3A_68 = tpu.memref_squeeze %dma_start3A_67 : memref<1x64x512xf32, #tpu.memory_space<vmem>> -> memref<64x512xf32, #tpu.memory_space<vmem>>
      %dma_start3A_69 = arith.constant 0 : i32
      %dma_start3A_70 = tpu.memref_slice %arg4[%add3A_64, %dma_start3A_69] : memref<20480x512xf32, #tpu.memory_space<hbm>> -> memref<64x512xf32, #tpu.memory_space<hbm>>
      %dma_start3A_71 = arith.constant 0 : i32
      %dma_start3A_72 = tpu.memref_slice %arg4[%add3A_64, %dma_start3A_71] : memref<20480x512xf32, #tpu.memory_space<hbm>> -> memref<64x512xf32, #tpu.memory_space<hbm>>
      %dma_start3A_73 = arith.constant 0 : i32
      %dma_start3A_74 = arith.constant 0 : i32
      %dma_start3A_75 = tpu.memref_slice %arg6[%rem3A_43, %dma_start3A_73, %dma_start3A_74] : memref<2x64x512xf32, #tpu.memory_space<vmem>> -> memref<1x64x512xf32, #tpu.memory_space<vmem>>
      %dma_start3A_76 = tpu.memref_squeeze %dma_start3A_75 : memref<1x64x512xf32, #tpu.memory_space<vmem>> -> memref<64x512xf32, #tpu.memory_space<vmem>>
      tpu.enqueue_dma source(%dma_start3A_76 : memref<64x512xf32, #tpu.memory_space<vmem>>) target(%dma_start3A_72 : memref<64x512xf32, #tpu.memory_space<hbm>>) target_semaphore(%arg8 : memref<!tpu.dma_semaphore, #tpu.memory_space<semaphore_mem>>)
    }
    %scan3A_16 = arith.constant 10 : i32
    %dma_wait3A = arith.constant 0 : i32
    %dma_wait3A_17 = arith.constant 0 : i32
    %dma_wait3A_18 = arith.constant 0 : i32
    %dma_wait3A_19 = tpu.memref_slice %arg6[%dma_wait3A, %dma_wait3A_17, %dma_wait3A_18] : memref<2x64x512xf32, #tpu.memory_space<vmem>> -> memref<1x64x512xf32, #tpu.memory_space<vmem>>
    %dma_wait3A_20 = tpu.memref_squeeze %dma_wait3A_19 : memref<1x64x512xf32, #tpu.memory_space<vmem>> -> memref<64x512xf32, #tpu.memory_space<vmem>>
    %dma_wait3A_21 = arith.constant 0 : i32
    %dma_wait3A_22 = tpu.memref_slice %arg4[%mul3A_2, %dma_wait3A_21] : memref<20480x512xf32, #tpu.memory_space<hbm>> -> memref<64x512xf32, #tpu.memory_space<hbm>>
    %dma_wait3A_23 = arith.constant 0 : i32
    %dma_wait3A_24 = tpu.memref_slice %arg4[%mul3A_2, %dma_wait3A_23] : memref<20480x512xf32, #tpu.memory_space<hbm>> -> memref<64x512xf32, #tpu.memory_space<hbm>>
    %dma_wait3A_25 = arith.constant 0 : i32
    %dma_wait3A_26 = arith.constant 0 : i32
    %dma_wait3A_27 = tpu.memref_slice %arg6[%dma_wait3A, %dma_wait3A_25, %dma_wait3A_26] : memref<2x64x512xf32, #tpu.memory_space<vmem>> -> memref<1x64x512xf32, #tpu.memory_space<vmem>>
    %dma_wait3A_28 = tpu.memref_squeeze %dma_wait3A_27 : memref<1x64x512xf32, #tpu.memory_space<vmem>> -> memref<64x512xf32, #tpu.memory_space<vmem>>
    tpu.wait_dma2 semaphore(%arg8 : memref<!tpu.dma_semaphore, #tpu.memory_space<semaphore_mem>>) src(%dma_wait3A_28 : memref<64x512xf32, #tpu.memory_space<vmem>>) dst(%dma_wait3A_24 : memref<64x512xf32, #tpu.memory_space<hbm>>)
    %dma_wait3A_29 = arith.constant 0 : i32
    %dma_wait3A_30 = arith.constant 0 : i32
    %dma_wait3A_31 = arith.constant 0 : i32
    %dma_wait3A_32 = tpu.memref_slice %arg6[%dma_wait3A_29, %dma_wait3A_30, %dma_wait3A_31] : memref<2x64x512xf32, #tpu.memory_space<vmem>> -> memref<1x64x512xf32, #tpu.memory_space<vmem>>
    %dma_wait3A_33 = tpu.memref_squeeze %dma_wait3A_32 : memref<1x64x512xf32, #tpu.memory_space<vmem>> -> memref<64x512xf32, #tpu.memory_space<vmem>>
    %dma_wait3A_34 = arith.constant 0 : i32
    %dma_wait3A_35 = tpu.memref_slice %arg4[%mul3A_2, %dma_wait3A_34] : memref<20480x512xf32, #tpu.memory_space<hbm>> -> memref<64x512xf32, #tpu.memory_space<hbm>>
    %dma_wait3A_36 = arith.constant 0 : i32
    %dma_wait3A_37 = tpu.memref_slice %arg4[%mul3A_2, %dma_wait3A_36] : memref<20480x512xf32, #tpu.memory_space<hbm>> -> memref<64x512xf32, #tpu.memory_space<hbm>>
    %dma_wait3A_38 = arith.constant 0 : i32
    %dma_wait3A_39 = arith.constant 0 : i32
    %dma_wait3A_40 = tpu.memref_slice %arg6[%dma_wait3A_29, %dma_wait3A_38, %dma_wait3A_39] : memref<2x64x512xf32, #tpu.memory_space<vmem>> -> memref<1x64x512xf32, #tpu.memory_space<vmem>>
    %dma_wait3A_41 = tpu.memref_squeeze %dma_wait3A_40 : memref<1x64x512xf32, #tpu.memory_space<vmem>> -> memref<64x512xf32, #tpu.memory_space<vmem>>
    tpu.wait_dma2 semaphore(%arg8 : memref<!tpu.dma_semaphore, #tpu.memory_space<semaphore_mem>>) src(%dma_wait3A_41 : memref<64x512xf32, #tpu.memory_space<vmem>>) dst(%dma_wait3A_37 : memref<64x512xf32, #tpu.memory_space<hbm>>)
    return
  }
}

#map = affine_map<(d0, d1) -> (0, 0)>
#map1 = affine_map<(d0, d1) -> (0)>
module attributes {stable_mosaic.version = 14 : i64} {
  func.func @_gather_body(%arg0: i32, %arg1: i32, %arg2: memref<10000x512xf32, #tpu.memory_space<hbm>>, %arg3: memref<20480xi32, #tpu.memory_space<hbm>>, %arg4: memref<20480x512xf32, #tpu.memory_space<hbm>>, %arg5: memref<640xi32, #tpu.memory_space<vmem>>, %arg6: memref<2x64x512xf32, #tpu.memory_space<vmem>>, %arg7: memref<!tpu.dma_semaphore, #tpu.memory_space<semaphore_mem>>, %arg8: memref<!tpu.dma_semaphore, #tpu.memory_space<semaphore_mem>>) attributes {dimension_semantics = [#tpu.dimension_semantics<core_parallel>, #tpu.dimension_semantics<subcore_parallel>], iteration_bounds = array<i64: 2, 16>, scalar_prefetch = 0 : i64, scratch_operands = 4 : i64, tpu.core_type = #tpu.core_type<sc_vector_subcore>, window_params = [{transform_indices = #map}, {transform_indices = #map1}, {transform_indices = #map}]} {
    %mul3A = arith.constant 2 : i32
    %mul3A_0 = arith.muli %arg1, %mul3A : i32
    %add3A = arith.addi %mul3A_0, %arg0 : i32
    %mul3A_1 = arith.constant 640 : i32
    %mul3A_2 = arith.muli %add3A, %mul3A_1 : i32
    "tpu.region"() ({
      %run_scoped3A = tpu.sem_alloc : memref<!tpu.dma_semaphore, #tpu.memory_space<semaphore_mem>>
      %dma_start3A_42 = tpu.memref_slice %arg3[%mul3A_2] : memref<20480xi32, #tpu.memory_space<hbm>> -> memref<640xi32, #tpu.memory_space<hbm>>
      %dma_start3A_43 = tpu.memref_slice %arg3[%mul3A_2] : memref<20480xi32, #tpu.memory_space<hbm>> -> memref<640xi32, #tpu.memory_space<hbm>>
      tpu.enqueue_dma source(%dma_start3A_43 : memref<640xi32, #tpu.memory_space<hbm>>) target(%arg5 : memref<640xi32, #tpu.memory_space<vmem>>) target_semaphore(%run_scoped3A : memref<!tpu.dma_semaphore, #tpu.memory_space<semaphore_mem>>)
      %dma_wait3A_44 = tpu.memref_slice %arg3[%mul3A_2] : memref<20480xi32, #tpu.memory_space<hbm>> -> memref<640xi32, #tpu.memory_space<hbm>>
      %dma_wait3A_45 = tpu.memref_slice %arg3[%mul3A_2] : memref<20480xi32, #tpu.memory_space<hbm>> -> memref<640xi32, #tpu.memory_space<hbm>>
      tpu.wait_dma2 semaphore(%run_scoped3A : memref<!tpu.dma_semaphore, #tpu.memory_space<semaphore_mem>>) src(%dma_wait3A_45 : memref<640xi32, #tpu.memory_space<hbm>>) dst(%arg5 : memref<640xi32, #tpu.memory_space<vmem>>)
      tpu.yield
    }) : () -> ()
    %dma_start3A = arith.constant 0 : i32
    %dma_start3A_3 = arith.constant 0 : i32
    %dma_start3A_4 = arith.constant 0 : i32
    %dma_start3A_5 = tpu.memref_slice %arg6[%dma_start3A, %dma_start3A_3, %dma_start3A_4] : memref<2x64x512xf32, #tpu.memory_space<vmem>> -> memref<1x64x512xf32, #tpu.memory_space<vmem>>
    %dma_start3A_6 = tpu.memref_squeeze %dma_start3A_5 : memref<1x64x512xf32, #tpu.memory_space<vmem>> -> memref<64x512xf32, #tpu.memory_space<vmem>>
    %dma_start3A_7 = arith.constant 0 : i32
    %dma_start3A_8 = tpu.memref_slice %arg5[%dma_start3A_7] : memref<640xi32, #tpu.memory_space<vmem>> -> memref<64xi32, #tpu.memory_space<vmem>>
    %dma_start3A_9 = arith.constant 0 : i32
    %dma_start3A_10 = arith.constant 0 : i32
    %dma_start3A_11 = tpu.memref_slice %arg2[%dma_start3A_9, %dma_start3A_10] : memref<10000x512xf32, #tpu.memory_space<hbm>> -> memref<10000x512xf32, #tpu.memory_space<hbm>>
    tpu.enqueue_indirect_dma source(%dma_start3A_11 : memref<10000x512xf32, #tpu.memory_space<hbm>>) target(%dma_start3A_6 : memref<64x512xf32, #tpu.memory_space<vmem>>) offsets(%dma_start3A_8 : memref<64xi32, #tpu.memory_space<vmem>>) semaphore(%arg7 : memref<!tpu.dma_semaphore, #tpu.memory_space<semaphore_mem>>)
    %scan3A = arith.constant 0 : i32
    %scan3A_12 = arith.constant 0 : i32
    %scan3A_13 = arith.constant 10 : i32
    %scan3A_14 = arith.addi %scan3A_12, %scan3A_13 : i32
    %scan3A_15 = arith.constant 1 : i32
    scf.for %scan3A_42 = %scan3A_12 to %scan3A_14 step %scan3A_15  : i32 {
      %rem3A = arith.constant 2 : i32
      %rem3A_43 = arith.remsi %scan3A_42, %rem3A : i32
      %add3A_44 = arith.constant 1 : i32
      %add3A_45 = arith.addi %scan3A_42, %add3A_44 : i32
      %rem3A_46 = arith.constant 2 : i32
      %rem3A_47 = arith.remsi %add3A_45, %rem3A_46 : i32
      %mul3A_48 = arith.constant 64 : i32
      %mul3A_49 = arith.muli %scan3A_42, %mul3A_48 : i32
      %dma_wait3A_50 = arith.constant 0 : i32
      %dma_wait3A_51 = arith.constant 0 : i32
      %dma_wait3A_52 = tpu.memref_slice %arg6[%rem3A_43, %dma_wait3A_50, %dma_wait3A_51] : memref<2x64x512xf32, #tpu.memory_space<vmem>> -> memref<1x64x512xf32, #tpu.memory_space<vmem>>
      %dma_wait3A_53 = tpu.memref_squeeze %dma_wait3A_52 : memref<1x64x512xf32, #tpu.memory_space<vmem>> -> memref<64x512xf32, #tpu.memory_space<vmem>>
      %dma_wait3A_54 = tpu.memref_slice %arg5[%mul3A_49] : memref<640xi32, #tpu.memory_space<vmem>> -> memref<64xi32, #tpu.memory_space<vmem>>
      %dma_wait3A_55 = arith.constant 0 : i32
      %dma_wait3A_56 = arith.constant 0 : i32
      %dma_wait3A_57 = tpu.memref_slice %arg2[%dma_wait3A_55, %dma_wait3A_56] : memref<10000x512xf32, #tpu.memory_space<hbm>> -> memref<10000x512xf32, #tpu.memory_space<hbm>>
      tpu.wait_indirect_dma semaphore(%arg7 : memref<!tpu.dma_semaphore, #tpu.memory_space<semaphore_mem>>) src(%dma_wait3A_57 : memref<10000x512xf32, #tpu.memory_space<hbm>>) dst(%dma_wait3A_53 : memref<64x512xf32, #tpu.memory_space<vmem>>)
      %add3A_58 = arith.constant 1 : i32
      %add3A_59 = arith.addi %scan3A_42, %add3A_58 : i32
      %lt3A = arith.constant 10 : i32
      %lt3A_60 = arith.cmpi slt, %add3A_59, %lt3A : i32
      %convert_element_type3A = arith.extui %lt3A_60 : i1 to i32
      %cond3A = arith.constant 0 : i32
      %cond3A_61 = arith.cmpi ne, %convert_element_type3A, %cond3A : i32
      scf.if %cond3A_61 {
        %ge3A = arith.constant 1 : i32
        %ge3A_77 = arith.cmpi sge, %scan3A_42, %ge3A : i32
        %convert_element_type3A_78 = arith.extui %ge3A_77 : i1 to i32
        %cond3A_79 = arith.constant 0 : i32
        %cond3A_80 = arith.cmpi ne, %convert_element_type3A_78, %cond3A_79 : i32
        scf.if %cond3A_80 {
          %dma_wait3A_93 = arith.constant 0 : i32
          %dma_wait3A_94 = arith.constant 0 : i32
          %dma_wait3A_95 = tpu.memref_slice %arg6[%rem3A_47, %dma_wait3A_93, %dma_wait3A_94] : memref<2x64x512xf32, #tpu.memory_space<vmem>> -> memref<1x64x512xf32, #tpu.memory_space<vmem>>
          %dma_wait3A_96 = tpu.memref_squeeze %dma_wait3A_95 : memref<1x64x512xf32, #tpu.memory_space<vmem>> -> memref<64x512xf32, #tpu.memory_space<vmem>>
          %dma_wait3A_97 = arith.constant 0 : i32
          %dma_wait3A_98 = tpu.memref_slice %arg4[%mul3A_2, %dma_wait3A_97] : memref<20480x512xf32, #tpu.memory_space<hbm>> -> memref<64x512xf32, #tpu.memory_space<hbm>>
          %dma_wait3A_99 = arith.constant 0 : i32
          %dma_wait3A_100 = tpu.memref_slice %arg4[%mul3A_2, %dma_wait3A_99] : memref<20480x512xf32, #tpu.memory_space<hbm>> -> memref<64x512xf32, #tpu.memory_space<hbm>>
          %dma_wait3A_101 = arith.constant 0 : i32
          %dma_wait3A_102 = arith.constant 0 : i32
          %dma_wait3A_103 = tpu.memref_slice %arg6[%rem3A_47, %dma_wait3A_101, %dma_wait3A_102] : memref<2x64x512xf32, #tpu.memory_space<vmem>> -> memref<1x64x512xf32, #tpu.memory_space<vmem>>
          %dma_wait3A_104 = tpu.memref_squeeze %dma_wait3A_103 : memref<1x64x512xf32, #tpu.memory_space<vmem>> -> memref<64x512xf32, #tpu.memory_space<vmem>>
          tpu.wait_dma2 semaphore(%arg8 : memref<!tpu.dma_semaphore, #tpu.memory_space<semaphore_mem>>) src(%dma_wait3A_104 : memref<64x512xf32, #tpu.memory_space<vmem>>) dst(%dma_wait3A_100 : memref<64x512xf32, #tpu.memory_space<hbm>>)
        } else {
        }
        %add3A_81 = arith.constant 1 : i32
        %add3A_82 = arith.addi %scan3A_42, %add3A_81 : i32
        %mul3A_83 = arith.constant 64 : i32
        %mul3A_84 = arith.muli %add3A_82, %mul3A_83 : i32
        %dma_start3A_85 = arith.constant 0 : i32
        %dma_start3A_86 = arith.constant 0 : i32
        %dma_start3A_87 = tpu.memref_slice %arg6[%rem3A_47, %dma_start3A_85, %dma_start3A_86] : memref<2x64x512xf32, #tpu.memory_space<vmem>> -> memref<1x64x512xf32, #tpu.memory_space<vmem>>
        %dma_start3A_88 = tpu.memref_squeeze %dma_start3A_87 : memref<1x64x512xf32, #tpu.memory_space<vmem>> -> memref<64x512xf32, #tpu.memory_space<vmem>>
        %dma_start3A_89 = tpu.memref_slice %arg5[%mul3A_84] : memref<640xi32, #tpu.memory_space<vmem>> -> memref<64xi32, #tpu.memory_space<vmem>>
        %dma_start3A_90 = arith.constant 0 : i32
        %dma_start3A_91 = arith.constant 0 : i32
        %dma_start3A_92 = tpu.memref_slice %arg2[%dma_start3A_90, %dma_start3A_91] : memref<10000x512xf32, #tpu.memory_space<hbm>> -> memref<10000x512xf32, #tpu.memory_space<hbm>>
        tpu.enqueue_indirect_dma source(%dma_start3A_92 : memref<10000x512xf32, #tpu.memory_space<hbm>>) target(%dma_start3A_88 : memref<64x512xf32, #tpu.memory_space<vmem>>) offsets(%dma_start3A_89 : memref<64xi32, #tpu.memory_space<vmem>>) semaphore(%arg7 : memref<!tpu.dma_semaphore, #tpu.memory_space<semaphore_mem>>)
      } else {
      }
      %mul3A_62 = arith.constant 64 : i32
      %mul3A_63 = arith.muli %scan3A_42, %mul3A_62 : i32
      %add3A_64 = arith.addi %mul3A_2, %mul3A_63 : i32
      %dma_start3A_65 = arith.constant 0 : i32
      %dma_start3A_66 = arith.constant 0 : i32
      %dma_start3A_67 = tpu.memref_slice %arg6[%rem3A_43, %dma_start3A_65, %dma_start3A_66] : memref<2x64x512xf32, #tpu.memory_space<vmem>> -> memref<1x64x512xf32, #tpu.memory_space<vmem>>
      %dma_start3A_68 = tpu.memref_squeeze %dma_start3A_67 : memref<1x64x512xf32, #tpu.memory_space<vmem>> -> memref<64x512xf32, #tpu.memory_space<vmem>>
      %dma_start3A_69 = arith.constant 0 : i32
      %dma_start3A_70 = tpu.memref_slice %arg4[%add3A_64, %dma_start3A_69] : memref<20480x512xf32, #tpu.memory_space<hbm>> -> memref<64x512xf32, #tpu.memory_space<hbm>>
      %dma_start3A_71 = arith.constant 0 : i32
      %dma_start3A_72 = tpu.memref_slice %arg4[%add3A_64, %dma_start3A_71] : memref<20480x512xf32, #tpu.memory_space<hbm>> -> memref<64x512xf32, #tpu.memory_space<hbm>>
      %dma_start3A_73 = arith.constant 0 : i32
      %dma_start3A_74 = arith.constant 0 : i32
      %dma_start3A_75 = tpu.memref_slice %arg6[%rem3A_43, %dma_start3A_73, %dma_start3A_74] : memref<2x64x512xf32, #tpu.memory_space<vmem>> -> memref<1x64x512xf32, #tpu.memory_space<vmem>>
      %dma_start3A_76 = tpu.memref_squeeze %dma_start3A_75 : memref<1x64x512xf32, #tpu.memory_space<vmem>> -> memref<64x512xf32, #tpu.memory_space<vmem>>
      tpu.enqueue_dma source(%dma_start3A_76 : memref<64x512xf32, #tpu.memory_space<vmem>>) target(%dma_start3A_72 : memref<64x512xf32, #tpu.memory_space<hbm>>) target_semaphore(%arg8 : memref<!tpu.dma_semaphore, #tpu.memory_space<semaphore_mem>>)
    }
    %scan3A_16 = arith.constant 10 : i32
    %dma_wait3A = arith.constant 0 : i32
    %dma_wait3A_17 = arith.constant 0 : i32
    %dma_wait3A_18 = arith.constant 0 : i32
    %dma_wait3A_19 = tpu.memref_slice %arg6[%dma_wait3A, %dma_wait3A_17, %dma_wait3A_18] : memref<2x64x512xf32, #tpu.memory_space<vmem>> -> memref<1x64x512xf32, #tpu.memory_space<vmem>>
    %dma_wait3A_20 = tpu.memref_squeeze %dma_wait3A_19 : memref<1x64x512xf32, #tpu.memory_space<vmem>> -> memref<64x512xf32, #tpu.memory_space<vmem>>
    %dma_wait3A_21 = arith.constant 0 : i32
    %dma_wait3A_22 = tpu.memref_slice %arg4[%mul3A_2, %dma_wait3A_21] : memref<20480x512xf32, #tpu.memory_space<hbm>> -> memref<64x512xf32, #tpu.memory_space<hbm>>
    %dma_wait3A_23 = arith.constant 0 : i32
    %dma_wait3A_24 = tpu.memref_slice %arg4[%mul3A_2, %dma_wait3A_23] : memref<20480x512xf32, #tpu.memory_space<hbm>> -> memref<64x512xf32, #tpu.memory_space<hbm>>
    %dma_wait3A_25 = arith.constant 0 : i32
    %dma_wait3A_26 = arith.constant 0 : i32
    %dma_wait3A_27 = tpu.memref_slice %arg6[%dma_wait3A, %dma_wait3A_25, %dma_wait3A_26] : memref<2x64x512xf32, #tpu.memory_space<vmem>> -> memref<1x64x512xf32, #tpu.memory_space<vmem>>
    %dma_wait3A_28 = tpu.memref_squeeze %dma_wait3A_27 : memref<1x64x512xf32, #tpu.memory_space<vmem>> -> memref<64x512xf32, #tpu.memory_space<vmem>>
    tpu.wait_dma2 semaphore(%arg8 : memref<!tpu.dma_semaphore, #tpu.memory_space<semaphore_mem>>) src(%dma_wait3A_28 : memref<64x512xf32, #tpu.memory_space<vmem>>) dst(%dma_wait3A_24 : memref<64x512xf32, #tpu.memory_space<hbm>>)
    %dma_wait3A_29 = arith.constant 0 : i32
    %dma_wait3A_30 = arith.constant 0 : i32
    %dma_wait3A_31 = arith.constant 0 : i32
    %dma_wait3A_32 = tpu.memref_slice %arg6[%dma_wait3A_29, %dma_wait3A_30, %dma_wait3A_31] : memref<2x64x512xf32, #tpu.memory_space<vmem>> -> memref<1x64x512xf32, #tpu.memory_space<vmem>>
    %dma_wait3A_33 = tpu.memref_squeeze %dma_wait3A_32 : memref<1x64x512xf32, #tpu.memory_space<vmem>> -> memref<64x512xf32, #tpu.memory_space<vmem>>
    %dma_wait3A_34 = arith.constant 0 : i32
    %dma_wait3A_35 = tpu.memref_slice %arg4[%mul3A_2, %dma_wait3A_34] : memref<20480x512xf32, #tpu.memory_space<hbm>> -> memref<64x512xf32, #tpu.memory_space<hbm>>
    %dma_wait3A_36 = arith.constant 0 : i32
    %dma_wait3A_37 = tpu.memref_slice %arg4[%mul3A_2, %dma_wait3A_36] : memref<20480x512xf32, #tpu.memory_space<hbm>> -> memref<64x512xf32, #tpu.memory_space<hbm>>
    %dma_wait3A_38 = arith.constant 0 : i32
    %dma_wait3A_39 = arith.constant 0 : i32
    %dma_wait3A_40 = tpu.memref_slice %arg6[%dma_wait3A_29, %dma_wait3A_38, %dma_wait3A_39] : memref<2x64x512xf32, #tpu.memory_space<vmem>> -> memref<1x64x512xf32, #tpu.memory_space<vmem>>
    %dma_wait3A_41 = tpu.memref_squeeze %dma_wait3A_40 : memref<1x64x512xf32, #tpu.memory_space<vmem>> -> memref<64x512xf32, #tpu.memory_space<vmem>>
    tpu.wait_dma2 semaphore(%arg8 : memref<!tpu.dma_semaphore, #tpu.memory_space<semaphore_mem>>) src(%dma_wait3A_41 : memref<64x512xf32, #tpu.memory_space<vmem>>) dst(%dma_wait3A_37 : memref<64x512xf32, #tpu.memory_space<hbm>>)
    return
  }
}

#map = affine_map<(d0, d1) -> (0, 0)>
#map1 = affine_map<(d0, d1) -> (0)>
module attributes {stable_mosaic.version = 14 : i64} {
  func.func @_gather_body(%arg0: i32, %arg1: i32, %arg2: memref<10000x512xf32, #tpu.memory_space<hbm>>, %arg3: memref<20480xi32, #tpu.memory_space<hbm>>, %arg4: memref<20480x512xf32, #tpu.memory_space<hbm>>, %arg5: memref<640xi32, #tpu.memory_space<vmem>>, %arg6: memref<2x64x512xf32, #tpu.memory_space<vmem>>, %arg7: memref<!tpu.dma_semaphore, #tpu.memory_space<semaphore_mem>>, %arg8: memref<!tpu.dma_semaphore, #tpu.memory_space<semaphore_mem>>) attributes {dimension_semantics = [#tpu.dimension_semantics<core_parallel>, #tpu.dimension_semantics<subcore_parallel>], iteration_bounds = array<i64: 2, 16>, scalar_prefetch = 0 : i64, scratch_operands = 4 : i64, tpu.core_type = #tpu.core_type<sc_vector_subcore>, window_params = [{transform_indices = #map}, {transform_indices = #map1}, {transform_indices = #map}]} {
    %mul3A = arith.constant 2 : i32
    %mul3A_0 = arith.muli %arg1, %mul3A : i32
    %add3A = arith.addi %mul3A_0, %arg0 : i32
    %mul3A_1 = arith.constant 640 : i32
    %mul3A_2 = arith.muli %add3A, %mul3A_1 : i32
    "tpu.region"() ({
      %run_scoped3A = tpu.sem_alloc : memref<!tpu.dma_semaphore, #tpu.memory_space<semaphore_mem>>
      %dma_start3A_42 = tpu.memref_slice %arg3[%mul3A_2] : memref<20480xi32, #tpu.memory_space<hbm>> -> memref<640xi32, #tpu.memory_space<hbm>>
      %dma_start3A_43 = tpu.memref_slice %arg3[%mul3A_2] : memref<20480xi32, #tpu.memory_space<hbm>> -> memref<640xi32, #tpu.memory_space<hbm>>
      tpu.enqueue_dma source(%dma_start3A_43 : memref<640xi32, #tpu.memory_space<hbm>>) target(%arg5 : memref<640xi32, #tpu.memory_space<vmem>>) target_semaphore(%run_scoped3A : memref<!tpu.dma_semaphore, #tpu.memory_space<semaphore_mem>>)
      %dma_wait3A_44 = tpu.memref_slice %arg3[%mul3A_2] : memref<20480xi32, #tpu.memory_space<hbm>> -> memref<640xi32, #tpu.memory_space<hbm>>
      %dma_wait3A_45 = tpu.memref_slice %arg3[%mul3A_2] : memref<20480xi32, #tpu.memory_space<hbm>> -> memref<640xi32, #tpu.memory_space<hbm>>
      tpu.wait_dma2 semaphore(%run_scoped3A : memref<!tpu.dma_semaphore, #tpu.memory_space<semaphore_mem>>) src(%dma_wait3A_45 : memref<640xi32, #tpu.memory_space<hbm>>) dst(%arg5 : memref<640xi32, #tpu.memory_space<vmem>>)
      tpu.yield
    }) : () -> ()
    %dma_start3A = arith.constant 0 : i32
    %dma_start3A_3 = arith.constant 0 : i32
    %dma_start3A_4 = arith.constant 0 : i32
    %dma_start3A_5 = tpu.memref_slice %arg6[%dma_start3A, %dma_start3A_3, %dma_start3A_4] : memref<2x64x512xf32, #tpu.memory_space<vmem>> -> memref<1x64x512xf32, #tpu.memory_space<vmem>>
    %dma_start3A_6 = tpu.memref_squeeze %dma_start3A_5 : memref<1x64x512xf32, #tpu.memory_space<vmem>> -> memref<64x512xf32, #tpu.memory_space<vmem>>
    %dma_start3A_7 = arith.constant 0 : i32
    %dma_start3A_8 = tpu.memref_slice %arg5[%dma_start3A_7] : memref<640xi32, #tpu.memory_space<vmem>> -> memref<64xi32, #tpu.memory_space<vmem>>
    %dma_start3A_9 = arith.constant 0 : i32
    %dma_start3A_10 = arith.constant 0 : i32
    %dma_start3A_11 = tpu.memref_slice %arg2[%dma_start3A_9, %dma_start3A_10] : memref<10000x512xf32, #tpu.memory_space<hbm>> -> memref<10000x512xf32, #tpu.memory_space<hbm>>
    tpu.enqueue_indirect_dma source(%dma_start3A_11 : memref<10000x512xf32, #tpu.memory_space<hbm>>) target(%dma_start3A_6 : memref<64x512xf32, #tpu.memory_space<vmem>>) offsets(%dma_start3A_8 : memref<64xi32, #tpu.memory_space<vmem>>) semaphore(%arg7 : memref<!tpu.dma_semaphore, #tpu.memory_space<semaphore_mem>>)
    %scan3A = arith.constant 0 : i32
    %scan3A_12 = arith.constant 0 : i32
    %scan3A_13 = arith.constant 10 : i32
    %scan3A_14 = arith.addi %scan3A_12, %scan3A_13 : i32
    %scan3A_15 = arith.constant 1 : i32
    scf.for %scan3A_42 = %scan3A_12 to %scan3A_14 step %scan3A_15  : i32 {
      %rem3A = arith.constant 2 : i32
      %rem3A_43 = arith.remsi %scan3A_42, %rem3A : i32
      %add3A_44 = arith.constant 1 : i32
      %add3A_45 = arith.addi %scan3A_42, %add3A_44 : i32
      %rem3A_46 = arith.constant 2 : i32
      %rem3A_47 = arith.remsi %add3A_45, %rem3A_46 : i32
      %mul3A_48 = arith.constant 64 : i32
      %mul3A_49 = arith.muli %scan3A_42, %mul3A_48 : i32
      %dma_wait3A_50 = arith.constant 0 : i32
      %dma_wait3A_51 = arith.constant 0 : i32
      %dma_wait3A_52 = tpu.memref_slice %arg6[%rem3A_43, %dma_wait3A_50, %dma_wait3A_51] : memref<2x64x512xf32, #tpu.memory_space<vmem>> -> memref<1x64x512xf32, #tpu.memory_space<vmem>>
      %dma_wait3A_53 = tpu.memref_squeeze %dma_wait3A_52 : memref<1x64x512xf32, #tpu.memory_space<vmem>> -> memref<64x512xf32, #tpu.memory_space<vmem>>
      %dma_wait3A_54 = tpu.memref_slice %arg5[%mul3A_49] : memref<640xi32, #tpu.memory_space<vmem>> -> memref<64xi32, #tpu.memory_space<vmem>>
      %dma_wait3A_55 = arith.constant 0 : i32
      %dma_wait3A_56 = arith.constant 0 : i32
      %dma_wait3A_57 = tpu.memref_slice %arg2[%dma_wait3A_55, %dma_wait3A_56] : memref<10000x512xf32, #tpu.memory_space<hbm>> -> memref<10000x512xf32, #tpu.memory_space<hbm>>
      tpu.wait_indirect_dma semaphore(%arg7 : memref<!tpu.dma_semaphore, #tpu.memory_space<semaphore_mem>>) src(%dma_wait3A_57 : memref<10000x512xf32, #tpu.memory_space<hbm>>) dst(%dma_wait3A_53 : memref<64x512xf32, #tpu.memory_space<vmem>>)
      %add3A_58 = arith.constant 1 : i32
      %add3A_59 = arith.addi %scan3A_42, %add3A_58 : i32
      %lt3A = arith.constant 10 : i32
      %lt3A_60 = arith.cmpi slt, %add3A_59, %lt3A : i32
      %convert_element_type3A = arith.extui %lt3A_60 : i1 to i32
      %cond3A = arith.constant 0 : i32
      %cond3A_61 = arith.cmpi ne, %convert_element_type3A, %cond3A : i32
      scf.if %cond3A_61 {
        %ge3A = arith.constant 1 : i32
        %ge3A_77 = arith.cmpi sge, %scan3A_42, %ge3A : i32
        %convert_element_type3A_78 = arith.extui %ge3A_77 : i1 to i32
        %cond3A_79 = arith.constant 0 : i32
        %cond3A_80 = arith.cmpi ne, %convert_element_type3A_78, %cond3A_79 : i32
        scf.if %cond3A_80 {
          %dma_wait3A_93 = arith.constant 0 : i32
          %dma_wait3A_94 = arith.constant 0 : i32
          %dma_wait3A_95 = tpu.memref_slice %arg6[%rem3A_47, %dma_wait3A_93, %dma_wait3A_94] : memref<2x64x512xf32, #tpu.memory_space<vmem>> -> memref<1x64x512xf32, #tpu.memory_space<vmem>>
          %dma_wait3A_96 = tpu.memref_squeeze %dma_wait3A_95 : memref<1x64x512xf32, #tpu.memory_space<vmem>> -> memref<64x512xf32, #tpu.memory_space<vmem>>
          %dma_wait3A_97 = arith.constant 0 : i32
          %dma_wait3A_98 = tpu.memref_slice %arg4[%mul3A_2, %dma_wait3A_97] : memref<20480x512xf32, #tpu.memory_space<hbm>> -> memref<64x512xf32, #tpu.memory_space<hbm>>
          %dma_wait3A_99 = arith.constant 0 : i32
          %dma_wait3A_100 = tpu.memref_slice %arg4[%mul3A_2, %dma_wait3A_99] : memref<20480x512xf32, #tpu.memory_space<hbm>> -> memref<64x512xf32, #tpu.memory_space<hbm>>
          %dma_wait3A_101 = arith.constant 0 : i32
          %dma_wait3A_102 = arith.constant 0 : i32
          %dma_wait3A_103 = tpu.memref_slice %arg6[%rem3A_47, %dma_wait3A_101, %dma_wait3A_102] : memref<2x64x512xf32, #tpu.memory_space<vmem>> -> memref<1x64x512xf32, #tpu.memory_space<vmem>>
          %dma_wait3A_104 = tpu.memref_squeeze %dma_wait3A_103 : memref<1x64x512xf32, #tpu.memory_space<vmem>> -> memref<64x512xf32, #tpu.memory_space<vmem>>
          tpu.wait_dma2 semaphore(%arg8 : memref<!tpu.dma_semaphore, #tpu.memory_space<semaphore_mem>>) src(%dma_wait3A_104 : memref<64x512xf32, #tpu.memory_space<vmem>>) dst(%dma_wait3A_100 : memref<64x512xf32, #tpu.memory_space<hbm>>)
        } else {
        }
        %add3A_81 = arith.constant 1 : i32
        %add3A_82 = arith.addi %scan3A_42, %add3A_81 : i32
        %mul3A_83 = arith.constant 64 : i32
        %mul3A_84 = arith.muli %add3A_82, %mul3A_83 : i32
        %dma_start3A_85 = arith.constant 0 : i32
        %dma_start3A_86 = arith.constant 0 : i32
        %dma_start3A_87 = tpu.memref_slice %arg6[%rem3A_47, %dma_start3A_85, %dma_start3A_86] : memref<2x64x512xf32, #tpu.memory_space<vmem>> -> memref<1x64x512xf32, #tpu.memory_space<vmem>>
        %dma_start3A_88 = tpu.memref_squeeze %dma_start3A_87 : memref<1x64x512xf32, #tpu.memory_space<vmem>> -> memref<64x512xf32, #tpu.memory_space<vmem>>
        %dma_start3A_89 = tpu.memref_slice %arg5[%mul3A_84] : memref<640xi32, #tpu.memory_space<vmem>> -> memref<64xi32, #tpu.memory_space<vmem>>
        %dma_start3A_90 = arith.constant 0 : i32
        %dma_start3A_91 = arith.constant 0 : i32
        %dma_start3A_92 = tpu.memref_slice %arg2[%dma_start3A_90, %dma_start3A_91] : memref<10000x512xf32, #tpu.memory_space<hbm>> -> memref<10000x512xf32, #tpu.memory_space<hbm>>
        tpu.enqueue_indirect_dma source(%dma_start3A_92 : memref<10000x512xf32, #tpu.memory_space<hbm>>) target(%dma_start3A_88 : memref<64x512xf32, #tpu.memory_space<vmem>>) offsets(%dma_start3A_89 : memref<64xi32, #tpu.memory_space<vmem>>) semaphore(%arg7 : memref<!tpu.dma_semaphore, #tpu.memory_space<semaphore_mem>>)
      } else {
      }
      %mul3A_62 = arith.constant 64 : i32
      %mul3A_63 = arith.muli %scan3A_42, %mul3A_62 : i32
      %add3A_64 = arith.addi %mul3A_2, %mul3A_63 : i32
      %dma_start3A_65 = arith.constant 0 : i32
      %dma_start3A_66 = arith.constant 0 : i32
      %dma_start3A_67 = tpu.memref_slice %arg6[%rem3A_43, %dma_start3A_65, %dma_start3A_66] : memref<2x64x512xf32, #tpu.memory_space<vmem>> -> memref<1x64x512xf32, #tpu.memory_space<vmem>>
      %dma_start3A_68 = tpu.memref_squeeze %dma_start3A_67 : memref<1x64x512xf32, #tpu.memory_space<vmem>> -> memref<64x512xf32, #tpu.memory_space<vmem>>
      %dma_start3A_69 = arith.constant 0 : i32
      %dma_start3A_70 = tpu.memref_slice %arg4[%add3A_64, %dma_start3A_69] : memref<20480x512xf32, #tpu.memory_space<hbm>> -> memref<64x512xf32, #tpu.memory_space<hbm>>
      %dma_start3A_71 = arith.constant 0 : i32
      %dma_start3A_72 = tpu.memref_slice %arg4[%add3A_64, %dma_start3A_71] : memref<20480x512xf32, #tpu.memory_space<hbm>> -> memref<64x512xf32, #tpu.memory_space<hbm>>
      %dma_start3A_73 = arith.constant 0 : i32
      %dma_start3A_74 = arith.constant 0 : i32
      %dma_start3A_75 = tpu.memref_slice %arg6[%rem3A_43, %dma_start3A_73, %dma_start3A_74] : memref<2x64x512xf32, #tpu.memory_space<vmem>> -> memref<1x64x512xf32, #tpu.memory_space<vmem>>
      %dma_start3A_76 = tpu.memref_squeeze %dma_start3A_75 : memref<1x64x512xf32, #tpu.memory_space<vmem>> -> memref<64x512xf32, #tpu.memory_space<vmem>>
      tpu.enqueue_dma source(%dma_start3A_76 : memref<64x512xf32, #tpu.memory_space<vmem>>) target(%dma_start3A_72 : memref<64x512xf32, #tpu.memory_space<hbm>>) target_semaphore(%arg8 : memref<!tpu.dma_semaphore, #tpu.memory_space<semaphore_mem>>)
    }
    %scan3A_16 = arith.constant 10 : i32
    %dma_wait3A = arith.constant 0 : i32
    %dma_wait3A_17 = arith.constant 0 : i32
    %dma_wait3A_18 = arith.constant 0 : i32
    %dma_wait3A_19 = tpu.memref_slice %arg6[%dma_wait3A, %dma_wait3A_17, %dma_wait3A_18] : memref<2x64x512xf32, #tpu.memory_space<vmem>> -> memref<1x64x512xf32, #tpu.memory_space<vmem>>
    %dma_wait3A_20 = tpu.memref_squeeze %dma_wait3A_19 : memref<1x64x512xf32, #tpu.memory_space<vmem>> -> memref<64x512xf32, #tpu.memory_space<vmem>>
    %dma_wait3A_21 = arith.constant 0 : i32
    %dma_wait3A_22 = tpu.memref_slice %arg4[%mul3A_2, %dma_wait3A_21] : memref<20480x512xf32, #tpu.memory_space<hbm>> -> memref<64x512xf32, #tpu.memory_space<hbm>>
    %dma_wait3A_23 = arith.constant 0 : i32
    %dma_wait3A_24 = tpu.memref_slice %arg4[%mul3A_2, %dma_wait3A_23] : memref<20480x512xf32, #tpu.memory_space<hbm>> -> memref<64x512xf32, #tpu.memory_space<hbm>>
    %dma_wait3A_25 = arith.constant 0 : i32
    %dma_wait3A_26 = arith.constant 0 : i32
    %dma_wait3A_27 = tpu.memref_slice %arg6[%dma_wait3A, %dma_wait3A_25, %dma_wait3A_26] : memref<2x64x512xf32, #tpu.memory_space<vmem>> -> memref<1x64x512xf32, #tpu.memory_space<vmem>>
    %dma_wait3A_28 = tpu.memref_squeeze %dma_wait3A_27 : memref<1x64x512xf32, #tpu.memory_space<vmem>> -> memref<64x512xf32, #tpu.memory_space<vmem>>
    tpu.wait_dma2 semaphore(%arg8 : memref<!tpu.dma_semaphore, #tpu.memory_space<semaphore_mem>>) src(%dma_wait3A_28 : memref<64x512xf32, #tpu.memory_space<vmem>>) dst(%dma_wait3A_24 : memref<64x512xf32, #tpu.memory_space<hbm>>)
    %dma_wait3A_29 = arith.constant 0 : i32
    %dma_wait3A_30 = arith.constant 0 : i32
    %dma_wait3A_31 = arith.constant 0 : i32
    %dma_wait3A_32 = tpu.memref_slice %arg6[%dma_wait3A_29, %dma_wait3A_30, %dma_wait3A_31] : memref<2x64x512xf32, #tpu.memory_space<vmem>> -> memref<1x64x512xf32, #tpu.memory_space<vmem>>
    %dma_wait3A_33 = tpu.memref_squeeze %dma_wait3A_32 : memref<1x64x512xf32, #tpu.memory_space<vmem>> -> memref<64x512xf32, #tpu.memory_space<vmem>>
    %dma_wait3A_34 = arith.constant 0 : i32
    %dma_wait3A_35 = tpu.memref_slice %arg4[%mul3A_2, %dma_wait3A_34] : memref<20480x512xf32, #tpu.memory_space<hbm>> -> memref<64x512xf32, #tpu.memory_space<hbm>>
    %dma_wait3A_36 = arith.constant 0 : i32
    %dma_wait3A_37 = tpu.memref_slice %arg4[%mul3A_2, %dma_wait3A_36] : memref<20480x512xf32, #tpu.memory_space<hbm>> -> memref<64x512xf32, #tpu.memory_space<hbm>>
    %dma_wait3A_38 = arith.constant 0 : i32
    %dma_wait3A_39 = arith.constant 0 : i32
    %dma_wait3A_40 = tpu.memref_slice %arg6[%dma_wait3A_29, %dma_wait3A_38, %dma_wait3A_39] : memref<2x64x512xf32, #tpu.memory_space<vmem>> -> memref<1x64x512xf32, #tpu.memory_space<vmem>>
    %dma_wait3A_41 = tpu.memref_squeeze %dma_wait3A_40 : memref<1x64x512xf32, #tpu.memory_space<vmem>> -> memref<64x512xf32, #tpu.memory_space<vmem>>
    tpu.wait_dma2 semaphore(%arg8 : memref<!tpu.dma_semaphore, #tpu.memory_space<semaphore_mem>>) src(%dma_wait3A_41 : memref<64x512xf32, #tpu.memory_space<vmem>>) dst(%dma_wait3A_37 : memref<64x512xf32, #tpu.memory_space<hbm>>)
    return
  }
}

#map = affine_map<(d0, d1) -> (0, 0)>
#map1 = affine_map<(d0, d1) -> (0)>
module attributes {stable_mosaic.version = 14 : i64} {
  func.func @_gather_body(%arg0: i32, %arg1: i32, %arg2: memref<10000x512xf32, #tpu.memory_space<hbm>>, %arg3: memref<20480xi32, #tpu.memory_space<hbm>>, %arg4: memref<20480x512xf32, #tpu.memory_space<hbm>>, %arg5: memref<640xi32, #tpu.memory_space<vmem>>, %arg6: memref<2x64x512xf32, #tpu.memory_space<vmem>>, %arg7: memref<!tpu.dma_semaphore, #tpu.memory_space<semaphore_mem>>, %arg8: memref<!tpu.dma_semaphore, #tpu.memory_space<semaphore_mem>>) attributes {dimension_semantics = [#tpu.dimension_semantics<core_parallel>, #tpu.dimension_semantics<subcore_parallel>], iteration_bounds = array<i64: 2, 16>, scalar_prefetch = 0 : i64, scratch_operands = 4 : i64, tpu.core_type = #tpu.core_type<sc_vector_subcore>, window_params = [{transform_indices = #map}, {transform_indices = #map1}, {transform_indices = #map}]} {
    %mul3A = arith.constant 2 : i32
    %mul3A_0 = arith.muli %arg1, %mul3A : i32
    %add3A = arith.addi %mul3A_0, %arg0 : i32
    %mul3A_1 = arith.constant 640 : i32
    %mul3A_2 = arith.muli %add3A, %mul3A_1 : i32
    "tpu.region"() ({
      %run_scoped3A = tpu.sem_alloc : memref<!tpu.dma_semaphore, #tpu.memory_space<semaphore_mem>>
      %dma_start3A_42 = tpu.memref_slice %arg3[%mul3A_2] : memref<20480xi32, #tpu.memory_space<hbm>> -> memref<640xi32, #tpu.memory_space<hbm>>
      %dma_start3A_43 = tpu.memref_slice %arg3[%mul3A_2] : memref<20480xi32, #tpu.memory_space<hbm>> -> memref<640xi32, #tpu.memory_space<hbm>>
      tpu.enqueue_dma source(%dma_start3A_43 : memref<640xi32, #tpu.memory_space<hbm>>) target(%arg5 : memref<640xi32, #tpu.memory_space<vmem>>) target_semaphore(%run_scoped3A : memref<!tpu.dma_semaphore, #tpu.memory_space<semaphore_mem>>)
      %dma_wait3A_44 = tpu.memref_slice %arg3[%mul3A_2] : memref<20480xi32, #tpu.memory_space<hbm>> -> memref<640xi32, #tpu.memory_space<hbm>>
      %dma_wait3A_45 = tpu.memref_slice %arg3[%mul3A_2] : memref<20480xi32, #tpu.memory_space<hbm>> -> memref<640xi32, #tpu.memory_space<hbm>>
      tpu.wait_dma2 semaphore(%run_scoped3A : memref<!tpu.dma_semaphore, #tpu.memory_space<semaphore_mem>>) src(%dma_wait3A_45 : memref<640xi32, #tpu.memory_space<hbm>>) dst(%arg5 : memref<640xi32, #tpu.memory_space<vmem>>)
      tpu.yield
    }) : () -> ()
    %dma_start3A = arith.constant 0 : i32
    %dma_start3A_3 = arith.constant 0 : i32
    %dma_start3A_4 = arith.constant 0 : i32
    %dma_start3A_5 = tpu.memref_slice %arg6[%dma_start3A, %dma_start3A_3, %dma_start3A_4] : memref<2x64x512xf32, #tpu.memory_space<vmem>> -> memref<1x64x512xf32, #tpu.memory_space<vmem>>
    %dma_start3A_6 = tpu.memref_squeeze %dma_start3A_5 : memref<1x64x512xf32, #tpu.memory_space<vmem>> -> memref<64x512xf32, #tpu.memory_space<vmem>>
    %dma_start3A_7 = arith.constant 0 : i32
    %dma_start3A_8 = tpu.memref_slice %arg5[%dma_start3A_7] : memref<640xi32, #tpu.memory_space<vmem>> -> memref<64xi32, #tpu.memory_space<vmem>>
    %dma_start3A_9 = arith.constant 0 : i32
    %dma_start3A_10 = arith.constant 0 : i32
    %dma_start3A_11 = tpu.memref_slice %arg2[%dma_start3A_9, %dma_start3A_10] : memref<10000x512xf32, #tpu.memory_space<hbm>> -> memref<10000x512xf32, #tpu.memory_space<hbm>>
    tpu.enqueue_indirect_dma source(%dma_start3A_11 : memref<10000x512xf32, #tpu.memory_space<hbm>>) target(%dma_start3A_6 : memref<64x512xf32, #tpu.memory_space<vmem>>) offsets(%dma_start3A_8 : memref<64xi32, #tpu.memory_space<vmem>>) semaphore(%arg7 : memref<!tpu.dma_semaphore, #tpu.memory_space<semaphore_mem>>)
    %scan3A = arith.constant 0 : i32
    %scan3A_12 = arith.constant 0 : i32
    %scan3A_13 = arith.constant 10 : i32
    %scan3A_14 = arith.addi %scan3A_12, %scan3A_13 : i32
    %scan3A_15 = arith.constant 1 : i32
    scf.for %scan3A_42 = %scan3A_12 to %scan3A_14 step %scan3A_15  : i32 {
      %rem3A = arith.constant 2 : i32
      %rem3A_43 = arith.remsi %scan3A_42, %rem3A : i32
      %add3A_44 = arith.constant 1 : i32
      %add3A_45 = arith.addi %scan3A_42, %add3A_44 : i32
      %rem3A_46 = arith.constant 2 : i32
      %rem3A_47 = arith.remsi %add3A_45, %rem3A_46 : i32
      %mul3A_48 = arith.constant 64 : i32
      %mul3A_49 = arith.muli %scan3A_42, %mul3A_48 : i32
      %dma_wait3A_50 = arith.constant 0 : i32
      %dma_wait3A_51 = arith.constant 0 : i32
      %dma_wait3A_52 = tpu.memref_slice %arg6[%rem3A_43, %dma_wait3A_50, %dma_wait3A_51] : memref<2x64x512xf32, #tpu.memory_space<vmem>> -> memref<1x64x512xf32, #tpu.memory_space<vmem>>
      %dma_wait3A_53 = tpu.memref_squeeze %dma_wait3A_52 : memref<1x64x512xf32, #tpu.memory_space<vmem>> -> memref<64x512xf32, #tpu.memory_space<vmem>>
      %dma_wait3A_54 = tpu.memref_slice %arg5[%mul3A_49] : memref<640xi32, #tpu.memory_space<vmem>> -> memref<64xi32, #tpu.memory_space<vmem>>
      %dma_wait3A_55 = arith.constant 0 : i32
      %dma_wait3A_56 = arith.constant 0 : i32
      %dma_wait3A_57 = tpu.memref_slice %arg2[%dma_wait3A_55, %dma_wait3A_56] : memref<10000x512xf32, #tpu.memory_space<hbm>> -> memref<10000x512xf32, #tpu.memory_space<hbm>>
      tpu.wait_indirect_dma semaphore(%arg7 : memref<!tpu.dma_semaphore, #tpu.memory_space<semaphore_mem>>) src(%dma_wait3A_57 : memref<10000x512xf32, #tpu.memory_space<hbm>>) dst(%dma_wait3A_53 : memref<64x512xf32, #tpu.memory_space<vmem>>)
      %add3A_58 = arith.constant 1 : i32
      %add3A_59 = arith.addi %scan3A_42, %add3A_58 : i32
      %lt3A = arith.constant 10 : i32
      %lt3A_60 = arith.cmpi slt, %add3A_59, %lt3A : i32
      %convert_element_type3A = arith.extui %lt3A_60 : i1 to i32
      %cond3A = arith.constant 0 : i32
      %cond3A_61 = arith.cmpi ne, %convert_element_type3A, %cond3A : i32
      scf.if %cond3A_61 {
        %ge3A = arith.constant 1 : i32
        %ge3A_77 = arith.cmpi sge, %scan3A_42, %ge3A : i32
        %convert_element_type3A_78 = arith.extui %ge3A_77 : i1 to i32
        %cond3A_79 = arith.constant 0 : i32
        %cond3A_80 = arith.cmpi ne, %convert_element_type3A_78, %cond3A_79 : i32
        scf.if %cond3A_80 {
          %dma_wait3A_93 = arith.constant 0 : i32
          %dma_wait3A_94 = arith.constant 0 : i32
          %dma_wait3A_95 = tpu.memref_slice %arg6[%rem3A_47, %dma_wait3A_93, %dma_wait3A_94] : memref<2x64x512xf32, #tpu.memory_space<vmem>> -> memref<1x64x512xf32, #tpu.memory_space<vmem>>
          %dma_wait3A_96 = tpu.memref_squeeze %dma_wait3A_95 : memref<1x64x512xf32, #tpu.memory_space<vmem>> -> memref<64x512xf32, #tpu.memory_space<vmem>>
          %dma_wait3A_97 = arith.constant 0 : i32
          %dma_wait3A_98 = tpu.memref_slice %arg4[%mul3A_2, %dma_wait3A_97] : memref<20480x512xf32, #tpu.memory_space<hbm>> -> memref<64x512xf32, #tpu.memory_space<hbm>>
          %dma_wait3A_99 = arith.constant 0 : i32
          %dma_wait3A_100 = tpu.memref_slice %arg4[%mul3A_2, %dma_wait3A_99] : memref<20480x512xf32, #tpu.memory_space<hbm>> -> memref<64x512xf32, #tpu.memory_space<hbm>>
          %dma_wait3A_101 = arith.constant 0 : i32
          %dma_wait3A_102 = arith.constant 0 : i32
          %dma_wait3A_103 = tpu.memref_slice %arg6[%rem3A_47, %dma_wait3A_101, %dma_wait3A_102] : memref<2x64x512xf32, #tpu.memory_space<vmem>> -> memref<1x64x512xf32, #tpu.memory_space<vmem>>
          %dma_wait3A_104 = tpu.memref_squeeze %dma_wait3A_103 : memref<1x64x512xf32, #tpu.memory_space<vmem>> -> memref<64x512xf32, #tpu.memory_space<vmem>>
          tpu.wait_dma2 semaphore(%arg8 : memref<!tpu.dma_semaphore, #tpu.memory_space<semaphore_mem>>) src(%dma_wait3A_104 : memref<64x512xf32, #tpu.memory_space<vmem>>) dst(%dma_wait3A_100 : memref<64x512xf32, #tpu.memory_space<hbm>>)
        } else {
        }
        %add3A_81 = arith.constant 1 : i32
        %add3A_82 = arith.addi %scan3A_42, %add3A_81 : i32
        %mul3A_83 = arith.constant 64 : i32
        %mul3A_84 = arith.muli %add3A_82, %mul3A_83 : i32
        %dma_start3A_85 = arith.constant 0 : i32
        %dma_start3A_86 = arith.constant 0 : i32
        %dma_start3A_87 = tpu.memref_slice %arg6[%rem3A_47, %dma_start3A_85, %dma_start3A_86] : memref<2x64x512xf32, #tpu.memory_space<vmem>> -> memref<1x64x512xf32, #tpu.memory_space<vmem>>
        %dma_start3A_88 = tpu.memref_squeeze %dma_start3A_87 : memref<1x64x512xf32, #tpu.memory_space<vmem>> -> memref<64x512xf32, #tpu.memory_space<vmem>>
        %dma_start3A_89 = tpu.memref_slice %arg5[%mul3A_84] : memref<640xi32, #tpu.memory_space<vmem>> -> memref<64xi32, #tpu.memory_space<vmem>>
        %dma_start3A_90 = arith.constant 0 : i32
        %dma_start3A_91 = arith.constant 0 : i32
        %dma_start3A_92 = tpu.memref_slice %arg2[%dma_start3A_90, %dma_start3A_91] : memref<10000x512xf32, #tpu.memory_space<hbm>> -> memref<10000x512xf32, #tpu.memory_space<hbm>>
        tpu.enqueue_indirect_dma source(%dma_start3A_92 : memref<10000x512xf32, #tpu.memory_space<hbm>>) target(%dma_start3A_88 : memref<64x512xf32, #tpu.memory_space<vmem>>) offsets(%dma_start3A_89 : memref<64xi32, #tpu.memory_space<vmem>>) semaphore(%arg7 : memref<!tpu.dma_semaphore, #tpu.memory_space<semaphore_mem>>)
      } else {
      }
      %mul3A_62 = arith.constant 64 : i32
      %mul3A_63 = arith.muli %scan3A_42, %mul3A_62 : i32
      %add3A_64 = arith.addi %mul3A_2, %mul3A_63 : i32
      %dma_start3A_65 = arith.constant 0 : i32
      %dma_start3A_66 = arith.constant 0 : i32
      %dma_start3A_67 = tpu.memref_slice %arg6[%rem3A_43, %dma_start3A_65, %dma_start3A_66] : memref<2x64x512xf32, #tpu.memory_space<vmem>> -> memref<1x64x512xf32, #tpu.memory_space<vmem>>
      %dma_start3A_68 = tpu.memref_squeeze %dma_start3A_67 : memref<1x64x512xf32, #tpu.memory_space<vmem>> -> memref<64x512xf32, #tpu.memory_space<vmem>>
      %dma_start3A_69 = arith.constant 0 : i32
      %dma_start3A_70 = tpu.memref_slice %arg4[%add3A_64, %dma_start3A_69] : memref<20480x512xf32, #tpu.memory_space<hbm>> -> memref<64x512xf32, #tpu.memory_space<hbm>>
      %dma_start3A_71 = arith.constant 0 : i32
      %dma_start3A_72 = tpu.memref_slice %arg4[%add3A_64, %dma_start3A_71] : memref<20480x512xf32, #tpu.memory_space<hbm>> -> memref<64x512xf32, #tpu.memory_space<hbm>>
      %dma_start3A_73 = arith.constant 0 : i32
      %dma_start3A_74 = arith.constant 0 : i32
      %dma_start3A_75 = tpu.memref_slice %arg6[%rem3A_43, %dma_start3A_73, %dma_start3A_74] : memref<2x64x512xf32, #tpu.memory_space<vmem>> -> memref<1x64x512xf32, #tpu.memory_space<vmem>>
      %dma_start3A_76 = tpu.memref_squeeze %dma_start3A_75 : memref<1x64x512xf32, #tpu.memory_space<vmem>> -> memref<64x512xf32, #tpu.memory_space<vmem>>
      tpu.enqueue_dma source(%dma_start3A_76 : memref<64x512xf32, #tpu.memory_space<vmem>>) target(%dma_start3A_72 : memref<64x512xf32, #tpu.memory_space<hbm>>) target_semaphore(%arg8 : memref<!tpu.dma_semaphore, #tpu.memory_space<semaphore_mem>>)
    }
    %scan3A_16 = arith.constant 10 : i32
    %dma_wait3A = arith.constant 0 : i32
    %dma_wait3A_17 = arith.constant 0 : i32
    %dma_wait3A_18 = arith.constant 0 : i32
    %dma_wait3A_19 = tpu.memref_slice %arg6[%dma_wait3A, %dma_wait3A_17, %dma_wait3A_18] : memref<2x64x512xf32, #tpu.memory_space<vmem>> -> memref<1x64x512xf32, #tpu.memory_space<vmem>>
    %dma_wait3A_20 = tpu.memref_squeeze %dma_wait3A_19 : memref<1x64x512xf32, #tpu.memory_space<vmem>> -> memref<64x512xf32, #tpu.memory_space<vmem>>
    %dma_wait3A_21 = arith.constant 0 : i32
    %dma_wait3A_22 = tpu.memref_slice %arg4[%mul3A_2, %dma_wait3A_21] : memref<20480x512xf32, #tpu.memory_space<hbm>> -> memref<64x512xf32, #tpu.memory_space<hbm>>
    %dma_wait3A_23 = arith.constant 0 : i32
    %dma_wait3A_24 = tpu.memref_slice %arg4[%mul3A_2, %dma_wait3A_23] : memref<20480x512xf32, #tpu.memory_space<hbm>> -> memref<64x512xf32, #tpu.memory_space<hbm>>
    %dma_wait3A_25 = arith.constant 0 : i32
    %dma_wait3A_26 = arith.constant 0 : i32
    %dma_wait3A_27 = tpu.memref_slice %arg6[%dma_wait3A, %dma_wait3A_25, %dma_wait3A_26] : memref<2x64x512xf32, #tpu.memory_space<vmem>> -> memref<1x64x512xf32, #tpu.memory_space<vmem>>
    %dma_wait3A_28 = tpu.memref_squeeze %dma_wait3A_27 : memref<1x64x512xf32, #tpu.memory_space<vmem>> -> memref<64x512xf32, #tpu.memory_space<vmem>>
    tpu.wait_dma2 semaphore(%arg8 : memref<!tpu.dma_semaphore, #tpu.memory_space<semaphore_mem>>) src(%dma_wait3A_28 : memref<64x512xf32, #tpu.memory_space<vmem>>) dst(%dma_wait3A_24 : memref<64x512xf32, #tpu.memory_space<hbm>>)
    %dma_wait3A_29 = arith.constant 0 : i32
    %dma_wait3A_30 = arith.constant 0 : i32
    %dma_wait3A_31 = arith.constant 0 : i32
    %dma_wait3A_32 = tpu.memref_slice %arg6[%dma_wait3A_29, %dma_wait3A_30, %dma_wait3A_31] : memref<2x64x512xf32, #tpu.memory_space<vmem>> -> memref<1x64x512xf32, #tpu.memory_space<vmem>>
    %dma_wait3A_33 = tpu.memref_squeeze %dma_wait3A_32 : memref<1x64x512xf32, #tpu.memory_space<vmem>> -> memref<64x512xf32, #tpu.memory_space<vmem>>
    %dma_wait3A_34 = arith.constant 0 : i32
    %dma_wait3A_35 = tpu.memref_slice %arg4[%mul3A_2, %dma_wait3A_34] : memref<20480x512xf32, #tpu.memory_space<hbm>> -> memref<64x512xf32, #tpu.memory_space<hbm>>
    %dma_wait3A_36 = arith.constant 0 : i32
    %dma_wait3A_37 = tpu.memref_slice %arg4[%mul3A_2, %dma_wait3A_36] : memref<20480x512xf32, #tpu.memory_space<hbm>> -> memref<64x512xf32, #tpu.memory_space<hbm>>
    %dma_wait3A_38 = arith.constant 0 : i32
    %dma_wait3A_39 = arith.constant 0 : i32
    %dma_wait3A_40 = tpu.memref_slice %arg6[%dma_wait3A_29, %dma_wait3A_38, %dma_wait3A_39] : memref<2x64x512xf32, #tpu.memory_space<vmem>> -> memref<1x64x512xf32, #tpu.memory_space<vmem>>
    %dma_wait3A_41 = tpu.memref_squeeze %dma_wait3A_40 : memref<1x64x512xf32, #tpu.memory_space<vmem>> -> memref<64x512xf32, #tpu.memory_space<vmem>>
    tpu.wait_dma2 semaphore(%arg8 : memref<!tpu.dma_semaphore, #tpu.memory_space<semaphore_mem>>) src(%dma_wait3A_41 : memref<64x512xf32, #tpu.memory_space<vmem>>) dst(%dma_wait3A_37 : memref<64x512xf32, #tpu.memory_space<hbm>>)
    return
  }
}

#map = affine_map<(d0, d1) -> (0, 0)>
#map1 = affine_map<(d0, d1) -> (0)>
module attributes {stable_mosaic.version = 14 : i64} {
  func.func @_gather_body(%arg0: i32, %arg1: i32, %arg2: memref<10000x512xf32, #tpu.memory_space<hbm>>, %arg3: memref<20480xi32, #tpu.memory_space<hbm>>, %arg4: memref<20480x512xf32, #tpu.memory_space<hbm>>, %arg5: memref<640xi32, #tpu.memory_space<vmem>>, %arg6: memref<2x64x512xf32, #tpu.memory_space<vmem>>, %arg7: memref<!tpu.dma_semaphore, #tpu.memory_space<semaphore_mem>>, %arg8: memref<!tpu.dma_semaphore, #tpu.memory_space<semaphore_mem>>) attributes {dimension_semantics = [#tpu.dimension_semantics<core_parallel>, #tpu.dimension_semantics<subcore_parallel>], iteration_bounds = array<i64: 2, 16>, scalar_prefetch = 0 : i64, scratch_operands = 4 : i64, tpu.core_type = #tpu.core_type<sc_vector_subcore>, window_params = [{transform_indices = #map}, {transform_indices = #map1}, {transform_indices = #map}]} {
    %mul3A = arith.constant 2 : i32
    %mul3A_0 = arith.muli %arg1, %mul3A : i32
    %add3A = arith.addi %mul3A_0, %arg0 : i32
    %mul3A_1 = arith.constant 640 : i32
    %mul3A_2 = arith.muli %add3A, %mul3A_1 : i32
    "tpu.region"() ({
      %run_scoped3A = tpu.sem_alloc : memref<!tpu.dma_semaphore, #tpu.memory_space<semaphore_mem>>
      %dma_start3A_42 = tpu.memref_slice %arg3[%mul3A_2] : memref<20480xi32, #tpu.memory_space<hbm>> -> memref<640xi32, #tpu.memory_space<hbm>>
      %dma_start3A_43 = tpu.memref_slice %arg3[%mul3A_2] : memref<20480xi32, #tpu.memory_space<hbm>> -> memref<640xi32, #tpu.memory_space<hbm>>
      tpu.enqueue_dma source(%dma_start3A_43 : memref<640xi32, #tpu.memory_space<hbm>>) target(%arg5 : memref<640xi32, #tpu.memory_space<vmem>>) target_semaphore(%run_scoped3A : memref<!tpu.dma_semaphore, #tpu.memory_space<semaphore_mem>>)
      %dma_wait3A_44 = tpu.memref_slice %arg3[%mul3A_2] : memref<20480xi32, #tpu.memory_space<hbm>> -> memref<640xi32, #tpu.memory_space<hbm>>
      %dma_wait3A_45 = tpu.memref_slice %arg3[%mul3A_2] : memref<20480xi32, #tpu.memory_space<hbm>> -> memref<640xi32, #tpu.memory_space<hbm>>
      tpu.wait_dma2 semaphore(%run_scoped3A : memref<!tpu.dma_semaphore, #tpu.memory_space<semaphore_mem>>) src(%dma_wait3A_45 : memref<640xi32, #tpu.memory_space<hbm>>) dst(%arg5 : memref<640xi32, #tpu.memory_space<vmem>>)
      tpu.yield
    }) : () -> ()
    %dma_start3A = arith.constant 0 : i32
    %dma_start3A_3 = arith.constant 0 : i32
    %dma_start3A_4 = arith.constant 0 : i32
    %dma_start3A_5 = tpu.memref_slice %arg6[%dma_start3A, %dma_start3A_3, %dma_start3A_4] : memref<2x64x512xf32, #tpu.memory_space<vmem>> -> memref<1x64x512xf32, #tpu.memory_space<vmem>>
    %dma_start3A_6 = tpu.memref_squeeze %dma_start3A_5 : memref<1x64x512xf32, #tpu.memory_space<vmem>> -> memref<64x512xf32, #tpu.memory_space<vmem>>
    %dma_start3A_7 = arith.constant 0 : i32
    %dma_start3A_8 = tpu.memref_slice %arg5[%dma_start3A_7] : memref<640xi32, #tpu.memory_space<vmem>> -> memref<64xi32, #tpu.memory_space<vmem>>
    %dma_start3A_9 = arith.constant 0 : i32
    %dma_start3A_10 = arith.constant 0 : i32
    %dma_start3A_11 = tpu.memref_slice %arg2[%dma_start3A_9, %dma_start3A_10] : memref<10000x512xf32, #tpu.memory_space<hbm>> -> memref<10000x512xf32, #tpu.memory_space<hbm>>
    tpu.enqueue_indirect_dma source(%dma_start3A_11 : memref<10000x512xf32, #tpu.memory_space<hbm>>) target(%dma_start3A_6 : memref<64x512xf32, #tpu.memory_space<vmem>>) offsets(%dma_start3A_8 : memref<64xi32, #tpu.memory_space<vmem>>) semaphore(%arg7 : memref<!tpu.dma_semaphore, #tpu.memory_space<semaphore_mem>>)
    %scan3A = arith.constant 0 : i32
    %scan3A_12 = arith.constant 0 : i32
    %scan3A_13 = arith.constant 10 : i32
    %scan3A_14 = arith.addi %scan3A_12, %scan3A_13 : i32
    %scan3A_15 = arith.constant 1 : i32
    scf.for %scan3A_42 = %scan3A_12 to %scan3A_14 step %scan3A_15  : i32 {
      %rem3A = arith.constant 2 : i32
      %rem3A_43 = arith.remsi %scan3A_42, %rem3A : i32
      %add3A_44 = arith.constant 1 : i32
      %add3A_45 = arith.addi %scan3A_42, %add3A_44 : i32
      %rem3A_46 = arith.constant 2 : i32
      %rem3A_47 = arith.remsi %add3A_45, %rem3A_46 : i32
      %mul3A_48 = arith.constant 64 : i32
      %mul3A_49 = arith.muli %scan3A_42, %mul3A_48 : i32
      %dma_wait3A_50 = arith.constant 0 : i32
      %dma_wait3A_51 = arith.constant 0 : i32
      %dma_wait3A_52 = tpu.memref_slice %arg6[%rem3A_43, %dma_wait3A_50, %dma_wait3A_51] : memref<2x64x512xf32, #tpu.memory_space<vmem>> -> memref<1x64x512xf32, #tpu.memory_space<vmem>>
      %dma_wait3A_53 = tpu.memref_squeeze %dma_wait3A_52 : memref<1x64x512xf32, #tpu.memory_space<vmem>> -> memref<64x512xf32, #tpu.memory_space<vmem>>
      %dma_wait3A_54 = tpu.memref_slice %arg5[%mul3A_49] : memref<640xi32, #tpu.memory_space<vmem>> -> memref<64xi32, #tpu.memory_space<vmem>>
      %dma_wait3A_55 = arith.constant 0 : i32
      %dma_wait3A_56 = arith.constant 0 : i32
      %dma_wait3A_57 = tpu.memref_slice %arg2[%dma_wait3A_55, %dma_wait3A_56] : memref<10000x512xf32, #tpu.memory_space<hbm>> -> memref<10000x512xf32, #tpu.memory_space<hbm>>
      tpu.wait_indirect_dma semaphore(%arg7 : memref<!tpu.dma_semaphore, #tpu.memory_space<semaphore_mem>>) src(%dma_wait3A_57 : memref<10000x512xf32, #tpu.memory_space<hbm>>) dst(%dma_wait3A_53 : memref<64x512xf32, #tpu.memory_space<vmem>>)
      %add3A_58 = arith.constant 1 : i32
      %add3A_59 = arith.addi %scan3A_42, %add3A_58 : i32
      %lt3A = arith.constant 10 : i32
      %lt3A_60 = arith.cmpi slt, %add3A_59, %lt3A : i32
      %convert_element_type3A = arith.extui %lt3A_60 : i1 to i32
      %cond3A = arith.constant 0 : i32
      %cond3A_61 = arith.cmpi ne, %convert_element_type3A, %cond3A : i32
      scf.if %cond3A_61 {
        %ge3A = arith.constant 1 : i32
        %ge3A_77 = arith.cmpi sge, %scan3A_42, %ge3A : i32
        %convert_element_type3A_78 = arith.extui %ge3A_77 : i1 to i32
        %cond3A_79 = arith.constant 0 : i32
        %cond3A_80 = arith.cmpi ne, %convert_element_type3A_78, %cond3A_79 : i32
        scf.if %cond3A_80 {
          %dma_wait3A_93 = arith.constant 0 : i32
          %dma_wait3A_94 = arith.constant 0 : i32
          %dma_wait3A_95 = tpu.memref_slice %arg6[%rem3A_47, %dma_wait3A_93, %dma_wait3A_94] : memref<2x64x512xf32, #tpu.memory_space<vmem>> -> memref<1x64x512xf32, #tpu.memory_space<vmem>>
          %dma_wait3A_96 = tpu.memref_squeeze %dma_wait3A_95 : memref<1x64x512xf32, #tpu.memory_space<vmem>> -> memref<64x512xf32, #tpu.memory_space<vmem>>
          %dma_wait3A_97 = arith.constant 0 : i32
          %dma_wait3A_98 = tpu.memref_slice %arg4[%mul3A_2, %dma_wait3A_97] : memref<20480x512xf32, #tpu.memory_space<hbm>> -> memref<64x512xf32, #tpu.memory_space<hbm>>
          %dma_wait3A_99 = arith.constant 0 : i32
          %dma_wait3A_100 = tpu.memref_slice %arg4[%mul3A_2, %dma_wait3A_99] : memref<20480x512xf32, #tpu.memory_space<hbm>> -> memref<64x512xf32, #tpu.memory_space<hbm>>
          %dma_wait3A_101 = arith.constant 0 : i32
          %dma_wait3A_102 = arith.constant 0 : i32
          %dma_wait3A_103 = tpu.memref_slice %arg6[%rem3A_47, %dma_wait3A_101, %dma_wait3A_102] : memref<2x64x512xf32, #tpu.memory_space<vmem>> -> memref<1x64x512xf32, #tpu.memory_space<vmem>>
          %dma_wait3A_104 = tpu.memref_squeeze %dma_wait3A_103 : memref<1x64x512xf32, #tpu.memory_space<vmem>> -> memref<64x512xf32, #tpu.memory_space<vmem>>
          tpu.wait_dma2 semaphore(%arg8 : memref<!tpu.dma_semaphore, #tpu.memory_space<semaphore_mem>>) src(%dma_wait3A_104 : memref<64x512xf32, #tpu.memory_space<vmem>>) dst(%dma_wait3A_100 : memref<64x512xf32, #tpu.memory_space<hbm>>)
        } else {
        }
        %add3A_81 = arith.constant 1 : i32
        %add3A_82 = arith.addi %scan3A_42, %add3A_81 : i32
        %mul3A_83 = arith.constant 64 : i32
        %mul3A_84 = arith.muli %add3A_82, %mul3A_83 : i32
        %dma_start3A_85 = arith.constant 0 : i32
        %dma_start3A_86 = arith.constant 0 : i32
        %dma_start3A_87 = tpu.memref_slice %arg6[%rem3A_47, %dma_start3A_85, %dma_start3A_86] : memref<2x64x512xf32, #tpu.memory_space<vmem>> -> memref<1x64x512xf32, #tpu.memory_space<vmem>>
        %dma_start3A_88 = tpu.memref_squeeze %dma_start3A_87 : memref<1x64x512xf32, #tpu.memory_space<vmem>> -> memref<64x512xf32, #tpu.memory_space<vmem>>
        %dma_start3A_89 = tpu.memref_slice %arg5[%mul3A_84] : memref<640xi32, #tpu.memory_space<vmem>> -> memref<64xi32, #tpu.memory_space<vmem>>
        %dma_start3A_90 = arith.constant 0 : i32
        %dma_start3A_91 = arith.constant 0 : i32
        %dma_start3A_92 = tpu.memref_slice %arg2[%dma_start3A_90, %dma_start3A_91] : memref<10000x512xf32, #tpu.memory_space<hbm>> -> memref<10000x512xf32, #tpu.memory_space<hbm>>
        tpu.enqueue_indirect_dma source(%dma_start3A_92 : memref<10000x512xf32, #tpu.memory_space<hbm>>) target(%dma_start3A_88 : memref<64x512xf32, #tpu.memory_space<vmem>>) offsets(%dma_start3A_89 : memref<64xi32, #tpu.memory_space<vmem>>) semaphore(%arg7 : memref<!tpu.dma_semaphore, #tpu.memory_space<semaphore_mem>>)
      } else {
      }
      %mul3A_62 = arith.constant 64 : i32
      %mul3A_63 = arith.muli %scan3A_42, %mul3A_62 : i32
      %add3A_64 = arith.addi %mul3A_2, %mul3A_63 : i32
      %dma_start3A_65 = arith.constant 0 : i32
      %dma_start3A_66 = arith.constant 0 : i32
      %dma_start3A_67 = tpu.memref_slice %arg6[%rem3A_43, %dma_start3A_65, %dma_start3A_66] : memref<2x64x512xf32, #tpu.memory_space<vmem>> -> memref<1x64x512xf32, #tpu.memory_space<vmem>>
      %dma_start3A_68 = tpu.memref_squeeze %dma_start3A_67 : memref<1x64x512xf32, #tpu.memory_space<vmem>> -> memref<64x512xf32, #tpu.memory_space<vmem>>
      %dma_start3A_69 = arith.constant 0 : i32
      %dma_start3A_70 = tpu.memref_slice %arg4[%add3A_64, %dma_start3A_69] : memref<20480x512xf32, #tpu.memory_space<hbm>> -> memref<64x512xf32, #tpu.memory_space<hbm>>
      %dma_start3A_71 = arith.constant 0 : i32
      %dma_start3A_72 = tpu.memref_slice %arg4[%add3A_64, %dma_start3A_71] : memref<20480x512xf32, #tpu.memory_space<hbm>> -> memref<64x512xf32, #tpu.memory_space<hbm>>
      %dma_start3A_73 = arith.constant 0 : i32
      %dma_start3A_74 = arith.constant 0 : i32
      %dma_start3A_75 = tpu.memref_slice %arg6[%rem3A_43, %dma_start3A_73, %dma_start3A_74] : memref<2x64x512xf32, #tpu.memory_space<vmem>> -> memref<1x64x512xf32, #tpu.memory_space<vmem>>
      %dma_start3A_76 = tpu.memref_squeeze %dma_start3A_75 : memref<1x64x512xf32, #tpu.memory_space<vmem>> -> memref<64x512xf32, #tpu.memory_space<vmem>>
      tpu.enqueue_dma source(%dma_start3A_76 : memref<64x512xf32, #tpu.memory_space<vmem>>) target(%dma_start3A_72 : memref<64x512xf32, #tpu.memory_space<hbm>>) target_semaphore(%arg8 : memref<!tpu.dma_semaphore, #tpu.memory_space<semaphore_mem>>)
    }
    %scan3A_16 = arith.constant 10 : i32
    %dma_wait3A = arith.constant 0 : i32
    %dma_wait3A_17 = arith.constant 0 : i32
    %dma_wait3A_18 = arith.constant 0 : i32
    %dma_wait3A_19 = tpu.memref_slice %arg6[%dma_wait3A, %dma_wait3A_17, %dma_wait3A_18] : memref<2x64x512xf32, #tpu.memory_space<vmem>> -> memref<1x64x512xf32, #tpu.memory_space<vmem>>
    %dma_wait3A_20 = tpu.memref_squeeze %dma_wait3A_19 : memref<1x64x512xf32, #tpu.memory_space<vmem>> -> memref<64x512xf32, #tpu.memory_space<vmem>>
    %dma_wait3A_21 = arith.constant 0 : i32
    %dma_wait3A_22 = tpu.memref_slice %arg4[%mul3A_2, %dma_wait3A_21] : memref<20480x512xf32, #tpu.memory_space<hbm>> -> memref<64x512xf32, #tpu.memory_space<hbm>>
    %dma_wait3A_23 = arith.constant 0 : i32
    %dma_wait3A_24 = tpu.memref_slice %arg4[%mul3A_2, %dma_wait3A_23] : memref<20480x512xf32, #tpu.memory_space<hbm>> -> memref<64x512xf32, #tpu.memory_space<hbm>>
    %dma_wait3A_25 = arith.constant 0 : i32
    %dma_wait3A_26 = arith.constant 0 : i32
    %dma_wait3A_27 = tpu.memref_slice %arg6[%dma_wait3A, %dma_wait3A_25, %dma_wait3A_26] : memref<2x64x512xf32, #tpu.memory_space<vmem>> -> memref<1x64x512xf32, #tpu.memory_space<vmem>>
    %dma_wait3A_28 = tpu.memref_squeeze %dma_wait3A_27 : memref<1x64x512xf32, #tpu.memory_space<vmem>> -> memref<64x512xf32, #tpu.memory_space<vmem>>
    tpu.wait_dma2 semaphore(%arg8 : memref<!tpu.dma_semaphore, #tpu.memory_space<semaphore_mem>>) src(%dma_wait3A_28 : memref<64x512xf32, #tpu.memory_space<vmem>>) dst(%dma_wait3A_24 : memref<64x512xf32, #tpu.memory_space<hbm>>)
    %dma_wait3A_29 = arith.constant 0 : i32
    %dma_wait3A_30 = arith.constant 0 : i32
    %dma_wait3A_31 = arith.constant 0 : i32
    %dma_wait3A_32 = tpu.memref_slice %arg6[%dma_wait3A_29, %dma_wait3A_30, %dma_wait3A_31] : memref<2x64x512xf32, #tpu.memory_space<vmem>> -> memref<1x64x512xf32, #tpu.memory_space<vmem>>
    %dma_wait3A_33 = tpu.memref_squeeze %dma_wait3A_32 : memref<1x64x512xf32, #tpu.memory_space<vmem>> -> memref<64x512xf32, #tpu.memory_space<vmem>>
    %dma_wait3A_34 = arith.constant 0 : i32
    %dma_wait3A_35 = tpu.memref_slice %arg4[%mul3A_2, %dma_wait3A_34] : memref<20480x512xf32, #tpu.memory_space<hbm>> -> memref<64x512xf32, #tpu.memory_space<hbm>>
    %dma_wait3A_36 = arith.constant 0 : i32
    %dma_wait3A_37 = tpu.memref_slice %arg4[%mul3A_2, %dma_wait3A_36] : memref<20480x512xf32, #tpu.memory_space<hbm>> -> memref<64x512xf32, #tpu.memory_space<hbm>>
    %dma_wait3A_38 = arith.constant 0 : i32
    %dma_wait3A_39 = arith.constant 0 : i32
    %dma_wait3A_40 = tpu.memref_slice %arg6[%dma_wait3A_29, %dma_wait3A_38, %dma_wait3A_39] : memref<2x64x512xf32, #tpu.memory_space<vmem>> -> memref<1x64x512xf32, #tpu.memory_space<vmem>>
    %dma_wait3A_41 = tpu.memref_squeeze %dma_wait3A_40 : memref<1x64x512xf32, #tpu.memory_space<vmem>> -> memref<64x512xf32, #tpu.memory_space<vmem>>
    tpu.wait_dma2 semaphore(%arg8 : memref<!tpu.dma_semaphore, #tpu.memory_space<semaphore_mem>>) src(%dma_wait3A_41 : memref<64x512xf32, #tpu.memory_space<vmem>>) dst(%dma_wait3A_37 : memref<64x512xf32, #tpu.memory_space<hbm>>)
    return
  }
}

#map = affine_map<(d0, d1) -> (0)>
#map1 = affine_map<(d0, d1) -> (0, 0)>
module attributes {stable_mosaic.version = 14 : i64} {
  func.func @_scatter_body(%arg0: i32, %arg1: i32, %arg2: memref<163840xf32, #tpu.memory_space<hbm>>, %arg3: memref<163840xi32, #tpu.memory_space<hbm>>, %arg4: memref<2x8192xf32, #tpu.memory_space<hbm>>, %arg5: memref<5120xf32, #tpu.memory_space<vmem>>, %arg6: memref<5120xi32, #tpu.memory_space<vmem>>, %arg7: memref<8192xf32, #tpu.memory_space<vmem>>, %arg8: memref<16x512xf32, #tpu.memory_space<vmem>>, %arg9: memref<512xf32, #tpu.memory_space<vmem>>, %arg10: memref<16x8192xf32, #tpu.memory_space<vmem_shared>>) attributes {dimension_semantics = [#tpu.dimension_semantics<core_parallel>, #tpu.dimension_semantics<subcore_parallel>], iteration_bounds = array<i64: 2, 16>, scalar_prefetch = 0 : i64, scratch_operands = 6 : i64, tpu.core_type = #tpu.core_type<sc_vector_subcore>, window_params = [{transform_indices = #map}, {transform_indices = #map}, {transform_indices = #map1}]} {
    %mul3A = arith.constant 2 : i32
    %mul3A_0 = arith.muli %arg1, %mul3A : i32
    %add3A = arith.addi %mul3A_0, %arg0 : i32
    %mul3A_1 = arith.constant 5120 : i32
    %mul3A_2 = arith.muli %add3A, %mul3A_1 : i32
    "tpu.region"() ({
      %run_scoped3A = tpu.sem_alloc : memref<!tpu.dma_semaphore, #tpu.memory_space<semaphore_mem>>
      %dma_start3A = tpu.memref_slice %arg2[%mul3A_2] : memref<163840xf32, #tpu.memory_space<hbm>> -> memref<5120xf32, #tpu.memory_space<hbm>>
      %dma_start3A_28 = tpu.memref_slice %arg2[%mul3A_2] : memref<163840xf32, #tpu.memory_space<hbm>> -> memref<5120xf32, #tpu.memory_space<hbm>>
      tpu.enqueue_dma source(%dma_start3A_28 : memref<5120xf32, #tpu.memory_space<hbm>>) target(%arg5 : memref<5120xf32, #tpu.memory_space<vmem>>) target_semaphore(%run_scoped3A : memref<!tpu.dma_semaphore, #tpu.memory_space<semaphore_mem>>)
      %dma_wait3A = tpu.memref_slice %arg2[%mul3A_2] : memref<163840xf32, #tpu.memory_space<hbm>> -> memref<5120xf32, #tpu.memory_space<hbm>>
      %dma_wait3A_29 = tpu.memref_slice %arg2[%mul3A_2] : memref<163840xf32, #tpu.memory_space<hbm>> -> memref<5120xf32, #tpu.memory_space<hbm>>
      tpu.wait_dma2 semaphore(%run_scoped3A : memref<!tpu.dma_semaphore, #tpu.memory_space<semaphore_mem>>) src(%dma_wait3A_29 : memref<5120xf32, #tpu.memory_space<hbm>>) dst(%arg5 : memref<5120xf32, #tpu.memory_space<vmem>>)
      tpu.yield
    }) : () -> ()
    "tpu.region"() ({
      %run_scoped3A = tpu.sem_alloc : memref<!tpu.dma_semaphore, #tpu.memory_space<semaphore_mem>>
      %dma_start3A = tpu.memref_slice %arg3[%mul3A_2] : memref<163840xi32, #tpu.memory_space<hbm>> -> memref<5120xi32, #tpu.memory_space<hbm>>
      %dma_start3A_28 = tpu.memref_slice %arg3[%mul3A_2] : memref<163840xi32, #tpu.memory_space<hbm>> -> memref<5120xi32, #tpu.memory_space<hbm>>
      tpu.enqueue_dma source(%dma_start3A_28 : memref<5120xi32, #tpu.memory_space<hbm>>) target(%arg6 : memref<5120xi32, #tpu.memory_space<vmem>>) target_semaphore(%run_scoped3A : memref<!tpu.dma_semaphore, #tpu.memory_space<semaphore_mem>>)
      %dma_wait3A = tpu.memref_slice %arg3[%mul3A_2] : memref<163840xi32, #tpu.memory_space<hbm>> -> memref<5120xi32, #tpu.memory_space<hbm>>
      %dma_wait3A_29 = tpu.memref_slice %arg3[%mul3A_2] : memref<163840xi32, #tpu.memory_space<hbm>> -> memref<5120xi32, #tpu.memory_space<hbm>>
      tpu.wait_dma2 semaphore(%run_scoped3A : memref<!tpu.dma_semaphore, #tpu.memory_space<semaphore_mem>>) src(%dma_wait3A_29 : memref<5120xi32, #tpu.memory_space<hbm>>) dst(%arg6 : memref<5120xi32, #tpu.memory_space<vmem>>)
      tpu.yield
    }) : () -> ()
    %scan3A = arith.constant 0 : i32
    %scan3A_3 = arith.constant 0 : i32
    %scan3A_4 = arith.constant 512 : i32
    %scan3A_5 = arith.addi %scan3A_3, %scan3A_4 : i32
    %scan3A_6 = arith.constant 1 : i32
    scf.for %scan3A_28 = %scan3A_3 to %scan3A_5 step %scan3A_6  : i32 {
      %broadcast_in_dim3A = arith.constant 0.000000e+00 : f32
      %broadcast_in_dim3A_29 = vector.broadcast %broadcast_in_dim3A : f32 to vector<16xf32>
      %mul3A_30 = arith.constant 16 : i32
      %mul3A_31 = arith.muli %scan3A_28, %mul3A_30 : i32
      %swap3A = arith.index_cast %mul3A_31 : i32 to index
      %swap3A_32 = tpu.vector_load %arg7[%swap3A] {strides = array<i32>} : memref<8192xf32, #tpu.memory_space<vmem>>, vector<16xf32>,
      tpu.vector_store %arg7[%swap3A], %broadcast_in_dim3A_29 {strides = array<i32>} : memref<8192xf32, #tpu.memory_space<vmem>>, vector<16xf32>,
    }
    %scan3A_7 = arith.constant 512 : i32
    %scan3A_8 = arith.constant 0 : i32
    %scan3A_9 = arith.constant 0 : i32
    %scan3A_10 = arith.constant 320 : i32
    %scan3A_11 = arith.addi %scan3A_9, %scan3A_10 : i32
    %scan3A_12 = arith.constant 1 : i32
    scf.for %scan3A_28 = %scan3A_9 to %scan3A_11 step %scan3A_12  : i32 {
      %mul3A_29 = arith.constant 16 : i32
      %mul3A_30 = arith.muli %scan3A_28, %mul3A_29 : i32
      %get3A = arith.index_cast %mul3A_30 : i32 to index
      %get3A_31 = tpu.vector_load %arg6[%get3A] {strides = array<i32>} : memref<5120xi32, #tpu.memory_space<vmem>>, vector<16xi32>,
      %mul3A_32 = arith.constant 16 : i32
      %mul3A_33 = arith.muli %scan3A_28, %mul3A_32 : i32
      %get3A_34 = arith.index_cast %mul3A_33 : i32 to index
      %get3A_35 = tpu.vector_load %arg5[%get3A_34] {strides = array<i32>} : memref<5120xf32, #tpu.memory_space<vmem>>, vector<16xf32>,
      tpu.vector_store_idx %arg7[%get3A_31], %get3A_35 {add = true} : memref<8192xf32, #tpu.memory_space<vmem>>[vector<16xi32>], vector<16xf32>,
    }
    %scan3A_13 = arith.constant 320 : i32
    "tpu.region"() ({
      %run_scoped3A = tpu.sem_alloc : memref<!tpu.dma_semaphore, #tpu.memory_space<semaphore_mem>>
      %dma_start3A = arith.constant 0 : i32
      %dma_start3A_28 = tpu.memref_slice %arg10[%arg1, %dma_start3A] : memref<16x8192xf32, #tpu.memory_space<vmem_shared>> -> memref<1x8192xf32, #tpu.memory_space<vmem_shared>>
      %dma_start3A_29 = tpu.memref_squeeze %dma_start3A_28 : memref<1x8192xf32, #tpu.memory_space<vmem_shared>> -> memref<8192xf32, #tpu.memory_space<vmem_shared>>
      %dma_start3A_30 = arith.constant 0 : i32
      %dma_start3A_31 = tpu.memref_slice %arg10[%arg1, %dma_start3A_30] : memref<16x8192xf32, #tpu.memory_space<vmem_shared>> -> memref<1x8192xf32, #tpu.memory_space<vmem_shared>>
      %dma_start3A_32 = tpu.memref_squeeze %dma_start3A_31 : memref<1x8192xf32, #tpu.memory_space<vmem_shared>> -> memref<8192xf32, #tpu.memory_space<vmem_shared>>
      tpu.enqueue_dma source(%arg7 : memref<8192xf32, #tpu.memory_space<vmem>>) target(%dma_start3A_32 : memref<8192xf32, #tpu.memory_space<vmem_shared>>) target_semaphore(%run_scoped3A : memref<!tpu.dma_semaphore, #tpu.memory_space<semaphore_mem>>)
      %dma_wait3A = arith.constant 0 : i32
      %dma_wait3A_33 = tpu.memref_slice %arg10[%arg1, %dma_wait3A] : memref<16x8192xf32, #tpu.memory_space<vmem_shared>> -> memref<1x8192xf32, #tpu.memory_space<vmem_shared>>
      %dma_wait3A_34 = tpu.memref_squeeze %dma_wait3A_33 : memref<1x8192xf32, #tpu.memory_space<vmem_shared>> -> memref<8192xf32, #tpu.memory_space<vmem_shared>>
      %dma_wait3A_35 = arith.constant 0 : i32
      %dma_wait3A_36 = tpu.memref_slice %arg10[%arg1, %dma_wait3A_35] : memref<16x8192xf32, #tpu.memory_space<vmem_shared>> -> memref<1x8192xf32, #tpu.memory_space<vmem_shared>>
      %dma_wait3A_37 = tpu.memref_squeeze %dma_wait3A_36 : memref<1x8192xf32, #tpu.memory_space<vmem_shared>> -> memref<8192xf32, #tpu.memory_space<vmem_shared>>
      tpu.wait_dma2 semaphore(%run_scoped3A : memref<!tpu.dma_semaphore, #tpu.memory_space<semaphore_mem>>) src(%arg7 : memref<8192xf32, #tpu.memory_space<vmem>>) dst(%dma_wait3A_37 : memref<8192xf32, #tpu.memory_space<vmem_shared>>)
      tpu.yield
    }) : () -> ()
    %barrier3A = arith.constant 0 : index
    tpu.barrier barrier_id(%barrier3A)
    %scan3A_14 = arith.constant 0 : i32
    %scan3A_15 = arith.constant 0 : i32
    %scan3A_16 = arith.constant 16 : i32
    %scan3A_17 = arith.addi %scan3A_15, %scan3A_16 : i32
    %scan3A_18 = arith.constant 1 : i32
    scf.for %scan3A_28 = %scan3A_15 to %scan3A_17 step %scan3A_18  : i32 {
      %mul3A_29 = arith.constant 512 : i32
      %mul3A_30 = arith.muli %arg1, %mul3A_29 : i32
      "tpu.region"() ({
        %run_scoped3A = tpu.sem_alloc : memref<!tpu.dma_semaphore, #tpu.memory_space<semaphore_mem>>
        %dma_start3A = arith.constant 0 : i32
        %dma_start3A_31 = tpu.memref_slice %arg8[%scan3A_28, %dma_start3A] : memref<16x512xf32, #tpu.memory_space<vmem>> -> memref<1x512xf32, #tpu.memory_space<vmem>>
        %dma_start3A_32 = tpu.memref_squeeze %dma_start3A_31 : memref<1x512xf32, #tpu.memory_space<vmem>> -> memref<512xf32, #tpu.memory_space<vmem>>
        %dma_start3A_33 = tpu.memref_slice %arg10[%scan3A_28, %mul3A_30] : memref<16x8192xf32, #tpu.memory_space<vmem_shared>> -> memref<1x512xf32, #tpu.memory_space<vmem_shared>>
        %dma_start3A_34 = tpu.memref_squeeze %dma_start3A_33 : memref<1x512xf32, #tpu.memory_space<vmem_shared>> -> memref<512xf32, #tpu.memory_space<vmem_shared>>
        %dma_start3A_35 = arith.constant 0 : i32
        %dma_start3A_36 = tpu.memref_slice %arg8[%scan3A_28, %dma_start3A_35] : memref<16x512xf32, #tpu.memory_space<vmem>> -> memref<1x512xf32, #tpu.memory_space<vmem>>
        %dma_start3A_37 = tpu.memref_squeeze %dma_start3A_36 : memref<1x512xf32, #tpu.memory_space<vmem>> -> memref<512xf32, #tpu.memory_space<vmem>>
        %dma_start3A_38 = tpu.memref_slice %arg10[%scan3A_28, %mul3A_30] : memref<16x8192xf32, #tpu.memory_space<vmem_shared>> -> memref<1x512xf32, #tpu.memory_space<vmem_shared>>
        %dma_start3A_39 = tpu.memref_squeeze %dma_start3A_38 : memref<1x512xf32, #tpu.memory_space<vmem_shared>> -> memref<512xf32, #tpu.memory_space<vmem_shared>>
        tpu.enqueue_dma source(%dma_start3A_39 : memref<512xf32, #tpu.memory_space<vmem_shared>>) target(%dma_start3A_37 : memref<512xf32, #tpu.memory_space<vmem>>) target_semaphore(%run_scoped3A : memref<!tpu.dma_semaphore, #tpu.memory_space<semaphore_mem>>)
        %dma_wait3A = arith.constant 0 : i32
        %dma_wait3A_40 = tpu.memref_slice %arg8[%scan3A_28, %dma_wait3A] : memref<16x512xf32, #tpu.memory_space<vmem>> -> memref<1x512xf32, #tpu.memory_space<vmem>>
        %dma_wait3A_41 = tpu.memref_squeeze %dma_wait3A_40 : memref<1x512xf32, #tpu.memory_space<vmem>> -> memref<512xf32, #tpu.memory_space<vmem>>
        %dma_wait3A_42 = tpu.memref_slice %arg10[%scan3A_28, %mul3A_30] : memref<16x8192xf32, #tpu.memory_space<vmem_shared>> -> memref<1x512xf32, #tpu.memory_space<vmem_shared>>
        %dma_wait3A_43 = tpu.memref_squeeze %dma_wait3A_42 : memref<1x512xf32, #tpu.memory_space<vmem_shared>> -> memref<512xf32, #tpu.memory_space<vmem_shared>>
        %dma_wait3A_44 = arith.constant 0 : i32
        %dma_wait3A_45 = tpu.memref_slice %arg8[%scan3A_28, %dma_wait3A_44] : memref<16x512xf32, #tpu.memory_space<vmem>> -> memref<1x512xf32, #tpu.memory_space<vmem>>
        %dma_wait3A_46 = tpu.memref_squeeze %dma_wait3A_45 : memref<1x512xf32, #tpu.memory_space<vmem>> -> memref<512xf32, #tpu.memory_space<vmem>>
        %dma_wait3A_47 = tpu.memref_slice %arg10[%scan3A_28, %mul3A_30] : memref<16x8192xf32, #tpu.memory_space<vmem_shared>> -> memref<1x512xf32, #tpu.memory_space<vmem_shared>>
        %dma_wait3A_48 = tpu.memref_squeeze %dma_wait3A_47 : memref<1x512xf32, #tpu.memory_space<vmem_shared>> -> memref<512xf32, #tpu.memory_space<vmem_shared>>
        tpu.wait_dma2 semaphore(%run_scoped3A : memref<!tpu.dma_semaphore, #tpu.memory_space<semaphore_mem>>) src(%dma_wait3A_48 : memref<512xf32, #tpu.memory_space<vmem_shared>>) dst(%dma_wait3A_46 : memref<512xf32, #tpu.memory_space<vmem>>)
        tpu.yield
      }) : () -> ()
    }
    %scan3A_19 = arith.constant 16 : i32
    %scan3A_20 = arith.constant 0 : i32
    %scan3A_21 = arith.constant 0 : i32
    %scan3A_22 = arith.constant 32 : i32
    %scan3A_23 = arith.addi %scan3A_21, %scan3A_22 : i32
    %scan3A_24 = arith.constant 1 : i32
    scf.for %scan3A_28 = %scan3A_21 to %scan3A_23 step %scan3A_24  : i32 {
      %mul3A_29 = arith.constant 16 : i32
      %mul3A_30 = arith.muli %scan3A_28, %mul3A_29 : i32
      %get3A = arith.constant 0 : i32
      %get3A_31 = arith.index_cast %get3A : i32 to index
      %get3A_32 = arith.index_cast %mul3A_30 : i32 to index
      %get3A_33 = tpu.vector_load %arg8[%get3A_31, %get3A_32] {strides = array<i32>} : memref<16x512xf32, #tpu.memory_space<vmem>>, vector<16xf32>,
      %mul3A_34 = arith.constant 16 : i32
      %mul3A_35 = arith.muli %scan3A_28, %mul3A_34 : i32
      %get3A_36 = arith.constant 1 : i32
      %get3A_37 = arith.index_cast %get3A_36 : i32 to index
      %get3A_38 = arith.index_cast %mul3A_35 : i32 to index
      %get3A_39 = tpu.vector_load %arg8[%get3A_37, %get3A_38] {strides = array<i32>} : memref<16x512xf32, #tpu.memory_space<vmem>>, vector<16xf32>,
      %add3A_40 = arith.addf %get3A_33, %get3A_39 : vector<16xf32>
      %mul3A_41 = arith.constant 16 : i32
      %mul3A_42 = arith.muli %scan3A_28, %mul3A_41 : i32
      %get3A_43 = arith.constant 2 : i32
      %get3A_44 = arith.index_cast %get3A_43 : i32 to index
      %get3A_45 = arith.index_cast %mul3A_42 : i32 to index
      %get3A_46 = tpu.vector_load %arg8[%get3A_44, %get3A_45] {strides = array<i32>} : memref<16x512xf32, #tpu.memory_space<vmem>>, vector<16xf32>,
      %add3A_47 = arith.addf %add3A_40, %get3A_46 : vector<16xf32>
      %mul3A_48 = arith.constant 16 : i32
      %mul3A_49 = arith.muli %scan3A_28, %mul3A_48 : i32
      %get3A_50 = arith.constant 3 : i32
      %get3A_51 = arith.index_cast %get3A_50 : i32 to index
      %get3A_52 = arith.index_cast %mul3A_49 : i32 to index
      %get3A_53 = tpu.vector_load %arg8[%get3A_51, %get3A_52] {strides = array<i32>} : memref<16x512xf32, #tpu.memory_space<vmem>>, vector<16xf32>,
      %add3A_54 = arith.addf %add3A_47, %get3A_53 : vector<16xf32>
      %mul3A_55 = arith.constant 16 : i32
      %mul3A_56 = arith.muli %scan3A_28, %mul3A_55 : i32
      %get3A_57 = arith.constant 4 : i32
      %get3A_58 = arith.index_cast %get3A_57 : i32 to index
      %get3A_59 = arith.index_cast %mul3A_56 : i32 to index
      %get3A_60 = tpu.vector_load %arg8[%get3A_58, %get3A_59] {strides = array<i32>} : memref<16x512xf32, #tpu.memory_space<vmem>>, vector<16xf32>,
      %add3A_61 = arith.addf %add3A_54, %get3A_60 : vector<16xf32>
      %mul3A_62 = arith.constant 16 : i32
      %mul3A_63 = arith.muli %scan3A_28, %mul3A_62 : i32
      %get3A_64 = arith.constant 5 : i32
      %get3A_65 = arith.index_cast %get3A_64 : i32 to index
      %get3A_66 = arith.index_cast %mul3A_63 : i32 to index
      %get3A_67 = tpu.vector_load %arg8[%get3A_65, %get3A_66] {strides = array<i32>} : memref<16x512xf32, #tpu.memory_space<vmem>>, vector<16xf32>,
      %add3A_68 = arith.addf %add3A_61, %get3A_67 : vector<16xf32>
      %mul3A_69 = arith.constant 16 : i32
      %mul3A_70 = arith.muli %scan3A_28, %mul3A_69 : i32
      %get3A_71 = arith.constant 6 : i32
      %get3A_72 = arith.index_cast %get3A_71 : i32 to index
      %get3A_73 = arith.index_cast %mul3A_70 : i32 to index
      %get3A_74 = tpu.vector_load %arg8[%get3A_72, %get3A_73] {strides = array<i32>} : memref<16x512xf32, #tpu.memory_space<vmem>>, vector<16xf32>,
      %add3A_75 = arith.addf %add3A_68, %get3A_74 : vector<16xf32>
      %mul3A_76 = arith.constant 16 : i32
      %mul3A_77 = arith.muli %scan3A_28, %mul3A_76 : i32
      %get3A_78 = arith.constant 7 : i32
      %get3A_79 = arith.index_cast %get3A_78 : i32 to index
      %get3A_80 = arith.index_cast %mul3A_77 : i32 to index
      %get3A_81 = tpu.vector_load %arg8[%get3A_79, %get3A_80] {strides = array<i32>} : memref<16x512xf32, #tpu.memory_space<vmem>>, vector<16xf32>,
      %add3A_82 = arith.addf %add3A_75, %get3A_81 : vector<16xf32>
      %mul3A_83 = arith.constant 16 : i32
      %mul3A_84 = arith.muli %scan3A_28, %mul3A_83 : i32
      %get3A_85 = arith.constant 8 : i32
      %get3A_86 = arith.index_cast %get3A_85 : i32 to index
      %get3A_87 = arith.index_cast %mul3A_84 : i32 to index
      %get3A_88 = tpu.vector_load %arg8[%get3A_86, %get3A_87] {strides = array<i32>} : memref<16x512xf32, #tpu.memory_space<vmem>>, vector<16xf32>,
      %add3A_89 = arith.addf %add3A_82, %get3A_88 : vector<16xf32>
      %mul3A_90 = arith.constant 16 : i32
      %mul3A_91 = arith.muli %scan3A_28, %mul3A_90 : i32
      %get3A_92 = arith.constant 9 : i32
      %get3A_93 = arith.index_cast %get3A_92 : i32 to index
      %get3A_94 = arith.index_cast %mul3A_91 : i32 to index
      %get3A_95 = tpu.vector_load %arg8[%get3A_93, %get3A_94] {strides = array<i32>} : memref<16x512xf32, #tpu.memory_space<vmem>>, vector<16xf32>,
      %add3A_96 = arith.addf %add3A_89, %get3A_95 : vector<16xf32>
      %mul3A_97 = arith.constant 16 : i32
      %mul3A_98 = arith.muli %scan3A_28, %mul3A_97 : i32
      %get3A_99 = arith.constant 10 : i32
      %get3A_100 = arith.index_cast %get3A_99 : i32 to index
      %get3A_101 = arith.index_cast %mul3A_98 : i32 to index
      %get3A_102 = tpu.vector_load %arg8[%get3A_100, %get3A_101] {strides = array<i32>} : memref<16x512xf32, #tpu.memory_space<vmem>>, vector<16xf32>,
      %add3A_103 = arith.addf %add3A_96, %get3A_102 : vector<16xf32>
      %mul3A_104 = arith.constant 16 : i32
      %mul3A_105 = arith.muli %scan3A_28, %mul3A_104 : i32
      %get3A_106 = arith.constant 11 : i32
      %get3A_107 = arith.index_cast %get3A_106 : i32 to index
      %get3A_108 = arith.index_cast %mul3A_105 : i32 to index
      %get3A_109 = tpu.vector_load %arg8[%get3A_107, %get3A_108] {strides = array<i32>} : memref<16x512xf32, #tpu.memory_space<vmem>>, vector<16xf32>,
      %add3A_110 = arith.addf %add3A_103, %get3A_109 : vector<16xf32>
      %mul3A_111 = arith.constant 16 : i32
      %mul3A_112 = arith.muli %scan3A_28, %mul3A_111 : i32
      %get3A_113 = arith.constant 12 : i32
      %get3A_114 = arith.index_cast %get3A_113 : i32 to index
      %get3A_115 = arith.index_cast %mul3A_112 : i32 to index
      %get3A_116 = tpu.vector_load %arg8[%get3A_114, %get3A_115] {strides = array<i32>} : memref<16x512xf32, #tpu.memory_space<vmem>>, vector<16xf32>,
      %add3A_117 = arith.addf %add3A_110, %get3A_116 : vector<16xf32>
      %mul3A_118 = arith.constant 16 : i32
      %mul3A_119 = arith.muli %scan3A_28, %mul3A_118 : i32
      %get3A_120 = arith.constant 13 : i32
      %get3A_121 = arith.index_cast %get3A_120 : i32 to index
      %get3A_122 = arith.index_cast %mul3A_119 : i32 to index
      %get3A_123 = tpu.vector_load %arg8[%get3A_121, %get3A_122] {strides = array<i32>} : memref<16x512xf32, #tpu.memory_space<vmem>>, vector<16xf32>,
      %add3A_124 = arith.addf %add3A_117, %get3A_123 : vector<16xf32>
      %mul3A_125 = arith.constant 16 : i32
      %mul3A_126 = arith.muli %scan3A_28, %mul3A_125 : i32
      %get3A_127 = arith.constant 14 : i32
      %get3A_128 = arith.index_cast %get3A_127 : i32 to index
      %get3A_129 = arith.index_cast %mul3A_126 : i32 to index
      %get3A_130 = tpu.vector_load %arg8[%get3A_128, %get3A_129] {strides = array<i32>} : memref<16x512xf32, #tpu.memory_space<vmem>>, vector<16xf32>,
      %add3A_131 = arith.addf %add3A_124, %get3A_130 : vector<16xf32>
      %mul3A_132 = arith.constant 16 : i32
      %mul3A_133 = arith.muli %scan3A_28, %mul3A_132 : i32
      %get3A_134 = arith.constant 15 : i32
      %get3A_135 = arith.index_cast %get3A_134 : i32 to index
      %get3A_136 = arith.index_cast %mul3A_133 : i32 to index
      %get3A_137 = tpu.vector_load %arg8[%get3A_135, %get3A_136] {strides = array<i32>} : memref<16x512xf32, #tpu.memory_space<vmem>>, vector<16xf32>,
      %add3A_138 = arith.addf %add3A_131, %get3A_137 : vector<16xf32>
      %mul3A_139 = arith.constant 16 : i32
      %mul3A_140 = arith.muli %scan3A_28, %mul3A_139 : i32
      %swap3A = arith.index_cast %mul3A_140 : i32 to index
      %swap3A_141 = tpu.vector_load %arg9[%swap3A] {strides = array<i32>} : memref<512xf32, #tpu.memory_space<vmem>>, vector<16xf32>,
      tpu.vector_store %arg9[%swap3A], %add3A_138 {strides = array<i32>} : memref<512xf32, #tpu.memory_space<vmem>>, vector<16xf32>,
    }
    %scan3A_25 = arith.constant 32 : i32
    %mul3A_26 = arith.constant 512 : i32
    %mul3A_27 = arith.muli %arg1, %mul3A_26 : i32
    "tpu.region"() ({
      %run_scoped3A = tpu.sem_alloc : memref<!tpu.dma_semaphore, #tpu.memory_space<semaphore_mem>>
      %dma_start3A = tpu.memref_slice %arg4[%arg0, %mul3A_27] : memref<2x8192xf32, #tpu.memory_space<hbm>> -> memref<1x512xf32, #tpu.memory_space<hbm>>
      %dma_start3A_28 = tpu.memref_squeeze %dma_start3A : memref<1x512xf32, #tpu.memory_space<hbm>> -> memref<512xf32, #tpu.memory_space<hbm>>
      %dma_start3A_29 = tpu.memref_slice %arg4[%arg0, %mul3A_27] : memref<2x8192xf32, #tpu.memory_space<hbm>> -> memref<1x512xf32, #tpu.memory_space<hbm>>
      %dma_start3A_30 = tpu.memref_squeeze %dma_start3A_29 : memref<1x512xf32, #tpu.memory_space<hbm>> -> memref<512xf32, #tpu.memory_space<hbm>>
      tpu.enqueue_dma source(%arg9 : memref<512xf32, #tpu.memory_space<vmem>>) target(%dma_start3A_30 : memref<512xf32, #tpu.memory_space<hbm>>) target_semaphore(%run_scoped3A : memref<!tpu.dma_semaphore, #tpu.memory_space<semaphore_mem>>)
      %dma_wait3A = tpu.memref_slice %arg4[%arg0, %mul3A_27] : memref<2x8192xf32, #tpu.memory_space<hbm>> -> memref<1x512xf32, #tpu.memory_space<hbm>>
      %dma_wait3A_31 = tpu.memref_squeeze %dma_wait3A : memref<1x512xf32, #tpu.memory_space<hbm>> -> memref<512xf32, #tpu.memory_space<hbm>>
      %dma_wait3A_32 = tpu.memref_slice %arg4[%arg0, %mul3A_27] : memref<2x8192xf32, #tpu.memory_space<hbm>> -> memref<1x512xf32, #tpu.memory_space<hbm>>
      %dma_wait3A_33 = tpu.memref_squeeze %dma_wait3A_32 : memref<1x512xf32, #tpu.memory_space<hbm>> -> memref<512xf32, #tpu.memory_space<hbm>>
      tpu.wait_dma2 semaphore(%run_scoped3A : memref<!tpu.dma_semaphore, #tpu.memory_space<semaphore_mem>>) src(%arg9 : memref<512xf32, #tpu.memory_space<vmem>>) dst(%dma_wait3A_33 : memref<512xf32, #tpu.memory_space<hbm>>)
      tpu.yield
    }) : () -> ()
    return
  }
}

module attributes {stable_mosaic.version = 14 : i64} {
  func.func @_mlp_body(%arg0: i32, %arg1: memref<1280x512xf32, #tpu.memory_space<vmem>>, %arg2: memref<8x1280xf32, #tpu.memory_space<vmem>>, %arg3: memref<8x1280xf32, #tpu.memory_space<vmem>>, %arg4: memref<16x8xf32, #tpu.memory_space<vmem>>, %arg5: memref<32x128xf32, #tpu.memory_space<vmem>>, %arg6: memref<128x128xf32, #tpu.memory_space<vmem>>, %arg7: memref<128x128xf32, #tpu.memory_space<vmem>>, %arg8: memref<128x128xf32, #tpu.memory_space<vmem>>, %arg9: memref<1x128xf32, #tpu.memory_space<vmem>>, %arg10: memref<128x64xf32, #tpu.memory_space<vmem>>, %arg11: memref<1x64xf32, #tpu.memory_space<vmem>>, %arg12: memref<1x64xf32, #tpu.memory_space<vmem>>, %arg13: memref<1x1xf32, #tpu.memory_space<vmem>>, %arg14: memref<1280x1xf32, #tpu.memory_space<vmem>>) attributes {dimension_semantics = [#tpu.dimension_semantics<arbitrary>], iteration_bounds = array<i64: 16>, scalar_prefetch = 0 : i64, scratch_operands = 0 : i64, tpu.core_type = #tpu.core_type<tc>, window_params = [{transform_indices = @transform_0, window_bounds = array<i64: 1280, 512>}, {transform_indices = @transform_1, window_bounds = array<i64: 8, 1280>}, {transform_indices = @transform_2, window_bounds = array<i64: 8, 1280>}, {pipeline_mode = #tpu.pipeline_mode<synchronous>, transform_indices = @transform_3, window_bounds = array<i64: 16, 8>}, {pipeline_mode = #tpu.pipeline_mode<synchronous>, transform_indices = @transform_4, window_bounds = array<i64: 32, 128>}, {pipeline_mode = #tpu.pipeline_mode<synchronous>, transform_indices = @transform_5, window_bounds = array<i64: 128, 128>}, {pipeline_mode = #tpu.pipeline_mode<synchronous>, transform_indices = @transform_6, window_bounds = array<i64: 128, 128>}, {pipeline_mode = #tpu.pipeline_mode<synchronous>, transform_indices = @transform_7, window_bounds = array<i64: 128, 128>}, {pipeline_mode = #tpu.pipeline_mode<synchronous>, transform_indices = @transform_8, window_bounds = array<i64: 1, 128>}, {pipeline_mode = #tpu.pipeline_mode<synchronous>, transform_indices = @transform_9, window_bounds = array<i64: 128, 64>}, {pipeline_mode = #tpu.pipeline_mode<synchronous>, transform_indices = @transform_10, window_bounds = array<i64: 1, 64>}, {pipeline_mode = #tpu.pipeline_mode<synchronous>, transform_indices = @transform_11, window_bounds = array<i64: 1, 64>}, {pipeline_mode = #tpu.pipeline_mode<synchronous>, transform_indices = @transform_12, window_bounds = array<i64: 1, 1>}, {transform_indices = @transform_13, window_bounds = array<i64: 1280, 1>}]} {
    %get3A = arith.constant 0 : index
    %get3A_0 = arith.constant 0 : index
    %get3A_1 = vector.load %arg1[%get3A, %get3A_0] : memref<1280x512xf32, #tpu.memory_space<vmem>>, vector<1280x512xf32>
    %slice3A = vector.extract_strided_slice %get3A_1 {offsets = [0, 0], sizes = [1280, 128], strides = [1, 1]} : vector<1280x512xf32> to vector<1280x128xf32>
    %slice3A_2 = vector.extract_strided_slice %get3A_1 {offsets = [0, 128], sizes = [1280, 128], strides = [1, 1]} : vector<1280x512xf32> to vector<1280x128xf32>
    %slice3A_3 = vector.extract_strided_slice %get3A_1 {offsets = [0, 256], sizes = [1280, 128], strides = [1, 1]} : vector<1280x512xf32> to vector<1280x128xf32>
    %slice3A_4 = vector.extract_strided_slice %get3A_1 {offsets = [0, 384], sizes = [1280, 128], strides = [1, 1]} : vector<1280x512xf32> to vector<1280x128xf32>
    %get3A_5 = arith.constant 0 : index
    %get3A_6 = arith.constant 0 : index
    %get3A_7 = vector.load %arg2[%get3A_5, %get3A_6] : memref<8x1280xf32, #tpu.memory_space<vmem>>, vector<3x1280xf32>
    %get3A_8 = arith.constant 3 : index
    %get3A_9 = arith.constant 0 : index
    %get3A_10 = vector.load %arg2[%get3A_8, %get3A_9] : memref<8x1280xf32, #tpu.memory_space<vmem>>, vector<3x1280xf32>
    %get3A_11 = arith.constant 0 : index
    %get3A_12 = arith.constant 0 : index
    %get3A_13 = vector.load %arg3[%get3A_11, %get3A_12] : memref<8x1280xf32, #tpu.memory_space<vmem>>, vector<3x1280xf32>
    %get3A_14 = arith.constant 3 : index
    %get3A_15 = arith.constant 0 : index
    %get3A_16 = vector.load %arg3[%get3A_14, %get3A_15] : memref<8x1280xf32, #tpu.memory_space<vmem>>, vector<1x1280xf32>
    %mul3A = arith.constant 5.000000e-04 : f32
    %mul3A_17 = vector.broadcast %mul3A : f32 to vector<1x1280xf32>
    %mul3A_18 = arith.mulf %get3A_16, %mul3A_17 : vector<1x1280xf32>
    %floor3A = math.floor %mul3A_18 : vector<1x1280xf32>
    %iota3A = tpu.iota {dimensions = array<i32: 0>} : vector<4x1xi32>
    %convert_element_type3A = arith.sitofp %iota3A : vector<4x1xi32> to vector<4x1xf32>
    %eq3A = vector.broadcast %floor3A : vector<1x1280xf32> to vector<4x1280xf32>
    %eq3A_19 = vector.broadcast %convert_element_type3A : vector<4x1xf32> to vector<4x1280xf32>
    %eq3A_20 = arith.cmpf oeq, %eq3A, %eq3A_19 : vector<4x1280xf32>
    %convert_element_type3A_21 = arith.extui %eq3A_20 : vector<4x1280xi1> to vector<4x1280xi32>
    %convert_element_type3A_22 = arith.sitofp %convert_element_type3A_21 : vector<4x1280xi32> to vector<4x1280xf32>
    %get3A_23 = arith.constant 0 : index
    %get3A_24 = arith.constant 0 : index
    %get3A_25 = vector.load %arg4[%get3A_23, %get3A_24] : memref<16x8xf32, #tpu.memory_space<vmem>>, vector<12x3xf32>
    %dot_general3A = arith.constant dense<0.000000e+00> : vector<12x1280xf32>
    %dot_general3A_26 = tpu.matmul %get3A_25, %get3A_13, %dot_general3A {dimension_numbers = #tpu.dot_dimension_numbers<[1], [0], [0], [1], [0, 0, 1, 1], [], []>, precision = #tpu.contract_precision<fp32>, transpose_lhs_hint = false} : vector<12x3xf32>, vector<3x1280xf32>, vector<12x1280xf32> -> vector<12x1280xf32>
    %slice3A_27 = vector.extract_strided_slice %convert_element_type3A_22 {offsets = [0, 0], sizes = [1, 1280], strides = [1, 1]} : vector<4x1280xf32> to vector<1x1280xf32>
    %slice3A_28 = vector.extract_strided_slice %dot_general3A_26 {offsets = [0, 0], sizes = [3, 1280], strides = [1, 1]} : vector<12x1280xf32> to vector<3x1280xf32>
    %mul3A_29 = vector.broadcast %slice3A_27 : vector<1x1280xf32> to vector<3x1280xf32>
    %mul3A_30 = arith.mulf %mul3A_29, %slice3A_28 : vector<3x1280xf32>
    %slice3A_31 = vector.extract_strided_slice %convert_element_type3A_22 {offsets = [1, 0], sizes = [1, 1280], strides = [1, 1]} : vector<4x1280xf32> to vector<1x1280xf32>
    %slice3A_32 = vector.extract_strided_slice %dot_general3A_26 {offsets = [3, 0], sizes = [3, 1280], strides = [1, 1]} : vector<12x1280xf32> to vector<3x1280xf32>
    %mul3A_33 = vector.broadcast %slice3A_31 : vector<1x1280xf32> to vector<3x1280xf32>
    %mul3A_34 = arith.mulf %mul3A_33, %slice3A_32 : vector<3x1280xf32>
    %add3A = arith.addf %mul3A_30, %mul3A_34 : vector<3x1280xf32>
    %slice3A_35 = vector.extract_strided_slice %convert_element_type3A_22 {offsets = [2, 0], sizes = [1, 1280], strides = [1, 1]} : vector<4x1280xf32> to vector<1x1280xf32>
    %slice3A_36 = vector.extract_strided_slice %dot_general3A_26 {offsets = [6, 0], sizes = [3, 1280], strides = [1, 1]} : vector<12x1280xf32> to vector<3x1280xf32>
    %mul3A_37 = vector.broadcast %slice3A_35 : vector<1x1280xf32> to vector<3x1280xf32>
    %mul3A_38 = arith.mulf %mul3A_37, %slice3A_36 : vector<3x1280xf32>
    %add3A_39 = arith.addf %add3A, %mul3A_38 : vector<3x1280xf32>
    %slice3A_40 = vector.extract_strided_slice %convert_element_type3A_22 {offsets = [3, 0], sizes = [1, 1280], strides = [1, 1]} : vector<4x1280xf32> to vector<1x1280xf32>
    %slice3A_41 = vector.extract_strided_slice %dot_general3A_26 {offsets = [9, 0], sizes = [3, 1280], strides = [1, 1]} : vector<12x1280xf32> to vector<3x1280xf32>
    %mul3A_42 = vector.broadcast %slice3A_40 : vector<1x1280xf32> to vector<3x1280xf32>
    %mul3A_43 = arith.mulf %mul3A_42, %slice3A_41 : vector<3x1280xf32>
    %add3A_44 = arith.addf %add3A_39, %mul3A_43 : vector<3x1280xf32>
    %add3A_45 = arith.addf %get3A_7, %add3A_44 : vector<3x1280xf32>
    %sub3A = arith.subf %get3A_10, %add3A_45 : vector<3x1280xf32>
    %mul3A_46 = arith.mulf %sub3A, %sub3A : vector<3x1280xf32>
    %reduce_sum3A = arith.constant dense<0.000000e+00> : vector<1280xf32>
    %reduce_sum3A_47 = vector.multi_reduction <add>, %mul3A_46, %reduce_sum3A [0] : vector<3x1280xf32> to vector<1280xf32>
    %broadcast_in_dim3A = vector.shape_cast %reduce_sum3A_47 : vector<1280xf32> to vector<1x1280xf32>
    %sqrt3A = math.sqrt %broadcast_in_dim3A : vector<1x1280xf32>
    %add3A_48 = arith.constant 9.99999993E-9 : f32
    %add3A_49 = vector.broadcast %add3A_48 : f32 to vector<1x1280xf32>
    %add3A_50 = arith.addf %sqrt3A, %add3A_49 : vector<1x1280xf32>
    %div3A = arith.constant 1.000000e+00 : f32
    %div3A_51 = vector.broadcast %div3A : f32 to vector<1x1280xf32>
    %div3A_52 = arith.divf %div3A_51, %add3A_50 : vector<1x1280xf32>
    %div3A_53 = arith.constant 1.000000e+00 : f32
    %div3A_54 = vector.broadcast %div3A_53 : f32 to vector<1x1280xf32>
    %div3A_55 = arith.divf %div3A_54, %sqrt3A : vector<1x1280xf32>
    %mul3A_56 = arith.constant 0.628318548 : f32
    %mul3A_57 = vector.broadcast %mul3A_56 : f32 to vector<1x1280xf32>
    %mul3A_58 = arith.mulf %sqrt3A, %mul3A_57 : vector<1x1280xf32>
    %cos3A = math.cos %mul3A_58 : vector<1x1280xf32>
    %add3A_59 = arith.constant 1.000000e+00 : f32
    %add3A_60 = vector.broadcast %add3A_59 : f32 to vector<1x1280xf32>
    %add3A_61 = arith.addf %cos3A, %add3A_60 : vector<1x1280xf32>
    %mul3A_62 = arith.constant 5.000000e-01 : f32
    %mul3A_63 = vector.broadcast %mul3A_62 : f32 to vector<1x1280xf32>
    %mul3A_64 = arith.mulf %mul3A_63, %add3A_61 : vector<1x1280xf32>
    %lt3A = arith.constant 5.000000e+00 : f32
    %lt3A_65 = vector.broadcast %lt3A : f32 to vector<1x1280xf32>
    %lt3A_66 = arith.cmpf olt, %sqrt3A, %lt3A_65 : vector<1x1280xf32>
    %jit3A = arith.constant 0.000000e+00 : f32
    %broadcast_in_dim3A_67 = vector.broadcast %jit3A : f32 to vector<1x1280xf32>
    %select_n3A = arith.select %lt3A_66, %mul3A_64, %broadcast_in_dim3A_67 : vector<1x1280xi1>, vector<1x1280xf32>
    %iota3A_68 = tpu.iota {dimensions = array<i32: 0>} : vector<32x1xi32>
    %convert_element_type3A_69 = arith.sitofp %iota3A_68 : vector<32x1xi32> to vector<32x1xf32>
    %add3A_70 = arith.constant 1.000000e+00 : f32
    %add3A_71 = vector.broadcast %add3A_70 : f32 to vector<32x1xf32>
    %add3A_72 = arith.addf %convert_element_type3A_69, %add3A_71 : vector<32x1xf32>
    %mul3A_73 = vector.broadcast %sqrt3A : vector<1x1280xf32> to vector<32x1280xf32>
    %mul3A_74 = vector.broadcast %add3A_72 : vector<32x1xf32> to vector<32x1280xf32>
    %mul3A_75 = arith.mulf %mul3A_73, %mul3A_74 : vector<32x1280xf32>
    %mul3A_76 = arith.constant 0.628318548 : f32
    %mul3A_77 = vector.broadcast %mul3A_76 : f32 to vector<32x1280xf32>
    %mul3A_78 = arith.mulf %mul3A_75, %mul3A_77 : vector<32x1280xf32>
    %sin3A = math.sin %mul3A_78 : vector<32x1280xf32>
    %mul3A_79 = vector.broadcast %div3A_55 : vector<1x1280xf32> to vector<32x1280xf32>
    %mul3A_80 = arith.mulf %sin3A, %mul3A_79 : vector<32x1280xf32>
    %transpose3A = tpu.transpose %mul3A_80, [1, 0] : vector<32x1280xf32> -> vector<1280x32xf32>
    %mul3A_81 = vector.broadcast %div3A_52 : vector<1x1280xf32> to vector<3x1280xf32>
    %mul3A_82 = arith.mulf %sub3A, %mul3A_81 : vector<3x1280xf32>
    %transpose3A_83 = tpu.transpose %mul3A_82, [1, 0] : vector<3x1280xf32> -> vector<1280x3xf32>
    %slice3A_84 = vector.extract_strided_slice %transpose3A_83 {offsets = [0, 0], sizes = [1280, 1], strides = [1, 1]} : vector<1280x3xf32> to vector<1280x1xf32>
    %mul3A_85 = vector.broadcast %slice3A_84 : vector<1280x1xf32> to vector<1280x128xf32>
    %mul3A_86 = arith.mulf %slice3A_2, %mul3A_85 : vector<1280x128xf32>
    %slice3A_87 = vector.extract_strided_slice %transpose3A_83 {offsets = [0, 1], sizes = [1280, 1], strides = [1, 1]} : vector<1280x3xf32> to vector<1280x1xf32>
    %mul3A_88 = vector.broadcast %slice3A_87 : vector<1280x1xf32> to vector<1280x128xf32>
    %mul3A_89 = arith.mulf %slice3A_3, %mul3A_88 : vector<1280x128xf32>
    %add3A_90 = arith.addf %mul3A_86, %mul3A_89 : vector<1280x128xf32>
    %slice3A_91 = vector.extract_strided_slice %transpose3A_83 {offsets = [0, 2], sizes = [1280, 1], strides = [1, 1]} : vector<1280x3xf32> to vector<1280x1xf32>
    %mul3A_92 = vector.broadcast %slice3A_91 : vector<1280x1xf32> to vector<1280x128xf32>
    %mul3A_93 = arith.mulf %slice3A_4, %mul3A_92 : vector<1280x128xf32>
    %add3A_94 = arith.addf %add3A_90, %mul3A_93 : vector<1280x128xf32>
    %mul3A_95 = arith.mulf %slice3A_2, %slice3A_2 : vector<1280x128xf32>
    %mul3A_96 = arith.mulf %slice3A_3, %slice3A_3 : vector<1280x128xf32>
    %add3A_97 = arith.addf %mul3A_95, %mul3A_96 : vector<1280x128xf32>
    %mul3A_98 = arith.mulf %slice3A_4, %slice3A_4 : vector<1280x128xf32>
    %add3A_99 = arith.addf %add3A_97, %mul3A_98 : vector<1280x128xf32>
    %sqrt3A_100 = math.sqrt %add3A_99 : vector<1280x128xf32>
    %get3A_101 = arith.constant 0 : index
    %get3A_102 = arith.constant 0 : index
    %get3A_103 = vector.load %arg5[%get3A_101, %get3A_102] : memref<32x128xf32, #tpu.memory_space<vmem>>, vector<32x128xf32>
    %dot_general3A_104 = arith.constant dense<0.000000e+00> : vector<1280x128xf32>
    %dot_general3A_105 = tpu.matmul %transpose3A, %get3A_103, %dot_general3A_104 {dimension_numbers = #tpu.dot_dimension_numbers<[1], [0], [0], [1], [0, 0, 1, 1], [], []>, transpose_lhs_hint = false} : vector<1280x32xf32>, vector<32x128xf32>, vector<1280x128xf32> -> vector<1280x128xf32>
    %get3A_106 = arith.constant 0 : index
    %get3A_107 = arith.constant 0 : index
    %get3A_108 = vector.load %arg6[%get3A_106, %get3A_107] : memref<128x128xf32, #tpu.memory_space<vmem>>, vector<128x128xf32>
    %dot_general3A_109 = arith.constant dense<0.000000e+00> : vector<1280x128xf32>
    %dot_general3A_110 = tpu.matmul %add3A_94, %get3A_108, %dot_general3A_109 {dimension_numbers = #tpu.dot_dimension_numbers<[1], [0], [0], [1], [0, 0, 1, 1], [], []>, transpose_lhs_hint = false} : vector<1280x128xf32>, vector<128x128xf32>, vector<1280x128xf32> -> vector<1280x128xf32>
    %add3A_111 = arith.addf %dot_general3A_105, %dot_general3A_110 : vector<1280x128xf32>
    %get3A_112 = arith.constant 0 : index
    %get3A_113 = arith.constant 0 : index
    %get3A_114 = vector.load %arg7[%get3A_112, %get3A_113] : memref<128x128xf32, #tpu.memory_space<vmem>>, vector<128x128xf32>
    %dot_general3A_115 = arith.constant dense<0.000000e+00> : vector<1280x128xf32>
    %dot_general3A_116 = tpu.matmul %sqrt3A_100, %get3A_114, %dot_general3A_115 {dimension_numbers = #tpu.dot_dimension_numbers<[1], [0], [0], [1], [0, 0, 1, 1], [], []>, transpose_lhs_hint = false} : vector<1280x128xf32>, vector<128x128xf32>, vector<1280x128xf32> -> vector<1280x128xf32>
    %add3A_117 = arith.addf %add3A_111, %dot_general3A_116 : vector<1280x128xf32>
    %get3A_118 = arith.constant 0 : index
    %get3A_119 = arith.constant 0 : index
    %get3A_120 = vector.load %arg8[%get3A_118, %get3A_119] : memref<128x128xf32, #tpu.memory_space<vmem>>, vector<128x128xf32>
    %dot_general3A_121 = arith.constant dense<0.000000e+00> : vector<1280x128xf32>
    %dot_general3A_122 = tpu.matmul %slice3A, %get3A_120, %dot_general3A_121 {dimension_numbers = #tpu.dot_dimension_numbers<[1], [0], [0], [1], [0, 0, 1, 1], [], []>, transpose_lhs_hint = false} : vector<1280x128xf32>, vector<128x128xf32>, vector<1280x128xf32> -> vector<1280x128xf32>
    %add3A_123 = arith.addf %add3A_117, %dot_general3A_122 : vector<1280x128xf32>
    %get3A_124 = arith.constant 0 : index
    %get3A_125 = arith.constant 0 : index
    %get3A_126 = vector.load %arg9[%get3A_124, %get3A_125] : memref<1x128xf32, #tpu.memory_space<vmem>>, vector<1x128xf32>
    %add3A_127 = vector.broadcast %get3A_126 : vector<1x128xf32> to vector<1280x128xf32>
    %add3A_128 = arith.addf %add3A_123, %add3A_127 : vector<1280x128xf32>
    %logistic3A = arith.negf %add3A_128 : vector<1280x128xf32>
    %logistic3A_129 = math.exp %logistic3A : vector<1280x128xf32>
    %logistic3A_130 = arith.constant 1.000000e+00 : f32
    %logistic3A_131 = vector.broadcast %logistic3A_130 : f32 to vector<1280x128xf32>
    %logistic3A_132 = arith.addf %logistic3A_131, %logistic3A_129 : vector<1280x128xf32>
    %logistic3A_133 = arith.divf %logistic3A_131, %logistic3A_132 : vector<1280x128xf32>
    %mul3A_134 = arith.mulf %add3A_128, %logistic3A_133 : vector<1280x128xf32>
    %get3A_135 = arith.constant 0 : index
    %get3A_136 = arith.constant 0 : index
    %get3A_137 = vector.load %arg10[%get3A_135, %get3A_136] : memref<128x64xf32, #tpu.memory_space<vmem>>, vector<128x64xf32>
    %dot_general3A_138 = arith.constant dense<0.000000e+00> : vector<1280x64xf32>
    %dot_general3A_139 = tpu.matmul %mul3A_134, %get3A_137, %dot_general3A_138 {dimension_numbers = #tpu.dot_dimension_numbers<[1], [0], [0], [1], [0, 0, 1, 1], [], []>, transpose_lhs_hint = false} : vector<1280x128xf32>, vector<128x64xf32>, vector<1280x64xf32> -> vector<1280x64xf32>
    %get3A_140 = arith.constant 0 : index
    %get3A_141 = arith.constant 0 : index
    %get3A_142 = vector.load %arg11[%get3A_140, %get3A_141] : memref<1x64xf32, #tpu.memory_space<vmem>>, vector<1x64xf32>
    %add3A_143 = vector.broadcast %get3A_142 : vector<1x64xf32> to vector<1280x64xf32>
    %add3A_144 = arith.addf %dot_general3A_139, %add3A_143 : vector<1280x64xf32>
    %logistic3A_145 = arith.negf %add3A_144 : vector<1280x64xf32>
    %logistic3A_146 = math.exp %logistic3A_145 : vector<1280x64xf32>
    %logistic3A_147 = arith.constant 1.000000e+00 : f32
    %logistic3A_148 = vector.broadcast %logistic3A_147 : f32 to vector<1280x64xf32>
    %logistic3A_149 = arith.addf %logistic3A_148, %logistic3A_146 : vector<1280x64xf32>
    %logistic3A_150 = arith.divf %logistic3A_148, %logistic3A_149 : vector<1280x64xf32>
    %mul3A_151 = arith.mulf %add3A_144, %logistic3A_150 : vector<1280x64xf32>
    %get3A_152 = arith.constant 0 : index
    %get3A_153 = arith.constant 0 : index
    %get3A_154 = vector.load %arg12[%get3A_152, %get3A_153] : memref<1x64xf32, #tpu.memory_space<vmem>>, vector<1x64xf32>
    %mul3A_155 = vector.broadcast %get3A_154 : vector<1x64xf32> to vector<1280x64xf32>
    %mul3A_156 = arith.mulf %mul3A_151, %mul3A_155 : vector<1280x64xf32>
    %reduce_sum3A_157 = arith.constant dense<0.000000e+00> : vector<1280xf32>
    %reduce_sum3A_158 = vector.multi_reduction <add>, %mul3A_156, %reduce_sum3A_157 [1] : vector<1280x64xf32> to vector<1280xf32>
    %broadcast_in_dim3A_159 = vector.shape_cast %reduce_sum3A_158 : vector<1280xf32> to vector<1280x1xf32>
    %get3A_160 = arith.constant 0 : index
    %get3A_161 = arith.constant 0 : index
    %get3A_162 = vector.load %arg13[%get3A_160, %get3A_161] : memref<1x1xf32, #tpu.memory_space<vmem>>, vector<1x1xf32>
    %add3A_163 = vector.broadcast %get3A_162 : vector<1x1xf32> to vector<1280x1xf32>
    %add3A_164 = arith.addf %broadcast_in_dim3A_159, %add3A_163 : vector<1280x1xf32>
    %transpose3A_165 = tpu.transpose %select_n3A, [1, 0] : vector<1x1280xf32> -> vector<1280x1xf32>
    %mul3A_166 = arith.mulf %add3A_164, %transpose3A_165 : vector<1280x1xf32>
    %swap3A = arith.constant 0 : index
    %swap3A_167 = arith.constant 0 : index
    %swap3A_168 = vector.load %arg14[%swap3A, %swap3A_167] : memref<1280x1xf32, #tpu.memory_space<vmem>>, vector<1280x1xf32>
    tpu.vector_store %arg14[%swap3A, %swap3A_167], %mul3A_166 {strides = array<i32>} : memref<1280x1xf32, #tpu.memory_space<vmem>>, vector<1280x1xf32>,
    return
  }
  func.func @transform_0(%arg0: i32) -> (i32, i32) {
    %c0_i32 = arith.constant 0 : i32
    %c0_i32_0 = arith.constant 0 : i32
    return %arg0, %c0_i32 : i32, i32
  }
  func.func @transform_1(%arg0: i32) -> (i32, i32) {
    %c0_i32 = arith.constant 0 : i32
    %c0_i32_0 = arith.constant 0 : i32
    return %c0_i32, %arg0 : i32, i32
  }
  func.func @transform_2(%arg0: i32) -> (i32, i32) {
    %c0_i32 = arith.constant 0 : i32
    %c0_i32_0 = arith.constant 0 : i32
    return %c0_i32, %arg0 : i32, i32
  }
  func.func @transform_3(%arg0: i32) -> (i32, i32) {
    %c0_i32 = arith.constant 0 : i32
    %c0_i32_0 = arith.constant 0 : i32
    %c0_i32_1 = arith.constant 0 : i32
    return %c0_i32, %c0_i32_0 : i32, i32
  }
  func.func @transform_4(%arg0: i32) -> (i32, i32) {
    %c0_i32 = arith.constant 0 : i32
    %c0_i32_0 = arith.constant 0 : i32
    %c0_i32_1 = arith.constant 0 : i32
    return %c0_i32, %c0_i32_0 : i32, i32
  }
  func.func @transform_5(%arg0: i32) -> (i32, i32) {
    %c0_i32 = arith.constant 0 : i32
    %c0_i32_0 = arith.constant 0 : i32
    %c0_i32_1 = arith.constant 0 : i32
    return %c0_i32, %c0_i32_0 : i32, i32
  }
  func.func @transform_6(%arg0: i32) -> (i32, i32) {
    %c0_i32 = arith.constant 0 : i32
    %c0_i32_0 = arith.constant 0 : i32
    %c0_i32_1 = arith.constant 0 : i32
    return %c0_i32, %c0_i32_0 : i32, i32
  }
  func.func @transform_7(%arg0: i32) -> (i32, i32) {
    %c0_i32 = arith.constant 0 : i32
    %c0_i32_0 = arith.constant 0 : i32
    %c0_i32_1 = arith.constant 0 : i32
    return %c0_i32, %c0_i32_0 : i32, i32
  }
  func.func @transform_8(%arg0: i32) -> (i32, i32) {
    %c0_i32 = arith.constant 0 : i32
    %c0_i32_0 = arith.constant 0 : i32
    %c0_i32_1 = arith.constant 0 : i32
    return %c0_i32, %c0_i32_0 : i32, i32
  }
  func.func @transform_9(%arg0: i32) -> (i32, i32) {
    %c0_i32 = arith.constant 0 : i32
    %c0_i32_0 = arith.constant 0 : i32
    %c0_i32_1 = arith.constant 0 : i32
    return %c0_i32, %c0_i32_0 : i32, i32
  }
  func.func @transform_10(%arg0: i32) -> (i32, i32) {
    %c0_i32 = arith.constant 0 : i32
    %c0_i32_0 = arith.constant 0 : i32
    %c0_i32_1 = arith.constant 0 : i32
    return %c0_i32, %c0_i32_0 : i32, i32
  }
  func.func @transform_11(%arg0: i32) -> (i32, i32) {
    %c0_i32 = arith.constant 0 : i32
    %c0_i32_0 = arith.constant 0 : i32
    %c0_i32_1 = arith.constant 0 : i32
    return %c0_i32, %c0_i32_0 : i32, i32
  }
  func.func @transform_12(%arg0: i32) -> (i32, i32) {
    %c0_i32 = arith.constant 0 : i32
    %c0_i32_0 = arith.constant 0 : i32
    %c0_i32_1 = arith.constant 0 : i32
    return %c0_i32, %c0_i32_0 : i32, i32
  }
  func.func @transform_13(%arg0: i32) -> (i32, i32) {
    %c0_i32 = arith.constant 0 : i32
    %c0_i32_0 = arith.constant 0 : i32
    return %arg0, %c0_i32 : i32, i32
  }
}

</mosaic_0001>

<sc_bundles>
// kernel: kernel.20.cloned.1.call-start
scs
__scs_entry_jumppad:
0x0: {  	(pc) =	sbr.rel $0x88, $3  }
0x1: {  	(tag) =	ssettag $0x0;
	lr =	simm.s32 $0x1  }
0x2: {  	[smem:$0x3F93] =	sst lr;
	_ =	strace $0xD0000000  }
0x3: {  	_ = 	snop  }
0x4: {  	_ = 	snop  }
0x5: {  	_ = 	snop  }
0x6: {  	_ = 	snop  }
0x7: {  	_ = 	snop  }
__scs_overlays_trampoline_lowered:
0x8: {  	[smem:$0x3FA2] =	sst s0  }
0x9: {  	[smem:$0x3FA3] =	sst s1  }
0xa: {  	[smem:$0x3FA4] =	sst s2  }
0xb: {  	[smem:$0x3FA5] =	sst s3  }
0xc: {  	[smem:$0x3FA6] =	sst s4  }
0xd: {  	[smem:$0x3FA7] =	sst s5  }
0xe: {  	[smem:$0x3FA8] =	sst s6  }
0xf: {  	[smem:$0x3FA9] =	sst s7  }
0x10: {  	[smem:$0x3FAA] =	sst s8  }
0x11: {  	[smem:$0x3FAB] =	sst s9;
	s0 =	simm.s32 @!p0 $0x0  }
0x12: {  	s1 =	sld [smem:$0x3F91];
	s0 =	simm.s32 @p0 $0x1  }
0x13: {  	[smem:$0x3FAC] =	sst s0;
	s0 =	simm.s32 @!p1 $0x0  }
0x14: {  	s2 =	sld [smem:$0x3F90];
	s0 =	simm.s32 @p1 $0x1  }
0x15: {  	[smem:$0x3FAD] =	sst s0;
	s0 =	simm.s32 @!p2 $0x0  }
0x16: {  	s3 =	sld [smem:$0x3FDB];
	s0 =	simm.s32 @p2 $0x1  }
0x17: {  	s4 =	simm.s32 $0x1BF5;
	[smem:$0x3FAF] =	sst s0  }
0x18: {  	s0 =	sld [smem:$0x3F92];
	_ =	swait.ge [sflag:s4], $0x0  }
0x19: {  	s7 =	sld [smem:$0x3F93]  }
0x1a: {  	s8 =	sadd.s32 $0xFFFFE003, lr  }
0x1b: {  	s9 =	sadd.s32 $0xFFFFFEF7, lr;
	s5 =	simm.s32 $0xFFFFFFFF;
	p2 =	slt.u32 s8, $0xFFFFF086  }
0x1c: {  	p1 =	slt.u32 s9, $0xF7A;
	s5 =	simm.s32 @!p2 $0x0  }
0x1d: {  	s5 =	simm.s32 @p1 $0x1;
	p0 =	seq.s32 s7, s2  }
0x1e: {  	s7 =	smul.u32 @!p0 $0xF7A, s2;
	p2 =	seq.s32 @!p0 s5, $0x0  }
0x1f: {  	s9 =	smul.u32 $0xF7A, s1;
	s8 =	simm.s32 @!p0 $0x1BF5;
	p2 =	por !p2, p0  }
0x20: {  	[sflag:s8] =	ssyncset.s32 @!p0 $0xFFFFF086;
	s6 =	sadd.s32 @!p0 s3, s7;
	s7 =	simm.s32 @!p0 $0x108  }
0x21: {  	s3 =	sadd.s32 s3, s9;
	s6 =	sadd.s32 @!p0 $0x88, s6;
	s7 =	simm.s32 @p2 $0x1082  }
0x22: {  	[simem:s7], [sflag:s8] =	dma.local @!p0 [hbm:s6], $0xF7A  }
0x23: {  	s9 =	sor.u32 $0xD0000000, s2;
	s6 =	simm.s32 $0x108;
	_ =	swait.ge @!p0 [sflag:s8], $0x0  }
0x24: {  	s3 =	sadd.s32 $0x88, s3;
	s6 =	simm.s32 @!p1 $0x1082;
	[sflag:s4] =	ssyncset.s32 $0xFFFFF086  }
0x25: {  	[simem:s6], [sflag:s4] =	dma.local [hbm:s3], $0xF7A  }
0x26: {  	[smem:$0x3F93] =	sst s1;
	(tag) =	ssettag s2;
	_ =	strace s9  }
0x27: {  	s1 =	sld [smem:$0x3FA3]  }
0x28: {  	s2 =	sld [smem:$0x3FA4]  }
0x29: {  	s4 =	sld [smem:$0x3FA6]  }
0x2a: {  	p0 =	seq.s32 s5, $0x0;
	s5 =	sld [smem:$0x3FA7]  }
0x2b: {  	s6 =	sld [smem:$0x3FA8]  }
0x2c: {  	s7 =	sld [smem:$0x3FA9]  }
0x2d: {  	s3 =	simm.s32 $0x108;
	s8 =	sld [smem:$0x3FAA]  }
0x2e: {  	s3 =	simm.s32 @!p0 $0x1082;
	s9 =	sld [smem:$0x3FAB]  }
0x2f: {  	lr =	sadd.s32 s0, s3;
	s0 =	sld [smem:$0x3FA2]  }
0x30: {  	s3 =	sld [smem:$0x3FA5]  }
0x31: {  	[smem:$0x3FAE] =	sst s10  }
0x32: {  	s10 =	sld [smem:$0x3FAC];
	_ =	sdelay $0x3  }
0x33: {  	p0 =	seq.s32 s10, $0x1;
	s10 =	sld [smem:$0x3FAE];
	_ =	sdelay $0x3  }
0x34: {  	[smem:$0x3FAE] =	sst s10  }
0x35: {  	s10 =	sld [smem:$0x3FAD];
	_ =	sdelay $0x3  }
0x36: {  	p1 =	seq.s32 s10, $0x1;
	s10 =	sld [smem:$0x3FAE];
	_ =	sdelay $0x3  }
0x37: {  	[smem:$0x3FAE] =	sst s10  }
0x38: {  	s10 =	sld [smem:$0x3FAF]  }
0x39: {  	_ = 	snop;
	(pc) =	sbr.ind lr, $3  }
0x3a: {  	_ = 	snop  }
0x3b: {  	_ = 	snop  }
0x3c: {  	p2 =	seq.s32 s10, $0x1;
	s10 =	sld [smem:$0x3FAE]  }
0x3d: {  	_ =	shalt  }
0x3e: {  	_ =	shalt  }
0x3f: {  	_ =	shalt  }
0x40: {  	_ =	shalt  }
0x41: {  	_ =	shalt  }
0x42: {  	_ =	shalt  }
0x43: {  	_ =	shalt  }
0x44: {  	_ =	shalt  }
0x45: {  	_ =	shalt  }
0x46: {  	_ =	shalt  }
0x47: {  	_ =	shalt  }
0x48: {  	_ =	shalt  }
0x49: {  	_ =	shalt  }
0x4a: {  	_ =	shalt  }
0x4b: {  	_ =	shalt  }
0x4c: {  	_ =	shalt  }
0x4d: {  	_ =	shalt  }
0x4e: {  	_ =	shalt  }
0x4f: {  	_ =	shalt  }
0x50: {  	_ =	shalt  }
0x51: {  	_ =	shalt  }
0x52: {  	_ =	shalt  }
0x53: {  	_ =	shalt  }
0x54: {  	_ =	shalt  }
0x55: {  	_ =	shalt  }
0x56: {  	_ =	shalt  }
0x57: {  	_ =	shalt  }
0x58: {  	_ =	shalt  }
0x59: {  	_ =	shalt  }
0x5a: {  	_ =	shalt  }
0x5b: {  	_ =	shalt  }
0x5c: {  	_ =	shalt  }
0x5d: {  	_ =	shalt  }
0x5e: {  	_ =	shalt  }
0x5f: {  	_ =	shalt  }
0x60: {  	_ =	shalt  }
0x61: {  	_ =	shalt  }
0x62: {  	_ =	shalt  }
0x63: {  	_ =	shalt  }
0x64: {  	_ =	shalt  }
0x65: {  	_ =	shalt  }
0x66: {  	_ =	shalt  }
0x67: {  	_ =	shalt  }
0x68: {  	_ =	shalt  }
0x69: {  	_ =	shalt  }
0x6a: {  	_ =	shalt  }
0x6b: {  	_ =	shalt  }
0x6c: {  	_ =	shalt  }
0x6d: {  	_ =	shalt  }
0x6e: {  	_ =	shalt  }
0x6f: {  	_ =	shalt  }
0x70: {  	_ =	shalt  }
0x71: {  	_ =	shalt  }
0x72: {  	_ =	shalt  }
0x73: {  	_ =	shalt  }
0x74: {  	_ =	shalt  }
0x75: {  	_ =	shalt  }
0x76: {  	_ =	shalt  }
0x77: {  	_ =	shalt  }
0x78: {  	_ =	shalt  }
0x79: {  	_ =	shalt  }
0x7a: {  	_ =	shalt  }
0x7b: {  	_ =	shalt  }
0x7c: {  	_ =	shalt  }
0x7d: {  	_ =	shalt  }
0x7e: {  	_ =	shalt  }
0x7f: {  	_ =	shalt  }
0x80: {  	_ =	shalt  }
0x81: {  	_ =	shalt  }
0x82: {  	_ =	shalt  }
0x83: {  	_ =	shalt  }
0x84: {  	_ =	shalt  }
0x85: {  	_ =	shalt  }
0x86: {  	_ =	shalt  }
0x87: {  	_ =	shalt  }
.Lfunc_end0:
.L_simem_size_0:
called_computation_lowered:
.L_overlay_start_0:
0x88: {  	s2 =	sld [smem:$0x3FD9]  }
0x89: {  	s3 =	sld [smem:$0x3FFE];
	_ =	sdelay $0x1  }
0x8a: {  	s1 =	srdreg.scid  }
0x8b: {  	s0 =	sand.u32 $0x1, s1  }
0x8c: {  	s16 =	sshll.u32 s0, $0xA;
	s2 =	sadd.s32 s3, s2  }
0x8d: {  	s2 =	sadd.s32 s2, s16  }
0x8e: {  	[smem:$0x3FBA] =	sst s2  }
0x8f: {  	_ = 	snop  }
0x90: {  	(tm) =	ssettm $0x1  }
0x91: {  	s17 =	sld [smem:$0x3FFB];
	_ =	sdelay $0x3  }
0x92: {  	_ =	strace s17  }
0x93: {  	s2 =	sld [smem:$0x3FFC];
	_ =	sdelay $0x3  }
0x94: {  	_ =	strace s2  }
0x95: {  	s2 =	sld [smem:$0x3FFD];
	_ =	sdelay $0x3  }
0x96: {  	_ =	strace s2  }
0x97: {  	_ =	strace $0x8FFFFFFF  }
0x98: {  	s18 =	sld [smem:$0x3FDB];
	_ =	sdelay $0x1  }
0x99: {  	s19 =	simm.s32 $_scs_section_size  }
0x9a: {  	s4 =	simm.s32 $_size__tile_overlayer_lowered;
	s5 =	simm.s32 $_tile_overlayer_lowered  }
0x9b: {  	s22 =	simm.s32 $0x1BFF;
	s21 =	sshll.u32 s5, $0x1;
	s2 =	sadd.s32 s19, s18  }
0x9c: {  	s6 =	simm.s32 $0x0;
	s20 =	sshll.u32 s4, $0x1;
	s4 =	sadd.s32 s21, s2  }
0x9d: {  	[timem:s6], [sflag:s22] =	dma.local [hbm:s4], s20  }
0x9e: {  	_ =	swait.ge [sflag:s22], s20  }
0x9f: {  	s3 =	ssub.s32 $0x0, s20;
	[sflag:s22] =	ssyncset.done $0x0  }
0xa0: {  	[sflag:s22] =	ssyncadd.s32 s3;
	_ =	sdelay $0x1  }
0xa1: {  	s23 =	simm.s32 $0x1B8B  }
0xa2: {  	_ =	swait.ge [sflag:s23], $0x1  }
0xa3: {  	[sflag:s23] =	ssyncset.done $0x0  }
0xa4: {  	s25 =	simm.s32 $0x1B8E;
	s24 =	sld [smem:$0x3FFE];
	[sflag:s23] =	ssyncadd.s32 $0xFFFFFFFF  }
0xa5: {  	s26 =	simm.s32 $execute0_lowered;
	[smem:$0x3FD2] =	sst s25  }
0xa6: {  	s4 =	sshll.u32 s26, $0x1;
	_ =	strace $0x80000046;
	[dreg:$0x1] =	wrdreg $0xFFFFFFFF  }
0xa7: {  	s28 =	simm.s32 $_size_execute0_lowered;
	s2 =	sadd.s32 s2, s4;
	[dreg:$0x0] =	wrdreg $0x0  }
0xa8: {  	s4 =	sshll.u32 s28, $0x1;
	[dreg:$0x2] =	wrdreg s2  }
0xa9: {  	[dreg:$0x3] =	wrdreg s4  }
0xaa: {  	[dreg:$0x4] =	wrdreg $0xC0  }
0xab: {  	_ =	task [dreg:s6], $0x5FFFF  }
0xac: {  	[dreg:$0x1] =	wrdreg $0xFFFFFFFF  }
0xad: {  	[dreg:$0x0] =	wrdreg $0x60  }
0xae: {  	[dreg:$0x2] =	wrdreg s24  }
0xaf: {  	[dreg:$0x3] =	wrdreg $0x9  }
0xb0: {  	_ =	task.clear_ibuf [dreg:s6], $0x4FFFF;
	_ =	strace $0x90000046  }
0xb1: {  	s29 =	simm.s32 $0x9;
	_ =	strace $0x80000048  }
0xb2: {  	_ =	swait.ge [sflag:s29], $0x1  }
0xb3: {  	[sflag:s29] =	ssyncadd.s32 $0xFFFFFFFF  }
0xb4: {  	_ =	strace $0x90000048  }
0xb5: {  	_ =	sfence  }
0xb6: {  	s30 =	sld [smem:$0x0];
	_ =	sdelay $0x2  }
0xb7: {  	s31 =	sshll.u32 s1, $0xD;
	s1 =	sshrl.u32 s1, $0x2  }
0xb8: {  	s3 =	sand.u32 $0x4000, s31;
	s1 =	sadd.s32 s1, s30  }
0xb9: {  	s0 =	sor.u32 s3, s0;
	s1 =	sshll.u32 s1, $0x11  }
0xba: {  	s0 =	sor.u32 s1, s0  }
0xbb: {  	s0 =	sadd.s32 $0x8F2B, s0  }
0xbc: {  	[sflag:s0] =	ssyncadd.remote.s32 $0x1  }
0xbd: {  	_ =	sfence.sel $0xFFFF  }
0xbe: {  	[dreg:$0x0] =	wrdreg $0xFFFFFFFF;
	(pc) =	sbr.abs _section_cstart, $3  }
0xbf: {  	[dreg:$0x1] =	wrdreg $0xFFFFFFFF  }
0xc0: {  	_ =	task.clear_ibuf [dreg:s6], $0x2FFFF;
	_ =	strace $0x9FFFFFFF  }
0xc1: {  	(tm) =	ssettm $0x7FFFFFFF  }
tec
execute0_lowered:
.L_overlay_start_1:
0x0: {  	(tag) =	ssettag $0x1  }
0x1: {  	s6 =	rddreg [dreg:$0x0]  }
0x2: {  	s0 =	rddreg [dreg:$0x1];
	s1 =	simm.s32 $0x0;
	s2 =	srdreg.scid  }
0x3: {  	s11 =	simm.s32 $0xEF60;
	s12 =	simm.s32 $0x7530;
	s13 =	simm.s32 $0x2710  }
0x4: {  	s14 =	simm.s32 $0x9C40;
	s15 =	simm.s32 $0x4E20;
	s16 =	simm.s32 $0xC350  }
0x5: {  	s17 =	simm.s32 $0xF460;
	s18 =	simm.s32 $0xF960;
	s19 =	simm.s32 $0xFE60  }
0x6: {  	s20 =	simm.s32 $0x10360;
	s21 =	simm.s32 $0x10860;
	s22 =	simm.s32 $0x10D60  }
0x7: {  	s23 =	simm.s32 $0x0;
	[smem:$0x7FF] =	sst s1;
	s7 =	sand.u32 $0x1, s2  }
0x8: {  	s3 =	sadd.s32 $0x2200, s6;
	s2 =	stileid.u32;
	s4 =	sadd.s32 $0x4000, s6  }
0x9: {  	s5 =	sadd.s32 $0x9000, s6;
	s6 =	sadd.s32 $0x13000, s6;
	s8 =	ssub.s32 $0x2, s7  }
0xa: {  	_ =	strace $0x80000047;
	s10 =	sshll.u32 s2, $0x1;
	s9 =	sshrl.u32 s8, $0x1  }
0xb: {  	s7 =	sor.u32 s7, s10;
	s10 =	simm.s32 $0xEA60;
	s8 =	ssub.s32 s8, s9  }
0xc: {  	s7 =	smul.u32 $0x1400, s7;
	s9 =	simm.s32 $0x1;
	s8 =	smax.u32 s8, $0x1  }
.LBB2_1:
0xd: {  	[tilespmem:s1], [sflag:$0x1] =	stream.linear.gather [hbm4b:s3+s1], $0xEA60, $0x38;
	[tilespmem:$0x11260] =	vst v63  }
0xe: {  	_ =	swait.ge [sflag:s9], $0xEA60  }
0xf: {  	[sflag:s9] =	ssyncset.done $0x0  }
0x10: {  	s24 =	simm.s32 $0x0;
	[sflag:s9] =	ssyncadd.s32 $0xFFFF15A0  }
.LBB2_2:
0x11: {  	s25 =	smul.u32 $0x500, s24;
	_ =	sdelay $0x1  }
0x12: {  	s25 =	sadd.s32 s7, s25  }
0x13: {  	s25 =	sshrl.u32 s25, $0x3  }
0x14: {  	s28 =	simm.s32 $0x0;
	s26 =	sadd.s32 s4, s25  }
0x15: {  	[tilespmem:s10], [sflag:$0x1] =	stream.linear.gather [hbm4b:s26+s28], $0x500, $0x38;
	[tilespmem:$0x11260] =	vst v63  }
0x16: {  	_ =	swait.ge [sflag:s9], $0x500  }
0x17: {  	[sflag:s9] =	ssyncset.done $0x0  }
0x18: {  	s31 =	sadd.s32 s5, s25;
	[sflag:s9] =	ssyncadd.s32 $0xFFFFFB00  }
0x19: {  	[tilespmem:s11], [sflag:$0x1] =	stream.linear.gather [hbm4b:s31+s28], $0x500, $0x38;
	[tilespmem:$0x11260] =	vst v63  }
0x1a: {  	_ =	swait.ge [sflag:s9], $0x500  }
0x1b: {  	[sflag:s9] =	ssyncset.done $0x0  }
0x1c: {  	s26 =	simm.s32 $0x0;
	[sflag:s9] =	ssyncadd.s32 $0xFFFFFB00  }
0x1d: {  	v1 =	vld [tilespmem:s26+$0xEA60];
	_ =	sdelay $0x5  }
0x1e: {  	v0 =	vld [tilespmem:s26+$0xEF60];
	_ =	sdelay $0x1  }
0x1f: {  	v2 =	vld.idx.msk [tilespmem:v1+s1+$0x0], $0xffff;
	_ =	sdelay $0x4  }
0x20: {  	[tilespmem:s26+$0xF460] =	vst v2  }
0x21: {  	v2 =	vld.idx.msk [tilespmem:v0+s12+$0x0], $0xffff;
	_ =	sdelay $0x4  }
0x22: {  	[tilespmem:s26+$0x10360] =	vst v2  }
0x23: {  	v2 =	vld.idx.msk [tilespmem:v1+s13+$0x0], $0xffff;
	_ =	sdelay $0x4  }
0x24: {  	[tilespmem:s26+$0xF960] =	vst v2  }
0x25: {  	v2 =	vld.idx.msk [tilespmem:v0+s14+$0x0], $0xffff;
	_ =	sdelay $0x4  }
0x26: {  	[tilespmem:s26+$0x10860] =	vst v2  }
0x27: {  	v1 =	vld.idx.msk [tilespmem:v1+s15+$0x0], $0xffff;
	_ =	sdelay $0x3  }
0x28: {  	s29 =	simm.s32 $0x10;
	s28 =	simm.s32 $0x80  }
.LBB2_3:
0x29: {  	p0 =	sne.s32 s28, $0x13C0;
	v2 =	vld [tilespmem:s29+$0xEA60];
	[tilespmem:s26+$0xFE60] =	vst v1  }
0x2a: {  	v1 =	vld.idx.msk [tilespmem:v0+s16+$0x0], $0xffff;
	_ =	sdelay $0x5  }
0x2b: {  	v0 =	vld [tilespmem:s29+$0xEF60];
	[tilespmem:s26+$0x10D60] =	vst v1;
	s26 =	smov.u32 s29  }
0x2c: {  	v1 =	vld.idx.msk [tilespmem:v2+s1+$0x0], $0xffff;
	_ =	sdelay $0x5  }
0x2d: {  	[tilespmem:s26+$0xF460] =	vst v1  }
0x2e: {  	v1 =	vld.idx.msk [tilespmem:v0+s12+$0x0], $0xffff;
	_ =	sdelay $0x5  }
0x2f: {  	[tilespmem:s26+$0x10360] =	vst v1  }
0x30: {  	v1 =	vld.idx.msk [tilespmem:v2+s13+$0x0], $0xffff;
	_ =	sdelay $0x5  }
0x31: {  	[tilespmem:s26+$0xF960] =	vst v1  }
0x32: {  	v1 =	vld.idx.msk [tilespmem:v0+s14+$0x0], $0xffff;
	_ =	sdelay $0x5  }
0x33: {  	[tilespmem:s26+$0x10860] =	vst v1  }
0x34: {  	v1 =	vld.idx.msk [tilespmem:v2+s15+$0x0], $0xffff  }
.Ltmp0:
0x35: {  	(pc) =	sbr.rel @p0 .LBB2_3-.Ltmp0, $2  }
0x36: {  	_ =	sdelay $0x2  }
0x37: {  	s29 =	sshra.s32 s28, $0x2;
	s28 =	sadd.s32 $0x40, s28  }
0x38: {  	_ =	sdelay $0x1  }
0x39: {  	v2 =	vld [tilespmem:s29+$0xEA60]  }
0x3a: {  	[tilespmem:s26+$0xFE60] =	vst v1  }
0x3b: {  	v0 =	vld.idx.msk [tilespmem:v0+s16+$0x0], $0xffff;
	_ =	sdelay $0x3  }
0x3c: {  	v1 =	vld [tilespmem:s29+$0xEF60]  }
0x3d: {  	[tilespmem:s26+$0x10D60] =	vst v0  }
0x3e: {  	v0 =	vld.idx.msk [tilespmem:v2+s1+$0x0], $0xffff;
	_ =	sdelay $0x4  }
0x3f: {  	[tilespmem:s29+$0xF460] =	vst v0  }
0x40: {  	v0 =	vld.idx.msk [tilespmem:v1+s12+$0x0], $0xffff;
	_ =	sdelay $0x4  }
0x41: {  	[tilespmem:s29+$0x10360] =	vst v0  }
0x42: {  	v0 =	vld.idx.msk [tilespmem:v2+s13+$0x0], $0xffff;
	_ =	sdelay $0x4  }
0x43: {  	[tilespmem:s29+$0xF960] =	vst v0  }
0x44: {  	v0 =	vld.idx.msk [tilespmem:v1+s14+$0x0], $0xffff;
	_ =	sdelay $0x4  }
0x45: {  	[tilespmem:s29+$0x10860] =	vst v0  }
0x46: {  	v0 =	vld.idx.msk [tilespmem:v2+s15+$0x0], $0xffff;
	_ =	sdelay $0x4  }
0x47: {  	[tilespmem:s29+$0xFE60] =	vst v0  }
0x48: {  	v0 =	vld.idx.msk [tilespmem:v1+s16+$0x0], $0xffff;
	_ =	sdelay $0x4  }
0x49: {  	s25 =	sadd.s32 s6, s25;
	[tilespmem:s29+$0x10D60] =	vst v0  }
0x4a: {  	[hbm4b:s25+s1] =	stream.linear.scatter [tilespmem:s17], [sflag:$0x1], $0x500, $0x38;
	[tilespmem:$0x11260] =	vst v63  }
0x4b: {  	_ =	swait.ge [sflag:s9], $0x500  }
0x4c: {  	[sflag:s9] =	ssyncset.done $0x0  }
0x4d: {  	s28 =	sadd.s32 $0x5000, s25;
	[sflag:s9] =	ssyncadd.s32 $0xFFFFFB00  }
0x4e: {  	[hbm4b:s28+s1] =	stream.linear.scatter [tilespmem:s18], [sflag:$0x1], $0x500, $0x38;
	[tilespmem:$0x11260] =	vst v63  }
0x4f: {  	_ =	swait.ge [sflag:s9], $0x500  }
0x50: {  	[sflag:s9] =	ssyncset.done $0x0  }
0x51: {  	s29 =	sadd.s32 $0xA000, s25;
	[sflag:s9] =	ssyncadd.s32 $0xFFFFFB00  }
0x52: {  	[hbm4b:s29+s1] =	stream.linear.scatter [tilespmem:s19], [sflag:$0x1], $0x500, $0x38;
	[tilespmem:$0x11260] =	vst v63  }
0x53: {  	_ =	swait.ge [sflag:s9], $0x500  }
0x54: {  	[sflag:s9] =	ssyncset.done $0x0  }
0x55: {  	s30 =	sadd.s32 $0xF000, s25;
	[sflag:s9] =	ssyncadd.s32 $0xFFFFFB00  }
0x56: {  	[hbm4b:s30+s1] =	stream.linear.scatter [tilespmem:s20], [sflag:$0x1], $0x500, $0x38;
	[tilespmem:$0x11260] =	vst v63  }
0x57: {  	_ =	swait.ge [sflag:s9], $0x500  }
0x58: {  	[sflag:s9] =	ssyncset.done $0x0  }
0x59: {  	s31 =	sadd.s32 $0x14000, s25;
	[sflag:s9] =	ssyncadd.s32 $0xFFFFFB00  }
0x5a: {  	[hbm4b:s31+s1] =	stream.linear.scatter [tilespmem:s21], [sflag:$0x1], $0x500, $0x38;
	[tilespmem:$0x11260] =	vst v63  }
0x5b: {  	s24 =	sadd.s32 $0x1, s24;
	_ =	swait.ge [sflag:s9], $0x500  }
0x5c: {  	p0 =	sne.s32 s24, $0x4;
	[sflag:s9] =	ssyncset.done $0x0  }
.Ltmp1:
0x5d: {  	s25 =	sadd.s32 $0x19000, s25;
	[sflag:s9] =	ssyncadd.s32 $0xFFFFFB00;
	(pc) =	sbr.rel @p0 .LBB2_2-.Ltmp1, $4  }
0x5e: {  	[hbm4b:s25+s1] =	stream.linear.scatter [tilespmem:s22], [sflag:$0x1], $0x500, $0x38;
	[tilespmem:$0x11260] =	vst v63  }
0x5f: {  	_ =	swait.ge [sflag:s9], $0x500  }
0x60: {  	[sflag:s9] =	ssyncset.done $0x0  }
0x61: {  	[sflag:s9] =	ssyncadd.s32 $0xFFFFFB00  }
0x62: {  	s23 =	sadd.s32 $0x1, s23  }
0x63: {  	p0 =	sne.s32 s23, s8  }
.Ltmp2:
0x64: {  	_ = 	snop;
	(pc) =	sbr.rel @p0 .LBB2_1-.Ltmp2, $1  }
0x65: {  	_ =	sdelay $0x3  }
0x66: {  	_ =	sfence.sel $0x180000  }
0x67: {  	[bflag:$0x0] =	sbarrier.arrive $0xFFFF  }
0x68: {  	p0 =	sne.s32 s2, $0x0;
	_ =	strace $0x90000047  }
0x69: {  	s0 =	sadd.s32 @!p0 $0x100000, s0;
	[bflag:$0x2] =	sbarrier.arrive $0xFFFF  }
0x6a: {  	[sflag:s0] =	ssyncadd.tile.s32 @!p0 $0x1;
	_ =	shalt  }
.Lfunc_end2:
_tile_overlayer_lowered:
.L_overlay_start_2:
0x6b: {  	(tag) =	ssettag $0x2  }
0x6c: {  	s0 =	rddreg [dreg:$0x0];
	s2 =	stileid.u32  }
0x6d: {  	s1 =	rddreg [dreg:$0x1];
	p0 =	sne.s32 s2, $0x0  }
0x6e: {  	s3 =	rddreg [dreg:$0x2];
	[bflag:$0x3] =	sbarrier.arrive $0xFFFF;
	s2 =	simm.s32 @!p0 $0x1C01  }
0x6f: {  	[timem:s3], [sflag:s2] =	dma.local @!p0 [hbm:s0], s1  }
0x70: {  	s0 =	simm.s32 @!p0 $0x1  }
0x71: {  	_ =	swait.ge @!p0 [sflag:s0], s1  }
0x72: {  	s1 =	ssub.s32 @!p0 $0x0, s1;
	[sflag:s0] =	ssyncset.done @!p0 $0x0  }
0x73: {  	[sflag:s0] =	ssyncadd.s32 @!p0 s1  }
0x74: {  	[bflag:$0x3] =	sbarrier.arrive $0xFFFF  }
0x75: {  	_ =	shalt  }

// kernel: kernel.23.cloned.1.call-start
scs
__scs_entry_jumppad:
0x0: {  	(pc) =	sbr.rel $0x88, $3  }
0x1: {  	(tag) =	ssettag $0x0;
	lr =	simm.s32 $0x1  }
0x2: {  	[smem:$0x3F93] =	sst lr;
	_ =	strace $0xD0000000  }
0x3: {  	_ = 	snop  }
0x4: {  	_ = 	snop  }
0x5: {  	_ = 	snop  }
0x6: {  	_ = 	snop  }
0x7: {  	_ = 	snop  }
__scs_overlays_trampoline_lowered:
0x8: {  	[smem:$0x3FA2] =	sst s0  }
0x9: {  	[smem:$0x3FA3] =	sst s1  }
0xa: {  	[smem:$0x3FA4] =	sst s2  }
0xb: {  	[smem:$0x3FA5] =	sst s3  }
0xc: {  	[smem:$0x3FA6] =	sst s4  }
0xd: {  	[smem:$0x3FA7] =	sst s5  }
0xe: {  	[smem:$0x3FA8] =	sst s6  }
0xf: {  	[smem:$0x3FA9] =	sst s7  }
0x10: {  	[smem:$0x3FAA] =	sst s8  }
0x11: {  	[smem:$0x3FAB] =	sst s9;
	s0 =	simm.s32 @!p0 $0x0  }
0x12: {  	s1 =	sld [smem:$0x3F91];
	s0 =	simm.s32 @p0 $0x1  }
0x13: {  	[smem:$0x3FAC] =	sst s0;
	s0 =	simm.s32 @!p1 $0x0  }
0x14: {  	s2 =	sld [smem:$0x3F90];
	s0 =	simm.s32 @p1 $0x1  }
0x15: {  	[smem:$0x3FAD] =	sst s0;
	s0 =	simm.s32 @!p2 $0x0  }
0x16: {  	s3 =	sld [smem:$0x3FDB];
	s0 =	simm.s32 @p2 $0x1  }
0x17: {  	s4 =	simm.s32 $0x1BF5;
	[smem:$0x3FAF] =	sst s0  }
0x18: {  	s0 =	sld [smem:$0x3F92];
	_ =	swait.ge [sflag:s4], $0x0  }
0x19: {  	s7 =	sld [smem:$0x3F93]  }
0x1a: {  	s8 =	sadd.s32 $0xFFFFE003, lr  }
0x1b: {  	s9 =	sadd.s32 $0xFFFFFEF7, lr;
	s5 =	simm.s32 $0xFFFFFFFF;
	p2 =	slt.u32 s8, $0xFFFFF086  }
0x1c: {  	p1 =	slt.u32 s9, $0xF7A;
	s5 =	simm.s32 @!p2 $0x0  }
0x1d: {  	s5 =	simm.s32 @p1 $0x1;
	p0 =	seq.s32 s7, s2  }
0x1e: {  	s7 =	smul.u32 @!p0 $0xF7A, s2;
	p2 =	seq.s32 @!p0 s5, $0x0  }
0x1f: {  	s9 =	smul.u32 $0xF7A, s1;
	s8 =	simm.s32 @!p0 $0x1BF5;
	p2 =	por !p2, p0  }
0x20: {  	[sflag:s8] =	ssyncset.s32 @!p0 $0xFFFFF086;
	s6 =	sadd.s32 @!p0 s3, s7;
	s7 =	simm.s32 @!p0 $0x108  }
0x21: {  	s3 =	sadd.s32 s3, s9;
	s6 =	sadd.s32 @!p0 $0x88, s6;
	s7 =	simm.s32 @p2 $0x1082  }
0x22: {  	[simem:s7], [sflag:s8] =	dma.local @!p0 [hbm:s6], $0xF7A  }
0x23: {  	s9 =	sor.u32 $0xD0000000, s2;
	s6 =	simm.s32 $0x108;
	_ =	swait.ge @!p0 [sflag:s8], $0x0  }
0x24: {  	s3 =	sadd.s32 $0x88, s3;
	s6 =	simm.s32 @!p1 $0x1082;
	[sflag:s4] =	ssyncset.s32 $0xFFFFF086  }
0x25: {  	[simem:s6], [sflag:s4] =	dma.local [hbm:s3], $0xF7A  }
0x26: {  	[smem:$0x3F93] =	sst s1;
	(tag) =	ssettag s2;
	_ =	strace s9  }
0x27: {  	s1 =	sld [smem:$0x3FA3]  }
0x28: {  	s2 =	sld [smem:$0x3FA4]  }
0x29: {  	s4 =	sld [smem:$0x3FA6]  }
0x2a: {  	p0 =	seq.s32 s5, $0x0;
	s5 =	sld [smem:$0x3FA7]  }
0x2b: {  	s6 =	sld [smem:$0x3FA8]  }
0x2c: {  	s7 =	sld [smem:$0x3FA9]  }
0x2d: {  	s3 =	simm.s32 $0x108;
	s8 =	sld [smem:$0x3FAA]  }
0x2e: {  	s3 =	simm.s32 @!p0 $0x1082;
	s9 =	sld [smem:$0x3FAB]  }
0x2f: {  	lr =	sadd.s32 s0, s3;
	s0 =	sld [smem:$0x3FA2]  }
0x30: {  	s3 =	sld [smem:$0x3FA5]  }
0x31: {  	[smem:$0x3FAE] =	sst s10  }
0x32: {  	s10 =	sld [smem:$0x3FAC];
	_ =	sdelay $0x3  }
0x33: {  	p0 =	seq.s32 s10, $0x1;
	s10 =	sld [smem:$0x3FAE];
	_ =	sdelay $0x3  }
0x34: {  	[smem:$0x3FAE] =	sst s10  }
0x35: {  	s10 =	sld [smem:$0x3FAD];
	_ =	sdelay $0x3  }
0x36: {  	p1 =	seq.s32 s10, $0x1;
	s10 =	sld [smem:$0x3FAE];
	_ =	sdelay $0x3  }
0x37: {  	[smem:$0x3FAE] =	sst s10  }
0x38: {  	s10 =	sld [smem:$0x3FAF]  }
0x39: {  	_ = 	snop;
	(pc) =	sbr.ind lr, $3  }
0x3a: {  	_ = 	snop  }
0x3b: {  	_ = 	snop  }
0x3c: {  	p2 =	seq.s32 s10, $0x1;
	s10 =	sld [smem:$0x3FAE]  }
0x3d: {  	_ =	shalt  }
0x3e: {  	_ =	shalt  }
0x3f: {  	_ =	shalt  }
0x40: {  	_ =	shalt  }
0x41: {  	_ =	shalt  }
0x42: {  	_ =	shalt  }
0x43: {  	_ =	shalt  }
0x44: {  	_ =	shalt  }
0x45: {  	_ =	shalt  }
0x46: {  	_ =	shalt  }
0x47: {  	_ =	shalt  }
0x48: {  	_ =	shalt  }
0x49: {  	_ =	shalt  }
0x4a: {  	_ =	shalt  }
0x4b: {  	_ =	shalt  }
0x4c: {  	_ =	shalt  }
0x4d: {  	_ =	shalt  }
0x4e: {  	_ =	shalt  }
0x4f: {  	_ =	shalt  }
0x50: {  	_ =	shalt  }
0x51: {  	_ =	shalt  }
0x52: {  	_ =	shalt  }
0x53: {  	_ =	shalt  }
0x54: {  	_ =	shalt  }
0x55: {  	_ =	shalt  }
0x56: {  	_ =	shalt  }
0x57: {  	_ =	shalt  }
0x58: {  	_ =	shalt  }
0x59: {  	_ =	shalt  }
0x5a: {  	_ =	shalt  }
0x5b: {  	_ =	shalt  }
0x5c: {  	_ =	shalt  }
0x5d: {  	_ =	shalt  }
0x5e: {  	_ =	shalt  }
0x5f: {  	_ =	shalt  }
0x60: {  	_ =	shalt  }
0x61: {  	_ =	shalt  }
0x62: {  	_ =	shalt  }
0x63: {  	_ =	shalt  }
0x64: {  	_ =	shalt  }
0x65: {  	_ =	shalt  }
0x66: {  	_ =	shalt  }
0x67: {  	_ =	shalt  }
0x68: {  	_ =	shalt  }
0x69: {  	_ =	shalt  }
0x6a: {  	_ =	shalt  }
0x6b: {  	_ =	shalt  }
0x6c: {  	_ =	shalt  }
0x6d: {  	_ =	shalt  }
0x6e: {  	_ =	shalt  }
0x6f: {  	_ =	shalt  }
0x70: {  	_ =	shalt  }
0x71: {  	_ =	shalt  }
0x72: {  	_ =	shalt  }
0x73: {  	_ =	shalt  }
0x74: {  	_ =	shalt  }
0x75: {  	_ =	shalt  }
0x76: {  	_ =	shalt  }
0x77: {  	_ =	shalt  }
0x78: {  	_ =	shalt  }
0x79: {  	_ =	shalt  }
0x7a: {  	_ =	shalt  }
0x7b: {  	_ =	shalt  }
0x7c: {  	_ =	shalt  }
0x7d: {  	_ =	shalt  }
0x7e: {  	_ =	shalt  }
0x7f: {  	_ =	shalt  }
0x80: {  	_ =	shalt  }
0x81: {  	_ =	shalt  }
0x82: {  	_ =	shalt  }
0x83: {  	_ =	shalt  }
0x84: {  	_ =	shalt  }
0x85: {  	_ =	shalt  }
0x86: {  	_ =	shalt  }
0x87: {  	_ =	shalt  }
.Lfunc_end0:
.L_simem_size_0:
called_computation.1_lowered:
.L_overlay_start_0:
0x88: {  	s2 =	sld [smem:$0x3FD9]  }
0x89: {  	s3 =	sld [smem:$0x3FFE];
	_ =	sdelay $0x1  }
0x8a: {  	s1 =	srdreg.scid  }
0x8b: {  	s0 =	sand.u32 $0x1, s1  }
0x8c: {  	s17 =	sshll.u32 s0, $0xA;
	s2 =	sadd.s32 s3, s2  }
0x8d: {  	s2 =	sadd.s32 s2, s17  }
0x8e: {  	[smem:$0x3FBA] =	sst s2  }
0x8f: {  	_ = 	snop  }
0x90: {  	(tm) =	ssettm $0x1  }
0x91: {  	s18 =	sld [smem:$0x3FFB];
	_ =	sdelay $0x3  }
0x92: {  	_ =	strace s18  }
0x93: {  	s2 =	sld [smem:$0x3FFC];
	_ =	sdelay $0x3  }
0x94: {  	_ =	strace s2  }
0x95: {  	s2 =	sld [smem:$0x3FFD];
	_ =	sdelay $0x3  }
0x96: {  	_ =	strace s2  }
0x97: {  	_ =	strace $0x8FFFFFFF  }
0x98: {  	s19 =	sld [smem:$0x3FDB];
	_ =	sdelay $0x1  }
0x99: {  	s20 =	simm.s32 $_scs_section_size  }
0x9a: {  	s4 =	simm.s32 $_size__tile_overlayer_lowered;
	s5 =	simm.s32 $_tile_overlayer_lowered  }
0x9b: {  	s6 =	simm.s32 $0x1BFF;
	s21 =	sshll.u32 s5, $0x1;
	s3 =	sadd.s32 s20, s19  }
0x9c: {  	s22 =	simm.s32 $0x0;
	s4 =	sshll.u32 s4, $0x1;
	s5 =	sadd.s32 s21, s3  }
0x9d: {  	[timem:s22], [sflag:s6] =	dma.local [hbm:s5], s4  }
0x9e: {  	_ =	swait.ge [sflag:s6], s4  }
0x9f: {  	s4 =	ssub.s32 $0x0, s4;
	[sflag:s6] =	ssyncset.done $0x0  }
0xa0: {  	[sflag:s6] =	ssyncadd.s32 s4;
	_ =	sdelay $0x1  }
0xa1: {  	s23 =	simm.s32 $0x1B8B  }
0xa2: {  	_ =	swait.ge [sflag:s23], $0x1  }
0xa3: {  	[sflag:s23] =	ssyncset.done $0x0  }
0xa4: {  	[sflag:s23] =	ssyncadd.s32 $0xFFFFFFFF  }
0xa5: {  	s4 =	sld [smem:$0x0]  }
0xa6: {  	s5 =	sand.u32 $0xFFFFFFFE, s1  }
0xa7: {  	p0 =	sne.s32 s1, s5  }
0xa8: {  	s5 =	sshll.u32 @p0 s5, $0xE  }
0xa9: {  	s5 =	sadd.s32 @p0 $0x11B8D, s5;
	s6 =	sshll.u32 @p0 s4, $0x11  }
0xaa: {  	s5 =	sor.u32 @p0 s6, s5  }
0xab: {  	[sflag:s5] =	ssyncadd.remote.s32 @p0 $0x1;
	_ =	sdelay $0x1  }
0xac: {  	s5 =	simm.s32 @p0 $0x1B8D  }
0xad: {  	_ =	swait.eq @p0 [sflag:s5], $0x1  }
0xae: {  	[sflag:s5] =	ssyncadd.s32 @p0 $0xFFFFFFFF  }
0xaf: {  	s6 =	sshll.u32 @!p0 s1, $0xE  }
0xb0: {  	s6 =	sor.u32 @!p0 $0x4000, s6;
	s5 =	simm.s32 @!p0 $0x1B8D  }
0xb1: {  	s4 =	sshll.u32 @!p0 s4, $0x11;
	s6 =	sadd.s32 @!p0 $0x11B8D, s6;
	_ =	swait.eq @!p0 [sflag:s5], $0x1  }
0xb2: {  	s4 =	sor.u32 @!p0 s4, s6;
	[sflag:s5] =	ssyncadd.s32 @!p0 $0xFFFFFFFF  }
0xb3: {  	s25 =	simm.s32 $0x1B8E;
	s24 =	sld [smem:$0x3FFE];
	[sflag:s4] =	ssyncadd.remote.s32 @!p0 $0x1  }
0xb4: {  	s26 =	simm.s32 $execute0_lowered;
	[smem:$0x3FD2] =	sst s25  }
0xb5: {  	s5 =	sshll.u32 s26, $0x1;
	_ =	strace $0x8000005E;
	[dreg:$0x1] =	wrdreg $0xFFFFFFFF  }
0xb6: {  	s28 =	simm.s32 $_size_execute0_lowered;
	s3 =	sadd.s32 s3, s5;
	[dreg:$0x0] =	wrdreg $0x0  }
0xb7: {  	s5 =	sshll.u32 s28, $0x1;
	[dreg:$0x2] =	wrdreg s3  }
0xb8: {  	[dreg:$0x3] =	wrdreg s5  }
0xb9: {  	[dreg:$0x4] =	wrdreg $0xC0  }
0xba: {  	_ =	task [dreg:s22], $0x5FFFF  }
0xbb: {  	[dreg:$0x1] =	wrdreg $0xFFFFFFFF  }
0xbc: {  	[dreg:$0x0] =	wrdreg $0x60  }
0xbd: {  	[dreg:$0x2] =	wrdreg s24  }
0xbe: {  	[dreg:$0x3] =	wrdreg $0xA  }
0xbf: {  	_ =	task.clear_ibuf [dreg:s22], $0x4FFFF;
	_ =	strace $0x9000005E  }
0xc0: {  	s29 =	simm.s32 $0xA;
	_ =	strace $0x80000060  }
0xc1: {  	_ =	swait.ge [sflag:s29], $0x1  }
0xc2: {  	[sflag:s29] =	ssyncadd.s32 $0xFFFFFFFF  }
0xc3: {  	_ =	strace $0x90000060  }
0xc4: {  	_ =	sfence  }
0xc5: {  	s30 =	sld [smem:$0x0];
	_ =	sdelay $0x2  }
0xc6: {  	s31 =	sshll.u32 s1, $0xD;
	s1 =	sshrl.u32 s1, $0x2  }
0xc7: {  	s4 =	sand.u32 $0x4000, s31;
	s1 =	sadd.s32 s1, s30  }
0xc8: {  	s0 =	sor.u32 s4, s0;
	s1 =	sshll.u32 s1, $0x11  }
0xc9: {  	s0 =	sor.u32 s1, s0  }
0xca: {  	s0 =	sadd.s32 $0x8F2B, s0  }
0xcb: {  	[sflag:s0] =	ssyncadd.remote.s32 $0x1  }
0xcc: {  	_ =	sfence.sel $0xFFFF  }
0xcd: {  	[dreg:$0x0] =	wrdreg $0xFFFFFFFF;
	(pc) =	sbr.abs _section_cstart, $3  }
0xce: {  	[dreg:$0x1] =	wrdreg $0xFFFFFFFF  }
0xcf: {  	_ =	task.clear_ibuf [dreg:s22], $0x2FFFF;
	_ =	strace $0x9FFFFFFF  }
0xd0: {  	(tm) =	ssettm $0x7FFFFFFF  }
0xd1: {  	_ =	shalt  }
tec
execute0_lowered:
.L_overlay_start_1:
0x0: {  	(tag) =	ssettag $0x1  }
0x1: {  	s0 =	rddreg [dreg:$0x0];
	s3 =	srdreg.scid  }
0x2: {  	s1 =	stileid.u32;
	s2 =	simm.s32 $0x0;
	s10 =	simm.s32 $0xA80  }
0x3: {  	s11 =	simm.s32 $0x1280;
	s12 =	simm.s32 $0x1A80;
	s13 =	simm.s32 $0x2280  }
0x4: {  	s14 =	simm.s32 $0x2A80;
	s15 =	simm.s32 $0x3280;
	s16 =	simm.s32 $0x3A80  }
0x5: {  	s17 =	simm.s32 $0x4280;
	s18 =	simm.s32 $0x4A80;
	s19 =	simm.s32 $0x5280  }
0x6: {  	s20 =	simm.s32 $0x5A80;
	s21 =	simm.s32 $0x6280;
	s22 =	simm.s32 $0x6A80  }
0x7: {  	s23 =	simm.s32 $0x7280;
	s24 =	simm.s32 $0x7A80;
	s25 =	simm.s32 $0x1  }
0x8: {  	s3 =	sand.u32 $0x1, s3;
	s4 =	smul.u32 $0xA0000, s1;
	s5 =	sshll.u32 s1, $0x1  }
0x9: {  	s26 =	simm.s32 $0x2;
	s6 =	smul.u32 $0x50000, s3;
	s5 =	sor.u32 s3, s5  }
0xa: {  	s28 =	simm.s32 $0x0;
	[smem:$0x7FF] =	sst s2;
	s5 =	smul.u32 $0x50, s5  }
.Ltmp0:
0xb: {  	_ =	strace $0x8000005F;
	s31 =	ssub.s32 $0x2, s3;
	(pc) =	sbr.rel .LBB2_1-.Ltmp0, $4  }
0xc: {  	s3 =	sadd.s32 $0x40000, s0;
	s7 =	sshrl.u32 s31, $0x1;
	s4 =	sadd.s32 s6, s4  }
0xd: {  	v2 =	vlaneseq.u32;
	s6 =	ssub.s32 s31, s7;
	s4 =	sshrl.u32 s4, $0x3;
	s5 =	sadd.s32 s5, s0  }
0xe: {  	vm0 =	vmmov $0xffff;
	v1 =	vshrl.u32 v2, $0x3;
	s6 =	smax.u32 s6, $0x1;
	s8 =	sadd.s32 s4, s0;
	s4 =	sadd.s32 $0x3F600, s5  }
0xf: {  	v0 =	vand.u32 $0x7, v2;
	v2 =	vor.u32 $0x8, v2;
	v1 =	vmul.u32 $0x8, v1;
	s5 =	sadd.s32 $0x40100, s0;
	s7 =	sadd.s32 $0x99C400, s8;
	s8 =	simm.s32 $0x3  }
.LBB2_7:
0x10: {  	s28 =	sadd.s32 $0x1, s28  }
0x11: {  	_ =	swait.ge [sflag:s26], $0x8000;
	p0 =	sne.s32 s28, s6  }
.Ltmp1:
0x12: {  	[sflag:s26] =	ssyncset.done $0x0;
	(pc) =	sbr.rel @!p0 .LBB2_8-.Ltmp1, $4  }
0x13: {  	[sflag:s26] =	ssyncadd.s32 $0xFFFF8000  }
0x14: {  	_ =	swait.ge [sflag:s26], $0x8000  }
0x15: {  	[sflag:s26] =	ssyncset.done $0x0  }
0x16: {  	[sflag:s26] =	ssyncadd.s32 $0xFFFF8000  }
.LBB2_1:
0x17: {  	[tilespmem:s2], [sflag:$0x3] =	stream.linear.gather [hbm4b:s4+s2], $0x280, $0x38;
	[tilespmem:$0x10280] =	vst v63  }
0x18: {  	_ =	swait.ge [sflag:s8], $0x280  }
0x19: {  	[sflag:s8] =	ssyncset.done $0x0  }
0x1a: {  	[sflag:s8] =	ssyncadd.s32 $0xFFFFFD80  }
0x1b: {  	v3 =	vld [tilespmem:$0x0];
	_ =	sdelay $0x4  }
0x1c: {  	v4 =	vshll.u32 v3, $0x2  }
0x1d: {  	v3 =	vand.u32 $0x7, v3;
	v4 =	vand.u32 $0xFFFFFFE0, v4  }
0x1e: {  	v3 =	vor.u32 v3, v4  }
0x1f: {  	v4 =	vperm.xlane v3, v0;
	_ =	sdelay $0x1  }
0x20: {  	v4 =	vadd.s32 v1, v4;
	_ =	sdelay $0x1  }
0x21: {  	v3 =	vperm.xlane v3, v2;
	_ =	sdelay $0x1  }
0x22: {  	s0 =	simm.s32 $0x280;
	v3 =	vadd.s32 v1, v3  }
0x23: {  	[tilespmem:s0], [sflag:$0x1] =	stream.indirect_vreg.gather [hbm4b:s3+s2], $0x80, v4, vm0, $0xb8;
	[tilespmem:$0x10280] =	vst v63  }
0x24: {  	_ = 	snop  }
0x25: {  	[tilespmem:s10], [sflag:$0x1] =	stream.indirect_vreg.gather [hbm4b:s5+s2], $0x80, v4, vm0, $0xb8;
	[tilespmem:$0x10280] =	vst v63  }
0x26: {  	_ = 	snop  }
0x27: {  	[tilespmem:s11], [sflag:$0x1] =	stream.indirect_vreg.gather [hbm4b:s3+s2], $0x80, v3, vm0, $0xb8;
	[tilespmem:$0x10280] =	vst v63  }
0x28: {  	_ = 	snop  }
0x29: {  	[tilespmem:s12], [sflag:$0x1] =	stream.indirect_vreg.gather [hbm4b:s5+s2], $0x80, v3, vm0, $0xb8;
	[tilespmem:$0x10280] =	vst v63  }
0x2a: {  	v3 =	vld [tilespmem:$0x10];
	_ =	sdelay $0x4  }
0x2b: {  	v61 =	vshll.u32 v3, $0x2  }
0x2c: {  	v3 =	vand.u32 $0x7, v3;
	v4 =	vand.u32 $0xFFFFFFE0, v61  }
0x2d: {  	v3 =	vor.u32 v3, v4  }
0x2e: {  	v4 =	vperm.xlane v3, v0;
	_ =	sdelay $0x1  }
0x2f: {  	v4 =	vadd.s32 v1, v4;
	_ =	sdelay $0x1  }
0x30: {  	v3 =	vperm.xlane v3, v2;
	_ =	sdelay $0x1  }
0x31: {  	v3 =	vadd.s32 v1, v3  }
0x32: {  	[tilespmem:s13], [sflag:$0x1] =	stream.indirect_vreg.gather [hbm4b:s3+s2], $0x80, v4, vm0, $0xb8;
	[tilespmem:$0x10280] =	vst v63  }
0x33: {  	_ = 	snop  }
0x34: {  	[tilespmem:s14], [sflag:$0x1] =	stream.indirect_vreg.gather [hbm4b:s5+s2], $0x80, v4, vm0, $0xb8;
	[tilespmem:$0x10280] =	vst v63  }
0x35: {  	_ = 	snop  }
0x36: {  	[tilespmem:s15], [sflag:$0x1] =	stream.indirect_vreg.gather [hbm4b:s3+s2], $0x80, v3, vm0, $0xb8;
	[tilespmem:$0x10280] =	vst v63  }
0x37: {  	_ = 	snop  }
0x38: {  	[tilespmem:s16], [sflag:$0x1] =	stream.indirect_vreg.gather [hbm4b:s5+s2], $0x80, v3, vm0, $0xb8;
	[tilespmem:$0x10280] =	vst v63  }
0x39: {  	v3 =	vld [tilespmem:$0x20];
	_ =	sdelay $0x4  }
0x3a: {  	v62 =	vshll.u32 v3, $0x2  }
0x3b: {  	v3 =	vand.u32 $0x7, v3;
	v4 =	vand.u32 $0xFFFFFFE0, v62  }
0x3c: {  	v3 =	vor.u32 v3, v4  }
0x3d: {  	v4 =	vperm.xlane v3, v0;
	_ =	sdelay $0x1  }
0x3e: {  	v4 =	vadd.s32 v1, v4;
	_ =	sdelay $0x1  }
0x3f: {  	v3 =	vperm.xlane v3, v2;
	_ =	sdelay $0x1  }
0x40: {  	v3 =	vadd.s32 v1, v3  }
0x41: {  	[tilespmem:s17], [sflag:$0x1] =	stream.indirect_vreg.gather [hbm4b:s3+s2], $0x80, v4, vm0, $0xb8;
	[tilespmem:$0x10280] =	vst v63  }
0x42: {  	_ = 	snop  }
0x43: {  	[tilespmem:s18], [sflag:$0x1] =	stream.indirect_vreg.gather [hbm4b:s5+s2], $0x80, v4, vm0, $0xb8;
	[tilespmem:$0x10280] =	vst v63  }
0x44: {  	_ = 	snop  }
0x45: {  	[tilespmem:s19], [sflag:$0x1] =	stream.indirect_vreg.gather [hbm4b:s3+s2], $0x80, v3, vm0, $0xb8;
	[tilespmem:$0x10280] =	vst v63  }
0x46: {  	_ = 	snop  }
0x47: {  	[tilespmem:s20], [sflag:$0x1] =	stream.indirect_vreg.gather [hbm4b:s5+s2], $0x80, v3, vm0, $0xb8;
	[tilespmem:$0x10280] =	vst v63  }
0x48: {  	v3 =	vld [tilespmem:$0x30];
	_ =	sdelay $0x4  }
0x49: {  	v63 =	vshll.u32 v3, $0x2  }
0x4a: {  	v3 =	vand.u32 $0x7, v3;
	v4 =	vand.u32 $0xFFFFFFE0, v63  }
0x4b: {  	v3 =	vor.u32 v3, v4  }
0x4c: {  	v4 =	vperm.xlane v3, v0;
	_ =	sdelay $0x1  }
0x4d: {  	v4 =	vadd.s32 v1, v4;
	_ =	sdelay $0x2  }
0x4e: {  	v3 =	vperm.xlane v3, v2;
	_ =	sdelay $0x1  }
0x4f: {  	v3 =	vadd.s32 v1, v3;
	[tilespmem:s21], [sflag:$0x1] =	stream.indirect_vreg.gather [hbm4b:s3+s2], $0x80, v4, vm0, $0xb8;
	[tilespmem:$0x10280] =	vst v63  }
0x50: {  	_ = 	snop  }
0x51: {  	[tilespmem:s22], [sflag:$0x1] =	stream.indirect_vreg.gather [hbm4b:s5+s2], $0x80, v4, vm0, $0xb8;
	[tilespmem:$0x10280] =	vst v63  }
.Ltmp2:
0x52: {  	_ = 	snop;
	(pc) =	sbr.rel .LBB2_2-.Ltmp2, $4  }
0x53: {  	s29 =	simm.s32 $0x20000  }
0x54: {  	[tilespmem:s23], [sflag:$0x1] =	stream.indirect_vreg.gather [hbm4b:s3+s2], $0x80, v3, vm0, $0xb8;
	[tilespmem:$0x10280] =	vst v63  }
0x55: {  	s30 =	simm.s32 $0x70;
	s31 =	smov.u32 s7;
	s0 =	simm.s32 $0x0  }
0x56: {  	[tilespmem:s24], [sflag:$0x1] =	stream.indirect_vreg.gather [hbm4b:s5+s2], $0x80, v3, vm0, $0xb8;
	[tilespmem:$0x10280] =	vst v63  }
.LBB2_5:
0x57: {  	v3 =	vld [tilespmem:s30+$0xFFFFFFD0];
	_ =	sdelay $0x4  }
0x58: {  	v4 =	vshll.u32 v3, $0x2  }
0x59: {  	v3 =	vand.u32 $0x7, v3;
	v4 =	vand.u32 $0xFFFFFFE0, v4  }
0x5a: {  	v3 =	vor.u32 v3, v4  }
0x5b: {  	v4 =	vperm.xlane v3, v0;
	_ =	sdelay $0x1  }
0x5c: {  	v4 =	vadd.s32 v1, v4;
	_ =	sdelay $0x1  }
0x5d: {  	s1 =	sshrl.u32 s29, $0x2;
	v3 =	vperm.xlane v3, v2  }
0x5e: {  	s1 =	sand.u32 $0x8000, s1  }
0x5f: {  	s9 =	sor.u32 $0x280, s1;
	v3 =	vadd.s32 v1, v3  }
0x60: {  	[tilespmem:s9], [sflag:$0x1] =	stream.indirect_vreg.gather [hbm4b:s3+s2], $0x80, v4, vm0, $0xb8;
	[tilespmem:$0x10280] =	vst v63  }
0x61: {  	s9 =	sor.u32 $0xA80, s1  }
0x62: {  	[tilespmem:s9], [sflag:$0x1] =	stream.indirect_vreg.gather [hbm4b:s5+s2], $0x80, v4, vm0, $0xb8;
	[tilespmem:$0x10280] =	vst v63  }
0x63: {  	s9 =	sor.u32 $0x1280, s1  }
0x64: {  	[tilespmem:s9], [sflag:$0x1] =	stream.indirect_vreg.gather [hbm4b:s3+s2], $0x80, v3, vm0, $0xb8;
	[tilespmem:$0x10280] =	vst v63  }
0x65: {  	s9 =	sor.u32 $0x1A80, s1  }
0x66: {  	[tilespmem:s9], [sflag:$0x1] =	stream.indirect_vreg.gather [hbm4b:s5+s2], $0x80, v3, vm0, $0xb8;
	[tilespmem:$0x10280] =	vst v63  }
0x67: {  	v3 =	vld [tilespmem:s30+$0xFFFFFFE0];
	_ =	sdelay $0x4  }
0x68: {  	v61 =	vshll.u32 v3, $0x2  }
0x69: {  	v3 =	vand.u32 $0x7, v3;
	v4 =	vand.u32 $0xFFFFFFE0, v61  }
0x6a: {  	v3 =	vor.u32 v3, v4  }
0x6b: {  	v4 =	vperm.xlane v3, v0;
	_ =	sdelay $0x1  }
0x6c: {  	v4 =	vadd.s32 v1, v4;
	_ =	sdelay $0x1  }
0x6d: {  	v3 =	vperm.xlane v3, v2;
	_ =	sdelay $0x1  }
0x6e: {  	s9 =	sor.u32 $0x2280, s1;
	v3 =	vadd.s32 v1, v3  }
0x6f: {  	[tilespmem:s9], [sflag:$0x1] =	stream.indirect_vreg.gather [hbm4b:s3+s2], $0x80, v4, vm0, $0xb8;
	[tilespmem:$0x10280] =	vst v63  }
0x70: {  	s9 =	sor.u32 $0x2A80, s1  }
0x71: {  	[tilespmem:s9], [sflag:$0x1] =	stream.indirect_vreg.gather [hbm4b:s5+s2], $0x80, v4, vm0, $0xb8;
	[tilespmem:$0x10280] =	vst v63  }
0x72: {  	s9 =	sor.u32 $0x3280, s1  }
0x73: {  	[tilespmem:s9], [sflag:$0x1] =	stream.indirect_vreg.gather [hbm4b:s3+s2], $0x80, v3, vm0, $0xb8;
	[tilespmem:$0x10280] =	vst v63  }
0x74: {  	s9 =	sor.u32 $0x3A80, s1  }
0x75: {  	[tilespmem:s9], [sflag:$0x1] =	stream.indirect_vreg.gather [hbm4b:s5+s2], $0x80, v3, vm0, $0xb8;
	[tilespmem:$0x10280] =	vst v63  }
0x76: {  	v3 =	vld [tilespmem:s30+$0xFFFFFFF0];
	_ =	sdelay $0x4  }
0x77: {  	v62 =	vshll.u32 v3, $0x2  }
0x78: {  	v3 =	vand.u32 $0x7, v3;
	v4 =	vand.u32 $0xFFFFFFE0, v62  }
0x79: {  	v3 =	vor.u32 v3, v4  }
0x7a: {  	v4 =	vperm.xlane v3, v0;
	_ =	sdelay $0x1  }
0x7b: {  	v4 =	vadd.s32 v1, v4;
	_ =	sdelay $0x1  }
0x7c: {  	v3 =	vperm.xlane v3, v2;
	_ =	sdelay $0x1  }
0x7d: {  	s9 =	sor.u32 $0x4280, s1;
	v3 =	vadd.s32 v1, v3  }
0x7e: {  	[tilespmem:s9], [sflag:$0x1] =	stream.indirect_vreg.gather [hbm4b:s3+s2], $0x80, v4, vm0, $0xb8;
	[tilespmem:$0x10280] =	vst v63  }
0x7f: {  	s9 =	sor.u32 $0x4A80, s1  }
0x80: {  	[tilespmem:s9], [sflag:$0x1] =	stream.indirect_vreg.gather [hbm4b:s5+s2], $0x80, v4, vm0, $0xb8;
	[tilespmem:$0x10280] =	vst v63  }
0x81: {  	s9 =	sor.u32 $0x5280, s1  }
0x82: {  	[tilespmem:s9], [sflag:$0x1] =	stream.indirect_vreg.gather [hbm4b:s3+s2], $0x80, v3, vm0, $0xb8;
	[tilespmem:$0x10280] =	vst v63  }
0x83: {  	s9 =	sor.u32 $0x5A80, s1  }
0x84: {  	[tilespmem:s9], [sflag:$0x1] =	stream.indirect_vreg.gather [hbm4b:s5+s2], $0x80, v3, vm0, $0xb8;
	[tilespmem:$0x10280] =	vst v63  }
0x85: {  	v3 =	vld [tilespmem:s30+$0x0];
	_ =	sdelay $0x4  }
0x86: {  	v63 =	vshll.u32 v3, $0x2  }
0x87: {  	v3 =	vand.u32 $0x7, v3;
	v4 =	vand.u32 $0xFFFFFFE0, v63  }
0x88: {  	v3 =	vor.u32 v3, v4  }
0x89: {  	v4 =	vperm.xlane v3, v0;
	_ =	sdelay $0x1  }
0x8a: {  	v4 =	vadd.s32 v1, v4;
	_ =	sdelay $0x1  }
0x8b: {  	v3 =	vperm.xlane v3, v2;
	_ =	sdelay $0x1  }
0x8c: {  	s9 =	sor.u32 $0x6280, s1;
	v3 =	vadd.s32 v1, v3  }
0x8d: {  	[tilespmem:s9], [sflag:$0x1] =	stream.indirect_vreg.gather [hbm4b:s3+s2], $0x80, v4, vm0, $0xb8;
	[tilespmem:$0x10280] =	vst v63  }
0x8e: {  	s9 =	sor.u32 $0x6A80, s1  }
0x8f: {  	[tilespmem:s9], [sflag:$0x1] =	stream.indirect_vreg.gather [hbm4b:s5+s2], $0x80, v4, vm0, $0xb8;
	[tilespmem:$0x10280] =	vst v63  }
0x90: {  	s9 =	sor.u32 $0x7280, s1  }
0x91: {  	[tilespmem:s9], [sflag:$0x1] =	stream.indirect_vreg.gather [hbm4b:s3+s2], $0x80, v3, vm0, $0xb8;
	[tilespmem:$0x10280] =	vst v63  }
0x92: {  	s1 =	sor.u32 $0x7A80, s1  }
0x93: {  	[tilespmem:s1], [sflag:$0x1] =	stream.indirect_vreg.gather [hbm4b:s5+s2], $0x80, v3, vm0, $0xb8;
	[tilespmem:$0x10280] =	vst v63  }
.LBB2_6:
0x94: {  	s0 =	sadd.s32 $0x1, s0  }
0x95: {  	s1 =	sadd.s32 $0xFFFE0000, s29;
	p0 =	sne.s32 s0, $0xA  }
.Ltmp3:
0x96: {  	s1 =	sand.u32 $0x20000, s1;
	(pc) =	sbr.rel @!p0 .LBB2_7-.Ltmp3, $4  }
0x97: {  	s1 =	sshrl.u32 s1, $0x2  }
0x98: {  	s1 =	sor.u32 $0x280, s1  }
0x99: {  	[hbm4b:s31+s2] =	stream.linear.scatter [tilespmem:s1], [sflag:$0x2], $0x8000, $0x38;
	[tilespmem:$0x10280] =	vst v63  }
0x9a: {  	s29 =	sadd.s32 $0x20000, s29;
	s30 =	sadd.s32 $0x40, s30;
	s31 =	sadd.s32 $0x1000, s31  }
.LBB2_2:
0x9b: {  	p0 =	seq.s32 s0, $0x0  }
.Ltmp4:
0x9c: {  	_ = 	snop;
	(pc) =	sbr.rel @p0 .LBB2_5-.Ltmp4, $4  }
0x9d: {  	_ = 	snop  }
0x9e: {  	_ =	swait.ge [sflag:s25], $0x8000  }
0x9f: {  	[sflag:s25] =	ssyncset.done $0x0  }
0xa0: {  	[sflag:s25] =	ssyncadd.s32 $0xFFFF8000  }
0xa1: {  	p0 =	seq.s32 s0, $0x9  }
.Ltmp5:
0xa2: {  	_ = 	snop;
	(pc) =	sbr.rel @p0 .LBB2_6-.Ltmp5, $1  }
0xa3: {  	_ =	sdelay $0x3  }
.Ltmp6:
0xa4: {  	(pc) =	sbr.rel .LBB2_5-.Ltmp6, $4  }
0xa5: {  	_ = 	snop  }
0xa6: {  	_ =	swait.ge [sflag:s26], $0x8000  }
0xa7: {  	[sflag:s26] =	ssyncset.done $0x0  }
0xa8: {  	[sflag:s26] =	ssyncadd.s32 $0xFFFF8000  }
.LBB2_8:
0xa9: {  	_ =	sfence.sel $0x180000  }
0xaa: {  	[bflag:$0x0] =	sbarrier.arrive $0xFFFF  }
0xab: {  	_ =	strace $0x9000005F  }
0xac: {  	s0 =	stileid.u32;
	[bflag:$0x2] =	sbarrier.arrive $0xFFFF  }
0xad: {  	p0 =	sne.s32 s0, $0x0;
	s0 =	rddreg [dreg:$0x1]  }
0xae: {  	s0 =	sadd.s32 @!p0 $0x100000, s0  }
0xaf: {  	[sflag:s0] =	ssyncadd.tile.s32 @!p0 $0x1;
	_ =	shalt  }
.Lfunc_end2:
_tile_overlayer_lowered:
.L_overlay_start_2:
0xb0: {  	(tag) =	ssettag $0x2  }
0xb1: {  	s0 =	rddreg [dreg:$0x0];
	s2 =	stileid.u32  }
0xb2: {  	s1 =	rddreg [dreg:$0x1];
	p0 =	sne.s32 s2, $0x0  }
0xb3: {  	s3 =	rddreg [dreg:$0x2];
	[bflag:$0x3] =	sbarrier.arrive $0xFFFF;
	s2 =	simm.s32 @!p0 $0x1C03  }
0xb4: {  	[timem:s3], [sflag:s2] =	dma.local @!p0 [hbm:s0], s1  }
0xb5: {  	s0 =	simm.s32 @!p0 $0x3  }
0xb6: {  	_ =	swait.ge @!p0 [sflag:s0], s1  }
0xb7: {  	s1 =	ssub.s32 @!p0 $0x0, s1;
	[sflag:s0] =	ssyncset.done @!p0 $0x0  }
0xb8: {  	[sflag:s0] =	ssyncadd.s32 @!p0 s1  }
0xb9: {  	[bflag:$0x3] =	sbarrier.arrive $0xFFFF  }
0xba: {  	_ =	shalt  }

// kernel: kernel.26.cloned.1.call-start
scs
__scs_entry_jumppad:
0x0: {  	(pc) =	sbr.rel $0x88, $3  }
0x1: {  	(tag) =	ssettag $0x0;
	lr =	simm.s32 $0x1  }
0x2: {  	[smem:$0x3F93] =	sst lr;
	_ =	strace $0xD0000000  }
0x3: {  	_ = 	snop  }
0x4: {  	_ = 	snop  }
0x5: {  	_ = 	snop  }
0x6: {  	_ = 	snop  }
0x7: {  	_ = 	snop  }
__scs_overlays_trampoline_lowered:
0x8: {  	[smem:$0x3FA2] =	sst s0  }
0x9: {  	[smem:$0x3FA3] =	sst s1  }
0xa: {  	[smem:$0x3FA4] =	sst s2  }
0xb: {  	[smem:$0x3FA5] =	sst s3  }
0xc: {  	[smem:$0x3FA6] =	sst s4  }
0xd: {  	[smem:$0x3FA7] =	sst s5  }
0xe: {  	[smem:$0x3FA8] =	sst s6  }
0xf: {  	[smem:$0x3FA9] =	sst s7  }
0x10: {  	[smem:$0x3FAA] =	sst s8  }
0x11: {  	[smem:$0x3FAB] =	sst s9;
	s0 =	simm.s32 @!p0 $0x0  }
0x12: {  	s1 =	sld [smem:$0x3F91];
	s0 =	simm.s32 @p0 $0x1  }
0x13: {  	[smem:$0x3FAC] =	sst s0;
	s0 =	simm.s32 @!p1 $0x0  }
0x14: {  	s2 =	sld [smem:$0x3F90];
	s0 =	simm.s32 @p1 $0x1  }
0x15: {  	[smem:$0x3FAD] =	sst s0;
	s0 =	simm.s32 @!p2 $0x0  }
0x16: {  	s3 =	sld [smem:$0x3FDB];
	s0 =	simm.s32 @p2 $0x1  }
0x17: {  	s4 =	simm.s32 $0x1BF5;
	[smem:$0x3FAF] =	sst s0  }
0x18: {  	s0 =	sld [smem:$0x3F92];
	_ =	swait.ge [sflag:s4], $0x0  }
0x19: {  	s7 =	sld [smem:$0x3F93]  }
0x1a: {  	s8 =	sadd.s32 $0xFFFFE003, lr  }
0x1b: {  	s9 =	sadd.s32 $0xFFFFFEF7, lr;
	s5 =	simm.s32 $0xFFFFFFFF;
	p2 =	slt.u32 s8, $0xFFFFF086  }
0x1c: {  	p1 =	slt.u32 s9, $0xF7A;
	s5 =	simm.s32 @!p2 $0x0  }
0x1d: {  	s5 =	simm.s32 @p1 $0x1;
	p0 =	seq.s32 s7, s2  }
0x1e: {  	s7 =	smul.u32 @!p0 $0xF7A, s2;
	p2 =	seq.s32 @!p0 s5, $0x0  }
0x1f: {  	s9 =	smul.u32 $0xF7A, s1;
	s8 =	simm.s32 @!p0 $0x1BF5;
	p2 =	por !p2, p0  }
0x20: {  	[sflag:s8] =	ssyncset.s32 @!p0 $0xFFFFF086;
	s6 =	sadd.s32 @!p0 s3, s7;
	s7 =	simm.s32 @!p0 $0x108  }
0x21: {  	s3 =	sadd.s32 s3, s9;
	s6 =	sadd.s32 @!p0 $0x88, s6;
	s7 =	simm.s32 @p2 $0x1082  }
0x22: {  	[simem:s7], [sflag:s8] =	dma.local @!p0 [hbm:s6], $0xF7A  }
0x23: {  	s9 =	sor.u32 $0xD0000000, s2;
	s6 =	simm.s32 $0x108;
	_ =	swait.ge @!p0 [sflag:s8], $0x0  }
0x24: {  	s3 =	sadd.s32 $0x88, s3;
	s6 =	simm.s32 @!p1 $0x1082;
	[sflag:s4] =	ssyncset.s32 $0xFFFFF086  }
0x25: {  	[simem:s6], [sflag:s4] =	dma.local [hbm:s3], $0xF7A  }
0x26: {  	[smem:$0x3F93] =	sst s1;
	(tag) =	ssettag s2;
	_ =	strace s9  }
0x27: {  	s1 =	sld [smem:$0x3FA3]  }
0x28: {  	s2 =	sld [smem:$0x3FA4]  }
0x29: {  	s4 =	sld [smem:$0x3FA6]  }
0x2a: {  	p0 =	seq.s32 s5, $0x0;
	s5 =	sld [smem:$0x3FA7]  }
0x2b: {  	s6 =	sld [smem:$0x3FA8]  }
0x2c: {  	s7 =	sld [smem:$0x3FA9]  }
0x2d: {  	s3 =	simm.s32 $0x108;
	s8 =	sld [smem:$0x3FAA]  }
0x2e: {  	s3 =	simm.s32 @!p0 $0x1082;
	s9 =	sld [smem:$0x3FAB]  }
0x2f: {  	lr =	sadd.s32 s0, s3;
	s0 =	sld [smem:$0x3FA2]  }
0x30: {  	s3 =	sld [smem:$0x3FA5]  }
0x31: {  	[smem:$0x3FAE] =	sst s10  }
0x32: {  	s10 =	sld [smem:$0x3FAC];
	_ =	sdelay $0x3  }
0x33: {  	p0 =	seq.s32 s10, $0x1;
	s10 =	sld [smem:$0x3FAE];
	_ =	sdelay $0x3  }
0x34: {  	[smem:$0x3FAE] =	sst s10  }
0x35: {  	s10 =	sld [smem:$0x3FAD];
	_ =	sdelay $0x3  }
0x36: {  	p1 =	seq.s32 s10, $0x1;
	s10 =	sld [smem:$0x3FAE];
	_ =	sdelay $0x3  }
0x37: {  	[smem:$0x3FAE] =	sst s10  }
0x38: {  	s10 =	sld [smem:$0x3FAF]  }
0x39: {  	_ = 	snop;
	(pc) =	sbr.ind lr, $3  }
0x3a: {  	_ = 	snop  }
0x3b: {  	_ = 	snop  }
0x3c: {  	p2 =	seq.s32 s10, $0x1;
	s10 =	sld [smem:$0x3FAE]  }
0x3d: {  	_ =	shalt  }
0x3e: {  	_ =	shalt  }
0x3f: {  	_ =	shalt  }
0x40: {  	_ =	shalt  }
0x41: {  	_ =	shalt  }
0x42: {  	_ =	shalt  }
0x43: {  	_ =	shalt  }
0x44: {  	_ =	shalt  }
0x45: {  	_ =	shalt  }
0x46: {  	_ =	shalt  }
0x47: {  	_ =	shalt  }
0x48: {  	_ =	shalt  }
0x49: {  	_ =	shalt  }
0x4a: {  	_ =	shalt  }
0x4b: {  	_ =	shalt  }
0x4c: {  	_ =	shalt  }
0x4d: {  	_ =	shalt  }
0x4e: {  	_ =	shalt  }
0x4f: {  	_ =	shalt  }
0x50: {  	_ =	shalt  }
0x51: {  	_ =	shalt  }
0x52: {  	_ =	shalt  }
0x53: {  	_ =	shalt  }
0x54: {  	_ =	shalt  }
0x55: {  	_ =	shalt  }
0x56: {  	_ =	shalt  }
0x57: {  	_ =	shalt  }
0x58: {  	_ =	shalt  }
0x59: {  	_ =	shalt  }
0x5a: {  	_ =	shalt  }
0x5b: {  	_ =	shalt  }
0x5c: {  	_ =	shalt  }
0x5d: {  	_ =	shalt  }
0x5e: {  	_ =	shalt  }
0x5f: {  	_ =	shalt  }
0x60: {  	_ =	shalt  }
0x61: {  	_ =	shalt  }
0x62: {  	_ =	shalt  }
0x63: {  	_ =	shalt  }
0x64: {  	_ =	shalt  }
0x65: {  	_ =	shalt  }
0x66: {  	_ =	shalt  }
0x67: {  	_ =	shalt  }
0x68: {  	_ =	shalt  }
0x69: {  	_ =	shalt  }
0x6a: {  	_ =	shalt  }
0x6b: {  	_ =	shalt  }
0x6c: {  	_ =	shalt  }
0x6d: {  	_ =	shalt  }
0x6e: {  	_ =	shalt  }
0x6f: {  	_ =	shalt  }
0x70: {  	_ =	shalt  }
0x71: {  	_ =	shalt  }
0x72: {  	_ =	shalt  }
0x73: {  	_ =	shalt  }
0x74: {  	_ =	shalt  }
0x75: {  	_ =	shalt  }
0x76: {  	_ =	shalt  }
0x77: {  	_ =	shalt  }
0x78: {  	_ =	shalt  }
0x79: {  	_ =	shalt  }
0x7a: {  	_ =	shalt  }
0x7b: {  	_ =	shalt  }
0x7c: {  	_ =	shalt  }
0x7d: {  	_ =	shalt  }
0x7e: {  	_ =	shalt  }
0x7f: {  	_ =	shalt  }
0x80: {  	_ =	shalt  }
0x81: {  	_ =	shalt  }
0x82: {  	_ =	shalt  }
0x83: {  	_ =	shalt  }
0x84: {  	_ =	shalt  }
0x85: {  	_ =	shalt  }
0x86: {  	_ =	shalt  }
0x87: {  	_ =	shalt  }
.Lfunc_end0:
.L_simem_size_0:
called_computation.2_lowered:
.L_overlay_start_0:
0x88: {  	s2 =	sld [smem:$0x3FD9]  }
0x89: {  	s3 =	sld [smem:$0x3FFE];
	_ =	sdelay $0x1  }
0x8a: {  	s1 =	srdreg.scid  }
0x8b: {  	s0 =	sand.u32 $0x1, s1  }
0x8c: {  	s17 =	sshll.u32 s0, $0xA;
	s2 =	sadd.s32 s3, s2  }
0x8d: {  	s2 =	sadd.s32 s2, s17  }
0x8e: {  	[smem:$0x3FBA] =	sst s2  }
0x8f: {  	_ = 	snop  }
0x90: {  	(tm) =	ssettm $0x1  }
0x91: {  	s18 =	sld [smem:$0x3FFB];
	_ =	sdelay $0x3  }
0x92: {  	_ =	strace s18  }
0x93: {  	s2 =	sld [smem:$0x3FFC];
	_ =	sdelay $0x3  }
0x94: {  	_ =	strace s2  }
0x95: {  	s2 =	sld [smem:$0x3FFD];
	_ =	sdelay $0x3  }
0x96: {  	_ =	strace s2  }
0x97: {  	_ =	strace $0x8FFFFFFF  }
0x98: {  	s19 =	sld [smem:$0x3FDB];
	_ =	sdelay $0x1  }
0x99: {  	s20 =	simm.s32 $_scs_section_size  }
0x9a: {  	s4 =	simm.s32 $_size__tile_overlayer_lowered;
	s5 =	simm.s32 $_tile_overlayer_lowered  }
0x9b: {  	s6 =	simm.s32 $0x1BFF;
	s21 =	sshll.u32 s5, $0x1;
	s3 =	sadd.s32 s20, s19  }
0x9c: {  	s22 =	simm.s32 $0x0;
	s4 =	sshll.u32 s4, $0x1;
	s5 =	sadd.s32 s21, s3  }
0x9d: {  	[timem:s22], [sflag:s6] =	dma.local [hbm:s5], s4  }
0x9e: {  	_ =	swait.ge [sflag:s6], s4  }
0x9f: {  	s4 =	ssub.s32 $0x0, s4;
	[sflag:s6] =	ssyncset.done $0x0  }
0xa0: {  	[sflag:s6] =	ssyncadd.s32 s4;
	_ =	sdelay $0x1  }
0xa1: {  	s23 =	simm.s32 $0x1B8B  }
0xa2: {  	_ =	swait.ge [sflag:s23], $0x1  }
0xa3: {  	[sflag:s23] =	ssyncset.done $0x0  }
0xa4: {  	[sflag:s23] =	ssyncadd.s32 $0xFFFFFFFF  }
0xa5: {  	s4 =	sld [smem:$0x0]  }
0xa6: {  	s5 =	sand.u32 $0xFFFFFFFE, s1  }
0xa7: {  	p0 =	sne.s32 s1, s5  }
0xa8: {  	s5 =	sshll.u32 @p0 s5, $0xE  }
0xa9: {  	s5 =	sadd.s32 @p0 $0x11B8D, s5;
	s6 =	sshll.u32 @p0 s4, $0x11  }
0xaa: {  	s5 =	sor.u32 @p0 s6, s5  }
0xab: {  	[sflag:s5] =	ssyncadd.remote.s32 @p0 $0x1;
	_ =	sdelay $0x1  }
0xac: {  	s5 =	simm.s32 @p0 $0x1B8D  }
0xad: {  	_ =	swait.eq @p0 [sflag:s5], $0x1  }
0xae: {  	[sflag:s5] =	ssyncadd.s32 @p0 $0xFFFFFFFF  }
0xaf: {  	s6 =	sshll.u32 @!p0 s1, $0xE  }
0xb0: {  	s6 =	sor.u32 @!p0 $0x4000, s6;
	s5 =	simm.s32 @!p0 $0x1B8D  }
0xb1: {  	s4 =	sshll.u32 @!p0 s4, $0x11;
	s6 =	sadd.s32 @!p0 $0x11B8D, s6;
	_ =	swait.eq @!p0 [sflag:s5], $0x1  }
0xb2: {  	s4 =	sor.u32 @!p0 s4, s6;
	[sflag:s5] =	ssyncadd.s32 @!p0 $0xFFFFFFFF  }
0xb3: {  	s25 =	simm.s32 $0x1B8E;
	s24 =	sld [smem:$0x3FFE];
	[sflag:s4] =	ssyncadd.remote.s32 @!p0 $0x1  }
0xb4: {  	s26 =	simm.s32 $execute0_lowered;
	[smem:$0x3FD2] =	sst s25  }
0xb5: {  	s5 =	sshll.u32 s26, $0x1;
	_ =	strace $0x8000005B;
	[dreg:$0x1] =	wrdreg $0xFFFFFFFF  }
0xb6: {  	s28 =	simm.s32 $_size_execute0_lowered;
	s3 =	sadd.s32 s3, s5;
	[dreg:$0x0] =	wrdreg $0x0  }
0xb7: {  	s5 =	sshll.u32 s28, $0x1;
	[dreg:$0x2] =	wrdreg s3  }
0xb8: {  	[dreg:$0x3] =	wrdreg s5  }
0xb9: {  	[dreg:$0x4] =	wrdreg $0xC0  }
0xba: {  	_ =	task [dreg:s22], $0x5FFFF  }
0xbb: {  	[dreg:$0x1] =	wrdreg $0xFFFFFFFF  }
0xbc: {  	[dreg:$0x0] =	wrdreg $0x60  }
0xbd: {  	[dreg:$0x2] =	wrdreg s24  }
0xbe: {  	[dreg:$0x3] =	wrdreg $0xB  }
0xbf: {  	_ =	task.clear_ibuf [dreg:s22], $0x4FFFF;
	_ =	strace $0x9000005B  }
0xc0: {  	s29 =	simm.s32 $0xB;
	_ =	strace $0x8000005D  }
0xc1: {  	_ =	swait.ge [sflag:s29], $0x1  }
0xc2: {  	[sflag:s29] =	ssyncadd.s32 $0xFFFFFFFF  }
0xc3: {  	_ =	strace $0x9000005D  }
0xc4: {  	_ =	sfence  }
0xc5: {  	s30 =	sld [smem:$0x0];
	_ =	sdelay $0x2  }
0xc6: {  	s31 =	sshll.u32 s1, $0xD;
	s1 =	sshrl.u32 s1, $0x2  }
0xc7: {  	s4 =	sand.u32 $0x4000, s31;
	s1 =	sadd.s32 s1, s30  }
0xc8: {  	s0 =	sor.u32 s4, s0;
	s1 =	sshll.u32 s1, $0x11  }
0xc9: {  	s0 =	sor.u32 s1, s0  }
0xca: {  	s0 =	sadd.s32 $0x8F2B, s0  }
0xcb: {  	[sflag:s0] =	ssyncadd.remote.s32 $0x1  }
0xcc: {  	_ =	sfence.sel $0xFFFF  }
0xcd: {  	[dreg:$0x0] =	wrdreg $0xFFFFFFFF;
	(pc) =	sbr.abs _section_cstart, $3  }
0xce: {  	[dreg:$0x1] =	wrdreg $0xFFFFFFFF  }
0xcf: {  	_ =	task.clear_ibuf [dreg:s22], $0x2FFFF;
	_ =	strace $0x9FFFFFFF  }
0xd0: {  	(tm) =	ssettm $0x7FFFFFFF  }
0xd1: {  	_ =	shalt  }
tec
execute0_lowered:
.L_overlay_start_1:
0x0: {  	(tag) =	ssettag $0x1  }
0x1: {  	s0 =	rddreg [dreg:$0x0];
	s3 =	srdreg.scid  }
0x2: {  	s1 =	stileid.u32;
	s2 =	simm.s32 $0x0;
	s10 =	simm.s32 $0xA80  }
0x3: {  	s11 =	simm.s32 $0x1280;
	s12 =	simm.s32 $0x1A80;
	s13 =	simm.s32 $0x2280  }
0x4: {  	s14 =	simm.s32 $0x2A80;
	s15 =	simm.s32 $0x3280;
	s16 =	simm.s32 $0x3A80  }
0x5: {  	s17 =	simm.s32 $0x4280;
	s18 =	simm.s32 $0x4A80;
	s19 =	simm.s32 $0x5280  }
0x6: {  	s20 =	simm.s32 $0x5A80;
	s21 =	simm.s32 $0x6280;
	s22 =	simm.s32 $0x6A80  }
0x7: {  	s23 =	simm.s32 $0x7280;
	s24 =	simm.s32 $0x7A80;
	s25 =	simm.s32 $0x1  }
0x8: {  	s3 =	sand.u32 $0x1, s3;
	s4 =	smul.u32 $0xA0000, s1;
	s5 =	sshll.u32 s1, $0x1  }
0x9: {  	s26 =	simm.s32 $0x2;
	s6 =	smul.u32 $0x50000, s3;
	s5 =	sor.u32 s3, s5  }
0xa: {  	s28 =	simm.s32 $0x0;
	[smem:$0x7FF] =	sst s2;
	s5 =	smul.u32 $0x50, s5  }
.Ltmp0:
0xb: {  	_ =	strace $0x8000005C;
	s31 =	ssub.s32 $0x2, s3;
	(pc) =	sbr.rel .LBB2_1-.Ltmp0, $4  }
0xc: {  	s3 =	sadd.s32 $0x40000, s0;
	s7 =	sshrl.u32 s31, $0x1;
	s4 =	sadd.s32 s6, s4  }
0xd: {  	v2 =	vlaneseq.u32;
	s6 =	ssub.s32 s31, s7;
	s4 =	sshrl.u32 s4, $0x3;
	s5 =	sadd.s32 s5, s0  }
0xe: {  	vm0 =	vmmov $0xffff;
	v1 =	vshrl.u32 v2, $0x3;
	s6 =	smax.u32 s6, $0x1;
	s8 =	sadd.s32 s4, s0;
	s4 =	sadd.s32 $0x3EC00, s5  }
0xf: {  	v0 =	vand.u32 $0x7, v2;
	v2 =	vor.u32 $0x8, v2;
	v1 =	vmul.u32 $0x8, v1;
	s5 =	sadd.s32 $0x40100, s0;
	s7 =	sadd.s32 $0x85C400, s8;
	s8 =	simm.s32 $0x3  }
.LBB2_7:
0x10: {  	s28 =	sadd.s32 $0x1, s28  }
0x11: {  	_ =	swait.ge [sflag:s26], $0x8000;
	p0 =	sne.s32 s28, s6  }
.Ltmp1:
0x12: {  	[sflag:s26] =	ssyncset.done $0x0;
	(pc) =	sbr.rel @!p0 .LBB2_8-.Ltmp1, $4  }
0x13: {  	[sflag:s26] =	ssyncadd.s32 $0xFFFF8000  }
0x14: {  	_ =	swait.ge [sflag:s26], $0x8000  }
0x15: {  	[sflag:s26] =	ssyncset.done $0x0  }
0x16: {  	[sflag:s26] =	ssyncadd.s32 $0xFFFF8000  }
.LBB2_1:
0x17: {  	[tilespmem:s2], [sflag:$0x3] =	stream.linear.gather [hbm4b:s4+s2], $0x280, $0x38;
	[tilespmem:$0x10280] =	vst v63  }
0x18: {  	_ =	swait.ge [sflag:s8], $0x280  }
0x19: {  	[sflag:s8] =	ssyncset.done $0x0  }
0x1a: {  	[sflag:s8] =	ssyncadd.s32 $0xFFFFFD80  }
0x1b: {  	v3 =	vld [tilespmem:$0x0];
	_ =	sdelay $0x4  }
0x1c: {  	v4 =	vshll.u32 v3, $0x2  }
0x1d: {  	v3 =	vand.u32 $0x7, v3;
	v4 =	vand.u32 $0xFFFFFFE0, v4  }
0x1e: {  	v3 =	vor.u32 v3, v4  }
0x1f: {  	v4 =	vperm.xlane v3, v0;
	_ =	sdelay $0x1  }
0x20: {  	v4 =	vadd.s32 v1, v4;
	_ =	sdelay $0x1  }
0x21: {  	v3 =	vperm.xlane v3, v2;
	_ =	sdelay $0x1  }
0x22: {  	s0 =	simm.s32 $0x280;
	v3 =	vadd.s32 v1, v3  }
0x23: {  	[tilespmem:s0], [sflag:$0x1] =	stream.indirect_vreg.gather [hbm4b:s3+s2], $0x80, v4, vm0, $0xb8;
	[tilespmem:$0x10280] =	vst v63  }
0x24: {  	_ = 	snop  }
0x25: {  	[tilespmem:s10], [sflag:$0x1] =	stream.indirect_vreg.gather [hbm4b:s5+s2], $0x80, v4, vm0, $0xb8;
	[tilespmem:$0x10280] =	vst v63  }
0x26: {  	_ = 	snop  }
0x27: {  	[tilespmem:s11], [sflag:$0x1] =	stream.indirect_vreg.gather [hbm4b:s3+s2], $0x80, v3, vm0, $0xb8;
	[tilespmem:$0x10280] =	vst v63  }
0x28: {  	_ = 	snop  }
0x29: {  	[tilespmem:s12], [sflag:$0x1] =	stream.indirect_vreg.gather [hbm4b:s5+s2], $0x80, v3, vm0, $0xb8;
	[tilespmem:$0x10280] =	vst v63  }
0x2a: {  	v3 =	vld [tilespmem:$0x10];
	_ =	sdelay $0x4  }
0x2b: {  	v61 =	vshll.u32 v3, $0x2  }
0x2c: {  	v3 =	vand.u32 $0x7, v3;
	v4 =	vand.u32 $0xFFFFFFE0, v61  }
0x2d: {  	v3 =	vor.u32 v3, v4  }
0x2e: {  	v4 =	vperm.xlane v3, v0;
	_ =	sdelay $0x1  }
0x2f: {  	v4 =	vadd.s32 v1, v4;
	_ =	sdelay $0x1  }
0x30: {  	v3 =	vperm.xlane v3, v2;
	_ =	sdelay $0x1  }
0x31: {  	v3 =	vadd.s32 v1, v3  }
0x32: {  	[tilespmem:s13], [sflag:$0x1] =	stream.indirect_vreg.gather [hbm4b:s3+s2], $0x80, v4, vm0, $0xb8;
	[tilespmem:$0x10280] =	vst v63  }
0x33: {  	_ = 	snop  }
0x34: {  	[tilespmem:s14], [sflag:$0x1] =	stream.indirect_vreg.gather [hbm4b:s5+s2], $0x80, v4, vm0, $0xb8;
	[tilespmem:$0x10280] =	vst v63  }
0x35: {  	_ = 	snop  }
0x36: {  	[tilespmem:s15], [sflag:$0x1] =	stream.indirect_vreg.gather [hbm4b:s3+s2], $0x80, v3, vm0, $0xb8;
	[tilespmem:$0x10280] =	vst v63  }
0x37: {  	_ = 	snop  }
0x38: {  	[tilespmem:s16], [sflag:$0x1] =	stream.indirect_vreg.gather [hbm4b:s5+s2], $0x80, v3, vm0, $0xb8;
	[tilespmem:$0x10280] =	vst v63  }
0x39: {  	v3 =	vld [tilespmem:$0x20];
	_ =	sdelay $0x4  }
0x3a: {  	v62 =	vshll.u32 v3, $0x2  }
0x3b: {  	v3 =	vand.u32 $0x7, v3;
	v4 =	vand.u32 $0xFFFFFFE0, v62  }
0x3c: {  	v3 =	vor.u32 v3, v4  }
0x3d: {  	v4 =	vperm.xlane v3, v0;
	_ =	sdelay $0x1  }
0x3e: {  	v4 =	vadd.s32 v1, v4;
	_ =	sdelay $0x1  }
0x3f: {  	v3 =	vperm.xlane v3, v2;
	_ =	sdelay $0x1  }
0x40: {  	v3 =	vadd.s32 v1, v3  }
0x41: {  	[tilespmem:s17], [sflag:$0x1] =	stream.indirect_vreg.gather [hbm4b:s3+s2], $0x80, v4, vm0, $0xb8;
	[tilespmem:$0x10280] =	vst v63  }
0x42: {  	_ = 	snop  }
0x43: {  	[tilespmem:s18], [sflag:$0x1] =	stream.indirect_vreg.gather [hbm4b:s5+s2], $0x80, v4, vm0, $0xb8;
	[tilespmem:$0x10280] =	vst v63  }
0x44: {  	_ = 	snop  }
0x45: {  	[tilespmem:s19], [sflag:$0x1] =	stream.indirect_vreg.gather [hbm4b:s3+s2], $0x80, v3, vm0, $0xb8;
	[tilespmem:$0x10280] =	vst v63  }
0x46: {  	_ = 	snop  }
0x47: {  	[tilespmem:s20], [sflag:$0x1] =	stream.indirect_vreg.gather [hbm4b:s5+s2], $0x80, v3, vm0, $0xb8;
	[tilespmem:$0x10280] =	vst v63  }
0x48: {  	v3 =	vld [tilespmem:$0x30];
	_ =	sdelay $0x4  }
0x49: {  	v63 =	vshll.u32 v3, $0x2  }
0x4a: {  	v3 =	vand.u32 $0x7, v3;
	v4 =	vand.u32 $0xFFFFFFE0, v63  }
0x4b: {  	v3 =	vor.u32 v3, v4  }
0x4c: {  	v4 =	vperm.xlane v3, v0;
	_ =	sdelay $0x1  }
0x4d: {  	v4 =	vadd.s32 v1, v4;
	_ =	sdelay $0x2  }
0x4e: {  	v3 =	vperm.xlane v3, v2;
	_ =	sdelay $0x1  }
0x4f: {  	v3 =	vadd.s32 v1, v3;
	[tilespmem:s21], [sflag:$0x1] =	stream.indirect_vreg.gather [hbm4b:s3+s2], $0x80, v4, vm0, $0xb8;
	[tilespmem:$0x10280] =	vst v63  }
0x50: {  	_ = 	snop  }
0x51: {  	[tilespmem:s22], [sflag:$0x1] =	stream.indirect_vreg.gather [hbm4b:s5+s2], $0x80, v4, vm0, $0xb8;
	[tilespmem:$0x10280] =	vst v63  }
.Ltmp2:
0x52: {  	_ = 	snop;
	(pc) =	sbr.rel .LBB2_2-.Ltmp2, $4  }
0x53: {  	s29 =	simm.s32 $0x20000  }
0x54: {  	[tilespmem:s23], [sflag:$0x1] =	stream.indirect_vreg.gather [hbm4b:s3+s2], $0x80, v3, vm0, $0xb8;
	[tilespmem:$0x10280] =	vst v63  }
0x55: {  	s30 =	simm.s32 $0x70;
	s31 =	smov.u32 s7;
	s0 =	simm.s32 $0x0  }
0x56: {  	[tilespmem:s24], [sflag:$0x1] =	stream.indirect_vreg.gather [hbm4b:s5+s2], $0x80, v3, vm0, $0xb8;
	[tilespmem:$0x10280] =	vst v63  }
.LBB2_5:
0x57: {  	v3 =	vld [tilespmem:s30+$0xFFFFFFD0];
	_ =	sdelay $0x4  }
0x58: {  	v4 =	vshll.u32 v3, $0x2  }
0x59: {  	v3 =	vand.u32 $0x7, v3;
	v4 =	vand.u32 $0xFFFFFFE0, v4  }
0x5a: {  	v3 =	vor.u32 v3, v4  }
0x5b: {  	v4 =	vperm.xlane v3, v0;
	_ =	sdelay $0x1  }
0x5c: {  	v4 =	vadd.s32 v1, v4;
	_ =	sdelay $0x1  }
0x5d: {  	s1 =	sshrl.u32 s29, $0x2;
	v3 =	vperm.xlane v3, v2  }
0x5e: {  	s1 =	sand.u32 $0x8000, s1  }
0x5f: {  	s9 =	sor.u32 $0x280, s1;
	v3 =	vadd.s32 v1, v3  }
0x60: {  	[tilespmem:s9], [sflag:$0x1] =	stream.indirect_vreg.gather [hbm4b:s3+s2], $0x80, v4, vm0, $0xb8;
	[tilespmem:$0x10280] =	vst v63  }
0x61: {  	s9 =	sor.u32 $0xA80, s1  }
0x62: {  	[tilespmem:s9], [sflag:$0x1] =	stream.indirect_vreg.gather [hbm4b:s5+s2], $0x80, v4, vm0, $0xb8;
	[tilespmem:$0x10280] =	vst v63  }
0x63: {  	s9 =	sor.u32 $0x1280, s1  }
0x64: {  	[tilespmem:s9], [sflag:$0x1] =	stream.indirect_vreg.gather [hbm4b:s3+s2], $0x80, v3, vm0, $0xb8;
	[tilespmem:$0x10280] =	vst v63  }
0x65: {  	s9 =	sor.u32 $0x1A80, s1  }
0x66: {  	[tilespmem:s9], [sflag:$0x1] =	stream.indirect_vreg.gather [hbm4b:s5+s2], $0x80, v3, vm0, $0xb8;
	[tilespmem:$0x10280] =	vst v63  }
0x67: {  	v3 =	vld [tilespmem:s30+$0xFFFFFFE0];
	_ =	sdelay $0x4  }
0x68: {  	v61 =	vshll.u32 v3, $0x2  }
0x69: {  	v3 =	vand.u32 $0x7, v3;
	v4 =	vand.u32 $0xFFFFFFE0, v61  }
0x6a: {  	v3 =	vor.u32 v3, v4  }
0x6b: {  	v4 =	vperm.xlane v3, v0;
	_ =	sdelay $0x1  }
0x6c: {  	v4 =	vadd.s32 v1, v4;
	_ =	sdelay $0x1  }
0x6d: {  	v3 =	vperm.xlane v3, v2;
	_ =	sdelay $0x1  }
0x6e: {  	s9 =	sor.u32 $0x2280, s1;
	v3 =	vadd.s32 v1, v3  }
0x6f: {  	[tilespmem:s9], [sflag:$0x1] =	stream.indirect_vreg.gather [hbm4b:s3+s2], $0x80, v4, vm0, $0xb8;
	[tilespmem:$0x10280] =	vst v63  }
0x70: {  	s9 =	sor.u32 $0x2A80, s1  }
0x71: {  	[tilespmem:s9], [sflag:$0x1] =	stream.indirect_vreg.gather [hbm4b:s5+s2], $0x80, v4, vm0, $0xb8;
	[tilespmem:$0x10280] =	vst v63  }
0x72: {  	s9 =	sor.u32 $0x3280, s1  }
0x73: {  	[tilespmem:s9], [sflag:$0x1] =	stream.indirect_vreg.gather [hbm4b:s3+s2], $0x80, v3, vm0, $0xb8;
	[tilespmem:$0x10280] =	vst v63  }
0x74: {  	s9 =	sor.u32 $0x3A80, s1  }
0x75: {  	[tilespmem:s9], [sflag:$0x1] =	stream.indirect_vreg.gather [hbm4b:s5+s2], $0x80, v3, vm0, $0xb8;
	[tilespmem:$0x10280] =	vst v63  }
0x76: {  	v3 =	vld [tilespmem:s30+$0xFFFFFFF0];
	_ =	sdelay $0x4  }
0x77: {  	v62 =	vshll.u32 v3, $0x2  }
0x78: {  	v3 =	vand.u32 $0x7, v3;
	v4 =	vand.u32 $0xFFFFFFE0, v62  }
0x79: {  	v3 =	vor.u32 v3, v4  }
0x7a: {  	v4 =	vperm.xlane v3, v0;
	_ =	sdelay $0x1  }
0x7b: {  	v4 =	vadd.s32 v1, v4;
	_ =	sdelay $0x1  }
0x7c: {  	v3 =	vperm.xlane v3, v2;
	_ =	sdelay $0x1  }
0x7d: {  	s9 =	sor.u32 $0x4280, s1;
	v3 =	vadd.s32 v1, v3  }
0x7e: {  	[tilespmem:s9], [sflag:$0x1] =	stream.indirect_vreg.gather [hbm4b:s3+s2], $0x80, v4, vm0, $0xb8;
	[tilespmem:$0x10280] =	vst v63  }
0x7f: {  	s9 =	sor.u32 $0x4A80, s1  }
0x80: {  	[tilespmem:s9], [sflag:$0x1] =	stream.indirect_vreg.gather [hbm4b:s5+s2], $0x80, v4, vm0, $0xb8;
	[tilespmem:$0x10280] =	vst v63  }
0x81: {  	s9 =	sor.u32 $0x5280, s1  }
0x82: {  	[tilespmem:s9], [sflag:$0x1] =	stream.indirect_vreg.gather [hbm4b:s3+s2], $0x80, v3, vm0, $0xb8;
	[tilespmem:$0x10280] =	vst v63  }
0x83: {  	s9 =	sor.u32 $0x5A80, s1  }
0x84: {  	[tilespmem:s9], [sflag:$0x1] =	stream.indirect_vreg.gather [hbm4b:s5+s2], $0x80, v3, vm0, $0xb8;
	[tilespmem:$0x10280] =	vst v63  }
0x85: {  	v3 =	vld [tilespmem:s30+$0x0];
	_ =	sdelay $0x4  }
0x86: {  	v63 =	vshll.u32 v3, $0x2  }
0x87: {  	v3 =	vand.u32 $0x7, v3;
	v4 =	vand.u32 $0xFFFFFFE0, v63  }
0x88: {  	v3 =	vor.u32 v3, v4  }
0x89: {  	v4 =	vperm.xlane v3, v0;
	_ =	sdelay $0x1  }
0x8a: {  	v4 =	vadd.s32 v1, v4;
	_ =	sdelay $0x1  }
0x8b: {  	v3 =	vperm.xlane v3, v2;
	_ =	sdelay $0x1  }
0x8c: {  	s9 =	sor.u32 $0x6280, s1;
	v3 =	vadd.s32 v1, v3  }
0x8d: {  	[tilespmem:s9], [sflag:$0x1] =	stream.indirect_vreg.gather [hbm4b:s3+s2], $0x80, v4, vm0, $0xb8;
	[tilespmem:$0x10280] =	vst v63  }
0x8e: {  	s9 =	sor.u32 $0x6A80, s1  }
0x8f: {  	[tilespmem:s9], [sflag:$0x1] =	stream.indirect_vreg.gather [hbm4b:s5+s2], $0x80, v4, vm0, $0xb8;
	[tilespmem:$0x10280] =	vst v63  }
0x90: {  	s9 =	sor.u32 $0x7280, s1  }
0x91: {  	[tilespmem:s9], [sflag:$0x1] =	stream.indirect_vreg.gather [hbm4b:s3+s2], $0x80, v3, vm0, $0xb8;
	[tilespmem:$0x10280] =	vst v63  }
0x92: {  	s1 =	sor.u32 $0x7A80, s1  }
0x93: {  	[tilespmem:s1], [sflag:$0x1] =	stream.indirect_vreg.gather [hbm4b:s5+s2], $0x80, v3, vm0, $0xb8;
	[tilespmem:$0x10280] =	vst v63  }
.LBB2_6:
0x94: {  	s0 =	sadd.s32 $0x1, s0  }
0x95: {  	s1 =	sadd.s32 $0xFFFE0000, s29;
	p0 =	sne.s32 s0, $0xA  }
.Ltmp3:
0x96: {  	s1 =	sand.u32 $0x20000, s1;
	(pc) =	sbr.rel @!p0 .LBB2_7-.Ltmp3, $4  }
0x97: {  	s1 =	sshrl.u32 s1, $0x2  }
0x98: {  	s1 =	sor.u32 $0x280, s1  }
0x99: {  	[hbm4b:s31+s2] =	stream.linear.scatter [tilespmem:s1], [sflag:$0x2], $0x8000, $0x38;
	[tilespmem:$0x10280] =	vst v63  }
0x9a: {  	s29 =	sadd.s32 $0x20000, s29;
	s30 =	sadd.s32 $0x40, s30;
	s31 =	sadd.s32 $0x1000, s31  }
.LBB2_2:
0x9b: {  	p0 =	seq.s32 s0, $0x0  }
.Ltmp4:
0x9c: {  	_ = 	snop;
	(pc) =	sbr.rel @p0 .LBB2_5-.Ltmp4, $4  }
0x9d: {  	_ = 	snop  }
0x9e: {  	_ =	swait.ge [sflag:s25], $0x8000  }
0x9f: {  	[sflag:s25] =	ssyncset.done $0x0  }
0xa0: {  	[sflag:s25] =	ssyncadd.s32 $0xFFFF8000  }
0xa1: {  	p0 =	seq.s32 s0, $0x9  }
.Ltmp5:
0xa2: {  	_ = 	snop;
	(pc) =	sbr.rel @p0 .LBB2_6-.Ltmp5, $1  }
0xa3: {  	_ =	sdelay $0x3  }
.Ltmp6:
0xa4: {  	(pc) =	sbr.rel .LBB2_5-.Ltmp6, $4  }
0xa5: {  	_ = 	snop  }
0xa6: {  	_ =	swait.ge [sflag:s26], $0x8000  }
0xa7: {  	[sflag:s26] =	ssyncset.done $0x0  }
0xa8: {  	[sflag:s26] =	ssyncadd.s32 $0xFFFF8000  }
.LBB2_8:
0xa9: {  	_ =	sfence.sel $0x180000  }
0xaa: {  	[bflag:$0x0] =	sbarrier.arrive $0xFFFF  }
0xab: {  	_ =	strace $0x9000005C  }
0xac: {  	s0 =	stileid.u32;
	[bflag:$0x2] =	sbarrier.arrive $0xFFFF  }
0xad: {  	p0 =	sne.s32 s0, $0x0;
	s0 =	rddreg [dreg:$0x1]  }
0xae: {  	s0 =	sadd.s32 @!p0 $0x100000, s0  }
0xaf: {  	[sflag:s0] =	ssyncadd.tile.s32 @!p0 $0x1;
	_ =	shalt  }
.Lfunc_end2:
_tile_overlayer_lowered:
.L_overlay_start_2:
0xb0: {  	(tag) =	ssettag $0x2  }
0xb1: {  	s0 =	rddreg [dreg:$0x0];
	s2 =	stileid.u32  }
0xb2: {  	s1 =	rddreg [dreg:$0x1];
	p0 =	sne.s32 s2, $0x0  }
0xb3: {  	s3 =	rddreg [dreg:$0x2];
	[bflag:$0x3] =	sbarrier.arrive $0xFFFF;
	s2 =	simm.s32 @!p0 $0x1C03  }
0xb4: {  	[timem:s3], [sflag:s2] =	dma.local @!p0 [hbm:s0], s1  }
0xb5: {  	s0 =	simm.s32 @!p0 $0x3  }
0xb6: {  	_ =	swait.ge @!p0 [sflag:s0], s1  }
0xb7: {  	s1 =	ssub.s32 @!p0 $0x0, s1;
	[sflag:s0] =	ssyncset.done @!p0 $0x0  }
0xb8: {  	[sflag:s0] =	ssyncadd.s32 @!p0 s1  }
0xb9: {  	[bflag:$0x3] =	sbarrier.arrive $0xFFFF  }
0xba: {  	_ =	shalt  }

// kernel: kernel.29.cloned.1.call-start
scs
__scs_entry_jumppad:
0x0: {  	(pc) =	sbr.rel $0x88, $3  }
0x1: {  	(tag) =	ssettag $0x0;
	lr =	simm.s32 $0x1  }
0x2: {  	[smem:$0x3F93] =	sst lr;
	_ =	strace $0xD0000000  }
0x3: {  	_ = 	snop  }
0x4: {  	_ = 	snop  }
0x5: {  	_ = 	snop  }
0x6: {  	_ = 	snop  }
0x7: {  	_ = 	snop  }
__scs_overlays_trampoline_lowered:
0x8: {  	[smem:$0x3FA2] =	sst s0  }
0x9: {  	[smem:$0x3FA3] =	sst s1  }
0xa: {  	[smem:$0x3FA4] =	sst s2  }
0xb: {  	[smem:$0x3FA5] =	sst s3  }
0xc: {  	[smem:$0x3FA6] =	sst s4  }
0xd: {  	[smem:$0x3FA7] =	sst s5  }
0xe: {  	[smem:$0x3FA8] =	sst s6  }
0xf: {  	[smem:$0x3FA9] =	sst s7  }
0x10: {  	[smem:$0x3FAA] =	sst s8  }
0x11: {  	[smem:$0x3FAB] =	sst s9;
	s0 =	simm.s32 @!p0 $0x0  }
0x12: {  	s1 =	sld [smem:$0x3F91];
	s0 =	simm.s32 @p0 $0x1  }
0x13: {  	[smem:$0x3FAC] =	sst s0;
	s0 =	simm.s32 @!p1 $0x0  }
0x14: {  	s2 =	sld [smem:$0x3F90];
	s0 =	simm.s32 @p1 $0x1  }
0x15: {  	[smem:$0x3FAD] =	sst s0;
	s0 =	simm.s32 @!p2 $0x0  }
0x16: {  	s3 =	sld [smem:$0x3FDB];
	s0 =	simm.s32 @p2 $0x1  }
0x17: {  	s4 =	simm.s32 $0x1BF5;
	[smem:$0x3FAF] =	sst s0  }
0x18: {  	s0 =	sld [smem:$0x3F92];
	_ =	swait.ge [sflag:s4], $0x0  }
0x19: {  	s7 =	sld [smem:$0x3F93]  }
0x1a: {  	s8 =	sadd.s32 $0xFFFFE003, lr  }
0x1b: {  	s9 =	sadd.s32 $0xFFFFFEF7, lr;
	s5 =	simm.s32 $0xFFFFFFFF;
	p2 =	slt.u32 s8, $0xFFFFF086  }
0x1c: {  	p1 =	slt.u32 s9, $0xF7A;
	s5 =	simm.s32 @!p2 $0x0  }
0x1d: {  	s5 =	simm.s32 @p1 $0x1;
	p0 =	seq.s32 s7, s2  }
0x1e: {  	s7 =	smul.u32 @!p0 $0xF7A, s2;
	p2 =	seq.s32 @!p0 s5, $0x0  }
0x1f: {  	s9 =	smul.u32 $0xF7A, s1;
	s8 =	simm.s32 @!p0 $0x1BF5;
	p2 =	por !p2, p0  }
0x20: {  	[sflag:s8] =	ssyncset.s32 @!p0 $0xFFFFF086;
	s6 =	sadd.s32 @!p0 s3, s7;
	s7 =	simm.s32 @!p0 $0x108  }
0x21: {  	s3 =	sadd.s32 s3, s9;
	s6 =	sadd.s32 @!p0 $0x88, s6;
	s7 =	simm.s32 @p2 $0x1082  }
0x22: {  	[simem:s7], [sflag:s8] =	dma.local @!p0 [hbm:s6], $0xF7A  }
0x23: {  	s9 =	sor.u32 $0xD0000000, s2;
	s6 =	simm.s32 $0x108;
	_ =	swait.ge @!p0 [sflag:s8], $0x0  }
0x24: {  	s3 =	sadd.s32 $0x88, s3;
	s6 =	simm.s32 @!p1 $0x1082;
	[sflag:s4] =	ssyncset.s32 $0xFFFFF086  }
0x25: {  	[simem:s6], [sflag:s4] =	dma.local [hbm:s3], $0xF7A  }
0x26: {  	[smem:$0x3F93] =	sst s1;
	(tag) =	ssettag s2;
	_ =	strace s9  }
0x27: {  	s1 =	sld [smem:$0x3FA3]  }
0x28: {  	s2 =	sld [smem:$0x3FA4]  }
0x29: {  	s4 =	sld [smem:$0x3FA6]  }
0x2a: {  	p0 =	seq.s32 s5, $0x0;
	s5 =	sld [smem:$0x3FA7]  }
0x2b: {  	s6 =	sld [smem:$0x3FA8]  }
0x2c: {  	s7 =	sld [smem:$0x3FA9]  }
0x2d: {  	s3 =	simm.s32 $0x108;
	s8 =	sld [smem:$0x3FAA]  }
0x2e: {  	s3 =	simm.s32 @!p0 $0x1082;
	s9 =	sld [smem:$0x3FAB]  }
0x2f: {  	lr =	sadd.s32 s0, s3;
	s0 =	sld [smem:$0x3FA2]  }
0x30: {  	s3 =	sld [smem:$0x3FA5]  }
0x31: {  	[smem:$0x3FAE] =	sst s10  }
0x32: {  	s10 =	sld [smem:$0x3FAC];
	_ =	sdelay $0x3  }
0x33: {  	p0 =	seq.s32 s10, $0x1;
	s10 =	sld [smem:$0x3FAE];
	_ =	sdelay $0x3  }
0x34: {  	[smem:$0x3FAE] =	sst s10  }
0x35: {  	s10 =	sld [smem:$0x3FAD];
	_ =	sdelay $0x3  }
0x36: {  	p1 =	seq.s32 s10, $0x1;
	s10 =	sld [smem:$0x3FAE];
	_ =	sdelay $0x3  }
0x37: {  	[smem:$0x3FAE] =	sst s10  }
0x38: {  	s10 =	sld [smem:$0x3FAF]  }
0x39: {  	_ = 	snop;
	(pc) =	sbr.ind lr, $3  }
0x3a: {  	_ = 	snop  }
0x3b: {  	_ = 	snop  }
0x3c: {  	p2 =	seq.s32 s10, $0x1;
	s10 =	sld [smem:$0x3FAE]  }
0x3d: {  	_ =	shalt  }
0x3e: {  	_ =	shalt  }
0x3f: {  	_ =	shalt  }
0x40: {  	_ =	shalt  }
0x41: {  	_ =	shalt  }
0x42: {  	_ =	shalt  }
0x43: {  	_ =	shalt  }
0x44: {  	_ =	shalt  }
0x45: {  	_ =	shalt  }
0x46: {  	_ =	shalt  }
0x47: {  	_ =	shalt  }
0x48: {  	_ =	shalt  }
0x49: {  	_ =	shalt  }
0x4a: {  	_ =	shalt  }
0x4b: {  	_ =	shalt  }
0x4c: {  	_ =	shalt  }
0x4d: {  	_ =	shalt  }
0x4e: {  	_ =	shalt  }
0x4f: {  	_ =	shalt  }
0x50: {  	_ =	shalt  }
0x51: {  	_ =	shalt  }
0x52: {  	_ =	shalt  }
0x53: {  	_ =	shalt  }
0x54: {  	_ =	shalt  }
0x55: {  	_ =	shalt  }
0x56: {  	_ =	shalt  }
0x57: {  	_ =	shalt  }
0x58: {  	_ =	shalt  }
0x59: {  	_ =	shalt  }
0x5a: {  	_ =	shalt  }
0x5b: {  	_ =	shalt  }
0x5c: {  	_ =	shalt  }
0x5d: {  	_ =	shalt  }
0x5e: {  	_ =	shalt  }
0x5f: {  	_ =	shalt  }
0x60: {  	_ =	shalt  }
0x61: {  	_ =	shalt  }
0x62: {  	_ =	shalt  }
0x63: {  	_ =	shalt  }
0x64: {  	_ =	shalt  }
0x65: {  	_ =	shalt  }
0x66: {  	_ =	shalt  }
0x67: {  	_ =	shalt  }
0x68: {  	_ =	shalt  }
0x69: {  	_ =	shalt  }
0x6a: {  	_ =	shalt  }
0x6b: {  	_ =	shalt  }
0x6c: {  	_ =	shalt  }
0x6d: {  	_ =	shalt  }
0x6e: {  	_ =	shalt  }
0x6f: {  	_ =	shalt  }
0x70: {  	_ =	shalt  }
0x71: {  	_ =	shalt  }
0x72: {  	_ =	shalt  }
0x73: {  	_ =	shalt  }
0x74: {  	_ =	shalt  }
0x75: {  	_ =	shalt  }
0x76: {  	_ =	shalt  }
0x77: {  	_ =	shalt  }
0x78: {  	_ =	shalt  }
0x79: {  	_ =	shalt  }
0x7a: {  	_ =	shalt  }
0x7b: {  	_ =	shalt  }
0x7c: {  	_ =	shalt  }
0x7d: {  	_ =	shalt  }
0x7e: {  	_ =	shalt  }
0x7f: {  	_ =	shalt  }
0x80: {  	_ =	shalt  }
0x81: {  	_ =	shalt  }
0x82: {  	_ =	shalt  }
0x83: {  	_ =	shalt  }
0x84: {  	_ =	shalt  }
0x85: {  	_ =	shalt  }
0x86: {  	_ =	shalt  }
0x87: {  	_ =	shalt  }
.Lfunc_end0:
.L_simem_size_0:
called_computation.3_lowered:
.L_overlay_start_0:
0x88: {  	s2 =	sld [smem:$0x3FD9]  }
0x89: {  	s3 =	sld [smem:$0x3FFE];
	_ =	sdelay $0x1  }
0x8a: {  	s1 =	srdreg.scid  }
0x8b: {  	s0 =	sand.u32 $0x1, s1  }
0x8c: {  	s17 =	sshll.u32 s0, $0xA;
	s2 =	sadd.s32 s3, s2  }
0x8d: {  	s2 =	sadd.s32 s2, s17  }
0x8e: {  	[smem:$0x3FBA] =	sst s2  }
0x8f: {  	_ = 	snop  }
0x90: {  	(tm) =	ssettm $0x1  }
0x91: {  	s18 =	sld [smem:$0x3FFB];
	_ =	sdelay $0x3  }
0x92: {  	_ =	strace s18  }
0x93: {  	s2 =	sld [smem:$0x3FFC];
	_ =	sdelay $0x3  }
0x94: {  	_ =	strace s2  }
0x95: {  	s2 =	sld [smem:$0x3FFD];
	_ =	sdelay $0x3  }
0x96: {  	_ =	strace s2  }
0x97: {  	_ =	strace $0x8FFFFFFF  }
0x98: {  	s19 =	sld [smem:$0x3FDB];
	_ =	sdelay $0x1  }
0x99: {  	s20 =	simm.s32 $_scs_section_size  }
0x9a: {  	s4 =	simm.s32 $_size__tile_overlayer_lowered;
	s5 =	simm.s32 $_tile_overlayer_lowered  }
0x9b: {  	s6 =	simm.s32 $0x1BFF;
	s21 =	sshll.u32 s5, $0x1;
	s3 =	sadd.s32 s20, s19  }
0x9c: {  	s22 =	simm.s32 $0x0;
	s4 =	sshll.u32 s4, $0x1;
	s5 =	sadd.s32 s21, s3  }
0x9d: {  	[timem:s22], [sflag:s6] =	dma.local [hbm:s5], s4  }
0x9e: {  	_ =	swait.ge [sflag:s6], s4  }
0x9f: {  	s4 =	ssub.s32 $0x0, s4;
	[sflag:s6] =	ssyncset.done $0x0  }
0xa0: {  	[sflag:s6] =	ssyncadd.s32 s4;
	_ =	sdelay $0x1  }
0xa1: {  	s23 =	simm.s32 $0x1B8B  }
0xa2: {  	_ =	swait.ge [sflag:s23], $0x1  }
0xa3: {  	[sflag:s23] =	ssyncset.done $0x0  }
0xa4: {  	[sflag:s23] =	ssyncadd.s32 $0xFFFFFFFF  }
0xa5: {  	s4 =	sld [smem:$0x0]  }
0xa6: {  	s5 =	sand.u32 $0xFFFFFFFE, s1  }
0xa7: {  	p0 =	sne.s32 s1, s5  }
0xa8: {  	s5 =	sshll.u32 @p0 s5, $0xE  }
0xa9: {  	s5 =	sadd.s32 @p0 $0x11B8D, s5;
	s6 =	sshll.u32 @p0 s4, $0x11  }
0xaa: {  	s5 =	sor.u32 @p0 s6, s5  }
0xab: {  	[sflag:s5] =	ssyncadd.remote.s32 @p0 $0x1;
	_ =	sdelay $0x1  }
0xac: {  	s5 =	simm.s32 @p0 $0x1B8D  }
0xad: {  	_ =	swait.eq @p0 [sflag:s5], $0x1  }
0xae: {  	[sflag:s5] =	ssyncadd.s32 @p0 $0xFFFFFFFF  }
0xaf: {  	s6 =	sshll.u32 @!p0 s1, $0xE  }
0xb0: {  	s6 =	sor.u32 @!p0 $0x4000, s6;
	s5 =	simm.s32 @!p0 $0x1B8D  }
0xb1: {  	s4 =	sshll.u32 @!p0 s4, $0x11;
	s6 =	sadd.s32 @!p0 $0x11B8D, s6;
	_ =	swait.eq @!p0 [sflag:s5], $0x1  }
0xb2: {  	s4 =	sor.u32 @!p0 s4, s6;
	[sflag:s5] =	ssyncadd.s32 @!p0 $0xFFFFFFFF  }
0xb3: {  	s25 =	simm.s32 $0x1B8E;
	s24 =	sld [smem:$0x3FFE];
	[sflag:s4] =	ssyncadd.remote.s32 @!p0 $0x1  }
0xb4: {  	s26 =	simm.s32 $execute0_lowered;
	[smem:$0x3FD2] =	sst s25  }
0xb5: {  	s5 =	sshll.u32 s26, $0x1;
	_ =	strace $0x80000058;
	[dreg:$0x1] =	wrdreg $0xFFFFFFFF  }
0xb6: {  	s28 =	simm.s32 $_size_execute0_lowered;
	s3 =	sadd.s32 s3, s5;
	[dreg:$0x0] =	wrdreg $0x0  }
0xb7: {  	s5 =	sshll.u32 s28, $0x1;
	[dreg:$0x2] =	wrdreg s3  }
0xb8: {  	[dreg:$0x3] =	wrdreg s5  }
0xb9: {  	[dreg:$0x4] =	wrdreg $0xC0  }
0xba: {  	_ =	task [dreg:s22], $0x5FFFF  }
0xbb: {  	[dreg:$0x1] =	wrdreg $0xFFFFFFFF  }
0xbc: {  	[dreg:$0x0] =	wrdreg $0x60  }
0xbd: {  	[dreg:$0x2] =	wrdreg s24  }
0xbe: {  	[dreg:$0x3] =	wrdreg $0xC  }
0xbf: {  	_ =	task.clear_ibuf [dreg:s22], $0x4FFFF;
	_ =	strace $0x90000058  }
0xc0: {  	s29 =	simm.s32 $0xC;
	_ =	strace $0x8000005A  }
0xc1: {  	_ =	swait.ge [sflag:s29], $0x1  }
0xc2: {  	[sflag:s29] =	ssyncadd.s32 $0xFFFFFFFF  }
0xc3: {  	_ =	strace $0x9000005A  }
0xc4: {  	_ =	sfence  }
0xc5: {  	s30 =	sld [smem:$0x0];
	_ =	sdelay $0x2  }
0xc6: {  	s31 =	sshll.u32 s1, $0xD;
	s1 =	sshrl.u32 s1, $0x2  }
0xc7: {  	s4 =	sand.u32 $0x4000, s31;
	s1 =	sadd.s32 s1, s30  }
0xc8: {  	s0 =	sor.u32 s4, s0;
	s1 =	sshll.u32 s1, $0x11  }
0xc9: {  	s0 =	sor.u32 s1, s0  }
0xca: {  	s0 =	sadd.s32 $0x8F2B, s0  }
0xcb: {  	[sflag:s0] =	ssyncadd.remote.s32 $0x1  }
0xcc: {  	_ =	sfence.sel $0xFFFF  }
0xcd: {  	[dreg:$0x0] =	wrdreg $0xFFFFFFFF;
	(pc) =	sbr.abs _section_cstart, $3  }
0xce: {  	[dreg:$0x1] =	wrdreg $0xFFFFFFFF  }
0xcf: {  	_ =	task.clear_ibuf [dreg:s22], $0x2FFFF;
	_ =	strace $0x9FFFFFFF  }
0xd0: {  	(tm) =	ssettm $0x7FFFFFFF  }
0xd1: {  	_ =	shalt  }
tec
execute0_lowered:
.L_overlay_start_1:
0x0: {  	(tag) =	ssettag $0x1  }
0x1: {  	s0 =	rddreg [dreg:$0x0];
	s3 =	srdreg.scid  }
0x2: {  	s1 =	stileid.u32;
	s2 =	simm.s32 $0x0;
	s10 =	simm.s32 $0xA80  }
0x3: {  	s11 =	simm.s32 $0x1280;
	s12 =	simm.s32 $0x1A80;
	s13 =	simm.s32 $0x2280  }
0x4: {  	s14 =	simm.s32 $0x2A80;
	s15 =	simm.s32 $0x3280;
	s16 =	simm.s32 $0x3A80  }
0x5: {  	s17 =	simm.s32 $0x4280;
	s18 =	simm.s32 $0x4A80;
	s19 =	simm.s32 $0x5280  }
0x6: {  	s20 =	simm.s32 $0x5A80;
	s21 =	simm.s32 $0x6280;
	s22 =	simm.s32 $0x6A80  }
0x7: {  	s23 =	simm.s32 $0x7280;
	s24 =	simm.s32 $0x7A80;
	s25 =	simm.s32 $0x1  }
0x8: {  	s3 =	sand.u32 $0x1, s3;
	s4 =	smul.u32 $0xA0000, s1;
	s5 =	sshll.u32 s1, $0x1  }
0x9: {  	s26 =	simm.s32 $0x2;
	s6 =	smul.u32 $0x50000, s3;
	s5 =	sor.u32 s3, s5  }
0xa: {  	s28 =	simm.s32 $0x0;
	[smem:$0x7FF] =	sst s2;
	s5 =	smul.u32 $0x50, s5  }
.Ltmp0:
0xb: {  	_ =	strace $0x80000059;
	s31 =	ssub.s32 $0x2, s3;
	(pc) =	sbr.rel .LBB2_1-.Ltmp0, $4  }
0xc: {  	s3 =	sadd.s32 $0x40000, s0;
	s7 =	sshrl.u32 s31, $0x1;
	s4 =	sadd.s32 s6, s4  }
0xd: {  	v2 =	vlaneseq.u32;
	s6 =	ssub.s32 s31, s7;
	s4 =	sshrl.u32 s4, $0x3;
	s5 =	sadd.s32 s5, s0  }
0xe: {  	vm0 =	vmmov $0xffff;
	v1 =	vshrl.u32 v2, $0x3;
	s6 =	smax.u32 s6, $0x1;
	s8 =	sadd.s32 s4, s0;
	s4 =	sadd.s32 $0x3E200, s5  }
0xf: {  	v0 =	vand.u32 $0x7, v2;
	v2 =	vor.u32 $0x8, v2;
	v1 =	vmul.u32 $0x8, v1;
	s5 =	sadd.s32 $0x40100, s0;
	s7 =	sadd.s32 $0x71C400, s8;
	s8 =	simm.s32 $0x3  }
.LBB2_7:
0x10: {  	s28 =	sadd.s32 $0x1, s28  }
0x11: {  	_ =	swait.ge [sflag:s26], $0x8000;
	p0 =	sne.s32 s28, s6  }
.Ltmp1:
0x12: {  	[sflag:s26] =	ssyncset.done $0x0;
	(pc) =	sbr.rel @!p0 .LBB2_8-.Ltmp1, $4  }
0x13: {  	[sflag:s26] =	ssyncadd.s32 $0xFFFF8000  }
0x14: {  	_ =	swait.ge [sflag:s26], $0x8000  }
0x15: {  	[sflag:s26] =	ssyncset.done $0x0  }
0x16: {  	[sflag:s26] =	ssyncadd.s32 $0xFFFF8000  }
.LBB2_1:
0x17: {  	[tilespmem:s2], [sflag:$0x3] =	stream.linear.gather [hbm4b:s4+s2], $0x280, $0x38;
	[tilespmem:$0x10280] =	vst v63  }
0x18: {  	_ =	swait.ge [sflag:s8], $0x280  }
0x19: {  	[sflag:s8] =	ssyncset.done $0x0  }
0x1a: {  	[sflag:s8] =	ssyncadd.s32 $0xFFFFFD80  }
0x1b: {  	v3 =	vld [tilespmem:$0x0];
	_ =	sdelay $0x4  }
0x1c: {  	v4 =	vshll.u32 v3, $0x2  }
0x1d: {  	v3 =	vand.u32 $0x7, v3;
	v4 =	vand.u32 $0xFFFFFFE0, v4  }
0x1e: {  	v3 =	vor.u32 v3, v4  }
0x1f: {  	v4 =	vperm.xlane v3, v0;
	_ =	sdelay $0x1  }
0x20: {  	v4 =	vadd.s32 v1, v4;
	_ =	sdelay $0x1  }
0x21: {  	v3 =	vperm.xlane v3, v2;
	_ =	sdelay $0x1  }
0x22: {  	s0 =	simm.s32 $0x280;
	v3 =	vadd.s32 v1, v3  }
0x23: {  	[tilespmem:s0], [sflag:$0x1] =	stream.indirect_vreg.gather [hbm4b:s3+s2], $0x80, v4, vm0, $0xb8;
	[tilespmem:$0x10280] =	vst v63  }
0x24: {  	_ = 	snop  }
0x25: {  	[tilespmem:s10], [sflag:$0x1] =	stream.indirect_vreg.gather [hbm4b:s5+s2], $0x80, v4, vm0, $0xb8;
	[tilespmem:$0x10280] =	vst v63  }
0x26: {  	_ = 	snop  }
0x27: {  	[tilespmem:s11], [sflag:$0x1] =	stream.indirect_vreg.gather [hbm4b:s3+s2], $0x80, v3, vm0, $0xb8;
	[tilespmem:$0x10280] =	vst v63  }
0x28: {  	_ = 	snop  }
0x29: {  	[tilespmem:s12], [sflag:$0x1] =	stream.indirect_vreg.gather [hbm4b:s5+s2], $0x80, v3, vm0, $0xb8;
	[tilespmem:$0x10280] =	vst v63  }
0x2a: {  	v3 =	vld [tilespmem:$0x10];
	_ =	sdelay $0x4  }
0x2b: {  	v61 =	vshll.u32 v3, $0x2  }
0x2c: {  	v3 =	vand.u32 $0x7, v3;
	v4 =	vand.u32 $0xFFFFFFE0, v61  }
0x2d: {  	v3 =	vor.u32 v3, v4  }
0x2e: {  	v4 =	vperm.xlane v3, v0;
	_ =	sdelay $0x1  }
0x2f: {  	v4 =	vadd.s32 v1, v4;
	_ =	sdelay $0x1  }
0x30: {  	v3 =	vperm.xlane v3, v2;
	_ =	sdelay $0x1  }
0x31: {  	v3 =	vadd.s32 v1, v3  }
0x32: {  	[tilespmem:s13], [sflag:$0x1] =	stream.indirect_vreg.gather [hbm4b:s3+s2], $0x80, v4, vm0, $0xb8;
	[tilespmem:$0x10280] =	vst v63  }
0x33: {  	_ = 	snop  }
0x34: {  	[tilespmem:s14], [sflag:$0x1] =	stream.indirect_vreg.gather [hbm4b:s5+s2], $0x80, v4, vm0, $0xb8;
	[tilespmem:$0x10280] =	vst v63  }
0x35: {  	_ = 	snop  }
0x36: {  	[tilespmem:s15], [sflag:$0x1] =	stream.indirect_vreg.gather [hbm4b:s3+s2], $0x80, v3, vm0, $0xb8;
	[tilespmem:$0x10280] =	vst v63  }
0x37: {  	_ = 	snop  }
0x38: {  	[tilespmem:s16], [sflag:$0x1] =	stream.indirect_vreg.gather [hbm4b:s5+s2], $0x80, v3, vm0, $0xb8;
	[tilespmem:$0x10280] =	vst v63  }
0x39: {  	v3 =	vld [tilespmem:$0x20];
	_ =	sdelay $0x4  }
0x3a: {  	v62 =	vshll.u32 v3, $0x2  }
0x3b: {  	v3 =	vand.u32 $0x7, v3;
	v4 =	vand.u32 $0xFFFFFFE0, v62  }
0x3c: {  	v3 =	vor.u32 v3, v4  }
0x3d: {  	v4 =	vperm.xlane v3, v0;
	_ =	sdelay $0x1  }
0x3e: {  	v4 =	vadd.s32 v1, v4;
	_ =	sdelay $0x1  }
0x3f: {  	v3 =	vperm.xlane v3, v2;
	_ =	sdelay $0x1  }
0x40: {  	v3 =	vadd.s32 v1, v3  }
0x41: {  	[tilespmem:s17], [sflag:$0x1] =	stream.indirect_vreg.gather [hbm4b:s3+s2], $0x80, v4, vm0, $0xb8;
	[tilespmem:$0x10280] =	vst v63  }
0x42: {  	_ = 	snop  }
0x43: {  	[tilespmem:s18], [sflag:$0x1] =	stream.indirect_vreg.gather [hbm4b:s5+s2], $0x80, v4, vm0, $0xb8;
	[tilespmem:$0x10280] =	vst v63  }
0x44: {  	_ = 	snop  }
0x45: {  	[tilespmem:s19], [sflag:$0x1] =	stream.indirect_vreg.gather [hbm4b:s3+s2], $0x80, v3, vm0, $0xb8;
	[tilespmem:$0x10280] =	vst v63  }
0x46: {  	_ = 	snop  }
0x47: {  	[tilespmem:s20], [sflag:$0x1] =	stream.indirect_vreg.gather [hbm4b:s5+s2], $0x80, v3, vm0, $0xb8;
	[tilespmem:$0x10280] =	vst v63  }
0x48: {  	v3 =	vld [tilespmem:$0x30];
	_ =	sdelay $0x4  }
0x49: {  	v63 =	vshll.u32 v3, $0x2  }
0x4a: {  	v3 =	vand.u32 $0x7, v3;
	v4 =	vand.u32 $0xFFFFFFE0, v63  }
0x4b: {  	v3 =	vor.u32 v3, v4  }
0x4c: {  	v4 =	vperm.xlane v3, v0;
	_ =	sdelay $0x1  }
0x4d: {  	v4 =	vadd.s32 v1, v4;
	_ =	sdelay $0x2  }
0x4e: {  	v3 =	vperm.xlane v3, v2;
	_ =	sdelay $0x1  }
0x4f: {  	v3 =	vadd.s32 v1, v3;
	[tilespmem:s21], [sflag:$0x1] =	stream.indirect_vreg.gather [hbm4b:s3+s2], $0x80, v4, vm0, $0xb8;
	[tilespmem:$0x10280] =	vst v63  }
0x50: {  	_ = 	snop  }
0x51: {  	[tilespmem:s22], [sflag:$0x1] =	stream.indirect_vreg.gather [hbm4b:s5+s2], $0x80, v4, vm0, $0xb8;
	[tilespmem:$0x10280] =	vst v63  }
.Ltmp2:
0x52: {  	_ = 	snop;
	(pc) =	sbr.rel .LBB2_2-.Ltmp2, $4  }
0x53: {  	s29 =	simm.s32 $0x20000  }
0x54: {  	[tilespmem:s23], [sflag:$0x1] =	stream.indirect_vreg.gather [hbm4b:s3+s2], $0x80, v3, vm0, $0xb8;
	[tilespmem:$0x10280] =	vst v63  }
0x55: {  	s30 =	simm.s32 $0x70;
	s31 =	smov.u32 s7;
	s0 =	simm.s32 $0x0  }
0x56: {  	[tilespmem:s24], [sflag:$0x1] =	stream.indirect_vreg.gather [hbm4b:s5+s2], $0x80, v3, vm0, $0xb8;
	[tilespmem:$0x10280] =	vst v63  }
.LBB2_5:
0x57: {  	v3 =	vld [tilespmem:s30+$0xFFFFFFD0];
	_ =	sdelay $0x4  }
0x58: {  	v4 =	vshll.u32 v3, $0x2  }
0x59: {  	v3 =	vand.u32 $0x7, v3;
	v4 =	vand.u32 $0xFFFFFFE0, v4  }
0x5a: {  	v3 =	vor.u32 v3, v4  }
0x5b: {  	v4 =	vperm.xlane v3, v0;
	_ =	sdelay $0x1  }
0x5c: {  	v4 =	vadd.s32 v1, v4;
	_ =	sdelay $0x1  }
0x5d: {  	s1 =	sshrl.u32 s29, $0x2;
	v3 =	vperm.xlane v3, v2  }
0x5e: {  	s1 =	sand.u32 $0x8000, s1  }
0x5f: {  	s9 =	sor.u32 $0x280, s1;
	v3 =	vadd.s32 v1, v3  }
0x60: {  	[tilespmem:s9], [sflag:$0x1] =	stream.indirect_vreg.gather [hbm4b:s3+s2], $0x80, v4, vm0, $0xb8;
	[tilespmem:$0x10280] =	vst v63  }
0x61: {  	s9 =	sor.u32 $0xA80, s1  }
0x62: {  	[tilespmem:s9], [sflag:$0x1] =	stream.indirect_vreg.gather [hbm4b:s5+s2], $0x80, v4, vm0, $0xb8;
	[tilespmem:$0x10280] =	vst v63  }
0x63: {  	s9 =	sor.u32 $0x1280, s1  }
0x64: {  	[tilespmem:s9], [sflag:$0x1] =	stream.indirect_vreg.gather [hbm4b:s3+s2], $0x80, v3, vm0, $0xb8;
	[tilespmem:$0x10280] =	vst v63  }
0x65: {  	s9 =	sor.u32 $0x1A80, s1  }
0x66: {  	[tilespmem:s9], [sflag:$0x1] =	stream.indirect_vreg.gather [hbm4b:s5+s2], $0x80, v3, vm0, $0xb8;
	[tilespmem:$0x10280] =	vst v63  }
0x67: {  	v3 =	vld [tilespmem:s30+$0xFFFFFFE0];
	_ =	sdelay $0x4  }
0x68: {  	v61 =	vshll.u32 v3, $0x2  }
0x69: {  	v3 =	vand.u32 $0x7, v3;
	v4 =	vand.u32 $0xFFFFFFE0, v61  }
0x6a: {  	v3 =	vor.u32 v3, v4  }
0x6b: {  	v4 =	vperm.xlane v3, v0;
	_ =	sdelay $0x1  }
0x6c: {  	v4 =	vadd.s32 v1, v4;
	_ =	sdelay $0x1  }
0x6d: {  	v3 =	vperm.xlane v3, v2;
	_ =	sdelay $0x1  }
0x6e: {  	s9 =	sor.u32 $0x2280, s1;
	v3 =	vadd.s32 v1, v3  }
0x6f: {  	[tilespmem:s9], [sflag:$0x1] =	stream.indirect_vreg.gather [hbm4b:s3+s2], $0x80, v4, vm0, $0xb8;
	[tilespmem:$0x10280] =	vst v63  }
0x70: {  	s9 =	sor.u32 $0x2A80, s1  }
0x71: {  	[tilespmem:s9], [sflag:$0x1] =	stream.indirect_vreg.gather [hbm4b:s5+s2], $0x80, v4, vm0, $0xb8;
	[tilespmem:$0x10280] =	vst v63  }
0x72: {  	s9 =	sor.u32 $0x3280, s1  }
0x73: {  	[tilespmem:s9], [sflag:$0x1] =	stream.indirect_vreg.gather [hbm4b:s3+s2], $0x80, v3, vm0, $0xb8;
	[tilespmem:$0x10280] =	vst v63  }
0x74: {  	s9 =	sor.u32 $0x3A80, s1  }
0x75: {  	[tilespmem:s9], [sflag:$0x1] =	stream.indirect_vreg.gather [hbm4b:s5+s2], $0x80, v3, vm0, $0xb8;
	[tilespmem:$0x10280] =	vst v63  }
0x76: {  	v3 =	vld [tilespmem:s30+$0xFFFFFFF0];
	_ =	sdelay $0x4  }
0x77: {  	v62 =	vshll.u32 v3, $0x2  }
0x78: {  	v3 =	vand.u32 $0x7, v3;
	v4 =	vand.u32 $0xFFFFFFE0, v62  }
0x79: {  	v3 =	vor.u32 v3, v4  }
0x7a: {  	v4 =	vperm.xlane v3, v0;
	_ =	sdelay $0x1  }
0x7b: {  	v4 =	vadd.s32 v1, v4;
	_ =	sdelay $0x1  }
0x7c: {  	v3 =	vperm.xlane v3, v2;
	_ =	sdelay $0x1  }
0x7d: {  	s9 =	sor.u32 $0x4280, s1;
	v3 =	vadd.s32 v1, v3  }
0x7e: {  	[tilespmem:s9], [sflag:$0x1] =	stream.indirect_vreg.gather [hbm4b:s3+s2], $0x80, v4, vm0, $0xb8;
	[tilespmem:$0x10280] =	vst v63  }
0x7f: {  	s9 =	sor.u32 $0x4A80, s1  }
0x80: {  	[tilespmem:s9], [sflag:$0x1] =	stream.indirect_vreg.gather [hbm4b:s5+s2], $0x80, v4, vm0, $0xb8;
	[tilespmem:$0x10280] =	vst v63  }
0x81: {  	s9 =	sor.u32 $0x5280, s1  }
0x82: {  	[tilespmem:s9], [sflag:$0x1] =	stream.indirect_vreg.gather [hbm4b:s3+s2], $0x80, v3, vm0, $0xb8;
	[tilespmem:$0x10280] =	vst v63  }
0x83: {  	s9 =	sor.u32 $0x5A80, s1  }
0x84: {  	[tilespmem:s9], [sflag:$0x1] =	stream.indirect_vreg.gather [hbm4b:s5+s2], $0x80, v3, vm0, $0xb8;
	[tilespmem:$0x10280] =	vst v63  }
0x85: {  	v3 =	vld [tilespmem:s30+$0x0];
	_ =	sdelay $0x4  }
0x86: {  	v63 =	vshll.u32 v3, $0x2  }
0x87: {  	v3 =	vand.u32 $0x7, v3;
	v4 =	vand.u32 $0xFFFFFFE0, v63  }
0x88: {  	v3 =	vor.u32 v3, v4  }
0x89: {  	v4 =	vperm.xlane v3, v0;
	_ =	sdelay $0x1  }
0x8a: {  	v4 =	vadd.s32 v1, v4;
	_ =	sdelay $0x1  }
0x8b: {  	v3 =	vperm.xlane v3, v2;
	_ =	sdelay $0x1  }
0x8c: {  	s9 =	sor.u32 $0x6280, s1;
	v3 =	vadd.s32 v1, v3  }
0x8d: {  	[tilespmem:s9], [sflag:$0x1] =	stream.indirect_vreg.gather [hbm4b:s3+s2], $0x80, v4, vm0, $0xb8;
	[tilespmem:$0x10280] =	vst v63  }
0x8e: {  	s9 =	sor.u32 $0x6A80, s1  }
0x8f: {  	[tilespmem:s9], [sflag:$0x1] =	stream.indirect_vreg.gather [hbm4b:s5+s2], $0x80, v4, vm0, $0xb8;
	[tilespmem:$0x10280] =	vst v63  }
0x90: {  	s9 =	sor.u32 $0x7280, s1  }
0x91: {  	[tilespmem:s9], [sflag:$0x1] =	stream.indirect_vreg.gather [hbm4b:s3+s2], $0x80, v3, vm0, $0xb8;
	[tilespmem:$0x10280] =	vst v63  }
0x92: {  	s1 =	sor.u32 $0x7A80, s1  }
0x93: {  	[tilespmem:s1], [sflag:$0x1] =	stream.indirect_vreg.gather [hbm4b:s5+s2], $0x80, v3, vm0, $0xb8;
	[tilespmem:$0x10280] =	vst v63  }
.LBB2_6:
0x94: {  	s0 =	sadd.s32 $0x1, s0  }
0x95: {  	s1 =	sadd.s32 $0xFFFE0000, s29;
	p0 =	sne.s32 s0, $0xA  }
.Ltmp3:
0x96: {  	s1 =	sand.u32 $0x20000, s1;
	(pc) =	sbr.rel @!p0 .LBB2_7-.Ltmp3, $4  }
0x97: {  	s1 =	sshrl.u32 s1, $0x2  }
0x98: {  	s1 =	sor.u32 $0x280, s1  }
0x99: {  	[hbm4b:s31+s2] =	stream.linear.scatter [tilespmem:s1], [sflag:$0x2], $0x8000, $0x38;
	[tilespmem:$0x10280] =	vst v63  }
0x9a: {  	s29 =	sadd.s32 $0x20000, s29;
	s30 =	sadd.s32 $0x40, s30;
	s31 =	sadd.s32 $0x1000, s31  }
.LBB2_2:
0x9b: {  	p0 =	seq.s32 s0, $0x0  }
.Ltmp4:
0x9c: {  	_ = 	snop;
	(pc) =	sbr.rel @p0 .LBB2_5-.Ltmp4, $4  }
0x9d: {  	_ = 	snop  }
0x9e: {  	_ =	swait.ge [sflag:s25], $0x8000  }
0x9f: {  	[sflag:s25] =	ssyncset.done $0x0  }
0xa0: {  	[sflag:s25] =	ssyncadd.s32 $0xFFFF8000  }
0xa1: {  	p0 =	seq.s32 s0, $0x9  }
.Ltmp5:
0xa2: {  	_ = 	snop;
	(pc) =	sbr.rel @p0 .LBB2_6-.Ltmp5, $1  }
0xa3: {  	_ =	sdelay $0x3  }
.Ltmp6:
0xa4: {  	(pc) =	sbr.rel .LBB2_5-.Ltmp6, $4  }
0xa5: {  	_ = 	snop  }
0xa6: {  	_ =	swait.ge [sflag:s26], $0x8000  }
0xa7: {  	[sflag:s26] =	ssyncset.done $0x0  }
0xa8: {  	[sflag:s26] =	ssyncadd.s32 $0xFFFF8000  }
.LBB2_8:
0xa9: {  	_ =	sfence.sel $0x180000  }
0xaa: {  	[bflag:$0x0] =	sbarrier.arrive $0xFFFF  }
0xab: {  	_ =	strace $0x90000059  }
0xac: {  	s0 =	stileid.u32;
	[bflag:$0x2] =	sbarrier.arrive $0xFFFF  }
0xad: {  	p0 =	sne.s32 s0, $0x0;
	s0 =	rddreg [dreg:$0x1]  }
0xae: {  	s0 =	sadd.s32 @!p0 $0x100000, s0  }
0xaf: {  	[sflag:s0] =	ssyncadd.tile.s32 @!p0 $0x1;
	_ =	shalt  }
.Lfunc_end2:
_tile_overlayer_lowered:
.L_overlay_start_2:
0xb0: {  	(tag) =	ssettag $0x2  }
0xb1: {  	s0 =	rddreg [dreg:$0x0];
	s2 =	stileid.u32  }
0xb2: {  	s1 =	rddreg [dreg:$0x1];
	p0 =	sne.s32 s2, $0x0  }
0xb3: {  	s3 =	rddreg [dreg:$0x2];
	[bflag:$0x3] =	sbarrier.arrive $0xFFFF;
	s2 =	simm.s32 @!p0 $0x1C03  }
0xb4: {  	[timem:s3], [sflag:s2] =	dma.local @!p0 [hbm:s0], s1  }
0xb5: {  	s0 =	simm.s32 @!p0 $0x3  }
0xb6: {  	_ =	swait.ge @!p0 [sflag:s0], s1  }
0xb7: {  	s1 =	ssub.s32 @!p0 $0x0, s1;
	[sflag:s0] =	ssyncset.done @!p0 $0x0  }
0xb8: {  	[sflag:s0] =	ssyncadd.s32 @!p0 s1  }
0xb9: {  	[bflag:$0x3] =	sbarrier.arrive $0xFFFF  }
0xba: {  	_ =	shalt  }

// kernel: kernel.32.cloned.1.call-start
scs
__scs_entry_jumppad:
0x0: {  	(pc) =	sbr.rel $0x88, $3  }
0x1: {  	(tag) =	ssettag $0x0;
	lr =	simm.s32 $0x1  }
0x2: {  	[smem:$0x3F93] =	sst lr;
	_ =	strace $0xD0000000  }
0x3: {  	_ = 	snop  }
0x4: {  	_ = 	snop  }
0x5: {  	_ = 	snop  }
0x6: {  	_ = 	snop  }
0x7: {  	_ = 	snop  }
__scs_overlays_trampoline_lowered:
0x8: {  	[smem:$0x3FA2] =	sst s0  }
0x9: {  	[smem:$0x3FA3] =	sst s1  }
0xa: {  	[smem:$0x3FA4] =	sst s2  }
0xb: {  	[smem:$0x3FA5] =	sst s3  }
0xc: {  	[smem:$0x3FA6] =	sst s4  }
0xd: {  	[smem:$0x3FA7] =	sst s5  }
0xe: {  	[smem:$0x3FA8] =	sst s6  }
0xf: {  	[smem:$0x3FA9] =	sst s7  }
0x10: {  	[smem:$0x3FAA] =	sst s8  }
0x11: {  	[smem:$0x3FAB] =	sst s9;
	s0 =	simm.s32 @!p0 $0x0  }
0x12: {  	s1 =	sld [smem:$0x3F91];
	s0 =	simm.s32 @p0 $0x1  }
0x13: {  	[smem:$0x3FAC] =	sst s0;
	s0 =	simm.s32 @!p1 $0x0  }
0x14: {  	s2 =	sld [smem:$0x3F90];
	s0 =	simm.s32 @p1 $0x1  }
0x15: {  	[smem:$0x3FAD] =	sst s0;
	s0 =	simm.s32 @!p2 $0x0  }
0x16: {  	s3 =	sld [smem:$0x3FDB];
	s0 =	simm.s32 @p2 $0x1  }
0x17: {  	s4 =	simm.s32 $0x1BF5;
	[smem:$0x3FAF] =	sst s0  }
0x18: {  	s0 =	sld [smem:$0x3F92];
	_ =	swait.ge [sflag:s4], $0x0  }
0x19: {  	s7 =	sld [smem:$0x3F93]  }
0x1a: {  	s8 =	sadd.s32 $0xFFFFE003, lr  }
0x1b: {  	s9 =	sadd.s32 $0xFFFFFEF7, lr;
	s5 =	simm.s32 $0xFFFFFFFF;
	p2 =	slt.u32 s8, $0xFFFFF086  }
0x1c: {  	p1 =	slt.u32 s9, $0xF7A;
	s5 =	simm.s32 @!p2 $0x0  }
0x1d: {  	s5 =	simm.s32 @p1 $0x1;
	p0 =	seq.s32 s7, s2  }
0x1e: {  	s7 =	smul.u32 @!p0 $0xF7A, s2;
	p2 =	seq.s32 @!p0 s5, $0x0  }
0x1f: {  	s9 =	smul.u32 $0xF7A, s1;
	s8 =	simm.s32 @!p0 $0x1BF5;
	p2 =	por !p2, p0  }
0x20: {  	[sflag:s8] =	ssyncset.s32 @!p0 $0xFFFFF086;
	s6 =	sadd.s32 @!p0 s3, s7;
	s7 =	simm.s32 @!p0 $0x108  }
0x21: {  	s3 =	sadd.s32 s3, s9;
	s6 =	sadd.s32 @!p0 $0x88, s6;
	s7 =	simm.s32 @p2 $0x1082  }
0x22: {  	[simem:s7], [sflag:s8] =	dma.local @!p0 [hbm:s6], $0xF7A  }
0x23: {  	s9 =	sor.u32 $0xD0000000, s2;
	s6 =	simm.s32 $0x108;
	_ =	swait.ge @!p0 [sflag:s8], $0x0  }
0x24: {  	s3 =	sadd.s32 $0x88, s3;
	s6 =	simm.s32 @!p1 $0x1082;
	[sflag:s4] =	ssyncset.s32 $0xFFFFF086  }
0x25: {  	[simem:s6], [sflag:s4] =	dma.local [hbm:s3], $0xF7A  }
0x26: {  	[smem:$0x3F93] =	sst s1;
	(tag) =	ssettag s2;
	_ =	strace s9  }
0x27: {  	s1 =	sld [smem:$0x3FA3]  }
0x28: {  	s2 =	sld [smem:$0x3FA4]  }
0x29: {  	s4 =	sld [smem:$0x3FA6]  }
0x2a: {  	p0 =	seq.s32 s5, $0x0;
	s5 =	sld [smem:$0x3FA7]  }
0x2b: {  	s6 =	sld [smem:$0x3FA8]  }
0x2c: {  	s7 =	sld [smem:$0x3FA9]  }
0x2d: {  	s3 =	simm.s32 $0x108;
	s8 =	sld [smem:$0x3FAA]  }
0x2e: {  	s3 =	simm.s32 @!p0 $0x1082;
	s9 =	sld [smem:$0x3FAB]  }
0x2f: {  	lr =	sadd.s32 s0, s3;
	s0 =	sld [smem:$0x3FA2]  }
0x30: {  	s3 =	sld [smem:$0x3FA5]  }
0x31: {  	[smem:$0x3FAE] =	sst s10  }
0x32: {  	s10 =	sld [smem:$0x3FAC];
	_ =	sdelay $0x3  }
0x33: {  	p0 =	seq.s32 s10, $0x1;
	s10 =	sld [smem:$0x3FAE];
	_ =	sdelay $0x3  }
0x34: {  	[smem:$0x3FAE] =	sst s10  }
0x35: {  	s10 =	sld [smem:$0x3FAD];
	_ =	sdelay $0x3  }
0x36: {  	p1 =	seq.s32 s10, $0x1;
	s10 =	sld [smem:$0x3FAE];
	_ =	sdelay $0x3  }
0x37: {  	[smem:$0x3FAE] =	sst s10  }
0x38: {  	s10 =	sld [smem:$0x3FAF]  }
0x39: {  	_ = 	snop;
	(pc) =	sbr.ind lr, $3  }
0x3a: {  	_ = 	snop  }
0x3b: {  	_ = 	snop  }
0x3c: {  	p2 =	seq.s32 s10, $0x1;
	s10 =	sld [smem:$0x3FAE]  }
0x3d: {  	_ =	shalt  }
0x3e: {  	_ =	shalt  }
0x3f: {  	_ =	shalt  }
0x40: {  	_ =	shalt  }
0x41: {  	_ =	shalt  }
0x42: {  	_ =	shalt  }
0x43: {  	_ =	shalt  }
0x44: {  	_ =	shalt  }
0x45: {  	_ =	shalt  }
0x46: {  	_ =	shalt  }
0x47: {  	_ =	shalt  }
0x48: {  	_ =	shalt  }
0x49: {  	_ =	shalt  }
0x4a: {  	_ =	shalt  }
0x4b: {  	_ =	shalt  }
0x4c: {  	_ =	shalt  }
0x4d: {  	_ =	shalt  }
0x4e: {  	_ =	shalt  }
0x4f: {  	_ =	shalt  }
0x50: {  	_ =	shalt  }
0x51: {  	_ =	shalt  }
0x52: {  	_ =	shalt  }
0x53: {  	_ =	shalt  }
0x54: {  	_ =	shalt  }
0x55: {  	_ =	shalt  }
0x56: {  	_ =	shalt  }
0x57: {  	_ =	shalt  }
0x58: {  	_ =	shalt  }
0x59: {  	_ =	shalt  }
0x5a: {  	_ =	shalt  }
0x5b: {  	_ =	shalt  }
0x5c: {  	_ =	shalt  }
0x5d: {  	_ =	shalt  }
0x5e: {  	_ =	shalt  }
0x5f: {  	_ =	shalt  }
0x60: {  	_ =	shalt  }
0x61: {  	_ =	shalt  }
0x62: {  	_ =	shalt  }
0x63: {  	_ =	shalt  }
0x64: {  	_ =	shalt  }
0x65: {  	_ =	shalt  }
0x66: {  	_ =	shalt  }
0x67: {  	_ =	shalt  }
0x68: {  	_ =	shalt  }
0x69: {  	_ =	shalt  }
0x6a: {  	_ =	shalt  }
0x6b: {  	_ =	shalt  }
0x6c: {  	_ =	shalt  }
0x6d: {  	_ =	shalt  }
0x6e: {  	_ =	shalt  }
0x6f: {  	_ =	shalt  }
0x70: {  	_ =	shalt  }
0x71: {  	_ =	shalt  }
0x72: {  	_ =	shalt  }
0x73: {  	_ =	shalt  }
0x74: {  	_ =	shalt  }
0x75: {  	_ =	shalt  }
0x76: {  	_ =	shalt  }
0x77: {  	_ =	shalt  }
0x78: {  	_ =	shalt  }
0x79: {  	_ =	shalt  }
0x7a: {  	_ =	shalt  }
0x7b: {  	_ =	shalt  }
0x7c: {  	_ =	shalt  }
0x7d: {  	_ =	shalt  }
0x7e: {  	_ =	shalt  }
0x7f: {  	_ =	shalt  }
0x80: {  	_ =	shalt  }
0x81: {  	_ =	shalt  }
0x82: {  	_ =	shalt  }
0x83: {  	_ =	shalt  }
0x84: {  	_ =	shalt  }
0x85: {  	_ =	shalt  }
0x86: {  	_ =	shalt  }
0x87: {  	_ =	shalt  }
.Lfunc_end0:
.L_simem_size_0:
called_computation.4_lowered:
.L_overlay_start_0:
0x88: {  	s2 =	sld [smem:$0x3FD9]  }
0x89: {  	s3 =	sld [smem:$0x3FFE];
	_ =	sdelay $0x1  }
0x8a: {  	s1 =	srdreg.scid  }
0x8b: {  	s0 =	sand.u32 $0x1, s1  }
0x8c: {  	s17 =	sshll.u32 s0, $0xA;
	s2 =	sadd.s32 s3, s2  }
0x8d: {  	s2 =	sadd.s32 s2, s17  }
0x8e: {  	[smem:$0x3FBA] =	sst s2  }
0x8f: {  	_ = 	snop  }
0x90: {  	(tm) =	ssettm $0x1  }
0x91: {  	s18 =	sld [smem:$0x3FFB];
	_ =	sdelay $0x3  }
0x92: {  	_ =	strace s18  }
0x93: {  	s2 =	sld [smem:$0x3FFC];
	_ =	sdelay $0x3  }
0x94: {  	_ =	strace s2  }
0x95: {  	s2 =	sld [smem:$0x3FFD];
	_ =	sdelay $0x3  }
0x96: {  	_ =	strace s2  }
0x97: {  	_ =	strace $0x8FFFFFFF  }
0x98: {  	s19 =	sld [smem:$0x3FDB];
	_ =	sdelay $0x1  }
0x99: {  	s20 =	simm.s32 $_scs_section_size  }
0x9a: {  	s4 =	simm.s32 $_size__tile_overlayer_lowered;
	s5 =	simm.s32 $_tile_overlayer_lowered  }
0x9b: {  	s6 =	simm.s32 $0x1BFF;
	s21 =	sshll.u32 s5, $0x1;
	s3 =	sadd.s32 s20, s19  }
0x9c: {  	s22 =	simm.s32 $0x0;
	s4 =	sshll.u32 s4, $0x1;
	s5 =	sadd.s32 s21, s3  }
0x9d: {  	[timem:s22], [sflag:s6] =	dma.local [hbm:s5], s4  }
0x9e: {  	_ =	swait.ge [sflag:s6], s4  }
0x9f: {  	s4 =	ssub.s32 $0x0, s4;
	[sflag:s6] =	ssyncset.done $0x0  }
0xa0: {  	[sflag:s6] =	ssyncadd.s32 s4;
	_ =	sdelay $0x1  }
0xa1: {  	s23 =	simm.s32 $0x1B8B  }
0xa2: {  	_ =	swait.ge [sflag:s23], $0x1  }
0xa3: {  	[sflag:s23] =	ssyncset.done $0x0  }
0xa4: {  	[sflag:s23] =	ssyncadd.s32 $0xFFFFFFFF  }
0xa5: {  	s4 =	sld [smem:$0x0]  }
0xa6: {  	s5 =	sand.u32 $0xFFFFFFFE, s1  }
0xa7: {  	p0 =	sne.s32 s1, s5  }
0xa8: {  	s5 =	sshll.u32 @p0 s5, $0xE  }
0xa9: {  	s5 =	sadd.s32 @p0 $0x11B8D, s5;
	s6 =	sshll.u32 @p0 s4, $0x11  }
0xaa: {  	s5 =	sor.u32 @p0 s6, s5  }
0xab: {  	[sflag:s5] =	ssyncadd.remote.s32 @p0 $0x1;
	_ =	sdelay $0x1  }
0xac: {  	s5 =	simm.s32 @p0 $0x1B8D  }
0xad: {  	_ =	swait.eq @p0 [sflag:s5], $0x1  }
0xae: {  	[sflag:s5] =	ssyncadd.s32 @p0 $0xFFFFFFFF  }
0xaf: {  	s6 =	sshll.u32 @!p0 s1, $0xE  }
0xb0: {  	s6 =	sor.u32 @!p0 $0x4000, s6;
	s5 =	simm.s32 @!p0 $0x1B8D  }
0xb1: {  	s4 =	sshll.u32 @!p0 s4, $0x11;
	s6 =	sadd.s32 @!p0 $0x11B8D, s6;
	_ =	swait.eq @!p0 [sflag:s5], $0x1  }
0xb2: {  	s4 =	sor.u32 @!p0 s4, s6;
	[sflag:s5] =	ssyncadd.s32 @!p0 $0xFFFFFFFF  }
0xb3: {  	s25 =	simm.s32 $0x1B8E;
	s24 =	sld [smem:$0x3FFE];
	[sflag:s4] =	ssyncadd.remote.s32 @!p0 $0x1  }
0xb4: {  	s26 =	simm.s32 $execute0_lowered;
	[smem:$0x3FD2] =	sst s25  }
0xb5: {  	s5 =	sshll.u32 s26, $0x1;
	_ =	strace $0x80000055;
	[dreg:$0x1] =	wrdreg $0xFFFFFFFF  }
0xb6: {  	s28 =	simm.s32 $_size_execute0_lowered;
	s3 =	sadd.s32 s3, s5;
	[dreg:$0x0] =	wrdreg $0x0  }
0xb7: {  	s5 =	sshll.u32 s28, $0x1;
	[dreg:$0x2] =	wrdreg s3  }
0xb8: {  	[dreg:$0x3] =	wrdreg s5  }
0xb9: {  	[dreg:$0x4] =	wrdreg $0xC0  }
0xba: {  	_ =	task [dreg:s22], $0x5FFFF  }
0xbb: {  	[dreg:$0x1] =	wrdreg $0xFFFFFFFF  }
0xbc: {  	[dreg:$0x0] =	wrdreg $0x60  }
0xbd: {  	[dreg:$0x2] =	wrdreg s24  }
0xbe: {  	[dreg:$0x3] =	wrdreg $0xD  }
0xbf: {  	_ =	task.clear_ibuf [dreg:s22], $0x4FFFF;
	_ =	strace $0x90000055  }
0xc0: {  	s29 =	simm.s32 $0xD;
	_ =	strace $0x80000057  }
0xc1: {  	_ =	swait.ge [sflag:s29], $0x1  }
0xc2: {  	[sflag:s29] =	ssyncadd.s32 $0xFFFFFFFF  }
0xc3: {  	_ =	strace $0x90000057  }
0xc4: {  	_ =	sfence  }
0xc5: {  	s30 =	sld [smem:$0x0];
	_ =	sdelay $0x2  }
0xc6: {  	s31 =	sshll.u32 s1, $0xD;
	s1 =	sshrl.u32 s1, $0x2  }
0xc7: {  	s4 =	sand.u32 $0x4000, s31;
	s1 =	sadd.s32 s1, s30  }
0xc8: {  	s0 =	sor.u32 s4, s0;
	s1 =	sshll.u32 s1, $0x11  }
0xc9: {  	s0 =	sor.u32 s1, s0  }
0xca: {  	s0 =	sadd.s32 $0x8F2B, s0  }
0xcb: {  	[sflag:s0] =	ssyncadd.remote.s32 $0x1  }
0xcc: {  	_ =	sfence.sel $0xFFFF  }
0xcd: {  	[dreg:$0x0] =	wrdreg $0xFFFFFFFF;
	(pc) =	sbr.abs _section_cstart, $3  }
0xce: {  	[dreg:$0x1] =	wrdreg $0xFFFFFFFF  }
0xcf: {  	_ =	task.clear_ibuf [dreg:s22], $0x2FFFF;
	_ =	strace $0x9FFFFFFF  }
0xd0: {  	(tm) =	ssettm $0x7FFFFFFF  }
0xd1: {  	_ =	shalt  }
tec
execute0_lowered:
.L_overlay_start_1:
0x0: {  	(tag) =	ssettag $0x1  }
0x1: {  	s0 =	rddreg [dreg:$0x0];
	s3 =	srdreg.scid  }
0x2: {  	s1 =	stileid.u32;
	s2 =	simm.s32 $0x0;
	s10 =	simm.s32 $0xA80  }
0x3: {  	s11 =	simm.s32 $0x1280;
	s12 =	simm.s32 $0x1A80;
	s13 =	simm.s32 $0x2280  }
0x4: {  	s14 =	simm.s32 $0x2A80;
	s15 =	simm.s32 $0x3280;
	s16 =	simm.s32 $0x3A80  }
0x5: {  	s17 =	simm.s32 $0x4280;
	s18 =	simm.s32 $0x4A80;
	s19 =	simm.s32 $0x5280  }
0x6: {  	s20 =	simm.s32 $0x5A80;
	s21 =	simm.s32 $0x6280;
	s22 =	simm.s32 $0x6A80  }
0x7: {  	s23 =	simm.s32 $0x7280;
	s24 =	simm.s32 $0x7A80;
	s25 =	simm.s32 $0x1  }
0x8: {  	s3 =	sand.u32 $0x1, s3;
	s4 =	smul.u32 $0xA0000, s1;
	s5 =	sshll.u32 s1, $0x1  }
0x9: {  	s26 =	simm.s32 $0x2;
	s6 =	smul.u32 $0x50000, s3;
	s5 =	sor.u32 s3, s5  }
0xa: {  	s28 =	simm.s32 $0x0;
	[smem:$0x7FF] =	sst s2;
	s5 =	smul.u32 $0x50, s5  }
.Ltmp0:
0xb: {  	_ =	strace $0x80000056;
	s31 =	ssub.s32 $0x2, s3;
	(pc) =	sbr.rel .LBB2_1-.Ltmp0, $4  }
0xc: {  	s3 =	sadd.s32 $0x40000, s0;
	s7 =	sshrl.u32 s31, $0x1;
	s4 =	sadd.s32 s6, s4  }
0xd: {  	v2 =	vlaneseq.u32;
	s6 =	ssub.s32 s31, s7;
	s4 =	sshrl.u32 s4, $0x3;
	s5 =	sadd.s32 s5, s0  }
0xe: {  	vm0 =	vmmov $0xffff;
	v1 =	vshrl.u32 v2, $0x3;
	s6 =	smax.u32 s6, $0x1;
	s8 =	sadd.s32 s4, s0;
	s4 =	sadd.s32 $0x3D800, s5  }
0xf: {  	v0 =	vand.u32 $0x7, v2;
	v2 =	vor.u32 $0x8, v2;
	v1 =	vmul.u32 $0x8, v1;
	s5 =	sadd.s32 $0x40100, s0;
	s7 =	sadd.s32 $0x5DC400, s8;
	s8 =	simm.s32 $0x3  }
.LBB2_7:
0x10: {  	s28 =	sadd.s32 $0x1, s28  }
0x11: {  	_ =	swait.ge [sflag:s26], $0x8000;
	p0 =	sne.s32 s28, s6  }
.Ltmp1:
0x12: {  	[sflag:s26] =	ssyncset.done $0x0;
	(pc) =	sbr.rel @!p0 .LBB2_8-.Ltmp1, $4  }
0x13: {  	[sflag:s26] =	ssyncadd.s32 $0xFFFF8000  }
0x14: {  	_ =	swait.ge [sflag:s26], $0x8000  }
0x15: {  	[sflag:s26] =	ssyncset.done $0x0  }
0x16: {  	[sflag:s26] =	ssyncadd.s32 $0xFFFF8000  }
.LBB2_1:
0x17: {  	[tilespmem:s2], [sflag:$0x3] =	stream.linear.gather [hbm4b:s4+s2], $0x280, $0x38;
	[tilespmem:$0x10280] =	vst v63  }
0x18: {  	_ =	swait.ge [sflag:s8], $0x280  }
0x19: {  	[sflag:s8] =	ssyncset.done $0x0  }
0x1a: {  	[sflag:s8] =	ssyncadd.s32 $0xFFFFFD80  }
0x1b: {  	v3 =	vld [tilespmem:$0x0];
	_ =	sdelay $0x4  }
0x1c: {  	v4 =	vshll.u32 v3, $0x2  }
0x1d: {  	v3 =	vand.u32 $0x7, v3;
	v4 =	vand.u32 $0xFFFFFFE0, v4  }
0x1e: {  	v3 =	vor.u32 v3, v4  }
0x1f: {  	v4 =	vperm.xlane v3, v0;
	_ =	sdelay $0x1  }
0x20: {  	v4 =	vadd.s32 v1, v4;
	_ =	sdelay $0x1  }
0x21: {  	v3 =	vperm.xlane v3, v2;
	_ =	sdelay $0x1  }
0x22: {  	s0 =	simm.s32 $0x280;
	v3 =	vadd.s32 v1, v3  }
0x23: {  	[tilespmem:s0], [sflag:$0x1] =	stream.indirect_vreg.gather [hbm4b:s3+s2], $0x80, v4, vm0, $0xb8;
	[tilespmem:$0x10280] =	vst v63  }
0x24: {  	_ = 	snop  }
0x25: {  	[tilespmem:s10], [sflag:$0x1] =	stream.indirect_vreg.gather [hbm4b:s5+s2], $0x80, v4, vm0, $0xb8;
	[tilespmem:$0x10280] =	vst v63  }
0x26: {  	_ = 	snop  }
0x27: {  	[tilespmem:s11], [sflag:$0x1] =	stream.indirect_vreg.gather [hbm4b:s3+s2], $0x80, v3, vm0, $0xb8;
	[tilespmem:$0x10280] =	vst v63  }
0x28: {  	_ = 	snop  }
0x29: {  	[tilespmem:s12], [sflag:$0x1] =	stream.indirect_vreg.gather [hbm4b:s5+s2], $0x80, v3, vm0, $0xb8;
	[tilespmem:$0x10280] =	vst v63  }
0x2a: {  	v3 =	vld [tilespmem:$0x10];
	_ =	sdelay $0x4  }
0x2b: {  	v61 =	vshll.u32 v3, $0x2  }
0x2c: {  	v3 =	vand.u32 $0x7, v3;
	v4 =	vand.u32 $0xFFFFFFE0, v61  }
0x2d: {  	v3 =	vor.u32 v3, v4  }
0x2e: {  	v4 =	vperm.xlane v3, v0;
	_ =	sdelay $0x1  }
0x2f: {  	v4 =	vadd.s32 v1, v4;
	_ =	sdelay $0x1  }
0x30: {  	v3 =	vperm.xlane v3, v2;
	_ =	sdelay $0x1  }
0x31: {  	v3 =	vadd.s32 v1, v3  }
0x32: {  	[tilespmem:s13], [sflag:$0x1] =	stream.indirect_vreg.gather [hbm4b:s3+s2], $0x80, v4, vm0, $0xb8;
	[tilespmem:$0x10280] =	vst v63  }
0x33: {  	_ = 	snop  }
0x34: {  	[tilespmem:s14], [sflag:$0x1] =	stream.indirect_vreg.gather [hbm4b:s5+s2], $0x80, v4, vm0, $0xb8;
	[tilespmem:$0x10280] =	vst v63  }
0x35: {  	_ = 	snop  }
0x36: {  	[tilespmem:s15], [sflag:$0x1] =	stream.indirect_vreg.gather [hbm4b:s3+s2], $0x80, v3, vm0, $0xb8;
	[tilespmem:$0x10280] =	vst v63  }
0x37: {  	_ = 	snop  }
0x38: {  	[tilespmem:s16], [sflag:$0x1] =	stream.indirect_vreg.gather [hbm4b:s5+s2], $0x80, v3, vm0, $0xb8;
	[tilespmem:$0x10280] =	vst v63  }
0x39: {  	v3 =	vld [tilespmem:$0x20];
	_ =	sdelay $0x4  }
0x3a: {  	v62 =	vshll.u32 v3, $0x2  }
0x3b: {  	v3 =	vand.u32 $0x7, v3;
	v4 =	vand.u32 $0xFFFFFFE0, v62  }
0x3c: {  	v3 =	vor.u32 v3, v4  }
0x3d: {  	v4 =	vperm.xlane v3, v0;
	_ =	sdelay $0x1  }
0x3e: {  	v4 =	vadd.s32 v1, v4;
	_ =	sdelay $0x1  }
0x3f: {  	v3 =	vperm.xlane v3, v2;
	_ =	sdelay $0x1  }
0x40: {  	v3 =	vadd.s32 v1, v3  }
0x41: {  	[tilespmem:s17], [sflag:$0x1] =	stream.indirect_vreg.gather [hbm4b:s3+s2], $0x80, v4, vm0, $0xb8;
	[tilespmem:$0x10280] =	vst v63  }
0x42: {  	_ = 	snop  }
0x43: {  	[tilespmem:s18], [sflag:$0x1] =	stream.indirect_vreg.gather [hbm4b:s5+s2], $0x80, v4, vm0, $0xb8;
	[tilespmem:$0x10280] =	vst v63  }
0x44: {  	_ = 	snop  }
0x45: {  	[tilespmem:s19], [sflag:$0x1] =	stream.indirect_vreg.gather [hbm4b:s3+s2], $0x80, v3, vm0, $0xb8;
	[tilespmem:$0x10280] =	vst v63  }
0x46: {  	_ = 	snop  }
0x47: {  	[tilespmem:s20], [sflag:$0x1] =	stream.indirect_vreg.gather [hbm4b:s5+s2], $0x80, v3, vm0, $0xb8;
	[tilespmem:$0x10280] =	vst v63  }
0x48: {  	v3 =	vld [tilespmem:$0x30];
	_ =	sdelay $0x4  }
0x49: {  	v63 =	vshll.u32 v3, $0x2  }
0x4a: {  	v3 =	vand.u32 $0x7, v3;
	v4 =	vand.u32 $0xFFFFFFE0, v63  }
0x4b: {  	v3 =	vor.u32 v3, v4  }
0x4c: {  	v4 =	vperm.xlane v3, v0;
	_ =	sdelay $0x1  }
0x4d: {  	v4 =	vadd.s32 v1, v4;
	_ =	sdelay $0x2  }
0x4e: {  	v3 =	vperm.xlane v3, v2;
	_ =	sdelay $0x1  }
0x4f: {  	v3 =	vadd.s32 v1, v3;
	[tilespmem:s21], [sflag:$0x1] =	stream.indirect_vreg.gather [hbm4b:s3+s2], $0x80, v4, vm0, $0xb8;
	[tilespmem:$0x10280] =	vst v63  }
0x50: {  	_ = 	snop  }
0x51: {  	[tilespmem:s22], [sflag:$0x1] =	stream.indirect_vreg.gather [hbm4b:s5+s2], $0x80, v4, vm0, $0xb8;
	[tilespmem:$0x10280] =	vst v63  }
.Ltmp2:
0x52: {  	_ = 	snop;
	(pc) =	sbr.rel .LBB2_2-.Ltmp2, $4  }
0x53: {  	s29 =	simm.s32 $0x20000  }
0x54: {  	[tilespmem:s23], [sflag:$0x1] =	stream.indirect_vreg.gather [hbm4b:s3+s2], $0x80, v3, vm0, $0xb8;
	[tilespmem:$0x10280] =	vst v63  }
0x55: {  	s30 =	simm.s32 $0x70;
	s31 =	smov.u32 s7;
	s0 =	simm.s32 $0x0  }
0x56: {  	[tilespmem:s24], [sflag:$0x1] =	stream.indirect_vreg.gather [hbm4b:s5+s2], $0x80, v3, vm0, $0xb8;
	[tilespmem:$0x10280] =	vst v63  }
.LBB2_5:
0x57: {  	v3 =	vld [tilespmem:s30+$0xFFFFFFD0];
	_ =	sdelay $0x4  }
0x58: {  	v4 =	vshll.u32 v3, $0x2  }
0x59: {  	v3 =	vand.u32 $0x7, v3;
	v4 =	vand.u32 $0xFFFFFFE0, v4  }
0x5a: {  	v3 =	vor.u32 v3, v4  }
0x5b: {  	v4 =	vperm.xlane v3, v0;
	_ =	sdelay $0x1  }
0x5c: {  	v4 =	vadd.s32 v1, v4;
	_ =	sdelay $0x1  }
0x5d: {  	s1 =	sshrl.u32 s29, $0x2;
	v3 =	vperm.xlane v3, v2  }
0x5e: {  	s1 =	sand.u32 $0x8000, s1  }
0x5f: {  	s9 =	sor.u32 $0x280, s1;
	v3 =	vadd.s32 v1, v3  }
0x60: {  	[tilespmem:s9], [sflag:$0x1] =	stream.indirect_vreg.gather [hbm4b:s3+s2], $0x80, v4, vm0, $0xb8;
	[tilespmem:$0x10280] =	vst v63  }
0x61: {  	s9 =	sor.u32 $0xA80, s1  }
0x62: {  	[tilespmem:s9], [sflag:$0x1] =	stream.indirect_vreg.gather [hbm4b:s5+s2], $0x80, v4, vm0, $0xb8;
	[tilespmem:$0x10280] =	vst v63  }
0x63: {  	s9 =	sor.u32 $0x1280, s1  }
0x64: {  	[tilespmem:s9], [sflag:$0x1] =	stream.indirect_vreg.gather [hbm4b:s3+s2], $0x80, v3, vm0, $0xb8;
	[tilespmem:$0x10280] =	vst v63  }
0x65: {  	s9 =	sor.u32 $0x1A80, s1  }
0x66: {  	[tilespmem:s9], [sflag:$0x1] =	stream.indirect_vreg.gather [hbm4b:s5+s2], $0x80, v3, vm0, $0xb8;
	[tilespmem:$0x10280] =	vst v63  }
0x67: {  	v3 =	vld [tilespmem:s30+$0xFFFFFFE0];
	_ =	sdelay $0x4  }
0x68: {  	v61 =	vshll.u32 v3, $0x2  }
0x69: {  	v3 =	vand.u32 $0x7, v3;
	v4 =	vand.u32 $0xFFFFFFE0, v61  }
0x6a: {  	v3 =	vor.u32 v3, v4  }
0x6b: {  	v4 =	vperm.xlane v3, v0;
	_ =	sdelay $0x1  }
0x6c: {  	v4 =	vadd.s32 v1, v4;
	_ =	sdelay $0x1  }
0x6d: {  	v3 =	vperm.xlane v3, v2;
	_ =	sdelay $0x1  }
0x6e: {  	s9 =	sor.u32 $0x2280, s1;
	v3 =	vadd.s32 v1, v3  }
0x6f: {  	[tilespmem:s9], [sflag:$0x1] =	stream.indirect_vreg.gather [hbm4b:s3+s2], $0x80, v4, vm0, $0xb8;
	[tilespmem:$0x10280] =	vst v63  }
0x70: {  	s9 =	sor.u32 $0x2A80, s1  }
0x71: {  	[tilespmem:s9], [sflag:$0x1] =	stream.indirect_vreg.gather [hbm4b:s5+s2], $0x80, v4, vm0, $0xb8;
	[tilespmem:$0x10280] =	vst v63  }
0x72: {  	s9 =	sor.u32 $0x3280, s1  }
0x73: {  	[tilespmem:s9], [sflag:$0x1] =	stream.indirect_vreg.gather [hbm4b:s3+s2], $0x80, v3, vm0, $0xb8;
	[tilespmem:$0x10280] =	vst v63  }
0x74: {  	s9 =	sor.u32 $0x3A80, s1  }
0x75: {  	[tilespmem:s9], [sflag:$0x1] =	stream.indirect_vreg.gather [hbm4b:s5+s2], $0x80, v3, vm0, $0xb8;
	[tilespmem:$0x10280] =	vst v63  }
0x76: {  	v3 =	vld [tilespmem:s30+$0xFFFFFFF0];
	_ =	sdelay $0x4  }
0x77: {  	v62 =	vshll.u32 v3, $0x2  }
0x78: {  	v3 =	vand.u32 $0x7, v3;
	v4 =	vand.u32 $0xFFFFFFE0, v62  }
0x79: {  	v3 =	vor.u32 v3, v4  }
0x7a: {  	v4 =	vperm.xlane v3, v0;
	_ =	sdelay $0x1  }
0x7b: {  	v4 =	vadd.s32 v1, v4;
	_ =	sdelay $0x1  }
0x7c: {  	v3 =	vperm.xlane v3, v2;
	_ =	sdelay $0x1  }
0x7d: {  	s9 =	sor.u32 $0x4280, s1;
	v3 =	vadd.s32 v1, v3  }
0x7e: {  	[tilespmem:s9], [sflag:$0x1] =	stream.indirect_vreg.gather [hbm4b:s3+s2], $0x80, v4, vm0, $0xb8;
	[tilespmem:$0x10280] =	vst v63  }
0x7f: {  	s9 =	sor.u32 $0x4A80, s1  }
0x80: {  	[tilespmem:s9], [sflag:$0x1] =	stream.indirect_vreg.gather [hbm4b:s5+s2], $0x80, v4, vm0, $0xb8;
	[tilespmem:$0x10280] =	vst v63  }
0x81: {  	s9 =	sor.u32 $0x5280, s1  }
0x82: {  	[tilespmem:s9], [sflag:$0x1] =	stream.indirect_vreg.gather [hbm4b:s3+s2], $0x80, v3, vm0, $0xb8;
	[tilespmem:$0x10280] =	vst v63  }
0x83: {  	s9 =	sor.u32 $0x5A80, s1  }
0x84: {  	[tilespmem:s9], [sflag:$0x1] =	stream.indirect_vreg.gather [hbm4b:s5+s2], $0x80, v3, vm0, $0xb8;
	[tilespmem:$0x10280] =	vst v63  }
0x85: {  	v3 =	vld [tilespmem:s30+$0x0];
	_ =	sdelay $0x4  }
0x86: {  	v63 =	vshll.u32 v3, $0x2  }
0x87: {  	v3 =	vand.u32 $0x7, v3;
	v4 =	vand.u32 $0xFFFFFFE0, v63  }
0x88: {  	v3 =	vor.u32 v3, v4  }
0x89: {  	v4 =	vperm.xlane v3, v0;
	_ =	sdelay $0x1  }
0x8a: {  	v4 =	vadd.s32 v1, v4;
	_ =	sdelay $0x1  }
0x8b: {  	v3 =	vperm.xlane v3, v2;
	_ =	sdelay $0x1  }
0x8c: {  	s9 =	sor.u32 $0x6280, s1;
	v3 =	vadd.s32 v1, v3  }
0x8d: {  	[tilespmem:s9], [sflag:$0x1] =	stream.indirect_vreg.gather [hbm4b:s3+s2], $0x80, v4, vm0, $0xb8;
	[tilespmem:$0x10280] =	vst v63  }
0x8e: {  	s9 =	sor.u32 $0x6A80, s1  }
0x8f: {  	[tilespmem:s9], [sflag:$0x1] =	stream.indirect_vreg.gather [hbm4b:s5+s2], $0x80, v4, vm0, $0xb8;
	[tilespmem:$0x10280] =	vst v63  }
0x90: {  	s9 =	sor.u32 $0x7280, s1  }
0x91: {  	[tilespmem:s9], [sflag:$0x1] =	stream.indirect_vreg.gather [hbm4b:s3+s2], $0x80, v3, vm0, $0xb8;
	[tilespmem:$0x10280] =	vst v63  }
0x92: {  	s1 =	sor.u32 $0x7A80, s1  }
0x93: {  	[tilespmem:s1], [sflag:$0x1] =	stream.indirect_vreg.gather [hbm4b:s5+s2], $0x80, v3, vm0, $0xb8;
	[tilespmem:$0x10280] =	vst v63  }
.LBB2_6:
0x94: {  	s0 =	sadd.s32 $0x1, s0  }
0x95: {  	s1 =	sadd.s32 $0xFFFE0000, s29;
	p0 =	sne.s32 s0, $0xA  }
.Ltmp3:
0x96: {  	s1 =	sand.u32 $0x20000, s1;
	(pc) =	sbr.rel @!p0 .LBB2_7-.Ltmp3, $4  }
0x97: {  	s1 =	sshrl.u32 s1, $0x2  }
0x98: {  	s1 =	sor.u32 $0x280, s1  }
0x99: {  	[hbm4b:s31+s2] =	stream.linear.scatter [tilespmem:s1], [sflag:$0x2], $0x8000, $0x38;
	[tilespmem:$0x10280] =	vst v63  }
0x9a: {  	s29 =	sadd.s32 $0x20000, s29;
	s30 =	sadd.s32 $0x40, s30;
	s31 =	sadd.s32 $0x1000, s31  }
.LBB2_2:
0x9b: {  	p0 =	seq.s32 s0, $0x0  }
.Ltmp4:
0x9c: {  	_ = 	snop;
	(pc) =	sbr.rel @p0 .LBB2_5-.Ltmp4, $4  }
0x9d: {  	_ = 	snop  }
0x9e: {  	_ =	swait.ge [sflag:s25], $0x8000  }
0x9f: {  	[sflag:s25] =	ssyncset.done $0x0  }
0xa0: {  	[sflag:s25] =	ssyncadd.s32 $0xFFFF8000  }
0xa1: {  	p0 =	seq.s32 s0, $0x9  }
.Ltmp5:
0xa2: {  	_ = 	snop;
	(pc) =	sbr.rel @p0 .LBB2_6-.Ltmp5, $1  }
0xa3: {  	_ =	sdelay $0x3  }
.Ltmp6:
0xa4: {  	(pc) =	sbr.rel .LBB2_5-.Ltmp6, $4  }
0xa5: {  	_ = 	snop  }
0xa6: {  	_ =	swait.ge [sflag:s26], $0x8000  }
0xa7: {  	[sflag:s26] =	ssyncset.done $0x0  }
0xa8: {  	[sflag:s26] =	ssyncadd.s32 $0xFFFF8000  }
.LBB2_8:
0xa9: {  	_ =	sfence.sel $0x180000  }
0xaa: {  	[bflag:$0x0] =	sbarrier.arrive $0xFFFF  }
0xab: {  	_ =	strace $0x90000056  }
0xac: {  	s0 =	stileid.u32;
	[bflag:$0x2] =	sbarrier.arrive $0xFFFF  }
0xad: {  	p0 =	sne.s32 s0, $0x0;
	s0 =	rddreg [dreg:$0x1]  }
0xae: {  	s0 =	sadd.s32 @!p0 $0x100000, s0  }
0xaf: {  	[sflag:s0] =	ssyncadd.tile.s32 @!p0 $0x1;
	_ =	shalt  }
.Lfunc_end2:
_tile_overlayer_lowered:
.L_overlay_start_2:
0xb0: {  	(tag) =	ssettag $0x2  }
0xb1: {  	s0 =	rddreg [dreg:$0x0];
	s2 =	stileid.u32  }
0xb2: {  	s1 =	rddreg [dreg:$0x1];
	p0 =	sne.s32 s2, $0x0  }
0xb3: {  	s3 =	rddreg [dreg:$0x2];
	[bflag:$0x3] =	sbarrier.arrive $0xFFFF;
	s2 =	simm.s32 @!p0 $0x1C03  }
0xb4: {  	[timem:s3], [sflag:s2] =	dma.local @!p0 [hbm:s0], s1  }
0xb5: {  	s0 =	simm.s32 @!p0 $0x3  }
0xb6: {  	_ =	swait.ge @!p0 [sflag:s0], s1  }
0xb7: {  	s1 =	ssub.s32 @!p0 $0x0, s1;
	[sflag:s0] =	ssyncset.done @!p0 $0x0  }
0xb8: {  	[sflag:s0] =	ssyncadd.s32 @!p0 s1  }
0xb9: {  	[bflag:$0x3] =	sbarrier.arrive $0xFFFF  }
0xba: {  	_ =	shalt  }

// kernel: kernel.35.cloned.1.call-start
scs
__scs_entry_jumppad:
0x0: {  	(pc) =	sbr.rel $0x88, $3  }
0x1: {  	(tag) =	ssettag $0x0;
	lr =	simm.s32 $0x1  }
0x2: {  	[smem:$0x3F93] =	sst lr;
	_ =	strace $0xD0000000  }
0x3: {  	_ = 	snop  }
0x4: {  	_ = 	snop  }
0x5: {  	_ = 	snop  }
0x6: {  	_ = 	snop  }
0x7: {  	_ = 	snop  }
__scs_overlays_trampoline_lowered:
0x8: {  	[smem:$0x3FA2] =	sst s0  }
0x9: {  	[smem:$0x3FA3] =	sst s1  }
0xa: {  	[smem:$0x3FA4] =	sst s2  }
0xb: {  	[smem:$0x3FA5] =	sst s3  }
0xc: {  	[smem:$0x3FA6] =	sst s4  }
0xd: {  	[smem:$0x3FA7] =	sst s5  }
0xe: {  	[smem:$0x3FA8] =	sst s6  }
0xf: {  	[smem:$0x3FA9] =	sst s7  }
0x10: {  	[smem:$0x3FAA] =	sst s8  }
0x11: {  	[smem:$0x3FAB] =	sst s9;
	s0 =	simm.s32 @!p0 $0x0  }
0x12: {  	s1 =	sld [smem:$0x3F91];
	s0 =	simm.s32 @p0 $0x1  }
0x13: {  	[smem:$0x3FAC] =	sst s0;
	s0 =	simm.s32 @!p1 $0x0  }
0x14: {  	s2 =	sld [smem:$0x3F90];
	s0 =	simm.s32 @p1 $0x1  }
0x15: {  	[smem:$0x3FAD] =	sst s0;
	s0 =	simm.s32 @!p2 $0x0  }
0x16: {  	s3 =	sld [smem:$0x3FDB];
	s0 =	simm.s32 @p2 $0x1  }
0x17: {  	s4 =	simm.s32 $0x1BF5;
	[smem:$0x3FAF] =	sst s0  }
0x18: {  	s0 =	sld [smem:$0x3F92];
	_ =	swait.ge [sflag:s4], $0x0  }
0x19: {  	s7 =	sld [smem:$0x3F93]  }
0x1a: {  	s8 =	sadd.s32 $0xFFFFE003, lr  }
0x1b: {  	s9 =	sadd.s32 $0xFFFFFEF7, lr;
	s5 =	simm.s32 $0xFFFFFFFF;
	p2 =	slt.u32 s8, $0xFFFFF086  }
0x1c: {  	p1 =	slt.u32 s9, $0xF7A;
	s5 =	simm.s32 @!p2 $0x0  }
0x1d: {  	s5 =	simm.s32 @p1 $0x1;
	p0 =	seq.s32 s7, s2  }
0x1e: {  	s7 =	smul.u32 @!p0 $0xF7A, s2;
	p2 =	seq.s32 @!p0 s5, $0x0  }
0x1f: {  	s9 =	smul.u32 $0xF7A, s1;
	s8 =	simm.s32 @!p0 $0x1BF5;
	p2 =	por !p2, p0  }
0x20: {  	[sflag:s8] =	ssyncset.s32 @!p0 $0xFFFFF086;
	s6 =	sadd.s32 @!p0 s3, s7;
	s7 =	simm.s32 @!p0 $0x108  }
0x21: {  	s3 =	sadd.s32 s3, s9;
	s6 =	sadd.s32 @!p0 $0x88, s6;
	s7 =	simm.s32 @p2 $0x1082  }
0x22: {  	[simem:s7], [sflag:s8] =	dma.local @!p0 [hbm:s6], $0xF7A  }
0x23: {  	s9 =	sor.u32 $0xD0000000, s2;
	s6 =	simm.s32 $0x108;
	_ =	swait.ge @!p0 [sflag:s8], $0x0  }
0x24: {  	s3 =	sadd.s32 $0x88, s3;
	s6 =	simm.s32 @!p1 $0x1082;
	[sflag:s4] =	ssyncset.s32 $0xFFFFF086  }
0x25: {  	[simem:s6], [sflag:s4] =	dma.local [hbm:s3], $0xF7A  }
0x26: {  	[smem:$0x3F93] =	sst s1;
	(tag) =	ssettag s2;
	_ =	strace s9  }
0x27: {  	s1 =	sld [smem:$0x3FA3]  }
0x28: {  	s2 =	sld [smem:$0x3FA4]  }
0x29: {  	s4 =	sld [smem:$0x3FA6]  }
0x2a: {  	p0 =	seq.s32 s5, $0x0;
	s5 =	sld [smem:$0x3FA7]  }
0x2b: {  	s6 =	sld [smem:$0x3FA8]  }
0x2c: {  	s7 =	sld [smem:$0x3FA9]  }
0x2d: {  	s3 =	simm.s32 $0x108;
	s8 =	sld [smem:$0x3FAA]  }
0x2e: {  	s3 =	simm.s32 @!p0 $0x1082;
	s9 =	sld [smem:$0x3FAB]  }
0x2f: {  	lr =	sadd.s32 s0, s3;
	s0 =	sld [smem:$0x3FA2]  }
0x30: {  	s3 =	sld [smem:$0x3FA5]  }
0x31: {  	[smem:$0x3FAE] =	sst s10  }
0x32: {  	s10 =	sld [smem:$0x3FAC];
	_ =	sdelay $0x3  }
0x33: {  	p0 =	seq.s32 s10, $0x1;
	s10 =	sld [smem:$0x3FAE];
	_ =	sdelay $0x3  }
0x34: {  	[smem:$0x3FAE] =	sst s10  }
0x35: {  	s10 =	sld [smem:$0x3FAD];
	_ =	sdelay $0x3  }
0x36: {  	p1 =	seq.s32 s10, $0x1;
	s10 =	sld [smem:$0x3FAE];
	_ =	sdelay $0x3  }
0x37: {  	[smem:$0x3FAE] =	sst s10  }
0x38: {  	s10 =	sld [smem:$0x3FAF]  }
0x39: {  	_ = 	snop;
	(pc) =	sbr.ind lr, $3  }
0x3a: {  	_ = 	snop  }
0x3b: {  	_ = 	snop  }
0x3c: {  	p2 =	seq.s32 s10, $0x1;
	s10 =	sld [smem:$0x3FAE]  }
0x3d: {  	_ =	shalt  }
0x3e: {  	_ =	shalt  }
0x3f: {  	_ =	shalt  }
0x40: {  	_ =	shalt  }
0x41: {  	_ =	shalt  }
0x42: {  	_ =	shalt  }
0x43: {  	_ =	shalt  }
0x44: {  	_ =	shalt  }
0x45: {  	_ =	shalt  }
0x46: {  	_ =	shalt  }
0x47: {  	_ =	shalt  }
0x48: {  	_ =	shalt  }
0x49: {  	_ =	shalt  }
0x4a: {  	_ =	shalt  }
0x4b: {  	_ =	shalt  }
0x4c: {  	_ =	shalt  }
0x4d: {  	_ =	shalt  }
0x4e: {  	_ =	shalt  }
0x4f: {  	_ =	shalt  }
0x50: {  	_ =	shalt  }
0x51: {  	_ =	shalt  }
0x52: {  	_ =	shalt  }
0x53: {  	_ =	shalt  }
0x54: {  	_ =	shalt  }
0x55: {  	_ =	shalt  }
0x56: {  	_ =	shalt  }
0x57: {  	_ =	shalt  }
0x58: {  	_ =	shalt  }
0x59: {  	_ =	shalt  }
0x5a: {  	_ =	shalt  }
0x5b: {  	_ =	shalt  }
0x5c: {  	_ =	shalt  }
0x5d: {  	_ =	shalt  }
0x5e: {  	_ =	shalt  }
0x5f: {  	_ =	shalt  }
0x60: {  	_ =	shalt  }
0x61: {  	_ =	shalt  }
0x62: {  	_ =	shalt  }
0x63: {  	_ =	shalt  }
0x64: {  	_ =	shalt  }
0x65: {  	_ =	shalt  }
0x66: {  	_ =	shalt  }
0x67: {  	_ =	shalt  }
0x68: {  	_ =	shalt  }
0x69: {  	_ =	shalt  }
0x6a: {  	_ =	shalt  }
0x6b: {  	_ =	shalt  }
0x6c: {  	_ =	shalt  }
0x6d: {  	_ =	shalt  }
0x6e: {  	_ =	shalt  }
0x6f: {  	_ =	shalt  }
0x70: {  	_ =	shalt  }
0x71: {  	_ =	shalt  }
0x72: {  	_ =	shalt  }
0x73: {  	_ =	shalt  }
0x74: {  	_ =	shalt  }
0x75: {  	_ =	shalt  }
0x76: {  	_ =	shalt  }
0x77: {  	_ =	shalt  }
0x78: {  	_ =	shalt  }
0x79: {  	_ =	shalt  }
0x7a: {  	_ =	shalt  }
0x7b: {  	_ =	shalt  }
0x7c: {  	_ =	shalt  }
0x7d: {  	_ =	shalt  }
0x7e: {  	_ =	shalt  }
0x7f: {  	_ =	shalt  }
0x80: {  	_ =	shalt  }
0x81: {  	_ =	shalt  }
0x82: {  	_ =	shalt  }
0x83: {  	_ =	shalt  }
0x84: {  	_ =	shalt  }
0x85: {  	_ =	shalt  }
0x86: {  	_ =	shalt  }
0x87: {  	_ =	shalt  }
.Lfunc_end0:
.L_simem_size_0:
called_computation.5_lowered:
.L_overlay_start_0:
0x88: {  	s2 =	sld [smem:$0x3FD9]  }
0x89: {  	s3 =	sld [smem:$0x3FFE];
	_ =	sdelay $0x1  }
0x8a: {  	s1 =	srdreg.scid  }
0x8b: {  	s0 =	sand.u32 $0x1, s1  }
0x8c: {  	s17 =	sshll.u32 s0, $0xA;
	s2 =	sadd.s32 s3, s2  }
0x8d: {  	s2 =	sadd.s32 s2, s17  }
0x8e: {  	[smem:$0x3FBA] =	sst s2  }
0x8f: {  	_ = 	snop  }
0x90: {  	(tm) =	ssettm $0x1  }
0x91: {  	s18 =	sld [smem:$0x3FFB];
	_ =	sdelay $0x3  }
0x92: {  	_ =	strace s18  }
0x93: {  	s2 =	sld [smem:$0x3FFC];
	_ =	sdelay $0x3  }
0x94: {  	_ =	strace s2  }
0x95: {  	s2 =	sld [smem:$0x3FFD];
	_ =	sdelay $0x3  }
0x96: {  	_ =	strace s2  }
0x97: {  	_ =	strace $0x8FFFFFFF  }
0x98: {  	s19 =	sld [smem:$0x3FDB];
	_ =	sdelay $0x1  }
0x99: {  	s20 =	simm.s32 $_scs_section_size  }
0x9a: {  	s4 =	simm.s32 $_size__tile_overlayer_lowered;
	s5 =	simm.s32 $_tile_overlayer_lowered  }
0x9b: {  	s6 =	simm.s32 $0x1BFF;
	s21 =	sshll.u32 s5, $0x1;
	s3 =	sadd.s32 s20, s19  }
0x9c: {  	s22 =	simm.s32 $0x0;
	s4 =	sshll.u32 s4, $0x1;
	s5 =	sadd.s32 s21, s3  }
0x9d: {  	[timem:s22], [sflag:s6] =	dma.local [hbm:s5], s4  }
0x9e: {  	_ =	swait.ge [sflag:s6], s4  }
0x9f: {  	s4 =	ssub.s32 $0x0, s4;
	[sflag:s6] =	ssyncset.done $0x0  }
0xa0: {  	[sflag:s6] =	ssyncadd.s32 s4;
	_ =	sdelay $0x1  }
0xa1: {  	s23 =	simm.s32 $0x1B8B  }
0xa2: {  	_ =	swait.ge [sflag:s23], $0x1  }
0xa3: {  	[sflag:s23] =	ssyncset.done $0x0  }
0xa4: {  	[sflag:s23] =	ssyncadd.s32 $0xFFFFFFFF  }
0xa5: {  	s4 =	sld [smem:$0x0]  }
0xa6: {  	s5 =	sand.u32 $0xFFFFFFFE, s1  }
0xa7: {  	p0 =	sne.s32 s1, s5  }
0xa8: {  	s5 =	sshll.u32 @p0 s5, $0xE  }
0xa9: {  	s5 =	sadd.s32 @p0 $0x11B8D, s5;
	s6 =	sshll.u32 @p0 s4, $0x11  }
0xaa: {  	s5 =	sor.u32 @p0 s6, s5  }
0xab: {  	[sflag:s5] =	ssyncadd.remote.s32 @p0 $0x1;
	_ =	sdelay $0x1  }
0xac: {  	s5 =	simm.s32 @p0 $0x1B8D  }
0xad: {  	_ =	swait.eq @p0 [sflag:s5], $0x1  }
0xae: {  	[sflag:s5] =	ssyncadd.s32 @p0 $0xFFFFFFFF  }
0xaf: {  	s6 =	sshll.u32 @!p0 s1, $0xE  }
0xb0: {  	s6 =	sor.u32 @!p0 $0x4000, s6;
	s5 =	simm.s32 @!p0 $0x1B8D  }
0xb1: {  	s4 =	sshll.u32 @!p0 s4, $0x11;
	s6 =	sadd.s32 @!p0 $0x11B8D, s6;
	_ =	swait.eq @!p0 [sflag:s5], $0x1  }
0xb2: {  	s4 =	sor.u32 @!p0 s4, s6;
	[sflag:s5] =	ssyncadd.s32 @!p0 $0xFFFFFFFF  }
0xb3: {  	s25 =	simm.s32 $0x1B8E;
	s24 =	sld [smem:$0x3FFE];
	[sflag:s4] =	ssyncadd.remote.s32 @!p0 $0x1  }
0xb4: {  	s26 =	simm.s32 $execute0_lowered;
	[smem:$0x3FD2] =	sst s25  }
0xb5: {  	s5 =	sshll.u32 s26, $0x1;
	_ =	strace $0x80000052;
	[dreg:$0x1] =	wrdreg $0xFFFFFFFF  }
0xb6: {  	s28 =	simm.s32 $_size_execute0_lowered;
	s3 =	sadd.s32 s3, s5;
	[dreg:$0x0] =	wrdreg $0x0  }
0xb7: {  	s5 =	sshll.u32 s28, $0x1;
	[dreg:$0x2] =	wrdreg s3  }
0xb8: {  	[dreg:$0x3] =	wrdreg s5  }
0xb9: {  	[dreg:$0x4] =	wrdreg $0xC0  }
0xba: {  	_ =	task [dreg:s22], $0x5FFFF  }
0xbb: {  	[dreg:$0x1] =	wrdreg $0xFFFFFFFF  }
0xbc: {  	[dreg:$0x0] =	wrdreg $0x60  }
0xbd: {  	[dreg:$0x2] =	wrdreg s24  }
0xbe: {  	[dreg:$0x3] =	wrdreg $0xE  }
0xbf: {  	_ =	task.clear_ibuf [dreg:s22], $0x4FFFF;
	_ =	strace $0x90000052  }
0xc0: {  	s29 =	simm.s32 $0xE;
	_ =	strace $0x80000054  }
0xc1: {  	_ =	swait.ge [sflag:s29], $0x1  }
0xc2: {  	[sflag:s29] =	ssyncadd.s32 $0xFFFFFFFF  }
0xc3: {  	_ =	strace $0x90000054  }
0xc4: {  	_ =	sfence  }
0xc5: {  	s30 =	sld [smem:$0x0];
	_ =	sdelay $0x2  }
0xc6: {  	s31 =	sshll.u32 s1, $0xD;
	s1 =	sshrl.u32 s1, $0x2  }
0xc7: {  	s4 =	sand.u32 $0x4000, s31;
	s1 =	sadd.s32 s1, s30  }
0xc8: {  	s0 =	sor.u32 s4, s0;
	s1 =	sshll.u32 s1, $0x11  }
0xc9: {  	s0 =	sor.u32 s1, s0  }
0xca: {  	s0 =	sadd.s32 $0x8F2B, s0  }
0xcb: {  	[sflag:s0] =	ssyncadd.remote.s32 $0x1  }
0xcc: {  	_ =	sfence.sel $0xFFFF  }
0xcd: {  	[dreg:$0x0] =	wrdreg $0xFFFFFFFF;
	(pc) =	sbr.abs _section_cstart, $3  }
0xce: {  	[dreg:$0x1] =	wrdreg $0xFFFFFFFF  }
0xcf: {  	_ =	task.clear_ibuf [dreg:s22], $0x2FFFF;
	_ =	strace $0x9FFFFFFF  }
0xd0: {  	(tm) =	ssettm $0x7FFFFFFF  }
0xd1: {  	_ =	shalt  }
tec
execute0_lowered:
.L_overlay_start_1:
0x0: {  	(tag) =	ssettag $0x1  }
0x1: {  	s0 =	rddreg [dreg:$0x0];
	s3 =	srdreg.scid  }
0x2: {  	s1 =	stileid.u32;
	s2 =	simm.s32 $0x0;
	s10 =	simm.s32 $0xA80  }
0x3: {  	s11 =	simm.s32 $0x1280;
	s12 =	simm.s32 $0x1A80;
	s13 =	simm.s32 $0x2280  }
0x4: {  	s14 =	simm.s32 $0x2A80;
	s15 =	simm.s32 $0x3280;
	s16 =	simm.s32 $0x3A80  }
0x5: {  	s17 =	simm.s32 $0x4280;
	s18 =	simm.s32 $0x4A80;
	s19 =	simm.s32 $0x5280  }
0x6: {  	s20 =	simm.s32 $0x5A80;
	s21 =	simm.s32 $0x6280;
	s22 =	simm.s32 $0x6A80  }
0x7: {  	s23 =	simm.s32 $0x7280;
	s24 =	simm.s32 $0x7A80;
	s25 =	simm.s32 $0x1  }
0x8: {  	s3 =	sand.u32 $0x1, s3;
	s4 =	smul.u32 $0xA0000, s1;
	s5 =	sshll.u32 s1, $0x1  }
0x9: {  	s26 =	simm.s32 $0x2;
	s6 =	smul.u32 $0x50000, s3;
	s5 =	sor.u32 s3, s5  }
0xa: {  	s28 =	simm.s32 $0x0;
	[smem:$0x7FF] =	sst s2;
	s5 =	smul.u32 $0x50, s5  }
.Ltmp0:
0xb: {  	_ =	strace $0x80000053;
	s31 =	ssub.s32 $0x2, s3;
	(pc) =	sbr.rel .LBB2_1-.Ltmp0, $4  }
0xc: {  	s3 =	sadd.s32 $0x40000, s0;
	s7 =	sshrl.u32 s31, $0x1;
	s4 =	sadd.s32 s6, s4  }
0xd: {  	v2 =	vlaneseq.u32;
	s6 =	ssub.s32 s31, s7;
	s4 =	sshrl.u32 s4, $0x3;
	s5 =	sadd.s32 s5, s0  }
0xe: {  	vm0 =	vmmov $0xffff;
	v1 =	vshrl.u32 v2, $0x3;
	s6 =	smax.u32 s6, $0x1;
	s8 =	sadd.s32 s4, s0;
	s4 =	sadd.s32 $0x3CE00, s5  }
0xf: {  	v0 =	vand.u32 $0x7, v2;
	v2 =	vor.u32 $0x8, v2;
	v1 =	vmul.u32 $0x8, v1;
	s5 =	sadd.s32 $0x40100, s0;
	s7 =	sadd.s32 $0x49C400, s8;
	s8 =	simm.s32 $0x3  }
.LBB2_7:
0x10: {  	s28 =	sadd.s32 $0x1, s28  }
0x11: {  	_ =	swait.ge [sflag:s26], $0x8000;
	p0 =	sne.s32 s28, s6  }
.Ltmp1:
0x12: {  	[sflag:s26] =	ssyncset.done $0x0;
	(pc) =	sbr.rel @!p0 .LBB2_8-.Ltmp1, $4  }
0x13: {  	[sflag:s26] =	ssyncadd.s32 $0xFFFF8000  }
0x14: {  	_ =	swait.ge [sflag:s26], $0x8000  }
0x15: {  	[sflag:s26] =	ssyncset.done $0x0  }
0x16: {  	[sflag:s26] =	ssyncadd.s32 $0xFFFF8000  }
.LBB2_1:
0x17: {  	[tilespmem:s2], [sflag:$0x3] =	stream.linear.gather [hbm4b:s4+s2], $0x280, $0x38;
	[tilespmem:$0x10280] =	vst v63  }
0x18: {  	_ =	swait.ge [sflag:s8], $0x280  }
0x19: {  	[sflag:s8] =	ssyncset.done $0x0  }
0x1a: {  	[sflag:s8] =	ssyncadd.s32 $0xFFFFFD80  }
0x1b: {  	v3 =	vld [tilespmem:$0x0];
	_ =	sdelay $0x4  }
0x1c: {  	v4 =	vshll.u32 v3, $0x2  }
0x1d: {  	v3 =	vand.u32 $0x7, v3;
	v4 =	vand.u32 $0xFFFFFFE0, v4  }
0x1e: {  	v3 =	vor.u32 v3, v4  }
0x1f: {  	v4 =	vperm.xlane v3, v0;
	_ =	sdelay $0x1  }
0x20: {  	v4 =	vadd.s32 v1, v4;
	_ =	sdelay $0x1  }
0x21: {  	v3 =	vperm.xlane v3, v2;
	_ =	sdelay $0x1  }
0x22: {  	s0 =	simm.s32 $0x280;
	v3 =	vadd.s32 v1, v3  }
0x23: {  	[tilespmem:s0], [sflag:$0x1] =	stream.indirect_vreg.gather [hbm4b:s3+s2], $0x80, v4, vm0, $0xb8;
	[tilespmem:$0x10280] =	vst v63  }
0x24: {  	_ = 	snop  }
0x25: {  	[tilespmem:s10], [sflag:$0x1] =	stream.indirect_vreg.gather [hbm4b:s5+s2], $0x80, v4, vm0, $0xb8;
	[tilespmem:$0x10280] =	vst v63  }
0x26: {  	_ = 	snop  }
0x27: {  	[tilespmem:s11], [sflag:$0x1] =	stream.indirect_vreg.gather [hbm4b:s3+s2], $0x80, v3, vm0, $0xb8;
	[tilespmem:$0x10280] =	vst v63  }
0x28: {  	_ = 	snop  }
0x29: {  	[tilespmem:s12], [sflag:$0x1] =	stream.indirect_vreg.gather [hbm4b:s5+s2], $0x80, v3, vm0, $0xb8;
	[tilespmem:$0x10280] =	vst v63  }
0x2a: {  	v3 =	vld [tilespmem:$0x10];
	_ =	sdelay $0x4  }
0x2b: {  	v61 =	vshll.u32 v3, $0x2  }
0x2c: {  	v3 =	vand.u32 $0x7, v3;
	v4 =	vand.u32 $0xFFFFFFE0, v61  }
0x2d: {  	v3 =	vor.u32 v3, v4  }
0x2e: {  	v4 =	vperm.xlane v3, v0;
	_ =	sdelay $0x1  }
0x2f: {  	v4 =	vadd.s32 v1, v4;
	_ =	sdelay $0x1  }
0x30: {  	v3 =	vperm.xlane v3, v2;
	_ =	sdelay $0x1  }
0x31: {  	v3 =	vadd.s32 v1, v3  }
0x32: {  	[tilespmem:s13], [sflag:$0x1] =	stream.indirect_vreg.gather [hbm4b:s3+s2], $0x80, v4, vm0, $0xb8;
	[tilespmem:$0x10280] =	vst v63  }
0x33: {  	_ = 	snop  }
0x34: {  	[tilespmem:s14], [sflag:$0x1] =	stream.indirect_vreg.gather [hbm4b:s5+s2], $0x80, v4, vm0, $0xb8;
	[tilespmem:$0x10280] =	vst v63  }
0x35: {  	_ = 	snop  }
0x36: {  	[tilespmem:s15], [sflag:$0x1] =	stream.indirect_vreg.gather [hbm4b:s3+s2], $0x80, v3, vm0, $0xb8;
	[tilespmem:$0x10280] =	vst v63  }
0x37: {  	_ = 	snop  }
0x38: {  	[tilespmem:s16], [sflag:$0x1] =	stream.indirect_vreg.gather [hbm4b:s5+s2], $0x80, v3, vm0, $0xb8;
	[tilespmem:$0x10280] =	vst v63  }
0x39: {  	v3 =	vld [tilespmem:$0x20];
	_ =	sdelay $0x4  }
0x3a: {  	v62 =	vshll.u32 v3, $0x2  }
0x3b: {  	v3 =	vand.u32 $0x7, v3;
	v4 =	vand.u32 $0xFFFFFFE0, v62  }
0x3c: {  	v3 =	vor.u32 v3, v4  }
0x3d: {  	v4 =	vperm.xlane v3, v0;
	_ =	sdelay $0x1  }
0x3e: {  	v4 =	vadd.s32 v1, v4;
	_ =	sdelay $0x1  }
0x3f: {  	v3 =	vperm.xlane v3, v2;
	_ =	sdelay $0x1  }
0x40: {  	v3 =	vadd.s32 v1, v3  }
0x41: {  	[tilespmem:s17], [sflag:$0x1] =	stream.indirect_vreg.gather [hbm4b:s3+s2], $0x80, v4, vm0, $0xb8;
	[tilespmem:$0x10280] =	vst v63  }
0x42: {  	_ = 	snop  }
0x43: {  	[tilespmem:s18], [sflag:$0x1] =	stream.indirect_vreg.gather [hbm4b:s5+s2], $0x80, v4, vm0, $0xb8;
	[tilespmem:$0x10280] =	vst v63  }
0x44: {  	_ = 	snop  }
0x45: {  	[tilespmem:s19], [sflag:$0x1] =	stream.indirect_vreg.gather [hbm4b:s3+s2], $0x80, v3, vm0, $0xb8;
	[tilespmem:$0x10280] =	vst v63  }
0x46: {  	_ = 	snop  }
0x47: {  	[tilespmem:s20], [sflag:$0x1] =	stream.indirect_vreg.gather [hbm4b:s5+s2], $0x80, v3, vm0, $0xb8;
	[tilespmem:$0x10280] =	vst v63  }
0x48: {  	v3 =	vld [tilespmem:$0x30];
	_ =	sdelay $0x4  }
0x49: {  	v63 =	vshll.u32 v3, $0x2  }
0x4a: {  	v3 =	vand.u32 $0x7, v3;
	v4 =	vand.u32 $0xFFFFFFE0, v63  }
0x4b: {  	v3 =	vor.u32 v3, v4  }
0x4c: {  	v4 =	vperm.xlane v3, v0;
	_ =	sdelay $0x1  }
0x4d: {  	v4 =	vadd.s32 v1, v4;
	_ =	sdelay $0x2  }
0x4e: {  	v3 =	vperm.xlane v3, v2;
	_ =	sdelay $0x1  }
0x4f: {  	v3 =	vadd.s32 v1, v3;
	[tilespmem:s21], [sflag:$0x1] =	stream.indirect_vreg.gather [hbm4b:s3+s2], $0x80, v4, vm0, $0xb8;
	[tilespmem:$0x10280] =	vst v63  }
0x50: {  	_ = 	snop  }
0x51: {  	[tilespmem:s22], [sflag:$0x1] =	stream.indirect_vreg.gather [hbm4b:s5+s2], $0x80, v4, vm0, $0xb8;
	[tilespmem:$0x10280] =	vst v63  }
.Ltmp2:
0x52: {  	_ = 	snop;
	(pc) =	sbr.rel .LBB2_2-.Ltmp2, $4  }
0x53: {  	s29 =	simm.s32 $0x20000  }
0x54: {  	[tilespmem:s23], [sflag:$0x1] =	stream.indirect_vreg.gather [hbm4b:s3+s2], $0x80, v3, vm0, $0xb8;
	[tilespmem:$0x10280] =	vst v63  }
0x55: {  	s30 =	simm.s32 $0x70;
	s31 =	smov.u32 s7;
	s0 =	simm.s32 $0x0  }
0x56: {  	[tilespmem:s24], [sflag:$0x1] =	stream.indirect_vreg.gather [hbm4b:s5+s2], $0x80, v3, vm0, $0xb8;
	[tilespmem:$0x10280] =	vst v63  }
.LBB2_5:
0x57: {  	v3 =	vld [tilespmem:s30+$0xFFFFFFD0];
	_ =	sdelay $0x4  }
0x58: {  	v4 =	vshll.u32 v3, $0x2  }
0x59: {  	v3 =	vand.u32 $0x7, v3;
	v4 =	vand.u32 $0xFFFFFFE0, v4  }
0x5a: {  	v3 =	vor.u32 v3, v4  }
0x5b: {  	v4 =	vperm.xlane v3, v0;
	_ =	sdelay $0x1  }
0x5c: {  	v4 =	vadd.s32 v1, v4;
	_ =	sdelay $0x1  }
0x5d: {  	s1 =	sshrl.u32 s29, $0x2;
	v3 =	vperm.xlane v3, v2  }
0x5e: {  	s1 =	sand.u32 $0x8000, s1  }
0x5f: {  	s9 =	sor.u32 $0x280, s1;
	v3 =	vadd.s32 v1, v3  }
0x60: {  	[tilespmem:s9], [sflag:$0x1] =	stream.indirect_vreg.gather [hbm4b:s3+s2], $0x80, v4, vm0, $0xb8;
	[tilespmem:$0x10280] =	vst v63  }
0x61: {  	s9 =	sor.u32 $0xA80, s1  }
0x62: {  	[tilespmem:s9], [sflag:$0x1] =	stream.indirect_vreg.gather [hbm4b:s5+s2], $0x80, v4, vm0, $0xb8;
	[tilespmem:$0x10280] =	vst v63  }
0x63: {  	s9 =	sor.u32 $0x1280, s1  }
0x64: {  	[tilespmem:s9], [sflag:$0x1] =	stream.indirect_vreg.gather [hbm4b:s3+s2], $0x80, v3, vm0, $0xb8;
	[tilespmem:$0x10280] =	vst v63  }
0x65: {  	s9 =	sor.u32 $0x1A80, s1  }
0x66: {  	[tilespmem:s9], [sflag:$0x1] =	stream.indirect_vreg.gather [hbm4b:s5+s2], $0x80, v3, vm0, $0xb8;
	[tilespmem:$0x10280] =	vst v63  }
0x67: {  	v3 =	vld [tilespmem:s30+$0xFFFFFFE0];
	_ =	sdelay $0x4  }
0x68: {  	v61 =	vshll.u32 v3, $0x2  }
0x69: {  	v3 =	vand.u32 $0x7, v3;
	v4 =	vand.u32 $0xFFFFFFE0, v61  }
0x6a: {  	v3 =	vor.u32 v3, v4  }
0x6b: {  	v4 =	vperm.xlane v3, v0;
	_ =	sdelay $0x1  }
0x6c: {  	v4 =	vadd.s32 v1, v4;
	_ =	sdelay $0x1  }
0x6d: {  	v3 =	vperm.xlane v3, v2;
	_ =	sdelay $0x1  }
0x6e: {  	s9 =	sor.u32 $0x2280, s1;
	v3 =	vadd.s32 v1, v3  }
0x6f: {  	[tilespmem:s9], [sflag:$0x1] =	stream.indirect_vreg.gather [hbm4b:s3+s2], $0x80, v4, vm0, $0xb8;
	[tilespmem:$0x10280] =	vst v63  }
0x70: {  	s9 =	sor.u32 $0x2A80, s1  }
0x71: {  	[tilespmem:s9], [sflag:$0x1] =	stream.indirect_vreg.gather [hbm4b:s5+s2], $0x80, v4, vm0, $0xb8;
	[tilespmem:$0x10280] =	vst v63  }
0x72: {  	s9 =	sor.u32 $0x3280, s1  }
0x73: {  	[tilespmem:s9], [sflag:$0x1] =	stream.indirect_vreg.gather [hbm4b:s3+s2], $0x80, v3, vm0, $0xb8;
	[tilespmem:$0x10280] =	vst v63  }
0x74: {  	s9 =	sor.u32 $0x3A80, s1  }
0x75: {  	[tilespmem:s9], [sflag:$0x1] =	stream.indirect_vreg.gather [hbm4b:s5+s2], $0x80, v3, vm0, $0xb8;
	[tilespmem:$0x10280] =	vst v63  }
0x76: {  	v3 =	vld [tilespmem:s30+$0xFFFFFFF0];
	_ =	sdelay $0x4  }
0x77: {  	v62 =	vshll.u32 v3, $0x2  }
0x78: {  	v3 =	vand.u32 $0x7, v3;
	v4 =	vand.u32 $0xFFFFFFE0, v62  }
0x79: {  	v3 =	vor.u32 v3, v4  }
0x7a: {  	v4 =	vperm.xlane v3, v0;
	_ =	sdelay $0x1  }
0x7b: {  	v4 =	vadd.s32 v1, v4;
	_ =	sdelay $0x1  }
0x7c: {  	v3 =	vperm.xlane v3, v2;
	_ =	sdelay $0x1  }
0x7d: {  	s9 =	sor.u32 $0x4280, s1;
	v3 =	vadd.s32 v1, v3  }
0x7e: {  	[tilespmem:s9], [sflag:$0x1] =	stream.indirect_vreg.gather [hbm4b:s3+s2], $0x80, v4, vm0, $0xb8;
	[tilespmem:$0x10280] =	vst v63  }
0x7f: {  	s9 =	sor.u32 $0x4A80, s1  }
0x80: {  	[tilespmem:s9], [sflag:$0x1] =	stream.indirect_vreg.gather [hbm4b:s5+s2], $0x80, v4, vm0, $0xb8;
	[tilespmem:$0x10280] =	vst v63  }
0x81: {  	s9 =	sor.u32 $0x5280, s1  }
0x82: {  	[tilespmem:s9], [sflag:$0x1] =	stream.indirect_vreg.gather [hbm4b:s3+s2], $0x80, v3, vm0, $0xb8;
	[tilespmem:$0x10280] =	vst v63  }
0x83: {  	s9 =	sor.u32 $0x5A80, s1  }
0x84: {  	[tilespmem:s9], [sflag:$0x1] =	stream.indirect_vreg.gather [hbm4b:s5+s2], $0x80, v3, vm0, $0xb8;
	[tilespmem:$0x10280] =	vst v63  }
0x85: {  	v3 =	vld [tilespmem:s30+$0x0];
	_ =	sdelay $0x4  }
0x86: {  	v63 =	vshll.u32 v3, $0x2  }
0x87: {  	v3 =	vand.u32 $0x7, v3;
	v4 =	vand.u32 $0xFFFFFFE0, v63  }
0x88: {  	v3 =	vor.u32 v3, v4  }
0x89: {  	v4 =	vperm.xlane v3, v0;
	_ =	sdelay $0x1  }
0x8a: {  	v4 =	vadd.s32 v1, v4;
	_ =	sdelay $0x1  }
0x8b: {  	v3 =	vperm.xlane v3, v2;
	_ =	sdelay $0x1  }
0x8c: {  	s9 =	sor.u32 $0x6280, s1;
	v3 =	vadd.s32 v1, v3  }
0x8d: {  	[tilespmem:s9], [sflag:$0x1] =	stream.indirect_vreg.gather [hbm4b:s3+s2], $0x80, v4, vm0, $0xb8;
	[tilespmem:$0x10280] =	vst v63  }
0x8e: {  	s9 =	sor.u32 $0x6A80, s1  }
0x8f: {  	[tilespmem:s9], [sflag:$0x1] =	stream.indirect_vreg.gather [hbm4b:s5+s2], $0x80, v4, vm0, $0xb8;
	[tilespmem:$0x10280] =	vst v63  }
0x90: {  	s9 =	sor.u32 $0x7280, s1  }
0x91: {  	[tilespmem:s9], [sflag:$0x1] =	stream.indirect_vreg.gather [hbm4b:s3+s2], $0x80, v3, vm0, $0xb8;
	[tilespmem:$0x10280] =	vst v63  }
0x92: {  	s1 =	sor.u32 $0x7A80, s1  }
0x93: {  	[tilespmem:s1], [sflag:$0x1] =	stream.indirect_vreg.gather [hbm4b:s5+s2], $0x80, v3, vm0, $0xb8;
	[tilespmem:$0x10280] =	vst v63  }
.LBB2_6:
0x94: {  	s0 =	sadd.s32 $0x1, s0  }
0x95: {  	s1 =	sadd.s32 $0xFFFE0000, s29;
	p0 =	sne.s32 s0, $0xA  }
.Ltmp3:
0x96: {  	s1 =	sand.u32 $0x20000, s1;
	(pc) =	sbr.rel @!p0 .LBB2_7-.Ltmp3, $4  }
0x97: {  	s1 =	sshrl.u32 s1, $0x2  }
0x98: {  	s1 =	sor.u32 $0x280, s1  }
0x99: {  	[hbm4b:s31+s2] =	stream.linear.scatter [tilespmem:s1], [sflag:$0x2], $0x8000, $0x38;
	[tilespmem:$0x10280] =	vst v63  }
0x9a: {  	s29 =	sadd.s32 $0x20000, s29;
	s30 =	sadd.s32 $0x40, s30;
	s31 =	sadd.s32 $0x1000, s31  }
.LBB2_2:
0x9b: {  	p0 =	seq.s32 s0, $0x0  }
.Ltmp4:
0x9c: {  	_ = 	snop;
	(pc) =	sbr.rel @p0 .LBB2_5-.Ltmp4, $4  }
0x9d: {  	_ = 	snop  }
0x9e: {  	_ =	swait.ge [sflag:s25], $0x8000  }
0x9f: {  	[sflag:s25] =	ssyncset.done $0x0  }
0xa0: {  	[sflag:s25] =	ssyncadd.s32 $0xFFFF8000  }
0xa1: {  	p0 =	seq.s32 s0, $0x9  }
.Ltmp5:
0xa2: {  	_ = 	snop;
	(pc) =	sbr.rel @p0 .LBB2_6-.Ltmp5, $1  }
0xa3: {  	_ =	sdelay $0x3  }
.Ltmp6:
0xa4: {  	(pc) =	sbr.rel .LBB2_5-.Ltmp6, $4  }
0xa5: {  	_ = 	snop  }
0xa6: {  	_ =	swait.ge [sflag:s26], $0x8000  }
0xa7: {  	[sflag:s26] =	ssyncset.done $0x0  }
0xa8: {  	[sflag:s26] =	ssyncadd.s32 $0xFFFF8000  }
.LBB2_8:
0xa9: {  	_ =	sfence.sel $0x180000  }
0xaa: {  	[bflag:$0x0] =	sbarrier.arrive $0xFFFF  }
0xab: {  	_ =	strace $0x90000053  }
0xac: {  	s0 =	stileid.u32;
	[bflag:$0x2] =	sbarrier.arrive $0xFFFF  }
0xad: {  	p0 =	sne.s32 s0, $0x0;
	s0 =	rddreg [dreg:$0x1]  }
0xae: {  	s0 =	sadd.s32 @!p0 $0x100000, s0  }
0xaf: {  	[sflag:s0] =	ssyncadd.tile.s32 @!p0 $0x1;
	_ =	shalt  }
.Lfunc_end2:
_tile_overlayer_lowered:
.L_overlay_start_2:
0xb0: {  	(tag) =	ssettag $0x2  }
0xb1: {  	s0 =	rddreg [dreg:$0x0];
	s2 =	stileid.u32  }
0xb2: {  	s1 =	rddreg [dreg:$0x1];
	p0 =	sne.s32 s2, $0x0  }
0xb3: {  	s3 =	rddreg [dreg:$0x2];
	[bflag:$0x3] =	sbarrier.arrive $0xFFFF;
	s2 =	simm.s32 @!p0 $0x1C03  }
0xb4: {  	[timem:s3], [sflag:s2] =	dma.local @!p0 [hbm:s0], s1  }
0xb5: {  	s0 =	simm.s32 @!p0 $0x3  }
0xb6: {  	_ =	swait.ge @!p0 [sflag:s0], s1  }
0xb7: {  	s1 =	ssub.s32 @!p0 $0x0, s1;
	[sflag:s0] =	ssyncset.done @!p0 $0x0  }
0xb8: {  	[sflag:s0] =	ssyncadd.s32 @!p0 s1  }
0xb9: {  	[bflag:$0x3] =	sbarrier.arrive $0xFFFF  }
0xba: {  	_ =	shalt  }

// kernel: kernel.38.cloned.1.call-start
scs
__scs_entry_jumppad:
0x0: {  	(pc) =	sbr.rel $0x88, $3  }
0x1: {  	(tag) =	ssettag $0x0;
	lr =	simm.s32 $0x1  }
0x2: {  	[smem:$0x3F93] =	sst lr;
	_ =	strace $0xD0000000  }
0x3: {  	_ = 	snop  }
0x4: {  	_ = 	snop  }
0x5: {  	_ = 	snop  }
0x6: {  	_ = 	snop  }
0x7: {  	_ = 	snop  }
__scs_overlays_trampoline_lowered:
0x8: {  	[smem:$0x3FA2] =	sst s0  }
0x9: {  	[smem:$0x3FA3] =	sst s1  }
0xa: {  	[smem:$0x3FA4] =	sst s2  }
0xb: {  	[smem:$0x3FA5] =	sst s3  }
0xc: {  	[smem:$0x3FA6] =	sst s4  }
0xd: {  	[smem:$0x3FA7] =	sst s5  }
0xe: {  	[smem:$0x3FA8] =	sst s6  }
0xf: {  	[smem:$0x3FA9] =	sst s7  }
0x10: {  	[smem:$0x3FAA] =	sst s8  }
0x11: {  	[smem:$0x3FAB] =	sst s9;
	s0 =	simm.s32 @!p0 $0x0  }
0x12: {  	s1 =	sld [smem:$0x3F91];
	s0 =	simm.s32 @p0 $0x1  }
0x13: {  	[smem:$0x3FAC] =	sst s0;
	s0 =	simm.s32 @!p1 $0x0  }
0x14: {  	s2 =	sld [smem:$0x3F90];
	s0 =	simm.s32 @p1 $0x1  }
0x15: {  	[smem:$0x3FAD] =	sst s0;
	s0 =	simm.s32 @!p2 $0x0  }
0x16: {  	s3 =	sld [smem:$0x3FDB];
	s0 =	simm.s32 @p2 $0x1  }
0x17: {  	s4 =	simm.s32 $0x1BF5;
	[smem:$0x3FAF] =	sst s0  }
0x18: {  	s0 =	sld [smem:$0x3F92];
	_ =	swait.ge [sflag:s4], $0x0  }
0x19: {  	s7 =	sld [smem:$0x3F93]  }
0x1a: {  	s8 =	sadd.s32 $0xFFFFE003, lr  }
0x1b: {  	s9 =	sadd.s32 $0xFFFFFEF7, lr;
	s5 =	simm.s32 $0xFFFFFFFF;
	p2 =	slt.u32 s8, $0xFFFFF086  }
0x1c: {  	p1 =	slt.u32 s9, $0xF7A;
	s5 =	simm.s32 @!p2 $0x0  }
0x1d: {  	s5 =	simm.s32 @p1 $0x1;
	p0 =	seq.s32 s7, s2  }
0x1e: {  	s7 =	smul.u32 @!p0 $0xF7A, s2;
	p2 =	seq.s32 @!p0 s5, $0x0  }
0x1f: {  	s9 =	smul.u32 $0xF7A, s1;
	s8 =	simm.s32 @!p0 $0x1BF5;
	p2 =	por !p2, p0  }
0x20: {  	[sflag:s8] =	ssyncset.s32 @!p0 $0xFFFFF086;
	s6 =	sadd.s32 @!p0 s3, s7;
	s7 =	simm.s32 @!p0 $0x108  }
0x21: {  	s3 =	sadd.s32 s3, s9;
	s6 =	sadd.s32 @!p0 $0x88, s6;
	s7 =	simm.s32 @p2 $0x1082  }
0x22: {  	[simem:s7], [sflag:s8] =	dma.local @!p0 [hbm:s6], $0xF7A  }
0x23: {  	s9 =	sor.u32 $0xD0000000, s2;
	s6 =	simm.s32 $0x108;
	_ =	swait.ge @!p0 [sflag:s8], $0x0  }
0x24: {  	s3 =	sadd.s32 $0x88, s3;
	s6 =	simm.s32 @!p1 $0x1082;
	[sflag:s4] =	ssyncset.s32 $0xFFFFF086  }
0x25: {  	[simem:s6], [sflag:s4] =	dma.local [hbm:s3], $0xF7A  }
0x26: {  	[smem:$0x3F93] =	sst s1;
	(tag) =	ssettag s2;
	_ =	strace s9  }
0x27: {  	s1 =	sld [smem:$0x3FA3]  }
0x28: {  	s2 =	sld [smem:$0x3FA4]  }
0x29: {  	s4 =	sld [smem:$0x3FA6]  }
0x2a: {  	p0 =	seq.s32 s5, $0x0;
	s5 =	sld [smem:$0x3FA7]  }
0x2b: {  	s6 =	sld [smem:$0x3FA8]  }
0x2c: {  	s7 =	sld [smem:$0x3FA9]  }
0x2d: {  	s3 =	simm.s32 $0x108;
	s8 =	sld [smem:$0x3FAA]  }
0x2e: {  	s3 =	simm.s32 @!p0 $0x1082;
	s9 =	sld [smem:$0x3FAB]  }
0x2f: {  	lr =	sadd.s32 s0, s3;
	s0 =	sld [smem:$0x3FA2]  }
0x30: {  	s3 =	sld [smem:$0x3FA5]  }
0x31: {  	[smem:$0x3FAE] =	sst s10  }
0x32: {  	s10 =	sld [smem:$0x3FAC];
	_ =	sdelay $0x3  }
0x33: {  	p0 =	seq.s32 s10, $0x1;
	s10 =	sld [smem:$0x3FAE];
	_ =	sdelay $0x3  }
0x34: {  	[smem:$0x3FAE] =	sst s10  }
0x35: {  	s10 =	sld [smem:$0x3FAD];
	_ =	sdelay $0x3  }
0x36: {  	p1 =	seq.s32 s10, $0x1;
	s10 =	sld [smem:$0x3FAE];
	_ =	sdelay $0x3  }
0x37: {  	[smem:$0x3FAE] =	sst s10  }
0x38: {  	s10 =	sld [smem:$0x3FAF]  }
0x39: {  	_ = 	snop;
	(pc) =	sbr.ind lr, $3  }
0x3a: {  	_ = 	snop  }
0x3b: {  	_ = 	snop  }
0x3c: {  	p2 =	seq.s32 s10, $0x1;
	s10 =	sld [smem:$0x3FAE]  }
0x3d: {  	_ =	shalt  }
0x3e: {  	_ =	shalt  }
0x3f: {  	_ =	shalt  }
0x40: {  	_ =	shalt  }
0x41: {  	_ =	shalt  }
0x42: {  	_ =	shalt  }
0x43: {  	_ =	shalt  }
0x44: {  	_ =	shalt  }
0x45: {  	_ =	shalt  }
0x46: {  	_ =	shalt  }
0x47: {  	_ =	shalt  }
0x48: {  	_ =	shalt  }
0x49: {  	_ =	shalt  }
0x4a: {  	_ =	shalt  }
0x4b: {  	_ =	shalt  }
0x4c: {  	_ =	shalt  }
0x4d: {  	_ =	shalt  }
0x4e: {  	_ =	shalt  }
0x4f: {  	_ =	shalt  }
0x50: {  	_ =	shalt  }
0x51: {  	_ =	shalt  }
0x52: {  	_ =	shalt  }
0x53: {  	_ =	shalt  }
0x54: {  	_ =	shalt  }
0x55: {  	_ =	shalt  }
0x56: {  	_ =	shalt  }
0x57: {  	_ =	shalt  }
0x58: {  	_ =	shalt  }
0x59: {  	_ =	shalt  }
0x5a: {  	_ =	shalt  }
0x5b: {  	_ =	shalt  }
0x5c: {  	_ =	shalt  }
0x5d: {  	_ =	shalt  }
0x5e: {  	_ =	shalt  }
0x5f: {  	_ =	shalt  }
0x60: {  	_ =	shalt  }
0x61: {  	_ =	shalt  }
0x62: {  	_ =	shalt  }
0x63: {  	_ =	shalt  }
0x64: {  	_ =	shalt  }
0x65: {  	_ =	shalt  }
0x66: {  	_ =	shalt  }
0x67: {  	_ =	shalt  }
0x68: {  	_ =	shalt  }
0x69: {  	_ =	shalt  }
0x6a: {  	_ =	shalt  }
0x6b: {  	_ =	shalt  }
0x6c: {  	_ =	shalt  }
0x6d: {  	_ =	shalt  }
0x6e: {  	_ =	shalt  }
0x6f: {  	_ =	shalt  }
0x70: {  	_ =	shalt  }
0x71: {  	_ =	shalt  }
0x72: {  	_ =	shalt  }
0x73: {  	_ =	shalt  }
0x74: {  	_ =	shalt  }
0x75: {  	_ =	shalt  }
0x76: {  	_ =	shalt  }
0x77: {  	_ =	shalt  }
0x78: {  	_ =	shalt  }
0x79: {  	_ =	shalt  }
0x7a: {  	_ =	shalt  }
0x7b: {  	_ =	shalt  }
0x7c: {  	_ =	shalt  }
0x7d: {  	_ =	shalt  }
0x7e: {  	_ =	shalt  }
0x7f: {  	_ =	shalt  }
0x80: {  	_ =	shalt  }
0x81: {  	_ =	shalt  }
0x82: {  	_ =	shalt  }
0x83: {  	_ =	shalt  }
0x84: {  	_ =	shalt  }
0x85: {  	_ =	shalt  }
0x86: {  	_ =	shalt  }
0x87: {  	_ =	shalt  }
.Lfunc_end0:
.L_simem_size_0:
called_computation.6_lowered:
.L_overlay_start_0:
0x88: {  	s2 =	sld [smem:$0x3FD9]  }
0x89: {  	s3 =	sld [smem:$0x3FFE];
	_ =	sdelay $0x1  }
0x8a: {  	s1 =	srdreg.scid  }
0x8b: {  	s0 =	sand.u32 $0x1, s1  }
0x8c: {  	s17 =	sshll.u32 s0, $0xA;
	s2 =	sadd.s32 s3, s2  }
0x8d: {  	s2 =	sadd.s32 s2, s17  }
0x8e: {  	[smem:$0x3FBA] =	sst s2  }
0x8f: {  	_ = 	snop  }
0x90: {  	(tm) =	ssettm $0x1  }
0x91: {  	s18 =	sld [smem:$0x3FFB];
	_ =	sdelay $0x3  }
0x92: {  	_ =	strace s18  }
0x93: {  	s2 =	sld [smem:$0x3FFC];
	_ =	sdelay $0x3  }
0x94: {  	_ =	strace s2  }
0x95: {  	s2 =	sld [smem:$0x3FFD];
	_ =	sdelay $0x3  }
0x96: {  	_ =	strace s2  }
0x97: {  	_ =	strace $0x8FFFFFFF  }
0x98: {  	s19 =	sld [smem:$0x3FDB];
	_ =	sdelay $0x1  }
0x99: {  	s20 =	simm.s32 $_scs_section_size  }
0x9a: {  	s4 =	simm.s32 $_size__tile_overlayer_lowered;
	s5 =	simm.s32 $_tile_overlayer_lowered  }
0x9b: {  	s6 =	simm.s32 $0x1BFF;
	s21 =	sshll.u32 s5, $0x1;
	s3 =	sadd.s32 s20, s19  }
0x9c: {  	s22 =	simm.s32 $0x0;
	s4 =	sshll.u32 s4, $0x1;
	s5 =	sadd.s32 s21, s3  }
0x9d: {  	[timem:s22], [sflag:s6] =	dma.local [hbm:s5], s4  }
0x9e: {  	_ =	swait.ge [sflag:s6], s4  }
0x9f: {  	s4 =	ssub.s32 $0x0, s4;
	[sflag:s6] =	ssyncset.done $0x0  }
0xa0: {  	[sflag:s6] =	ssyncadd.s32 s4;
	_ =	sdelay $0x1  }
0xa1: {  	s23 =	simm.s32 $0x1B8B  }
0xa2: {  	_ =	swait.ge [sflag:s23], $0x1  }
0xa3: {  	[sflag:s23] =	ssyncset.done $0x0  }
0xa4: {  	[sflag:s23] =	ssyncadd.s32 $0xFFFFFFFF  }
0xa5: {  	s4 =	sld [smem:$0x0]  }
0xa6: {  	s5 =	sand.u32 $0xFFFFFFFE, s1  }
0xa7: {  	p0 =	sne.s32 s1, s5  }
0xa8: {  	s5 =	sshll.u32 @p0 s5, $0xE  }
0xa9: {  	s5 =	sadd.s32 @p0 $0x11B8D, s5;
	s6 =	sshll.u32 @p0 s4, $0x11  }
0xaa: {  	s5 =	sor.u32 @p0 s6, s5  }
0xab: {  	[sflag:s5] =	ssyncadd.remote.s32 @p0 $0x1;
	_ =	sdelay $0x1  }
0xac: {  	s5 =	simm.s32 @p0 $0x1B8D  }
0xad: {  	_ =	swait.eq @p0 [sflag:s5], $0x1  }
0xae: {  	[sflag:s5] =	ssyncadd.s32 @p0 $0xFFFFFFFF  }
0xaf: {  	s6 =	sshll.u32 @!p0 s1, $0xE  }
0xb0: {  	s6 =	sor.u32 @!p0 $0x4000, s6;
	s5 =	simm.s32 @!p0 $0x1B8D  }
0xb1: {  	s4 =	sshll.u32 @!p0 s4, $0x11;
	s6 =	sadd.s32 @!p0 $0x11B8D, s6;
	_ =	swait.eq @!p0 [sflag:s5], $0x1  }
0xb2: {  	s4 =	sor.u32 @!p0 s4, s6;
	[sflag:s5] =	ssyncadd.s32 @!p0 $0xFFFFFFFF  }
0xb3: {  	s25 =	simm.s32 $0x1B8E;
	s24 =	sld [smem:$0x3FFE];
	[sflag:s4] =	ssyncadd.remote.s32 @!p0 $0x1  }
0xb4: {  	s26 =	simm.s32 $execute0_lowered;
	[smem:$0x3FD2] =	sst s25  }
0xb5: {  	s5 =	sshll.u32 s26, $0x1;
	_ =	strace $0x8000004F;
	[dreg:$0x1] =	wrdreg $0xFFFFFFFF  }
0xb6: {  	s28 =	simm.s32 $_size_execute0_lowered;
	s3 =	sadd.s32 s3, s5;
	[dreg:$0x0] =	wrdreg $0x0  }
0xb7: {  	s5 =	sshll.u32 s28, $0x1;
	[dreg:$0x2] =	wrdreg s3  }
0xb8: {  	[dreg:$0x3] =	wrdreg s5  }
0xb9: {  	[dreg:$0x4] =	wrdreg $0xC0  }
0xba: {  	_ =	task [dreg:s22], $0x5FFFF  }
0xbb: {  	[dreg:$0x1] =	wrdreg $0xFFFFFFFF  }
0xbc: {  	[dreg:$0x0] =	wrdreg $0x60  }
0xbd: {  	[dreg:$0x2] =	wrdreg s24  }
0xbe: {  	[dreg:$0x3] =	wrdreg $0xF  }
0xbf: {  	_ =	task.clear_ibuf [dreg:s22], $0x4FFFF;
	_ =	strace $0x9000004F  }
0xc0: {  	s29 =	simm.s32 $0xF;
	_ =	strace $0x80000051  }
0xc1: {  	_ =	swait.ge [sflag:s29], $0x1  }
0xc2: {  	[sflag:s29] =	ssyncadd.s32 $0xFFFFFFFF  }
0xc3: {  	_ =	strace $0x90000051  }
0xc4: {  	_ =	sfence  }
0xc5: {  	s30 =	sld [smem:$0x0];
	_ =	sdelay $0x2  }
0xc6: {  	s31 =	sshll.u32 s1, $0xD;
	s1 =	sshrl.u32 s1, $0x2  }
0xc7: {  	s4 =	sand.u32 $0x4000, s31;
	s1 =	sadd.s32 s1, s30  }
0xc8: {  	s0 =	sor.u32 s4, s0;
	s1 =	sshll.u32 s1, $0x11  }
0xc9: {  	s0 =	sor.u32 s1, s0  }
0xca: {  	s0 =	sadd.s32 $0x8F2B, s0  }
0xcb: {  	[sflag:s0] =	ssyncadd.remote.s32 $0x1  }
0xcc: {  	_ =	sfence.sel $0xFFFF  }
0xcd: {  	[dreg:$0x0] =	wrdreg $0xFFFFFFFF;
	(pc) =	sbr.abs _section_cstart, $3  }
0xce: {  	[dreg:$0x1] =	wrdreg $0xFFFFFFFF  }
0xcf: {  	_ =	task.clear_ibuf [dreg:s22], $0x2FFFF;
	_ =	strace $0x9FFFFFFF  }
0xd0: {  	(tm) =	ssettm $0x7FFFFFFF  }
0xd1: {  	_ =	shalt  }
tec
execute0_lowered:
.L_overlay_start_1:
0x0: {  	(tag) =	ssettag $0x1  }
0x1: {  	s0 =	rddreg [dreg:$0x0];
	s3 =	srdreg.scid  }
0x2: {  	s1 =	stileid.u32;
	s2 =	simm.s32 $0x0;
	s10 =	simm.s32 $0xA80  }
0x3: {  	s11 =	simm.s32 $0x1280;
	s12 =	simm.s32 $0x1A80;
	s13 =	simm.s32 $0x2280  }
0x4: {  	s14 =	simm.s32 $0x2A80;
	s15 =	simm.s32 $0x3280;
	s16 =	simm.s32 $0x3A80  }
0x5: {  	s17 =	simm.s32 $0x4280;
	s18 =	simm.s32 $0x4A80;
	s19 =	simm.s32 $0x5280  }
0x6: {  	s20 =	simm.s32 $0x5A80;
	s21 =	simm.s32 $0x6280;
	s22 =	simm.s32 $0x6A80  }
0x7: {  	s23 =	simm.s32 $0x7280;
	s24 =	simm.s32 $0x7A80;
	s25 =	simm.s32 $0x1  }
0x8: {  	s3 =	sand.u32 $0x1, s3;
	s4 =	smul.u32 $0xA0000, s1;
	s5 =	sshll.u32 s1, $0x1  }
0x9: {  	s26 =	simm.s32 $0x2;
	s6 =	smul.u32 $0x50000, s3;
	s5 =	sor.u32 s3, s5  }
0xa: {  	s28 =	simm.s32 $0x0;
	[smem:$0x7FF] =	sst s2;
	s5 =	smul.u32 $0x50, s5  }
.Ltmp0:
0xb: {  	_ =	strace $0x80000050;
	s31 =	ssub.s32 $0x2, s3;
	(pc) =	sbr.rel .LBB2_1-.Ltmp0, $4  }
0xc: {  	s3 =	sadd.s32 $0x40000, s0;
	s7 =	sshrl.u32 s31, $0x1;
	s4 =	sadd.s32 s6, s4  }
0xd: {  	v2 =	vlaneseq.u32;
	s6 =	ssub.s32 s31, s7;
	s4 =	sshrl.u32 s4, $0x3;
	s5 =	sadd.s32 s5, s0  }
0xe: {  	vm0 =	vmmov $0xffff;
	v1 =	vshrl.u32 v2, $0x3;
	s6 =	smax.u32 s6, $0x1;
	s8 =	sadd.s32 s4, s0;
	s4 =	sadd.s32 $0x3C400, s5  }
0xf: {  	v0 =	vand.u32 $0x7, v2;
	v2 =	vor.u32 $0x8, v2;
	v1 =	vmul.u32 $0x8, v1;
	s5 =	sadd.s32 $0x40100, s0;
	s7 =	sadd.s32 $0x35C400, s8;
	s8 =	simm.s32 $0x3  }
.LBB2_7:
0x10: {  	s28 =	sadd.s32 $0x1, s28  }
0x11: {  	_ =	swait.ge [sflag:s26], $0x8000;
	p0 =	sne.s32 s28, s6  }
.Ltmp1:
0x12: {  	[sflag:s26] =	ssyncset.done $0x0;
	(pc) =	sbr.rel @!p0 .LBB2_8-.Ltmp1, $4  }
0x13: {  	[sflag:s26] =	ssyncadd.s32 $0xFFFF8000  }
0x14: {  	_ =	swait.ge [sflag:s26], $0x8000  }
0x15: {  	[sflag:s26] =	ssyncset.done $0x0  }
0x16: {  	[sflag:s26] =	ssyncadd.s32 $0xFFFF8000  }
.LBB2_1:
0x17: {  	[tilespmem:s2], [sflag:$0x3] =	stream.linear.gather [hbm4b:s4+s2], $0x280, $0x38;
	[tilespmem:$0x10280] =	vst v63  }
0x18: {  	_ =	swait.ge [sflag:s8], $0x280  }
0x19: {  	[sflag:s8] =	ssyncset.done $0x0  }
0x1a: {  	[sflag:s8] =	ssyncadd.s32 $0xFFFFFD80  }
0x1b: {  	v3 =	vld [tilespmem:$0x0];
	_ =	sdelay $0x4  }
0x1c: {  	v4 =	vshll.u32 v3, $0x2  }
0x1d: {  	v3 =	vand.u32 $0x7, v3;
	v4 =	vand.u32 $0xFFFFFFE0, v4  }
0x1e: {  	v3 =	vor.u32 v3, v4  }
0x1f: {  	v4 =	vperm.xlane v3, v0;
	_ =	sdelay $0x1  }
0x20: {  	v4 =	vadd.s32 v1, v4;
	_ =	sdelay $0x1  }
0x21: {  	v3 =	vperm.xlane v3, v2;
	_ =	sdelay $0x1  }
0x22: {  	s0 =	simm.s32 $0x280;
	v3 =	vadd.s32 v1, v3  }
0x23: {  	[tilespmem:s0], [sflag:$0x1] =	stream.indirect_vreg.gather [hbm4b:s3+s2], $0x80, v4, vm0, $0xb8;
	[tilespmem:$0x10280] =	vst v63  }
0x24: {  	_ = 	snop  }
0x25: {  	[tilespmem:s10], [sflag:$0x1] =	stream.indirect_vreg.gather [hbm4b:s5+s2], $0x80, v4, vm0, $0xb8;
	[tilespmem:$0x10280] =	vst v63  }
0x26: {  	_ = 	snop  }
0x27: {  	[tilespmem:s11], [sflag:$0x1] =	stream.indirect_vreg.gather [hbm4b:s3+s2], $0x80, v3, vm0, $0xb8;
	[tilespmem:$0x10280] =	vst v63  }
0x28: {  	_ = 	snop  }
0x29: {  	[tilespmem:s12], [sflag:$0x1] =	stream.indirect_vreg.gather [hbm4b:s5+s2], $0x80, v3, vm0, $0xb8;
	[tilespmem:$0x10280] =	vst v63  }
0x2a: {  	v3 =	vld [tilespmem:$0x10];
	_ =	sdelay $0x4  }
0x2b: {  	v61 =	vshll.u32 v3, $0x2  }
0x2c: {  	v3 =	vand.u32 $0x7, v3;
	v4 =	vand.u32 $0xFFFFFFE0, v61  }
0x2d: {  	v3 =	vor.u32 v3, v4  }
0x2e: {  	v4 =	vperm.xlane v3, v0;
	_ =	sdelay $0x1  }
0x2f: {  	v4 =	vadd.s32 v1, v4;
	_ =	sdelay $0x1  }
0x30: {  	v3 =	vperm.xlane v3, v2;
	_ =	sdelay $0x1  }
0x31: {  	v3 =	vadd.s32 v1, v3  }
0x32: {  	[tilespmem:s13], [sflag:$0x1] =	stream.indirect_vreg.gather [hbm4b:s3+s2], $0x80, v4, vm0, $0xb8;
	[tilespmem:$0x10280] =	vst v63  }
0x33: {  	_ = 	snop  }
0x34: {  	[tilespmem:s14], [sflag:$0x1] =	stream.indirect_vreg.gather [hbm4b:s5+s2], $0x80, v4, vm0, $0xb8;
	[tilespmem:$0x10280] =	vst v63  }
0x35: {  	_ = 	snop  }
0x36: {  	[tilespmem:s15], [sflag:$0x1] =	stream.indirect_vreg.gather [hbm4b:s3+s2], $0x80, v3, vm0, $0xb8;
	[tilespmem:$0x10280] =	vst v63  }
0x37: {  	_ = 	snop  }
0x38: {  	[tilespmem:s16], [sflag:$0x1] =	stream.indirect_vreg.gather [hbm4b:s5+s2], $0x80, v3, vm0, $0xb8;
	[tilespmem:$0x10280] =	vst v63  }
0x39: {  	v3 =	vld [tilespmem:$0x20];
	_ =	sdelay $0x4  }
0x3a: {  	v62 =	vshll.u32 v3, $0x2  }
0x3b: {  	v3 =	vand.u32 $0x7, v3;
	v4 =	vand.u32 $0xFFFFFFE0, v62  }
0x3c: {  	v3 =	vor.u32 v3, v4  }
0x3d: {  	v4 =	vperm.xlane v3, v0;
	_ =	sdelay $0x1  }
0x3e: {  	v4 =	vadd.s32 v1, v4;
	_ =	sdelay $0x1  }
0x3f: {  	v3 =	vperm.xlane v3, v2;
	_ =	sdelay $0x1  }
0x40: {  	v3 =	vadd.s32 v1, v3  }
0x41: {  	[tilespmem:s17], [sflag:$0x1] =	stream.indirect_vreg.gather [hbm4b:s3+s2], $0x80, v4, vm0, $0xb8;
	[tilespmem:$0x10280] =	vst v63  }
0x42: {  	_ = 	snop  }
0x43: {  	[tilespmem:s18], [sflag:$0x1] =	stream.indirect_vreg.gather [hbm4b:s5+s2], $0x80, v4, vm0, $0xb8;
	[tilespmem:$0x10280] =	vst v63  }
0x44: {  	_ = 	snop  }
0x45: {  	[tilespmem:s19], [sflag:$0x1] =	stream.indirect_vreg.gather [hbm4b:s3+s2], $0x80, v3, vm0, $0xb8;
	[tilespmem:$0x10280] =	vst v63  }
0x46: {  	_ = 	snop  }
0x47: {  	[tilespmem:s20], [sflag:$0x1] =	stream.indirect_vreg.gather [hbm4b:s5+s2], $0x80, v3, vm0, $0xb8;
	[tilespmem:$0x10280] =	vst v63  }
0x48: {  	v3 =	vld [tilespmem:$0x30];
	_ =	sdelay $0x4  }
0x49: {  	v63 =	vshll.u32 v3, $0x2  }
0x4a: {  	v3 =	vand.u32 $0x7, v3;
	v4 =	vand.u32 $0xFFFFFFE0, v63  }
0x4b: {  	v3 =	vor.u32 v3, v4  }
0x4c: {  	v4 =	vperm.xlane v3, v0;
	_ =	sdelay $0x1  }
0x4d: {  	v4 =	vadd.s32 v1, v4;
	_ =	sdelay $0x2  }
0x4e: {  	v3 =	vperm.xlane v3, v2;
	_ =	sdelay $0x1  }
0x4f: {  	v3 =	vadd.s32 v1, v3;
	[tilespmem:s21], [sflag:$0x1] =	stream.indirect_vreg.gather [hbm4b:s3+s2], $0x80, v4, vm0, $0xb8;
	[tilespmem:$0x10280] =	vst v63  }
0x50: {  	_ = 	snop  }
0x51: {  	[tilespmem:s22], [sflag:$0x1] =	stream.indirect_vreg.gather [hbm4b:s5+s2], $0x80, v4, vm0, $0xb8;
	[tilespmem:$0x10280] =	vst v63  }
.Ltmp2:
0x52: {  	_ = 	snop;
	(pc) =	sbr.rel .LBB2_2-.Ltmp2, $4  }
0x53: {  	s29 =	simm.s32 $0x20000  }
0x54: {  	[tilespmem:s23], [sflag:$0x1] =	stream.indirect_vreg.gather [hbm4b:s3+s2], $0x80, v3, vm0, $0xb8;
	[tilespmem:$0x10280] =	vst v63  }
0x55: {  	s30 =	simm.s32 $0x70;
	s31 =	smov.u32 s7;
	s0 =	simm.s32 $0x0  }
0x56: {  	[tilespmem:s24], [sflag:$0x1] =	stream.indirect_vreg.gather [hbm4b:s5+s2], $0x80, v3, vm0, $0xb8;
	[tilespmem:$0x10280] =	vst v63  }
.LBB2_5:
0x57: {  	v3 =	vld [tilespmem:s30+$0xFFFFFFD0];
	_ =	sdelay $0x4  }
0x58: {  	v4 =	vshll.u32 v3, $0x2  }
0x59: {  	v3 =	vand.u32 $0x7, v3;
	v4 =	vand.u32 $0xFFFFFFE0, v4  }
0x5a: {  	v3 =	vor.u32 v3, v4  }
0x5b: {  	v4 =	vperm.xlane v3, v0;
	_ =	sdelay $0x1  }
0x5c: {  	v4 =	vadd.s32 v1, v4;
	_ =	sdelay $0x1  }
0x5d: {  	s1 =	sshrl.u32 s29, $0x2;
	v3 =	vperm.xlane v3, v2  }
0x5e: {  	s1 =	sand.u32 $0x8000, s1  }
0x5f: {  	s9 =	sor.u32 $0x280, s1;
	v3 =	vadd.s32 v1, v3  }
0x60: {  	[tilespmem:s9], [sflag:$0x1] =	stream.indirect_vreg.gather [hbm4b:s3+s2], $0x80, v4, vm0, $0xb8;
	[tilespmem:$0x10280] =	vst v63  }
0x61: {  	s9 =	sor.u32 $0xA80, s1  }
0x62: {  	[tilespmem:s9], [sflag:$0x1] =	stream.indirect_vreg.gather [hbm4b:s5+s2], $0x80, v4, vm0, $0xb8;
	[tilespmem:$0x10280] =	vst v63  }
0x63: {  	s9 =	sor.u32 $0x1280, s1  }
0x64: {  	[tilespmem:s9], [sflag:$0x1] =	stream.indirect_vreg.gather [hbm4b:s3+s2], $0x80, v3, vm0, $0xb8;
	[tilespmem:$0x10280] =	vst v63  }
0x65: {  	s9 =	sor.u32 $0x1A80, s1  }
0x66: {  	[tilespmem:s9], [sflag:$0x1] =	stream.indirect_vreg.gather [hbm4b:s5+s2], $0x80, v3, vm0, $0xb8;
	[tilespmem:$0x10280] =	vst v63  }
0x67: {  	v3 =	vld [tilespmem:s30+$0xFFFFFFE0];
	_ =	sdelay $0x4  }
0x68: {  	v61 =	vshll.u32 v3, $0x2  }
0x69: {  	v3 =	vand.u32 $0x7, v3;
	v4 =	vand.u32 $0xFFFFFFE0, v61  }
0x6a: {  	v3 =	vor.u32 v3, v4  }
0x6b: {  	v4 =	vperm.xlane v3, v0;
	_ =	sdelay $0x1  }
0x6c: {  	v4 =	vadd.s32 v1, v4;
	_ =	sdelay $0x1  }
0x6d: {  	v3 =	vperm.xlane v3, v2;
	_ =	sdelay $0x1  }
0x6e: {  	s9 =	sor.u32 $0x2280, s1;
	v3 =	vadd.s32 v1, v3  }
0x6f: {  	[tilespmem:s9], [sflag:$0x1] =	stream.indirect_vreg.gather [hbm4b:s3+s2], $0x80, v4, vm0, $0xb8;
	[tilespmem:$0x10280] =	vst v63  }
0x70: {  	s9 =	sor.u32 $0x2A80, s1  }
0x71: {  	[tilespmem:s9], [sflag:$0x1] =	stream.indirect_vreg.gather [hbm4b:s5+s2], $0x80, v4, vm0, $0xb8;
	[tilespmem:$0x10280] =	vst v63  }
0x72: {  	s9 =	sor.u32 $0x3280, s1  }
0x73: {  	[tilespmem:s9], [sflag:$0x1] =	stream.indirect_vreg.gather [hbm4b:s3+s2], $0x80, v3, vm0, $0xb8;
	[tilespmem:$0x10280] =	vst v63  }
0x74: {  	s9 =	sor.u32 $0x3A80, s1  }
0x75: {  	[tilespmem:s9], [sflag:$0x1] =	stream.indirect_vreg.gather [hbm4b:s5+s2], $0x80, v3, vm0, $0xb8;
	[tilespmem:$0x10280] =	vst v63  }
0x76: {  	v3 =	vld [tilespmem:s30+$0xFFFFFFF0];
	_ =	sdelay $0x4  }
0x77: {  	v62 =	vshll.u32 v3, $0x2  }
0x78: {  	v3 =	vand.u32 $0x7, v3;
	v4 =	vand.u32 $0xFFFFFFE0, v62  }
0x79: {  	v3 =	vor.u32 v3, v4  }
0x7a: {  	v4 =	vperm.xlane v3, v0;
	_ =	sdelay $0x1  }
0x7b: {  	v4 =	vadd.s32 v1, v4;
	_ =	sdelay $0x1  }
0x7c: {  	v3 =	vperm.xlane v3, v2;
	_ =	sdelay $0x1  }
0x7d: {  	s9 =	sor.u32 $0x4280, s1;
	v3 =	vadd.s32 v1, v3  }
0x7e: {  	[tilespmem:s9], [sflag:$0x1] =	stream.indirect_vreg.gather [hbm4b:s3+s2], $0x80, v4, vm0, $0xb8;
	[tilespmem:$0x10280] =	vst v63  }
0x7f: {  	s9 =	sor.u32 $0x4A80, s1  }
0x80: {  	[tilespmem:s9], [sflag:$0x1] =	stream.indirect_vreg.gather [hbm4b:s5+s2], $0x80, v4, vm0, $0xb8;
	[tilespmem:$0x10280] =	vst v63  }
0x81: {  	s9 =	sor.u32 $0x5280, s1  }
0x82: {  	[tilespmem:s9], [sflag:$0x1] =	stream.indirect_vreg.gather [hbm4b:s3+s2], $0x80, v3, vm0, $0xb8;
	[tilespmem:$0x10280] =	vst v63  }
0x83: {  	s9 =	sor.u32 $0x5A80, s1  }
0x84: {  	[tilespmem:s9], [sflag:$0x1] =	stream.indirect_vreg.gather [hbm4b:s5+s2], $0x80, v3, vm0, $0xb8;
	[tilespmem:$0x10280] =	vst v63  }
0x85: {  	v3 =	vld [tilespmem:s30+$0x0];
	_ =	sdelay $0x4  }
0x86: {  	v63 =	vshll.u32 v3, $0x2  }
0x87: {  	v3 =	vand.u32 $0x7, v3;
	v4 =	vand.u32 $0xFFFFFFE0, v63  }
0x88: {  	v3 =	vor.u32 v3, v4  }
0x89: {  	v4 =	vperm.xlane v3, v0;
	_ =	sdelay $0x1  }
0x8a: {  	v4 =	vadd.s32 v1, v4;
	_ =	sdelay $0x1  }
0x8b: {  	v3 =	vperm.xlane v3, v2;
	_ =	sdelay $0x1  }
0x8c: {  	s9 =	sor.u32 $0x6280, s1;
	v3 =	vadd.s32 v1, v3  }
0x8d: {  	[tilespmem:s9], [sflag:$0x1] =	stream.indirect_vreg.gather [hbm4b:s3+s2], $0x80, v4, vm0, $0xb8;
	[tilespmem:$0x10280] =	vst v63  }
0x8e: {  	s9 =	sor.u32 $0x6A80, s1  }
0x8f: {  	[tilespmem:s9], [sflag:$0x1] =	stream.indirect_vreg.gather [hbm4b:s5+s2], $0x80, v4, vm0, $0xb8;
	[tilespmem:$0x10280] =	vst v63  }
0x90: {  	s9 =	sor.u32 $0x7280, s1  }
0x91: {  	[tilespmem:s9], [sflag:$0x1] =	stream.indirect_vreg.gather [hbm4b:s3+s2], $0x80, v3, vm0, $0xb8;
	[tilespmem:$0x10280] =	vst v63  }
0x92: {  	s1 =	sor.u32 $0x7A80, s1  }
0x93: {  	[tilespmem:s1], [sflag:$0x1] =	stream.indirect_vreg.gather [hbm4b:s5+s2], $0x80, v3, vm0, $0xb8;
	[tilespmem:$0x10280] =	vst v63  }
.LBB2_6:
0x94: {  	s0 =	sadd.s32 $0x1, s0  }
0x95: {  	s1 =	sadd.s32 $0xFFFE0000, s29;
	p0 =	sne.s32 s0, $0xA  }
.Ltmp3:
0x96: {  	s1 =	sand.u32 $0x20000, s1;
	(pc) =	sbr.rel @!p0 .LBB2_7-.Ltmp3, $4  }
0x97: {  	s1 =	sshrl.u32 s1, $0x2  }
0x98: {  	s1 =	sor.u32 $0x280, s1  }
0x99: {  	[hbm4b:s31+s2] =	stream.linear.scatter [tilespmem:s1], [sflag:$0x2], $0x8000, $0x38;
	[tilespmem:$0x10280] =	vst v63  }
0x9a: {  	s29 =	sadd.s32 $0x20000, s29;
	s30 =	sadd.s32 $0x40, s30;
	s31 =	sadd.s32 $0x1000, s31  }
.LBB2_2:
0x9b: {  	p0 =	seq.s32 s0, $0x0  }
.Ltmp4:
0x9c: {  	_ = 	snop;
	(pc) =	sbr.rel @p0 .LBB2_5-.Ltmp4, $4  }
0x9d: {  	_ = 	snop  }
0x9e: {  	_ =	swait.ge [sflag:s25], $0x8000  }
0x9f: {  	[sflag:s25] =	ssyncset.done $0x0  }
0xa0: {  	[sflag:s25] =	ssyncadd.s32 $0xFFFF8000  }
0xa1: {  	p0 =	seq.s32 s0, $0x9  }
.Ltmp5:
0xa2: {  	_ = 	snop;
	(pc) =	sbr.rel @p0 .LBB2_6-.Ltmp5, $1  }
0xa3: {  	_ =	sdelay $0x3  }
.Ltmp6:
0xa4: {  	(pc) =	sbr.rel .LBB2_5-.Ltmp6, $4  }
0xa5: {  	_ = 	snop  }
0xa6: {  	_ =	swait.ge [sflag:s26], $0x8000  }
0xa7: {  	[sflag:s26] =	ssyncset.done $0x0  }
0xa8: {  	[sflag:s26] =	ssyncadd.s32 $0xFFFF8000  }
.LBB2_8:
0xa9: {  	_ =	sfence.sel $0x180000  }
0xaa: {  	[bflag:$0x0] =	sbarrier.arrive $0xFFFF  }
0xab: {  	_ =	strace $0x90000050  }
0xac: {  	s0 =	stileid.u32;
	[bflag:$0x2] =	sbarrier.arrive $0xFFFF  }
0xad: {  	p0 =	sne.s32 s0, $0x0;
	s0 =	rddreg [dreg:$0x1]  }
0xae: {  	s0 =	sadd.s32 @!p0 $0x100000, s0  }
0xaf: {  	[sflag:s0] =	ssyncadd.tile.s32 @!p0 $0x1;
	_ =	shalt  }
.Lfunc_end2:
_tile_overlayer_lowered:
.L_overlay_start_2:
0xb0: {  	(tag) =	ssettag $0x2  }
0xb1: {  	s0 =	rddreg [dreg:$0x0];
	s2 =	stileid.u32  }
0xb2: {  	s1 =	rddreg [dreg:$0x1];
	p0 =	sne.s32 s2, $0x0  }
0xb3: {  	s3 =	rddreg [dreg:$0x2];
	[bflag:$0x3] =	sbarrier.arrive $0xFFFF;
	s2 =	simm.s32 @!p0 $0x1C03  }
0xb4: {  	[timem:s3], [sflag:s2] =	dma.local @!p0 [hbm:s0], s1  }
0xb5: {  	s0 =	simm.s32 @!p0 $0x3  }
0xb6: {  	_ =	swait.ge @!p0 [sflag:s0], s1  }
0xb7: {  	s1 =	ssub.s32 @!p0 $0x0, s1;
	[sflag:s0] =	ssyncset.done @!p0 $0x0  }
0xb8: {  	[sflag:s0] =	ssyncadd.s32 @!p0 s1  }
0xb9: {  	[bflag:$0x3] =	sbarrier.arrive $0xFFFF  }
0xba: {  	_ =	shalt  }

// kernel: kernel.41.cloned.1.call-start
scs
__scs_entry_jumppad:
0x0: {  	(pc) =	sbr.rel $0x88, $3  }
0x1: {  	(tag) =	ssettag $0x0;
	lr =	simm.s32 $0x1  }
0x2: {  	[smem:$0x3F93] =	sst lr;
	_ =	strace $0xD0000000  }
0x3: {  	_ = 	snop  }
0x4: {  	_ = 	snop  }
0x5: {  	_ = 	snop  }
0x6: {  	_ = 	snop  }
0x7: {  	_ = 	snop  }
__scs_overlays_trampoline_lowered:
0x8: {  	[smem:$0x3FA2] =	sst s0  }
0x9: {  	[smem:$0x3FA3] =	sst s1  }
0xa: {  	[smem:$0x3FA4] =	sst s2  }
0xb: {  	[smem:$0x3FA5] =	sst s3  }
0xc: {  	[smem:$0x3FA6] =	sst s4  }
0xd: {  	[smem:$0x3FA7] =	sst s5  }
0xe: {  	[smem:$0x3FA8] =	sst s6  }
0xf: {  	[smem:$0x3FA9] =	sst s7  }
0x10: {  	[smem:$0x3FAA] =	sst s8  }
0x11: {  	[smem:$0x3FAB] =	sst s9;
	s0 =	simm.s32 @!p0 $0x0  }
0x12: {  	s1 =	sld [smem:$0x3F91];
	s0 =	simm.s32 @p0 $0x1  }
0x13: {  	[smem:$0x3FAC] =	sst s0;
	s0 =	simm.s32 @!p1 $0x0  }
0x14: {  	s2 =	sld [smem:$0x3F90];
	s0 =	simm.s32 @p1 $0x1  }
0x15: {  	[smem:$0x3FAD] =	sst s0;
	s0 =	simm.s32 @!p2 $0x0  }
0x16: {  	s3 =	sld [smem:$0x3FDB];
	s0 =	simm.s32 @p2 $0x1  }
0x17: {  	s4 =	simm.s32 $0x1BF5;
	[smem:$0x3FAF] =	sst s0  }
0x18: {  	s0 =	sld [smem:$0x3F92];
	_ =	swait.ge [sflag:s4], $0x0  }
0x19: {  	s7 =	sld [smem:$0x3F93]  }
0x1a: {  	s8 =	sadd.s32 $0xFFFFE003, lr  }
0x1b: {  	s9 =	sadd.s32 $0xFFFFFEF7, lr;
	s5 =	simm.s32 $0xFFFFFFFF;
	p2 =	slt.u32 s8, $0xFFFFF086  }
0x1c: {  	p1 =	slt.u32 s9, $0xF7A;
	s5 =	simm.s32 @!p2 $0x0  }
0x1d: {  	s5 =	simm.s32 @p1 $0x1;
	p0 =	seq.s32 s7, s2  }
0x1e: {  	s7 =	smul.u32 @!p0 $0xF7A, s2;
	p2 =	seq.s32 @!p0 s5, $0x0  }
0x1f: {  	s9 =	smul.u32 $0xF7A, s1;
	s8 =	simm.s32 @!p0 $0x1BF5;
	p2 =	por !p2, p0  }
0x20: {  	[sflag:s8] =	ssyncset.s32 @!p0 $0xFFFFF086;
	s6 =	sadd.s32 @!p0 s3, s7;
	s7 =	simm.s32 @!p0 $0x108  }
0x21: {  	s3 =	sadd.s32 s3, s9;
	s6 =	sadd.s32 @!p0 $0x88, s6;
	s7 =	simm.s32 @p2 $0x1082  }
0x22: {  	[simem:s7], [sflag:s8] =	dma.local @!p0 [hbm:s6], $0xF7A  }
0x23: {  	s9 =	sor.u32 $0xD0000000, s2;
	s6 =	simm.s32 $0x108;
	_ =	swait.ge @!p0 [sflag:s8], $0x0  }
0x24: {  	s3 =	sadd.s32 $0x88, s3;
	s6 =	simm.s32 @!p1 $0x1082;
	[sflag:s4] =	ssyncset.s32 $0xFFFFF086  }
0x25: {  	[simem:s6], [sflag:s4] =	dma.local [hbm:s3], $0xF7A  }
0x26: {  	[smem:$0x3F93] =	sst s1;
	(tag) =	ssettag s2;
	_ =	strace s9  }
0x27: {  	s1 =	sld [smem:$0x3FA3]  }
0x28: {  	s2 =	sld [smem:$0x3FA4]  }
0x29: {  	s4 =	sld [smem:$0x3FA6]  }
0x2a: {  	p0 =	seq.s32 s5, $0x0;
	s5 =	sld [smem:$0x3FA7]  }
0x2b: {  	s6 =	sld [smem:$0x3FA8]  }
0x2c: {  	s7 =	sld [smem:$0x3FA9]  }
0x2d: {  	s3 =	simm.s32 $0x108;
	s8 =	sld [smem:$0x3FAA]  }
0x2e: {  	s3 =	simm.s32 @!p0 $0x1082;
	s9 =	sld [smem:$0x3FAB]  }
0x2f: {  	lr =	sadd.s32 s0, s3;
	s0 =	sld [smem:$0x3FA2]  }
0x30: {  	s3 =	sld [smem:$0x3FA5]  }
0x31: {  	[smem:$0x3FAE] =	sst s10  }
0x32: {  	s10 =	sld [smem:$0x3FAC];
	_ =	sdelay $0x3  }
0x33: {  	p0 =	seq.s32 s10, $0x1;
	s10 =	sld [smem:$0x3FAE];
	_ =	sdelay $0x3  }
0x34: {  	[smem:$0x3FAE] =	sst s10  }
0x35: {  	s10 =	sld [smem:$0x3FAD];
	_ =	sdelay $0x3  }
0x36: {  	p1 =	seq.s32 s10, $0x1;
	s10 =	sld [smem:$0x3FAE];
	_ =	sdelay $0x3  }
0x37: {  	[smem:$0x3FAE] =	sst s10  }
0x38: {  	s10 =	sld [smem:$0x3FAF]  }
0x39: {  	_ = 	snop;
	(pc) =	sbr.ind lr, $3  }
0x3a: {  	_ = 	snop  }
0x3b: {  	_ = 	snop  }
0x3c: {  	p2 =	seq.s32 s10, $0x1;
	s10 =	sld [smem:$0x3FAE]  }
0x3d: {  	_ =	shalt  }
0x3e: {  	_ =	shalt  }
0x3f: {  	_ =	shalt  }
0x40: {  	_ =	shalt  }
0x41: {  	_ =	shalt  }
0x42: {  	_ =	shalt  }
0x43: {  	_ =	shalt  }
0x44: {  	_ =	shalt  }
0x45: {  	_ =	shalt  }
0x46: {  	_ =	shalt  }
0x47: {  	_ =	shalt  }
0x48: {  	_ =	shalt  }
0x49: {  	_ =	shalt  }
0x4a: {  	_ =	shalt  }
0x4b: {  	_ =	shalt  }
0x4c: {  	_ =	shalt  }
0x4d: {  	_ =	shalt  }
0x4e: {  	_ =	shalt  }
0x4f: {  	_ =	shalt  }
0x50: {  	_ =	shalt  }
0x51: {  	_ =	shalt  }
0x52: {  	_ =	shalt  }
0x53: {  	_ =	shalt  }
0x54: {  	_ =	shalt  }
0x55: {  	_ =	shalt  }
0x56: {  	_ =	shalt  }
0x57: {  	_ =	shalt  }
0x58: {  	_ =	shalt  }
0x59: {  	_ =	shalt  }
0x5a: {  	_ =	shalt  }
0x5b: {  	_ =	shalt  }
0x5c: {  	_ =	shalt  }
0x5d: {  	_ =	shalt  }
0x5e: {  	_ =	shalt  }
0x5f: {  	_ =	shalt  }
0x60: {  	_ =	shalt  }
0x61: {  	_ =	shalt  }
0x62: {  	_ =	shalt  }
0x63: {  	_ =	shalt  }
0x64: {  	_ =	shalt  }
0x65: {  	_ =	shalt  }
0x66: {  	_ =	shalt  }
0x67: {  	_ =	shalt  }
0x68: {  	_ =	shalt  }
0x69: {  	_ =	shalt  }
0x6a: {  	_ =	shalt  }
0x6b: {  	_ =	shalt  }
0x6c: {  	_ =	shalt  }
0x6d: {  	_ =	shalt  }
0x6e: {  	_ =	shalt  }
0x6f: {  	_ =	shalt  }
0x70: {  	_ =	shalt  }
0x71: {  	_ =	shalt  }
0x72: {  	_ =	shalt  }
0x73: {  	_ =	shalt  }
0x74: {  	_ =	shalt  }
0x75: {  	_ =	shalt  }
0x76: {  	_ =	shalt  }
0x77: {  	_ =	shalt  }
0x78: {  	_ =	shalt  }
0x79: {  	_ =	shalt  }
0x7a: {  	_ =	shalt  }
0x7b: {  	_ =	shalt  }
0x7c: {  	_ =	shalt  }
0x7d: {  	_ =	shalt  }
0x7e: {  	_ =	shalt  }
0x7f: {  	_ =	shalt  }
0x80: {  	_ =	shalt  }
0x81: {  	_ =	shalt  }
0x82: {  	_ =	shalt  }
0x83: {  	_ =	shalt  }
0x84: {  	_ =	shalt  }
0x85: {  	_ =	shalt  }
0x86: {  	_ =	shalt  }
0x87: {  	_ =	shalt  }
.Lfunc_end0:
.L_simem_size_0:
called_computation.7_lowered:
.L_overlay_start_0:
0x88: {  	s2 =	sld [smem:$0x3FD9]  }
0x89: {  	s3 =	sld [smem:$0x3FFE];
	_ =	sdelay $0x1  }
0x8a: {  	s1 =	srdreg.scid  }
0x8b: {  	s0 =	sand.u32 $0x1, s1  }
0x8c: {  	s17 =	sshll.u32 s0, $0xA;
	s2 =	sadd.s32 s3, s2  }
0x8d: {  	s2 =	sadd.s32 s2, s17  }
0x8e: {  	[smem:$0x3FBA] =	sst s2  }
0x8f: {  	_ = 	snop  }
0x90: {  	(tm) =	ssettm $0x1  }
0x91: {  	s18 =	sld [smem:$0x3FFB];
	_ =	sdelay $0x3  }
0x92: {  	_ =	strace s18  }
0x93: {  	s2 =	sld [smem:$0x3FFC];
	_ =	sdelay $0x3  }
0x94: {  	_ =	strace s2  }
0x95: {  	s2 =	sld [smem:$0x3FFD];
	_ =	sdelay $0x3  }
0x96: {  	_ =	strace s2  }
0x97: {  	_ =	strace $0x8FFFFFFF  }
0x98: {  	s19 =	sld [smem:$0x3FDB];
	_ =	sdelay $0x1  }
0x99: {  	s20 =	simm.s32 $_scs_section_size  }
0x9a: {  	s4 =	simm.s32 $_size__tile_overlayer_lowered;
	s5 =	simm.s32 $_tile_overlayer_lowered  }
0x9b: {  	s6 =	simm.s32 $0x1BFF;
	s21 =	sshll.u32 s5, $0x1;
	s3 =	sadd.s32 s20, s19  }
0x9c: {  	s22 =	simm.s32 $0x0;
	s4 =	sshll.u32 s4, $0x1;
	s5 =	sadd.s32 s21, s3  }
0x9d: {  	[timem:s22], [sflag:s6] =	dma.local [hbm:s5], s4  }
0x9e: {  	_ =	swait.ge [sflag:s6], s4  }
0x9f: {  	s4 =	ssub.s32 $0x0, s4;
	[sflag:s6] =	ssyncset.done $0x0  }
0xa0: {  	[sflag:s6] =	ssyncadd.s32 s4;
	_ =	sdelay $0x1  }
0xa1: {  	s23 =	simm.s32 $0x1B8B  }
0xa2: {  	_ =	swait.ge [sflag:s23], $0x1  }
0xa3: {  	[sflag:s23] =	ssyncset.done $0x0  }
0xa4: {  	[sflag:s23] =	ssyncadd.s32 $0xFFFFFFFF  }
0xa5: {  	s4 =	sld [smem:$0x0]  }
0xa6: {  	s5 =	sand.u32 $0xFFFFFFFE, s1  }
0xa7: {  	p0 =	sne.s32 s1, s5  }
0xa8: {  	s5 =	sshll.u32 @p0 s5, $0xE  }
0xa9: {  	s5 =	sadd.s32 @p0 $0x11B8D, s5;
	s6 =	sshll.u32 @p0 s4, $0x11  }
0xaa: {  	s5 =	sor.u32 @p0 s6, s5  }
0xab: {  	[sflag:s5] =	ssyncadd.remote.s32 @p0 $0x1;
	_ =	sdelay $0x1  }
0xac: {  	s5 =	simm.s32 @p0 $0x1B8D  }
0xad: {  	_ =	swait.eq @p0 [sflag:s5], $0x1  }
0xae: {  	[sflag:s5] =	ssyncadd.s32 @p0 $0xFFFFFFFF  }
0xaf: {  	s6 =	sshll.u32 @!p0 s1, $0xE  }
0xb0: {  	s6 =	sor.u32 @!p0 $0x4000, s6;
	s5 =	simm.s32 @!p0 $0x1B8D  }
0xb1: {  	s4 =	sshll.u32 @!p0 s4, $0x11;
	s6 =	sadd.s32 @!p0 $0x11B8D, s6;
	_ =	swait.eq @!p0 [sflag:s5], $0x1  }
0xb2: {  	s4 =	sor.u32 @!p0 s4, s6;
	[sflag:s5] =	ssyncadd.s32 @!p0 $0xFFFFFFFF  }
0xb3: {  	s25 =	simm.s32 $0x1B8E;
	s24 =	sld [smem:$0x3FFE];
	[sflag:s4] =	ssyncadd.remote.s32 @!p0 $0x1  }
0xb4: {  	s26 =	simm.s32 $execute0_lowered;
	[smem:$0x3FD2] =	sst s25  }
0xb5: {  	s5 =	sshll.u32 s26, $0x1;
	_ =	strace $0x8000004C;
	[dreg:$0x1] =	wrdreg $0xFFFFFFFF  }
0xb6: {  	s28 =	simm.s32 $_size_execute0_lowered;
	s3 =	sadd.s32 s3, s5;
	[dreg:$0x0] =	wrdreg $0x0  }
0xb7: {  	s5 =	sshll.u32 s28, $0x1;
	[dreg:$0x2] =	wrdreg s3  }
0xb8: {  	[dreg:$0x3] =	wrdreg s5  }
0xb9: {  	[dreg:$0x4] =	wrdreg $0xC0  }
0xba: {  	_ =	task [dreg:s22], $0x5FFFF  }
0xbb: {  	[dreg:$0x1] =	wrdreg $0xFFFFFFFF  }
0xbc: {  	[dreg:$0x0] =	wrdreg $0x60  }
0xbd: {  	[dreg:$0x2] =	wrdreg s24  }
0xbe: {  	[dreg:$0x3] =	wrdreg $0x10  }
0xbf: {  	_ =	task.clear_ibuf [dreg:s22], $0x4FFFF;
	_ =	strace $0x9000004C  }
0xc0: {  	s29 =	simm.s32 $0x10;
	_ =	strace $0x8000004E  }
0xc1: {  	_ =	swait.ge [sflag:s29], $0x1  }
0xc2: {  	[sflag:s29] =	ssyncadd.s32 $0xFFFFFFFF  }
0xc3: {  	_ =	strace $0x9000004E  }
0xc4: {  	_ =	sfence  }
0xc5: {  	s30 =	sld [smem:$0x0];
	_ =	sdelay $0x2  }
0xc6: {  	s31 =	sshll.u32 s1, $0xD;
	s1 =	sshrl.u32 s1, $0x2  }
0xc7: {  	s4 =	sand.u32 $0x4000, s31;
	s1 =	sadd.s32 s1, s30  }
0xc8: {  	s0 =	sor.u32 s4, s0;
	s1 =	sshll.u32 s1, $0x11  }
0xc9: {  	s0 =	sor.u32 s1, s0  }
0xca: {  	s0 =	sadd.s32 $0x8F2B, s0  }
0xcb: {  	[sflag:s0] =	ssyncadd.remote.s32 $0x1  }
0xcc: {  	_ =	sfence.sel $0xFFFF  }
0xcd: {  	[dreg:$0x0] =	wrdreg $0xFFFFFFFF;
	(pc) =	sbr.abs _section_cstart, $3  }
0xce: {  	[dreg:$0x1] =	wrdreg $0xFFFFFFFF  }
0xcf: {  	_ =	task.clear_ibuf [dreg:s22], $0x2FFFF;
	_ =	strace $0x9FFFFFFF  }
0xd0: {  	(tm) =	ssettm $0x7FFFFFFF  }
0xd1: {  	_ =	shalt  }
tec
execute0_lowered:
.L_overlay_start_1:
0x0: {  	(tag) =	ssettag $0x1  }
0x1: {  	s0 =	rddreg [dreg:$0x0];
	s3 =	srdreg.scid  }
0x2: {  	s1 =	stileid.u32;
	s2 =	simm.s32 $0x0;
	s10 =	simm.s32 $0xA80  }
0x3: {  	s11 =	simm.s32 $0x1280;
	s12 =	simm.s32 $0x1A80;
	s13 =	simm.s32 $0x2280  }
0x4: {  	s14 =	simm.s32 $0x2A80;
	s15 =	simm.s32 $0x3280;
	s16 =	simm.s32 $0x3A80  }
0x5: {  	s17 =	simm.s32 $0x4280;
	s18 =	simm.s32 $0x4A80;
	s19 =	simm.s32 $0x5280  }
0x6: {  	s20 =	simm.s32 $0x5A80;
	s21 =	simm.s32 $0x6280;
	s22 =	simm.s32 $0x6A80  }
0x7: {  	s23 =	simm.s32 $0x7280;
	s24 =	simm.s32 $0x7A80;
	s25 =	simm.s32 $0x1  }
0x8: {  	s3 =	sand.u32 $0x1, s3;
	s4 =	smul.u32 $0xA0000, s1;
	s5 =	sshll.u32 s1, $0x1  }
0x9: {  	s26 =	simm.s32 $0x2;
	s6 =	smul.u32 $0x50000, s3;
	s5 =	sor.u32 s3, s5  }
0xa: {  	s28 =	simm.s32 $0x0;
	[smem:$0x7FF] =	sst s2;
	s5 =	smul.u32 $0x50, s5  }
.Ltmp0:
0xb: {  	_ =	strace $0x8000004D;
	s31 =	ssub.s32 $0x2, s3;
	(pc) =	sbr.rel .LBB2_1-.Ltmp0, $4  }
0xc: {  	s3 =	sadd.s32 $0x40000, s0;
	s7 =	sshrl.u32 s31, $0x1;
	s4 =	sadd.s32 s6, s4  }
0xd: {  	v2 =	vlaneseq.u32;
	s6 =	ssub.s32 s31, s7;
	s4 =	sshrl.u32 s4, $0x3;
	s5 =	sadd.s32 s5, s0  }
0xe: {  	vm0 =	vmmov $0xffff;
	v1 =	vshrl.u32 v2, $0x3;
	s6 =	smax.u32 s6, $0x1;
	s8 =	sadd.s32 s4, s0;
	s4 =	sadd.s32 $0x3BA00, s5  }
0xf: {  	v0 =	vand.u32 $0x7, v2;
	v2 =	vor.u32 $0x8, v2;
	v1 =	vmul.u32 $0x8, v1;
	s5 =	sadd.s32 $0x40100, s0;
	s7 =	sadd.s32 $0x21C400, s8;
	s8 =	simm.s32 $0x3  }
.LBB2_7:
0x10: {  	s28 =	sadd.s32 $0x1, s28  }
0x11: {  	_ =	swait.ge [sflag:s26], $0x8000;
	p0 =	sne.s32 s28, s6  }
.Ltmp1:
0x12: {  	[sflag:s26] =	ssyncset.done $0x0;
	(pc) =	sbr.rel @!p0 .LBB2_8-.Ltmp1, $4  }
0x13: {  	[sflag:s26] =	ssyncadd.s32 $0xFFFF8000  }
0x14: {  	_ =	swait.ge [sflag:s26], $0x8000  }
0x15: {  	[sflag:s26] =	ssyncset.done $0x0  }
0x16: {  	[sflag:s26] =	ssyncadd.s32 $0xFFFF8000  }
.LBB2_1:
0x17: {  	[tilespmem:s2], [sflag:$0x3] =	stream.linear.gather [hbm4b:s4+s2], $0x280, $0x38;
	[tilespmem:$0x10280] =	vst v63  }
0x18: {  	_ =	swait.ge [sflag:s8], $0x280  }
0x19: {  	[sflag:s8] =	ssyncset.done $0x0  }
0x1a: {  	[sflag:s8] =	ssyncadd.s32 $0xFFFFFD80  }
0x1b: {  	v3 =	vld [tilespmem:$0x0];
	_ =	sdelay $0x4  }
0x1c: {  	v4 =	vshll.u32 v3, $0x2  }
0x1d: {  	v3 =	vand.u32 $0x7, v3;
	v4 =	vand.u32 $0xFFFFFFE0, v4  }
0x1e: {  	v3 =	vor.u32 v3, v4  }
0x1f: {  	v4 =	vperm.xlane v3, v0;
	_ =	sdelay $0x1  }
0x20: {  	v4 =	vadd.s32 v1, v4;
	_ =	sdelay $0x1  }
0x21: {  	v3 =	vperm.xlane v3, v2;
	_ =	sdelay $0x1  }
0x22: {  	s0 =	simm.s32 $0x280;
	v3 =	vadd.s32 v1, v3  }
0x23: {  	[tilespmem:s0], [sflag:$0x1] =	stream.indirect_vreg.gather [hbm4b:s3+s2], $0x80, v4, vm0, $0xb8;
	[tilespmem:$0x10280] =	vst v63  }
0x24: {  	_ = 	snop  }
0x25: {  	[tilespmem:s10], [sflag:$0x1] =	stream.indirect_vreg.gather [hbm4b:s5+s2], $0x80, v4, vm0, $0xb8;
	[tilespmem:$0x10280] =	vst v63  }
0x26: {  	_ = 	snop  }
0x27: {  	[tilespmem:s11], [sflag:$0x1] =	stream.indirect_vreg.gather [hbm4b:s3+s2], $0x80, v3, vm0, $0xb8;
	[tilespmem:$0x10280] =	vst v63  }
0x28: {  	_ = 	snop  }
0x29: {  	[tilespmem:s12], [sflag:$0x1] =	stream.indirect_vreg.gather [hbm4b:s5+s2], $0x80, v3, vm0, $0xb8;
	[tilespmem:$0x10280] =	vst v63  }
0x2a: {  	v3 =	vld [tilespmem:$0x10];
	_ =	sdelay $0x4  }
0x2b: {  	v61 =	vshll.u32 v3, $0x2  }
0x2c: {  	v3 =	vand.u32 $0x7, v3;
	v4 =	vand.u32 $0xFFFFFFE0, v61  }
0x2d: {  	v3 =	vor.u32 v3, v4  }
0x2e: {  	v4 =	vperm.xlane v3, v0;
	_ =	sdelay $0x1  }
0x2f: {  	v4 =	vadd.s32 v1, v4;
	_ =	sdelay $0x1  }
0x30: {  	v3 =	vperm.xlane v3, v2;
	_ =	sdelay $0x1  }
0x31: {  	v3 =	vadd.s32 v1, v3  }
0x32: {  	[tilespmem:s13], [sflag:$0x1] =	stream.indirect_vreg.gather [hbm4b:s3+s2], $0x80, v4, vm0, $0xb8;
	[tilespmem:$0x10280] =	vst v63  }
0x33: {  	_ = 	snop  }
0x34: {  	[tilespmem:s14], [sflag:$0x1] =	stream.indirect_vreg.gather [hbm4b:s5+s2], $0x80, v4, vm0, $0xb8;
	[tilespmem:$0x10280] =	vst v63  }
0x35: {  	_ = 	snop  }
0x36: {  	[tilespmem:s15], [sflag:$0x1] =	stream.indirect_vreg.gather [hbm4b:s3+s2], $0x80, v3, vm0, $0xb8;
	[tilespmem:$0x10280] =	vst v63  }
0x37: {  	_ = 	snop  }
0x38: {  	[tilespmem:s16], [sflag:$0x1] =	stream.indirect_vreg.gather [hbm4b:s5+s2], $0x80, v3, vm0, $0xb8;
	[tilespmem:$0x10280] =	vst v63  }
0x39: {  	v3 =	vld [tilespmem:$0x20];
	_ =	sdelay $0x4  }
0x3a: {  	v62 =	vshll.u32 v3, $0x2  }
0x3b: {  	v3 =	vand.u32 $0x7, v3;
	v4 =	vand.u32 $0xFFFFFFE0, v62  }
0x3c: {  	v3 =	vor.u32 v3, v4  }
0x3d: {  	v4 =	vperm.xlane v3, v0;
	_ =	sdelay $0x1  }
0x3e: {  	v4 =	vadd.s32 v1, v4;
	_ =	sdelay $0x1  }
0x3f: {  	v3 =	vperm.xlane v3, v2;
	_ =	sdelay $0x1  }
0x40: {  	v3 =	vadd.s32 v1, v3  }
0x41: {  	[tilespmem:s17], [sflag:$0x1] =	stream.indirect_vreg.gather [hbm4b:s3+s2], $0x80, v4, vm0, $0xb8;
	[tilespmem:$0x10280] =	vst v63  }
0x42: {  	_ = 	snop  }
0x43: {  	[tilespmem:s18], [sflag:$0x1] =	stream.indirect_vreg.gather [hbm4b:s5+s2], $0x80, v4, vm0, $0xb8;
	[tilespmem:$0x10280] =	vst v63  }
0x44: {  	_ = 	snop  }
0x45: {  	[tilespmem:s19], [sflag:$0x1] =	stream.indirect_vreg.gather [hbm4b:s3+s2], $0x80, v3, vm0, $0xb8;
	[tilespmem:$0x10280] =	vst v63  }
0x46: {  	_ = 	snop  }
0x47: {  	[tilespmem:s20], [sflag:$0x1] =	stream.indirect_vreg.gather [hbm4b:s5+s2], $0x80, v3, vm0, $0xb8;
	[tilespmem:$0x10280] =	vst v63  }
0x48: {  	v3 =	vld [tilespmem:$0x30];
	_ =	sdelay $0x4  }
0x49: {  	v63 =	vshll.u32 v3, $0x2  }
0x4a: {  	v3 =	vand.u32 $0x7, v3;
	v4 =	vand.u32 $0xFFFFFFE0, v63  }
0x4b: {  	v3 =	vor.u32 v3, v4  }
0x4c: {  	v4 =	vperm.xlane v3, v0;
	_ =	sdelay $0x1  }
0x4d: {  	v4 =	vadd.s32 v1, v4;
	_ =	sdelay $0x2  }
0x4e: {  	v3 =	vperm.xlane v3, v2;
	_ =	sdelay $0x1  }
0x4f: {  	v3 =	vadd.s32 v1, v3;
	[tilespmem:s21], [sflag:$0x1] =	stream.indirect_vreg.gather [hbm4b:s3+s2], $0x80, v4, vm0, $0xb8;
	[tilespmem:$0x10280] =	vst v63  }
0x50: {  	_ = 	snop  }
0x51: {  	[tilespmem:s22], [sflag:$0x1] =	stream.indirect_vreg.gather [hbm4b:s5+s2], $0x80, v4, vm0, $0xb8;
	[tilespmem:$0x10280] =	vst v63  }
.Ltmp2:
0x52: {  	_ = 	snop;
	(pc) =	sbr.rel .LBB2_2-.Ltmp2, $4  }
0x53: {  	s29 =	simm.s32 $0x20000  }
0x54: {  	[tilespmem:s23], [sflag:$0x1] =	stream.indirect_vreg.gather [hbm4b:s3+s2], $0x80, v3, vm0, $0xb8;
	[tilespmem:$0x10280] =	vst v63  }
0x55: {  	s30 =	simm.s32 $0x70;
	s31 =	smov.u32 s7;
	s0 =	simm.s32 $0x0  }
0x56: {  	[tilespmem:s24], [sflag:$0x1] =	stream.indirect_vreg.gather [hbm4b:s5+s2], $0x80, v3, vm0, $0xb8;
	[tilespmem:$0x10280] =	vst v63  }
.LBB2_5:
0x57: {  	v3 =	vld [tilespmem:s30+$0xFFFFFFD0];
	_ =	sdelay $0x4  }
0x58: {  	v4 =	vshll.u32 v3, $0x2  }
0x59: {  	v3 =	vand.u32 $0x7, v3;
	v4 =	vand.u32 $0xFFFFFFE0, v4  }
0x5a: {  	v3 =	vor.u32 v3, v4  }
0x5b: {  	v4 =	vperm.xlane v3, v0;
	_ =	sdelay $0x1  }
0x5c: {  	v4 =	vadd.s32 v1, v4;
	_ =	sdelay $0x1  }
0x5d: {  	s1 =	sshrl.u32 s29, $0x2;
	v3 =	vperm.xlane v3, v2  }
0x5e: {  	s1 =	sand.u32 $0x8000, s1  }
0x5f: {  	s9 =	sor.u32 $0x280, s1;
	v3 =	vadd.s32 v1, v3  }
0x60: {  	[tilespmem:s9], [sflag:$0x1] =	stream.indirect_vreg.gather [hbm4b:s3+s2], $0x80, v4, vm0, $0xb8;
	[tilespmem:$0x10280] =	vst v63  }
0x61: {  	s9 =	sor.u32 $0xA80, s1  }
0x62: {  	[tilespmem:s9], [sflag:$0x1] =	stream.indirect_vreg.gather [hbm4b:s5+s2], $0x80, v4, vm0, $0xb8;
	[tilespmem:$0x10280] =	vst v63  }
0x63: {  	s9 =	sor.u32 $0x1280, s1  }
0x64: {  	[tilespmem:s9], [sflag:$0x1] =	stream.indirect_vreg.gather [hbm4b:s3+s2], $0x80, v3, vm0, $0xb8;
	[tilespmem:$0x10280] =	vst v63  }
0x65: {  	s9 =	sor.u32 $0x1A80, s1  }
0x66: {  	[tilespmem:s9], [sflag:$0x1] =	stream.indirect_vreg.gather [hbm4b:s5+s2], $0x80, v3, vm0, $0xb8;
	[tilespmem:$0x10280] =	vst v63  }
0x67: {  	v3 =	vld [tilespmem:s30+$0xFFFFFFE0];
	_ =	sdelay $0x4  }
0x68: {  	v61 =	vshll.u32 v3, $0x2  }
0x69: {  	v3 =	vand.u32 $0x7, v3;
	v4 =	vand.u32 $0xFFFFFFE0, v61  }
0x6a: {  	v3 =	vor.u32 v3, v4  }
0x6b: {  	v4 =	vperm.xlane v3, v0;
	_ =	sdelay $0x1  }
0x6c: {  	v4 =	vadd.s32 v1, v4;
	_ =	sdelay $0x1  }
0x6d: {  	v3 =	vperm.xlane v3, v2;
	_ =	sdelay $0x1  }
0x6e: {  	s9 =	sor.u32 $0x2280, s1;
	v3 =	vadd.s32 v1, v3  }
0x6f: {  	[tilespmem:s9], [sflag:$0x1] =	stream.indirect_vreg.gather [hbm4b:s3+s2], $0x80, v4, vm0, $0xb8;
	[tilespmem:$0x10280] =	vst v63  }
0x70: {  	s9 =	sor.u32 $0x2A80, s1  }
0x71: {  	[tilespmem:s9], [sflag:$0x1] =	stream.indirect_vreg.gather [hbm4b:s5+s2], $0x80, v4, vm0, $0xb8;
	[tilespmem:$0x10280] =	vst v63  }
0x72: {  	s9 =	sor.u32 $0x3280, s1  }
0x73: {  	[tilespmem:s9], [sflag:$0x1] =	stream.indirect_vreg.gather [hbm4b:s3+s2], $0x80, v3, vm0, $0xb8;
	[tilespmem:$0x10280] =	vst v63  }
0x74: {  	s9 =	sor.u32 $0x3A80, s1  }
0x75: {  	[tilespmem:s9], [sflag:$0x1] =	stream.indirect_vreg.gather [hbm4b:s5+s2], $0x80, v3, vm0, $0xb8;
	[tilespmem:$0x10280] =	vst v63  }
0x76: {  	v3 =	vld [tilespmem:s30+$0xFFFFFFF0];
	_ =	sdelay $0x4  }
0x77: {  	v62 =	vshll.u32 v3, $0x2  }
0x78: {  	v3 =	vand.u32 $0x7, v3;
	v4 =	vand.u32 $0xFFFFFFE0, v62  }
0x79: {  	v3 =	vor.u32 v3, v4  }
0x7a: {  	v4 =	vperm.xlane v3, v0;
	_ =	sdelay $0x1  }
0x7b: {  	v4 =	vadd.s32 v1, v4;
	_ =	sdelay $0x1  }
0x7c: {  	v3 =	vperm.xlane v3, v2;
	_ =	sdelay $0x1  }
0x7d: {  	s9 =	sor.u32 $0x4280, s1;
	v3 =	vadd.s32 v1, v3  }
0x7e: {  	[tilespmem:s9], [sflag:$0x1] =	stream.indirect_vreg.gather [hbm4b:s3+s2], $0x80, v4, vm0, $0xb8;
	[tilespmem:$0x10280] =	vst v63  }
0x7f: {  	s9 =	sor.u32 $0x4A80, s1  }
0x80: {  	[tilespmem:s9], [sflag:$0x1] =	stream.indirect_vreg.gather [hbm4b:s5+s2], $0x80, v4, vm0, $0xb8;
	[tilespmem:$0x10280] =	vst v63  }
0x81: {  	s9 =	sor.u32 $0x5280, s1  }
0x82: {  	[tilespmem:s9], [sflag:$0x1] =	stream.indirect_vreg.gather [hbm4b:s3+s2], $0x80, v3, vm0, $0xb8;
	[tilespmem:$0x10280] =	vst v63  }
0x83: {  	s9 =	sor.u32 $0x5A80, s1  }
0x84: {  	[tilespmem:s9], [sflag:$0x1] =	stream.indirect_vreg.gather [hbm4b:s5+s2], $0x80, v3, vm0, $0xb8;
	[tilespmem:$0x10280] =	vst v63  }
0x85: {  	v3 =	vld [tilespmem:s30+$0x0];
	_ =	sdelay $0x4  }
0x86: {  	v63 =	vshll.u32 v3, $0x2  }
0x87: {  	v3 =	vand.u32 $0x7, v3;
	v4 =	vand.u32 $0xFFFFFFE0, v63  }
0x88: {  	v3 =	vor.u32 v3, v4  }
0x89: {  	v4 =	vperm.xlane v3, v0;
	_ =	sdelay $0x1  }
0x8a: {  	v4 =	vadd.s32 v1, v4;
	_ =	sdelay $0x1  }
0x8b: {  	v3 =	vperm.xlane v3, v2;
	_ =	sdelay $0x1  }
0x8c: {  	s9 =	sor.u32 $0x6280, s1;
	v3 =	vadd.s32 v1, v3  }
0x8d: {  	[tilespmem:s9], [sflag:$0x1] =	stream.indirect_vreg.gather [hbm4b:s3+s2], $0x80, v4, vm0, $0xb8;
	[tilespmem:$0x10280] =	vst v63  }
0x8e: {  	s9 =	sor.u32 $0x6A80, s1  }
0x8f: {  	[tilespmem:s9], [sflag:$0x1] =	stream.indirect_vreg.gather [hbm4b:s5+s2], $0x80, v4, vm0, $0xb8;
	[tilespmem:$0x10280] =	vst v63  }
0x90: {  	s9 =	sor.u32 $0x7280, s1  }
0x91: {  	[tilespmem:s9], [sflag:$0x1] =	stream.indirect_vreg.gather [hbm4b:s3+s2], $0x80, v3, vm0, $0xb8;
	[tilespmem:$0x10280] =	vst v63  }
0x92: {  	s1 =	sor.u32 $0x7A80, s1  }
0x93: {  	[tilespmem:s1], [sflag:$0x1] =	stream.indirect_vreg.gather [hbm4b:s5+s2], $0x80, v3, vm0, $0xb8;
	[tilespmem:$0x10280] =	vst v63  }
.LBB2_6:
0x94: {  	s0 =	sadd.s32 $0x1, s0  }
0x95: {  	s1 =	sadd.s32 $0xFFFE0000, s29;
	p0 =	sne.s32 s0, $0xA  }
.Ltmp3:
0x96: {  	s1 =	sand.u32 $0x20000, s1;
	(pc) =	sbr.rel @!p0 .LBB2_7-.Ltmp3, $4  }
0x97: {  	s1 =	sshrl.u32 s1, $0x2  }
0x98: {  	s1 =	sor.u32 $0x280, s1  }
0x99: {  	[hbm4b:s31+s2] =	stream.linear.scatter [tilespmem:s1], [sflag:$0x2], $0x8000, $0x38;
	[tilespmem:$0x10280] =	vst v63  }
0x9a: {  	s29 =	sadd.s32 $0x20000, s29;
	s30 =	sadd.s32 $0x40, s30;
	s31 =	sadd.s32 $0x1000, s31  }
.LBB2_2:
0x9b: {  	p0 =	seq.s32 s0, $0x0  }
.Ltmp4:
0x9c: {  	_ = 	snop;
	(pc) =	sbr.rel @p0 .LBB2_5-.Ltmp4, $4  }
0x9d: {  	_ = 	snop  }
0x9e: {  	_ =	swait.ge [sflag:s25], $0x8000  }
0x9f: {  	[sflag:s25] =	ssyncset.done $0x0  }
0xa0: {  	[sflag:s25] =	ssyncadd.s32 $0xFFFF8000  }
0xa1: {  	p0 =	seq.s32 s0, $0x9  }
.Ltmp5:
0xa2: {  	_ = 	snop;
	(pc) =	sbr.rel @p0 .LBB2_6-.Ltmp5, $1  }
0xa3: {  	_ =	sdelay $0x3  }
.Ltmp6:
0xa4: {  	(pc) =	sbr.rel .LBB2_5-.Ltmp6, $4  }
0xa5: {  	_ = 	snop  }
0xa6: {  	_ =	swait.ge [sflag:s26], $0x8000  }
0xa7: {  	[sflag:s26] =	ssyncset.done $0x0  }
0xa8: {  	[sflag:s26] =	ssyncadd.s32 $0xFFFF8000  }
.LBB2_8:
0xa9: {  	_ =	sfence.sel $0x180000  }
0xaa: {  	[bflag:$0x0] =	sbarrier.arrive $0xFFFF  }
0xab: {  	_ =	strace $0x9000004D  }
0xac: {  	s0 =	stileid.u32;
	[bflag:$0x2] =	sbarrier.arrive $0xFFFF  }
0xad: {  	p0 =	sne.s32 s0, $0x0;
	s0 =	rddreg [dreg:$0x1]  }
0xae: {  	s0 =	sadd.s32 @!p0 $0x100000, s0  }
0xaf: {  	[sflag:s0] =	ssyncadd.tile.s32 @!p0 $0x1;
	_ =	shalt  }
.Lfunc_end2:
_tile_overlayer_lowered:
.L_overlay_start_2:
0xb0: {  	(tag) =	ssettag $0x2  }
0xb1: {  	s0 =	rddreg [dreg:$0x0];
	s2 =	stileid.u32  }
0xb2: {  	s1 =	rddreg [dreg:$0x1];
	p0 =	sne.s32 s2, $0x0  }
0xb3: {  	s3 =	rddreg [dreg:$0x2];
	[bflag:$0x3] =	sbarrier.arrive $0xFFFF;
	s2 =	simm.s32 @!p0 $0x1C03  }
0xb4: {  	[timem:s3], [sflag:s2] =	dma.local @!p0 [hbm:s0], s1  }
0xb5: {  	s0 =	simm.s32 @!p0 $0x3  }
0xb6: {  	_ =	swait.ge @!p0 [sflag:s0], s1  }
0xb7: {  	s1 =	ssub.s32 @!p0 $0x0, s1;
	[sflag:s0] =	ssyncset.done @!p0 $0x0  }
0xb8: {  	[sflag:s0] =	ssyncadd.s32 @!p0 s1  }
0xb9: {  	[bflag:$0x3] =	sbarrier.arrive $0xFFFF  }
0xba: {  	_ =	shalt  }

// kernel: kernel.44.cloned.1.call-start
scs
__scs_entry_jumppad:
0x0: {  	(pc) =	sbr.rel $0x88, $3  }
0x1: {  	(tag) =	ssettag $0x0;
	lr =	simm.s32 $0x1  }
0x2: {  	[smem:$0x3F93] =	sst lr;
	_ =	strace $0xD0000000  }
0x3: {  	_ = 	snop  }
0x4: {  	_ = 	snop  }
0x5: {  	_ = 	snop  }
0x6: {  	_ = 	snop  }
0x7: {  	_ = 	snop  }
__scs_overlays_trampoline_lowered:
0x8: {  	[smem:$0x3FA2] =	sst s0  }
0x9: {  	[smem:$0x3FA3] =	sst s1  }
0xa: {  	[smem:$0x3FA4] =	sst s2  }
0xb: {  	[smem:$0x3FA5] =	sst s3  }
0xc: {  	[smem:$0x3FA6] =	sst s4  }
0xd: {  	[smem:$0x3FA7] =	sst s5  }
0xe: {  	[smem:$0x3FA8] =	sst s6  }
0xf: {  	[smem:$0x3FA9] =	sst s7  }
0x10: {  	[smem:$0x3FAA] =	sst s8  }
0x11: {  	[smem:$0x3FAB] =	sst s9;
	s0 =	simm.s32 @!p0 $0x0  }
0x12: {  	s1 =	sld [smem:$0x3F91];
	s0 =	simm.s32 @p0 $0x1  }
0x13: {  	[smem:$0x3FAC] =	sst s0;
	s0 =	simm.s32 @!p1 $0x0  }
0x14: {  	s2 =	sld [smem:$0x3F90];
	s0 =	simm.s32 @p1 $0x1  }
0x15: {  	[smem:$0x3FAD] =	sst s0;
	s0 =	simm.s32 @!p2 $0x0  }
0x16: {  	s3 =	sld [smem:$0x3FDB];
	s0 =	simm.s32 @p2 $0x1  }
0x17: {  	s4 =	simm.s32 $0x1BF5;
	[smem:$0x3FAF] =	sst s0  }
0x18: {  	s0 =	sld [smem:$0x3F92];
	_ =	swait.ge [sflag:s4], $0x0  }
0x19: {  	s7 =	sld [smem:$0x3F93]  }
0x1a: {  	s8 =	sadd.s32 $0xFFFFE003, lr  }
0x1b: {  	s9 =	sadd.s32 $0xFFFFFEF7, lr;
	s5 =	simm.s32 $0xFFFFFFFF;
	p2 =	slt.u32 s8, $0xFFFFF086  }
0x1c: {  	p1 =	slt.u32 s9, $0xF7A;
	s5 =	simm.s32 @!p2 $0x0  }
0x1d: {  	s5 =	simm.s32 @p1 $0x1;
	p0 =	seq.s32 s7, s2  }
0x1e: {  	s7 =	smul.u32 @!p0 $0xF7A, s2;
	p2 =	seq.s32 @!p0 s5, $0x0  }
0x1f: {  	s9 =	smul.u32 $0xF7A, s1;
	s8 =	simm.s32 @!p0 $0x1BF5;
	p2 =	por !p2, p0  }
0x20: {  	[sflag:s8] =	ssyncset.s32 @!p0 $0xFFFFF086;
	s6 =	sadd.s32 @!p0 s3, s7;
	s7 =	simm.s32 @!p0 $0x108  }
0x21: {  	s3 =	sadd.s32 s3, s9;
	s6 =	sadd.s32 @!p0 $0x88, s6;
	s7 =	simm.s32 @p2 $0x1082  }
0x22: {  	[simem:s7], [sflag:s8] =	dma.local @!p0 [hbm:s6], $0xF7A  }
0x23: {  	s9 =	sor.u32 $0xD0000000, s2;
	s6 =	simm.s32 $0x108;
	_ =	swait.ge @!p0 [sflag:s8], $0x0  }
0x24: {  	s3 =	sadd.s32 $0x88, s3;
	s6 =	simm.s32 @!p1 $0x1082;
	[sflag:s4] =	ssyncset.s32 $0xFFFFF086  }
0x25: {  	[simem:s6], [sflag:s4] =	dma.local [hbm:s3], $0xF7A  }
0x26: {  	[smem:$0x3F93] =	sst s1;
	(tag) =	ssettag s2;
	_ =	strace s9  }
0x27: {  	s1 =	sld [smem:$0x3FA3]  }
0x28: {  	s2 =	sld [smem:$0x3FA4]  }
0x29: {  	s4 =	sld [smem:$0x3FA6]  }
0x2a: {  	p0 =	seq.s32 s5, $0x0;
	s5 =	sld [smem:$0x3FA7]  }
0x2b: {  	s6 =	sld [smem:$0x3FA8]  }
0x2c: {  	s7 =	sld [smem:$0x3FA9]  }
0x2d: {  	s3 =	simm.s32 $0x108;
	s8 =	sld [smem:$0x3FAA]  }
0x2e: {  	s3 =	simm.s32 @!p0 $0x1082;
	s9 =	sld [smem:$0x3FAB]  }
0x2f: {  	lr =	sadd.s32 s0, s3;
	s0 =	sld [smem:$0x3FA2]  }
0x30: {  	s3 =	sld [smem:$0x3FA5]  }
0x31: {  	[smem:$0x3FAE] =	sst s10  }
0x32: {  	s10 =	sld [smem:$0x3FAC];
	_ =	sdelay $0x3  }
0x33: {  	p0 =	seq.s32 s10, $0x1;
	s10 =	sld [smem:$0x3FAE];
	_ =	sdelay $0x3  }
0x34: {  	[smem:$0x3FAE] =	sst s10  }
0x35: {  	s10 =	sld [smem:$0x3FAD];
	_ =	sdelay $0x3  }
0x36: {  	p1 =	seq.s32 s10, $0x1;
	s10 =	sld [smem:$0x3FAE];
	_ =	sdelay $0x3  }
0x37: {  	[smem:$0x3FAE] =	sst s10  }
0x38: {  	s10 =	sld [smem:$0x3FAF]  }
0x39: {  	_ = 	snop;
	(pc) =	sbr.ind lr, $3  }
0x3a: {  	_ = 	snop  }
0x3b: {  	_ = 	snop  }
0x3c: {  	p2 =	seq.s32 s10, $0x1;
	s10 =	sld [smem:$0x3FAE]  }
0x3d: {  	_ =	shalt  }
0x3e: {  	_ =	shalt  }
0x3f: {  	_ =	shalt  }
0x40: {  	_ =	shalt  }
0x41: {  	_ =	shalt  }
0x42: {  	_ =	shalt  }
0x43: {  	_ =	shalt  }
0x44: {  	_ =	shalt  }
0x45: {  	_ =	shalt  }
0x46: {  	_ =	shalt  }
0x47: {  	_ =	shalt  }
0x48: {  	_ =	shalt  }
0x49: {  	_ =	shalt  }
0x4a: {  	_ =	shalt  }
0x4b: {  	_ =	shalt  }
0x4c: {  	_ =	shalt  }
0x4d: {  	_ =	shalt  }
0x4e: {  	_ =	shalt  }
0x4f: {  	_ =	shalt  }
0x50: {  	_ =	shalt  }
0x51: {  	_ =	shalt  }
0x52: {  	_ =	shalt  }
0x53: {  	_ =	shalt  }
0x54: {  	_ =	shalt  }
0x55: {  	_ =	shalt  }
0x56: {  	_ =	shalt  }
0x57: {  	_ =	shalt  }
0x58: {  	_ =	shalt  }
0x59: {  	_ =	shalt  }
0x5a: {  	_ =	shalt  }
0x5b: {  	_ =	shalt  }
0x5c: {  	_ =	shalt  }
0x5d: {  	_ =	shalt  }
0x5e: {  	_ =	shalt  }
0x5f: {  	_ =	shalt  }
0x60: {  	_ =	shalt  }
0x61: {  	_ =	shalt  }
0x62: {  	_ =	shalt  }
0x63: {  	_ =	shalt  }
0x64: {  	_ =	shalt  }
0x65: {  	_ =	shalt  }
0x66: {  	_ =	shalt  }
0x67: {  	_ =	shalt  }
0x68: {  	_ =	shalt  }
0x69: {  	_ =	shalt  }
0x6a: {  	_ =	shalt  }
0x6b: {  	_ =	shalt  }
0x6c: {  	_ =	shalt  }
0x6d: {  	_ =	shalt  }
0x6e: {  	_ =	shalt  }
0x6f: {  	_ =	shalt  }
0x70: {  	_ =	shalt  }
0x71: {  	_ =	shalt  }
0x72: {  	_ =	shalt  }
0x73: {  	_ =	shalt  }
0x74: {  	_ =	shalt  }
0x75: {  	_ =	shalt  }
0x76: {  	_ =	shalt  }
0x77: {  	_ =	shalt  }
0x78: {  	_ =	shalt  }
0x79: {  	_ =	shalt  }
0x7a: {  	_ =	shalt  }
0x7b: {  	_ =	shalt  }
0x7c: {  	_ =	shalt  }
0x7d: {  	_ =	shalt  }
0x7e: {  	_ =	shalt  }
0x7f: {  	_ =	shalt  }
0x80: {  	_ =	shalt  }
0x81: {  	_ =	shalt  }
0x82: {  	_ =	shalt  }
0x83: {  	_ =	shalt  }
0x84: {  	_ =	shalt  }
0x85: {  	_ =	shalt  }
0x86: {  	_ =	shalt  }
0x87: {  	_ =	shalt  }
.Lfunc_end0:
.L_simem_size_0:
called_computation.8_lowered:
.L_overlay_start_0:
0x88: {  	s2 =	sld [smem:$0x3FD9]  }
0x89: {  	s3 =	sld [smem:$0x3FFE];
	_ =	sdelay $0x1  }
0x8a: {  	s1 =	srdreg.scid  }
0x8b: {  	s0 =	sand.u32 $0x1, s1  }
0x8c: {  	s17 =	sshll.u32 s0, $0xA;
	s2 =	sadd.s32 s3, s2  }
0x8d: {  	s2 =	sadd.s32 s2, s17  }
0x8e: {  	[smem:$0x3FBA] =	sst s2  }
0x8f: {  	_ = 	snop  }
0x90: {  	(tm) =	ssettm $0x1  }
0x91: {  	s18 =	sld [smem:$0x3FFB];
	_ =	sdelay $0x3  }
0x92: {  	_ =	strace s18  }
0x93: {  	s2 =	sld [smem:$0x3FFC];
	_ =	sdelay $0x3  }
0x94: {  	_ =	strace s2  }
0x95: {  	s2 =	sld [smem:$0x3FFD];
	_ =	sdelay $0x3  }
0x96: {  	_ =	strace s2  }
0x97: {  	_ =	strace $0x8FFFFFFF  }
0x98: {  	s19 =	sld [smem:$0x3FDB];
	_ =	sdelay $0x1  }
0x99: {  	s20 =	simm.s32 $_scs_section_size  }
0x9a: {  	s4 =	simm.s32 $_size__tile_overlayer_lowered;
	s5 =	simm.s32 $_tile_overlayer_lowered  }
0x9b: {  	s6 =	simm.s32 $0x1BFF;
	s21 =	sshll.u32 s5, $0x1;
	s3 =	sadd.s32 s20, s19  }
0x9c: {  	s22 =	simm.s32 $0x0;
	s4 =	sshll.u32 s4, $0x1;
	s5 =	sadd.s32 s21, s3  }
0x9d: {  	[timem:s22], [sflag:s6] =	dma.local [hbm:s5], s4  }
0x9e: {  	_ =	swait.ge [sflag:s6], s4  }
0x9f: {  	s4 =	ssub.s32 $0x0, s4;
	[sflag:s6] =	ssyncset.done $0x0  }
0xa0: {  	[sflag:s6] =	ssyncadd.s32 s4;
	_ =	sdelay $0x1  }
0xa1: {  	s23 =	simm.s32 $0x1B8B  }
0xa2: {  	_ =	swait.ge [sflag:s23], $0x1  }
0xa3: {  	[sflag:s23] =	ssyncset.done $0x0  }
0xa4: {  	[sflag:s23] =	ssyncadd.s32 $0xFFFFFFFF  }
0xa5: {  	s4 =	sld [smem:$0x0]  }
0xa6: {  	s5 =	sand.u32 $0xFFFFFFFE, s1  }
0xa7: {  	p0 =	sne.s32 s1, s5  }
0xa8: {  	s5 =	sshll.u32 @p0 s5, $0xE  }
0xa9: {  	s5 =	sadd.s32 @p0 $0x11B8D, s5;
	s6 =	sshll.u32 @p0 s4, $0x11  }
0xaa: {  	s5 =	sor.u32 @p0 s6, s5  }
0xab: {  	[sflag:s5] =	ssyncadd.remote.s32 @p0 $0x1;
	_ =	sdelay $0x1  }
0xac: {  	s5 =	simm.s32 @p0 $0x1B8D  }
0xad: {  	_ =	swait.eq @p0 [sflag:s5], $0x1  }
0xae: {  	[sflag:s5] =	ssyncadd.s32 @p0 $0xFFFFFFFF  }
0xaf: {  	s6 =	sshll.u32 @!p0 s1, $0xE  }
0xb0: {  	s6 =	sor.u32 @!p0 $0x4000, s6;
	s5 =	simm.s32 @!p0 $0x1B8D  }
0xb1: {  	s4 =	sshll.u32 @!p0 s4, $0x11;
	s6 =	sadd.s32 @!p0 $0x11B8D, s6;
	_ =	swait.eq @!p0 [sflag:s5], $0x1  }
0xb2: {  	s4 =	sor.u32 @!p0 s4, s6;
	[sflag:s5] =	ssyncadd.s32 @!p0 $0xFFFFFFFF  }
0xb3: {  	s25 =	simm.s32 $0x1B8E;
	s24 =	sld [smem:$0x3FFE];
	[sflag:s4] =	ssyncadd.remote.s32 @!p0 $0x1  }
0xb4: {  	s26 =	simm.s32 $execute0_lowered;
	[smem:$0x3FD2] =	sst s25  }
0xb5: {  	s5 =	sshll.u32 s26, $0x1;
	_ =	strace $0x80000049;
	[dreg:$0x1] =	wrdreg $0xFFFFFFFF  }
0xb6: {  	s28 =	simm.s32 $_size_execute0_lowered;
	s3 =	sadd.s32 s3, s5;
	[dreg:$0x0] =	wrdreg $0x0  }
0xb7: {  	s5 =	sshll.u32 s28, $0x1;
	[dreg:$0x2] =	wrdreg s3  }
0xb8: {  	[dreg:$0x3] =	wrdreg s5  }
0xb9: {  	[dreg:$0x4] =	wrdreg $0xC0  }
0xba: {  	_ =	task [dreg:s22], $0x5FFFF  }
0xbb: {  	[dreg:$0x1] =	wrdreg $0xFFFFFFFF  }
0xbc: {  	[dreg:$0x0] =	wrdreg $0x60  }
0xbd: {  	[dreg:$0x2] =	wrdreg s24  }
0xbe: {  	[dreg:$0x3] =	wrdreg $0x11  }
0xbf: {  	_ =	task.clear_ibuf [dreg:s22], $0x4FFFF;
	_ =	strace $0x90000049  }
0xc0: {  	s29 =	simm.s32 $0x11;
	_ =	strace $0x8000004B  }
0xc1: {  	_ =	swait.ge [sflag:s29], $0x1  }
0xc2: {  	[sflag:s29] =	ssyncadd.s32 $0xFFFFFFFF  }
0xc3: {  	_ =	strace $0x9000004B  }
0xc4: {  	_ =	sfence  }
0xc5: {  	s30 =	sld [smem:$0x0];
	_ =	sdelay $0x2  }
0xc6: {  	s31 =	sshll.u32 s1, $0xD;
	s1 =	sshrl.u32 s1, $0x2  }
0xc7: {  	s4 =	sand.u32 $0x4000, s31;
	s1 =	sadd.s32 s1, s30  }
0xc8: {  	s0 =	sor.u32 s4, s0;
	s1 =	sshll.u32 s1, $0x11  }
0xc9: {  	s0 =	sor.u32 s1, s0  }
0xca: {  	s0 =	sadd.s32 $0x8F2B, s0  }
0xcb: {  	[sflag:s0] =	ssyncadd.remote.s32 $0x1  }
0xcc: {  	_ =	sfence.sel $0xFFFF  }
0xcd: {  	[dreg:$0x0] =	wrdreg $0xFFFFFFFF;
	(pc) =	sbr.abs _section_cstart, $3  }
0xce: {  	[dreg:$0x1] =	wrdreg $0xFFFFFFFF  }
0xcf: {  	_ =	task.clear_ibuf [dreg:s22], $0x2FFFF;
	_ =	strace $0x9FFFFFFF  }
0xd0: {  	(tm) =	ssettm $0x7FFFFFFF  }
0xd1: {  	_ =	shalt  }
tec
execute0_lowered:
.L_overlay_start_1:
0x0: {  	(tag) =	ssettag $0x1  }
0x1: {  	s0 =	rddreg [dreg:$0x0];
	s3 =	srdreg.scid  }
0x2: {  	s1 =	stileid.u32;
	s2 =	simm.s32 $0x0;
	s10 =	simm.s32 $0xA80  }
0x3: {  	s11 =	simm.s32 $0x1280;
	s12 =	simm.s32 $0x1A80;
	s13 =	simm.s32 $0x2280  }
0x4: {  	s14 =	simm.s32 $0x2A80;
	s15 =	simm.s32 $0x3280;
	s16 =	simm.s32 $0x3A80  }
0x5: {  	s17 =	simm.s32 $0x4280;
	s18 =	simm.s32 $0x4A80;
	s19 =	simm.s32 $0x5280  }
0x6: {  	s20 =	simm.s32 $0x5A80;
	s21 =	simm.s32 $0x6280;
	s22 =	simm.s32 $0x6A80  }
0x7: {  	s23 =	simm.s32 $0x7280;
	s24 =	simm.s32 $0x7A80;
	s25 =	simm.s32 $0x1  }
0x8: {  	s3 =	sand.u32 $0x1, s3;
	s4 =	smul.u32 $0xA0000, s1;
	s5 =	sshll.u32 s1, $0x1  }
0x9: {  	s26 =	simm.s32 $0x2;
	s6 =	smul.u32 $0x50000, s3;
	s5 =	sor.u32 s3, s5  }
0xa: {  	s28 =	simm.s32 $0x0;
	[smem:$0x7FF] =	sst s2;
	s5 =	smul.u32 $0x50, s5  }
.Ltmp0:
0xb: {  	_ =	strace $0x8000004A;
	s31 =	ssub.s32 $0x2, s3;
	(pc) =	sbr.rel .LBB2_1-.Ltmp0, $4  }
0xc: {  	s3 =	sadd.s32 $0x40000, s0;
	s7 =	sshrl.u32 s31, $0x1;
	s4 =	sadd.s32 s6, s4  }
0xd: {  	v2 =	vlaneseq.u32;
	s6 =	ssub.s32 s31, s7;
	s4 =	sshrl.u32 s4, $0x3;
	s5 =	sadd.s32 s5, s0  }
0xe: {  	vm0 =	vmmov $0xffff;
	v1 =	vshrl.u32 v2, $0x3;
	s6 =	smax.u32 s6, $0x1;
	s8 =	sadd.s32 s4, s0;
	s4 =	sadd.s32 $0x3B000, s5  }
0xf: {  	v0 =	vand.u32 $0x7, v2;
	v2 =	vor.u32 $0x8, v2;
	v1 =	vmul.u32 $0x8, v1;
	s5 =	sadd.s32 $0x40100, s0;
	s7 =	sadd.s32 $0xDC400, s8;
	s8 =	simm.s32 $0x3  }
.LBB2_7:
0x10: {  	s28 =	sadd.s32 $0x1, s28  }
0x11: {  	_ =	swait.ge [sflag:s26], $0x8000;
	p0 =	sne.s32 s28, s6  }
.Ltmp1:
0x12: {  	[sflag:s26] =	ssyncset.done $0x0;
	(pc) =	sbr.rel @!p0 .LBB2_8-.Ltmp1, $4  }
0x13: {  	[sflag:s26] =	ssyncadd.s32 $0xFFFF8000  }
0x14: {  	_ =	swait.ge [sflag:s26], $0x8000  }
0x15: {  	[sflag:s26] =	ssyncset.done $0x0  }
0x16: {  	[sflag:s26] =	ssyncadd.s32 $0xFFFF8000  }
.LBB2_1:
0x17: {  	[tilespmem:s2], [sflag:$0x3] =	stream.linear.gather [hbm4b:s4+s2], $0x280, $0x38;
	[tilespmem:$0x10280] =	vst v63  }
0x18: {  	_ =	swait.ge [sflag:s8], $0x280  }
0x19: {  	[sflag:s8] =	ssyncset.done $0x0  }
0x1a: {  	[sflag:s8] =	ssyncadd.s32 $0xFFFFFD80  }
0x1b: {  	v3 =	vld [tilespmem:$0x0];
	_ =	sdelay $0x4  }
0x1c: {  	v4 =	vshll.u32 v3, $0x2  }
0x1d: {  	v3 =	vand.u32 $0x7, v3;
	v4 =	vand.u32 $0xFFFFFFE0, v4  }
0x1e: {  	v3 =	vor.u32 v3, v4  }
0x1f: {  	v4 =	vperm.xlane v3, v0;
	_ =	sdelay $0x1  }
0x20: {  	v4 =	vadd.s32 v1, v4;
	_ =	sdelay $0x1  }
0x21: {  	v3 =	vperm.xlane v3, v2;
	_ =	sdelay $0x1  }
0x22: {  	s0 =	simm.s32 $0x280;
	v3 =	vadd.s32 v1, v3  }
0x23: {  	[tilespmem:s0], [sflag:$0x1] =	stream.indirect_vreg.gather [hbm4b:s3+s2], $0x80, v4, vm0, $0xb8;
	[tilespmem:$0x10280] =	vst v63  }
0x24: {  	_ = 	snop  }
0x25: {  	[tilespmem:s10], [sflag:$0x1] =	stream.indirect_vreg.gather [hbm4b:s5+s2], $0x80, v4, vm0, $0xb8;
	[tilespmem:$0x10280] =	vst v63  }
0x26: {  	_ = 	snop  }
0x27: {  	[tilespmem:s11], [sflag:$0x1] =	stream.indirect_vreg.gather [hbm4b:s3+s2], $0x80, v3, vm0, $0xb8;
	[tilespmem:$0x10280] =	vst v63  }
0x28: {  	_ = 	snop  }
0x29: {  	[tilespmem:s12], [sflag:$0x1] =	stream.indirect_vreg.gather [hbm4b:s5+s2], $0x80, v3, vm0, $0xb8;
	[tilespmem:$0x10280] =	vst v63  }
0x2a: {  	v3 =	vld [tilespmem:$0x10];
	_ =	sdelay $0x4  }
0x2b: {  	v61 =	vshll.u32 v3, $0x2  }
0x2c: {  	v3 =	vand.u32 $0x7, v3;
	v4 =	vand.u32 $0xFFFFFFE0, v61  }
0x2d: {  	v3 =	vor.u32 v3, v4  }
0x2e: {  	v4 =	vperm.xlane v3, v0;
	_ =	sdelay $0x1  }
0x2f: {  	v4 =	vadd.s32 v1, v4;
	_ =	sdelay $0x1  }
0x30: {  	v3 =	vperm.xlane v3, v2;
	_ =	sdelay $0x1  }
0x31: {  	v3 =	vadd.s32 v1, v3  }
0x32: {  	[tilespmem:s13], [sflag:$0x1] =	stream.indirect_vreg.gather [hbm4b:s3+s2], $0x80, v4, vm0, $0xb8;
	[tilespmem:$0x10280] =	vst v63  }
0x33: {  	_ = 	snop  }
0x34: {  	[tilespmem:s14], [sflag:$0x1] =	stream.indirect_vreg.gather [hbm4b:s5+s2], $0x80, v4, vm0, $0xb8;
	[tilespmem:$0x10280] =	vst v63  }
0x35: {  	_ = 	snop  }
0x36: {  	[tilespmem:s15], [sflag:$0x1] =	stream.indirect_vreg.gather [hbm4b:s3+s2], $0x80, v3, vm0, $0xb8;
	[tilespmem:$0x10280] =	vst v63  }
0x37: {  	_ = 	snop  }
0x38: {  	[tilespmem:s16], [sflag:$0x1] =	stream.indirect_vreg.gather [hbm4b:s5+s2], $0x80, v3, vm0, $0xb8;
	[tilespmem:$0x10280] =	vst v63  }
0x39: {  	v3 =	vld [tilespmem:$0x20];
	_ =	sdelay $0x4  }
0x3a: {  	v62 =	vshll.u32 v3, $0x2  }
0x3b: {  	v3 =	vand.u32 $0x7, v3;
	v4 =	vand.u32 $0xFFFFFFE0, v62  }
0x3c: {  	v3 =	vor.u32 v3, v4  }
0x3d: {  	v4 =	vperm.xlane v3, v0;
	_ =	sdelay $0x1  }
0x3e: {  	v4 =	vadd.s32 v1, v4;
	_ =	sdelay $0x1  }
0x3f: {  	v3 =	vperm.xlane v3, v2;
	_ =	sdelay $0x1  }
0x40: {  	v3 =	vadd.s32 v1, v3  }
0x41: {  	[tilespmem:s17], [sflag:$0x1] =	stream.indirect_vreg.gather [hbm4b:s3+s2], $0x80, v4, vm0, $0xb8;
	[tilespmem:$0x10280] =	vst v63  }
0x42: {  	_ = 	snop  }
0x43: {  	[tilespmem:s18], [sflag:$0x1] =	stream.indirect_vreg.gather [hbm4b:s5+s2], $0x80, v4, vm0, $0xb8;
	[tilespmem:$0x10280] =	vst v63  }
0x44: {  	_ = 	snop  }
0x45: {  	[tilespmem:s19], [sflag:$0x1] =	stream.indirect_vreg.gather [hbm4b:s3+s2], $0x80, v3, vm0, $0xb8;
	[tilespmem:$0x10280] =	vst v63  }
0x46: {  	_ = 	snop  }
0x47: {  	[tilespmem:s20], [sflag:$0x1] =	stream.indirect_vreg.gather [hbm4b:s5+s2], $0x80, v3, vm0, $0xb8;
	[tilespmem:$0x10280] =	vst v63  }
0x48: {  	v3 =	vld [tilespmem:$0x30];
	_ =	sdelay $0x4  }
0x49: {  	v63 =	vshll.u32 v3, $0x2  }
0x4a: {  	v3 =	vand.u32 $0x7, v3;
	v4 =	vand.u32 $0xFFFFFFE0, v63  }
0x4b: {  	v3 =	vor.u32 v3, v4  }
0x4c: {  	v4 =	vperm.xlane v3, v0;
	_ =	sdelay $0x1  }
0x4d: {  	v4 =	vadd.s32 v1, v4;
	_ =	sdelay $0x2  }
0x4e: {  	v3 =	vperm.xlane v3, v2;
	_ =	sdelay $0x1  }
0x4f: {  	v3 =	vadd.s32 v1, v3;
	[tilespmem:s21], [sflag:$0x1] =	stream.indirect_vreg.gather [hbm4b:s3+s2], $0x80, v4, vm0, $0xb8;
	[tilespmem:$0x10280] =	vst v63  }
0x50: {  	_ = 	snop  }
0x51: {  	[tilespmem:s22], [sflag:$0x1] =	stream.indirect_vreg.gather [hbm4b:s5+s2], $0x80, v4, vm0, $0xb8;
	[tilespmem:$0x10280] =	vst v63  }
.Ltmp2:
0x52: {  	_ = 	snop;
	(pc) =	sbr.rel .LBB2_2-.Ltmp2, $4  }
0x53: {  	s29 =	simm.s32 $0x20000  }
0x54: {  	[tilespmem:s23], [sflag:$0x1] =	stream.indirect_vreg.gather [hbm4b:s3+s2], $0x80, v3, vm0, $0xb8;
	[tilespmem:$0x10280] =	vst v63  }
0x55: {  	s30 =	simm.s32 $0x70;
	s31 =	smov.u32 s7;
	s0 =	simm.s32 $0x0  }
0x56: {  	[tilespmem:s24], [sflag:$0x1] =	stream.indirect_vreg.gather [hbm4b:s5+s2], $0x80, v3, vm0, $0xb8;
	[tilespmem:$0x10280] =	vst v63  }
.LBB2_5:
0x57: {  	v3 =	vld [tilespmem:s30+$0xFFFFFFD0];
	_ =	sdelay $0x4  }
0x58: {  	v4 =	vshll.u32 v3, $0x2  }
0x59: {  	v3 =	vand.u32 $0x7, v3;
	v4 =	vand.u32 $0xFFFFFFE0, v4  }
0x5a: {  	v3 =	vor.u32 v3, v4  }
0x5b: {  	v4 =	vperm.xlane v3, v0;
	_ =	sdelay $0x1  }
0x5c: {  	v4 =	vadd.s32 v1, v4;
	_ =	sdelay $0x1  }
0x5d: {  	s1 =	sshrl.u32 s29, $0x2;
	v3 =	vperm.xlane v3, v2  }
0x5e: {  	s1 =	sand.u32 $0x8000, s1  }
0x5f: {  	s9 =	sor.u32 $0x280, s1;
	v3 =	vadd.s32 v1, v3  }
0x60: {  	[tilespmem:s9], [sflag:$0x1] =	stream.indirect_vreg.gather [hbm4b:s3+s2], $0x80, v4, vm0, $0xb8;
	[tilespmem:$0x10280] =	vst v63  }
0x61: {  	s9 =	sor.u32 $0xA80, s1  }
0x62: {  	[tilespmem:s9], [sflag:$0x1] =	stream.indirect_vreg.gather [hbm4b:s5+s2], $0x80, v4, vm0, $0xb8;
	[tilespmem:$0x10280] =	vst v63  }
0x63: {  	s9 =	sor.u32 $0x1280, s1  }
0x64: {  	[tilespmem:s9], [sflag:$0x1] =	stream.indirect_vreg.gather [hbm4b:s3+s2], $0x80, v3, vm0, $0xb8;
	[tilespmem:$0x10280] =	vst v63  }
0x65: {  	s9 =	sor.u32 $0x1A80, s1  }
0x66: {  	[tilespmem:s9], [sflag:$0x1] =	stream.indirect_vreg.gather [hbm4b:s5+s2], $0x80, v3, vm0, $0xb8;
	[tilespmem:$0x10280] =	vst v63  }
0x67: {  	v3 =	vld [tilespmem:s30+$0xFFFFFFE0];
	_ =	sdelay $0x4  }
0x68: {  	v61 =	vshll.u32 v3, $0x2  }
0x69: {  	v3 =	vand.u32 $0x7, v3;
	v4 =	vand.u32 $0xFFFFFFE0, v61  }
0x6a: {  	v3 =	vor.u32 v3, v4  }
0x6b: {  	v4 =	vperm.xlane v3, v0;
	_ =	sdelay $0x1  }
0x6c: {  	v4 =	vadd.s32 v1, v4;
	_ =	sdelay $0x1  }
0x6d: {  	v3 =	vperm.xlane v3, v2;
	_ =	sdelay $0x1  }
0x6e: {  	s9 =	sor.u32 $0x2280, s1;
	v3 =	vadd.s32 v1, v3  }
0x6f: {  	[tilespmem:s9], [sflag:$0x1] =	stream.indirect_vreg.gather [hbm4b:s3+s2], $0x80, v4, vm0, $0xb8;
	[tilespmem:$0x10280] =	vst v63  }
0x70: {  	s9 =	sor.u32 $0x2A80, s1  }
0x71: {  	[tilespmem:s9], [sflag:$0x1] =	stream.indirect_vreg.gather [hbm4b:s5+s2], $0x80, v4, vm0, $0xb8;
	[tilespmem:$0x10280] =	vst v63  }
0x72: {  	s9 =	sor.u32 $0x3280, s1  }
0x73: {  	[tilespmem:s9], [sflag:$0x1] =	stream.indirect_vreg.gather [hbm4b:s3+s2], $0x80, v3, vm0, $0xb8;
	[tilespmem:$0x10280] =	vst v63  }
0x74: {  	s9 =	sor.u32 $0x3A80, s1  }
0x75: {  	[tilespmem:s9], [sflag:$0x1] =	stream.indirect_vreg.gather [hbm4b:s5+s2], $0x80, v3, vm0, $0xb8;
	[tilespmem:$0x10280] =	vst v63  }
0x76: {  	v3 =	vld [tilespmem:s30+$0xFFFFFFF0];
	_ =	sdelay $0x4  }
0x77: {  	v62 =	vshll.u32 v3, $0x2  }
0x78: {  	v3 =	vand.u32 $0x7, v3;
	v4 =	vand.u32 $0xFFFFFFE0, v62  }
0x79: {  	v3 =	vor.u32 v3, v4  }
0x7a: {  	v4 =	vperm.xlane v3, v0;
	_ =	sdelay $0x1  }
0x7b: {  	v4 =	vadd.s32 v1, v4;
	_ =	sdelay $0x1  }
0x7c: {  	v3 =	vperm.xlane v3, v2;
	_ =	sdelay $0x1  }
0x7d: {  	s9 =	sor.u32 $0x4280, s1;
	v3 =	vadd.s32 v1, v3  }
0x7e: {  	[tilespmem:s9], [sflag:$0x1] =	stream.indirect_vreg.gather [hbm4b:s3+s2], $0x80, v4, vm0, $0xb8;
	[tilespmem:$0x10280] =	vst v63  }
0x7f: {  	s9 =	sor.u32 $0x4A80, s1  }
0x80: {  	[tilespmem:s9], [sflag:$0x1] =	stream.indirect_vreg.gather [hbm4b:s5+s2], $0x80, v4, vm0, $0xb8;
	[tilespmem:$0x10280] =	vst v63  }
0x81: {  	s9 =	sor.u32 $0x5280, s1  }
0x82: {  	[tilespmem:s9], [sflag:$0x1] =	stream.indirect_vreg.gather [hbm4b:s3+s2], $0x80, v3, vm0, $0xb8;
	[tilespmem:$0x10280] =	vst v63  }
0x83: {  	s9 =	sor.u32 $0x5A80, s1  }
0x84: {  	[tilespmem:s9], [sflag:$0x1] =	stream.indirect_vreg.gather [hbm4b:s5+s2], $0x80, v3, vm0, $0xb8;
	[tilespmem:$0x10280] =	vst v63  }
0x85: {  	v3 =	vld [tilespmem:s30+$0x0];
	_ =	sdelay $0x4  }
0x86: {  	v63 =	vshll.u32 v3, $0x2  }
0x87: {  	v3 =	vand.u32 $0x7, v3;
	v4 =	vand.u32 $0xFFFFFFE0, v63  }
0x88: {  	v3 =	vor.u32 v3, v4  }
0x89: {  	v4 =	vperm.xlane v3, v0;
	_ =	sdelay $0x1  }
0x8a: {  	v4 =	vadd.s32 v1, v4;
	_ =	sdelay $0x1  }
0x8b: {  	v3 =	vperm.xlane v3, v2;
	_ =	sdelay $0x1  }
0x8c: {  	s9 =	sor.u32 $0x6280, s1;
	v3 =	vadd.s32 v1, v3  }
0x8d: {  	[tilespmem:s9], [sflag:$0x1] =	stream.indirect_vreg.gather [hbm4b:s3+s2], $0x80, v4, vm0, $0xb8;
	[tilespmem:$0x10280] =	vst v63  }
0x8e: {  	s9 =	sor.u32 $0x6A80, s1  }
0x8f: {  	[tilespmem:s9], [sflag:$0x1] =	stream.indirect_vreg.gather [hbm4b:s5+s2], $0x80, v4, vm0, $0xb8;
	[tilespmem:$0x10280] =	vst v63  }
0x90: {  	s9 =	sor.u32 $0x7280, s1  }
0x91: {  	[tilespmem:s9], [sflag:$0x1] =	stream.indirect_vreg.gather [hbm4b:s3+s2], $0x80, v3, vm0, $0xb8;
	[tilespmem:$0x10280] =	vst v63  }
0x92: {  	s1 =	sor.u32 $0x7A80, s1  }
0x93: {  	[tilespmem:s1], [sflag:$0x1] =	stream.indirect_vreg.gather [hbm4b:s5+s2], $0x80, v3, vm0, $0xb8;
	[tilespmem:$0x10280] =	vst v63  }
.LBB2_6:
0x94: {  	s0 =	sadd.s32 $0x1, s0  }
0x95: {  	s1 =	sadd.s32 $0xFFFE0000, s29;
	p0 =	sne.s32 s0, $0xA  }
.Ltmp3:
0x96: {  	s1 =	sand.u32 $0x20000, s1;
	(pc) =	sbr.rel @!p0 .LBB2_7-.Ltmp3, $4  }
0x97: {  	s1 =	sshrl.u32 s1, $0x2  }
0x98: {  	s1 =	sor.u32 $0x280, s1  }
0x99: {  	[hbm4b:s31+s2] =	stream.linear.scatter [tilespmem:s1], [sflag:$0x2], $0x8000, $0x38;
	[tilespmem:$0x10280] =	vst v63  }
0x9a: {  	s29 =	sadd.s32 $0x20000, s29;
	s30 =	sadd.s32 $0x40, s30;
	s31 =	sadd.s32 $0x1000, s31  }
.LBB2_2:
0x9b: {  	p0 =	seq.s32 s0, $0x0  }
.Ltmp4:
0x9c: {  	_ = 	snop;
	(pc) =	sbr.rel @p0 .LBB2_5-.Ltmp4, $4  }
0x9d: {  	_ = 	snop  }
0x9e: {  	_ =	swait.ge [sflag:s25], $0x8000  }
0x9f: {  	[sflag:s25] =	ssyncset.done $0x0  }
0xa0: {  	[sflag:s25] =	ssyncadd.s32 $0xFFFF8000  }
0xa1: {  	p0 =	seq.s32 s0, $0x9  }
.Ltmp5:
0xa2: {  	_ = 	snop;
	(pc) =	sbr.rel @p0 .LBB2_6-.Ltmp5, $1  }
0xa3: {  	_ =	sdelay $0x3  }
.Ltmp6:
0xa4: {  	(pc) =	sbr.rel .LBB2_5-.Ltmp6, $4  }
0xa5: {  	_ = 	snop  }
0xa6: {  	_ =	swait.ge [sflag:s26], $0x8000  }
0xa7: {  	[sflag:s26] =	ssyncset.done $0x0  }
0xa8: {  	[sflag:s26] =	ssyncadd.s32 $0xFFFF8000  }
.LBB2_8:
0xa9: {  	_ =	sfence.sel $0x180000  }
0xaa: {  	[bflag:$0x0] =	sbarrier.arrive $0xFFFF  }
0xab: {  	_ =	strace $0x9000004A  }
0xac: {  	s0 =	stileid.u32;
	[bflag:$0x2] =	sbarrier.arrive $0xFFFF  }
0xad: {  	p0 =	sne.s32 s0, $0x0;
	s0 =	rddreg [dreg:$0x1]  }
0xae: {  	s0 =	sadd.s32 @!p0 $0x100000, s0  }
0xaf: {  	[sflag:s0] =	ssyncadd.tile.s32 @!p0 $0x1;
	_ =	shalt  }
.Lfunc_end2:
_tile_overlayer_lowered:
.L_overlay_start_2:
0xb0: {  	(tag) =	ssettag $0x2  }
0xb1: {  	s0 =	rddreg [dreg:$0x0];
	s2 =	stileid.u32  }
0xb2: {  	s1 =	rddreg [dreg:$0x1];
	p0 =	sne.s32 s2, $0x0  }
0xb3: {  	s3 =	rddreg [dreg:$0x2];
	[bflag:$0x3] =	sbarrier.arrive $0xFFFF;
	s2 =	simm.s32 @!p0 $0x1C03  }
0xb4: {  	[timem:s3], [sflag:s2] =	dma.local @!p0 [hbm:s0], s1  }
0xb5: {  	s0 =	simm.s32 @!p0 $0x3  }
0xb6: {  	_ =	swait.ge @!p0 [sflag:s0], s1  }
0xb7: {  	s1 =	ssub.s32 @!p0 $0x0, s1;
	[sflag:s0] =	ssyncset.done @!p0 $0x0  }
0xb8: {  	[sflag:s0] =	ssyncadd.s32 @!p0 s1  }
0xb9: {  	[bflag:$0x3] =	sbarrier.arrive $0xFFFF  }
0xba: {  	_ =	shalt  }

// kernel: kernel.47.cloned.1.call-start
scs
__scs_entry_jumppad:
0x0: {  	(pc) =	sbr.rel $0x88, $3  }
0x1: {  	(tag) =	ssettag $0x0;
	lr =	simm.s32 $0x1  }
0x2: {  	[smem:$0x3F93] =	sst lr;
	_ =	strace $0xD0000000  }
0x3: {  	_ = 	snop  }
0x4: {  	_ = 	snop  }
0x5: {  	_ = 	snop  }
0x6: {  	_ = 	snop  }
0x7: {  	_ = 	snop  }
__scs_overlays_trampoline_lowered:
0x8: {  	[smem:$0x3FA2] =	sst s0  }
0x9: {  	[smem:$0x3FA3] =	sst s1  }
0xa: {  	[smem:$0x3FA4] =	sst s2  }
0xb: {  	[smem:$0x3FA5] =	sst s3  }
0xc: {  	[smem:$0x3FA6] =	sst s4  }
0xd: {  	[smem:$0x3FA7] =	sst s5  }
0xe: {  	[smem:$0x3FA8] =	sst s6  }
0xf: {  	[smem:$0x3FA9] =	sst s7  }
0x10: {  	[smem:$0x3FAA] =	sst s8  }
0x11: {  	[smem:$0x3FAB] =	sst s9;
	s0 =	simm.s32 @!p0 $0x0  }
0x12: {  	s1 =	sld [smem:$0x3F91];
	s0 =	simm.s32 @p0 $0x1  }
0x13: {  	[smem:$0x3FAC] =	sst s0;
	s0 =	simm.s32 @!p1 $0x0  }
0x14: {  	s2 =	sld [smem:$0x3F90];
	s0 =	simm.s32 @p1 $0x1  }
0x15: {  	[smem:$0x3FAD] =	sst s0;
	s0 =	simm.s32 @!p2 $0x0  }
0x16: {  	s3 =	sld [smem:$0x3FDB];
	s0 =	simm.s32 @p2 $0x1  }
0x17: {  	s4 =	simm.s32 $0x1BF5;
	[smem:$0x3FAF] =	sst s0  }
0x18: {  	s0 =	sld [smem:$0x3F92];
	_ =	swait.ge [sflag:s4], $0x0  }
0x19: {  	s7 =	sld [smem:$0x3F93]  }
0x1a: {  	s8 =	sadd.s32 $0xFFFFE003, lr  }
0x1b: {  	s9 =	sadd.s32 $0xFFFFFEF7, lr;
	s5 =	simm.s32 $0xFFFFFFFF;
	p2 =	slt.u32 s8, $0xFFFFF086  }
0x1c: {  	p1 =	slt.u32 s9, $0xF7A;
	s5 =	simm.s32 @!p2 $0x0  }
0x1d: {  	s5 =	simm.s32 @p1 $0x1;
	p0 =	seq.s32 s7, s2  }
0x1e: {  	s7 =	smul.u32 @!p0 $0xF7A, s2;
	p2 =	seq.s32 @!p0 s5, $0x0  }
0x1f: {  	s9 =	smul.u32 $0xF7A, s1;
	s8 =	simm.s32 @!p0 $0x1BF5;
	p2 =	por !p2, p0  }
0x20: {  	[sflag:s8] =	ssyncset.s32 @!p0 $0xFFFFF086;
	s6 =	sadd.s32 @!p0 s3, s7;
	s7 =	simm.s32 @!p0 $0x108  }
0x21: {  	s3 =	sadd.s32 s3, s9;
	s6 =	sadd.s32 @!p0 $0x88, s6;
	s7 =	simm.s32 @p2 $0x1082  }
0x22: {  	[simem:s7], [sflag:s8] =	dma.local @!p0 [hbm:s6], $0xF7A  }
0x23: {  	s9 =	sor.u32 $0xD0000000, s2;
	s6 =	simm.s32 $0x108;
	_ =	swait.ge @!p0 [sflag:s8], $0x0  }
0x24: {  	s3 =	sadd.s32 $0x88, s3;
	s6 =	simm.s32 @!p1 $0x1082;
	[sflag:s4] =	ssyncset.s32 $0xFFFFF086  }
0x25: {  	[simem:s6], [sflag:s4] =	dma.local [hbm:s3], $0xF7A  }
0x26: {  	[smem:$0x3F93] =	sst s1;
	(tag) =	ssettag s2;
	_ =	strace s9  }
0x27: {  	s1 =	sld [smem:$0x3FA3]  }
0x28: {  	s2 =	sld [smem:$0x3FA4]  }
0x29: {  	s4 =	sld [smem:$0x3FA6]  }
0x2a: {  	p0 =	seq.s32 s5, $0x0;
	s5 =	sld [smem:$0x3FA7]  }
0x2b: {  	s6 =	sld [smem:$0x3FA8]  }
0x2c: {  	s7 =	sld [smem:$0x3FA9]  }
0x2d: {  	s3 =	simm.s32 $0x108;
	s8 =	sld [smem:$0x3FAA]  }
0x2e: {  	s3 =	simm.s32 @!p0 $0x1082;
	s9 =	sld [smem:$0x3FAB]  }
0x2f: {  	lr =	sadd.s32 s0, s3;
	s0 =	sld [smem:$0x3FA2]  }
0x30: {  	s3 =	sld [smem:$0x3FA5]  }
0x31: {  	[smem:$0x3FAE] =	sst s10  }
0x32: {  	s10 =	sld [smem:$0x3FAC];
	_ =	sdelay $0x3  }
0x33: {  	p0 =	seq.s32 s10, $0x1;
	s10 =	sld [smem:$0x3FAE];
	_ =	sdelay $0x3  }
0x34: {  	[smem:$0x3FAE] =	sst s10  }
0x35: {  	s10 =	sld [smem:$0x3FAD];
	_ =	sdelay $0x3  }
0x36: {  	p1 =	seq.s32 s10, $0x1;
	s10 =	sld [smem:$0x3FAE];
	_ =	sdelay $0x3  }
0x37: {  	[smem:$0x3FAE] =	sst s10  }
0x38: {  	s10 =	sld [smem:$0x3FAF]  }
0x39: {  	_ = 	snop;
	(pc) =	sbr.ind lr, $3  }
0x3a: {  	_ = 	snop  }
0x3b: {  	_ = 	snop  }
0x3c: {  	p2 =	seq.s32 s10, $0x1;
	s10 =	sld [smem:$0x3FAE]  }
0x3d: {  	_ =	shalt  }
0x3e: {  	_ =	shalt  }
0x3f: {  	_ =	shalt  }
0x40: {  	_ =	shalt  }
0x41: {  	_ =	shalt  }
0x42: {  	_ =	shalt  }
0x43: {  	_ =	shalt  }
0x44: {  	_ =	shalt  }
0x45: {  	_ =	shalt  }
0x46: {  	_ =	shalt  }
0x47: {  	_ =	shalt  }
0x48: {  	_ =	shalt  }
0x49: {  	_ =	shalt  }
0x4a: {  	_ =	shalt  }
0x4b: {  	_ =	shalt  }
0x4c: {  	_ =	shalt  }
0x4d: {  	_ =	shalt  }
0x4e: {  	_ =	shalt  }
0x4f: {  	_ =	shalt  }
0x50: {  	_ =	shalt  }
0x51: {  	_ =	shalt  }
0x52: {  	_ =	shalt  }
0x53: {  	_ =	shalt  }
0x54: {  	_ =	shalt  }
0x55: {  	_ =	shalt  }
0x56: {  	_ =	shalt  }
0x57: {  	_ =	shalt  }
0x58: {  	_ =	shalt  }
0x59: {  	_ =	shalt  }
0x5a: {  	_ =	shalt  }
0x5b: {  	_ =	shalt  }
0x5c: {  	_ =	shalt  }
0x5d: {  	_ =	shalt  }
0x5e: {  	_ =	shalt  }
0x5f: {  	_ =	shalt  }
0x60: {  	_ =	shalt  }
0x61: {  	_ =	shalt  }
0x62: {  	_ =	shalt  }
0x63: {  	_ =	shalt  }
0x64: {  	_ =	shalt  }
0x65: {  	_ =	shalt  }
0x66: {  	_ =	shalt  }
0x67: {  	_ =	shalt  }
0x68: {  	_ =	shalt  }
0x69: {  	_ =	shalt  }
0x6a: {  	_ =	shalt  }
0x6b: {  	_ =	shalt  }
0x6c: {  	_ =	shalt  }
0x6d: {  	_ =	shalt  }
0x6e: {  	_ =	shalt  }
0x6f: {  	_ =	shalt  }
0x70: {  	_ =	shalt  }
0x71: {  	_ =	shalt  }
0x72: {  	_ =	shalt  }
0x73: {  	_ =	shalt  }
0x74: {  	_ =	shalt  }
0x75: {  	_ =	shalt  }
0x76: {  	_ =	shalt  }
0x77: {  	_ =	shalt  }
0x78: {  	_ =	shalt  }
0x79: {  	_ =	shalt  }
0x7a: {  	_ =	shalt  }
0x7b: {  	_ =	shalt  }
0x7c: {  	_ =	shalt  }
0x7d: {  	_ =	shalt  }
0x7e: {  	_ =	shalt  }
0x7f: {  	_ =	shalt  }
0x80: {  	_ =	shalt  }
0x81: {  	_ =	shalt  }
0x82: {  	_ =	shalt  }
0x83: {  	_ =	shalt  }
0x84: {  	_ =	shalt  }
0x85: {  	_ =	shalt  }
0x86: {  	_ =	shalt  }
0x87: {  	_ =	shalt  }
.Lfunc_end0:
.L_simem_size_0:
called_computation.9_lowered:
.L_overlay_start_0:
0x88: {  	s2 =	sld [smem:$0x3FD9]  }
0x89: {  	s3 =	sld [smem:$0x3FFE];
	_ =	sdelay $0x1  }
0x8a: {  	s1 =	srdreg.scid  }
0x8b: {  	s0 =	sand.u32 $0x1, s1  }
0x8c: {  	s16 =	sshll.u32 s0, $0xA;
	s2 =	sadd.s32 s3, s2  }
0x8d: {  	s2 =	sadd.s32 s2, s16  }
0x8e: {  	[smem:$0x3FBA] =	sst s2  }
0x8f: {  	_ = 	snop  }
0x90: {  	(tm) =	ssettm $0x1  }
0x91: {  	s17 =	sld [smem:$0x3FFB];
	_ =	sdelay $0x3  }
0x92: {  	_ =	strace s17  }
0x93: {  	s2 =	sld [smem:$0x3FFC];
	_ =	sdelay $0x3  }
0x94: {  	_ =	strace s2  }
0x95: {  	s2 =	sld [smem:$0x3FFD];
	_ =	sdelay $0x3  }
0x96: {  	_ =	strace s2  }
0x97: {  	_ =	strace $0x8FFFFFFF  }
0x98: {  	s18 =	sld [smem:$0x3FDB];
	_ =	sdelay $0x1  }
0x99: {  	s19 =	simm.s32 $_scs_section_size  }
0x9a: {  	s4 =	simm.s32 $_size__tile_overlayer_lowered;
	s5 =	simm.s32 $_tile_overlayer_lowered  }
0x9b: {  	s22 =	simm.s32 $0x1BFF;
	s21 =	sshll.u32 s5, $0x1;
	s2 =	sadd.s32 s19, s18  }
0x9c: {  	s6 =	simm.s32 $0x0;
	s20 =	sshll.u32 s4, $0x1;
	s4 =	sadd.s32 s21, s2  }
0x9d: {  	[timem:s6], [sflag:s22] =	dma.local [hbm:s4], s20  }
0x9e: {  	_ =	swait.ge [sflag:s22], s20  }
0x9f: {  	s3 =	ssub.s32 $0x0, s20;
	[sflag:s22] =	ssyncset.done $0x0  }
0xa0: {  	[sflag:s22] =	ssyncadd.s32 s3;
	_ =	sdelay $0x1  }
0xa1: {  	s23 =	simm.s32 $0x1B8B  }
0xa2: {  	_ =	swait.ge [sflag:s23], $0x1  }
0xa3: {  	[sflag:s23] =	ssyncset.done $0x0  }
0xa4: {  	s25 =	simm.s32 $0x1B8E;
	s24 =	sld [smem:$0x3FFE];
	[sflag:s23] =	ssyncadd.s32 $0xFFFFFFFF  }
0xa5: {  	s26 =	simm.s32 $execute0_lowered;
	[smem:$0x3FD2] =	sst s25  }
0xa6: {  	s4 =	sshll.u32 s26, $0x1;
	_ =	strace $0x80000061;
	[dreg:$0x1] =	wrdreg $0xFFFFFFFF  }
0xa7: {  	s28 =	simm.s32 $_size_execute0_lowered;
	s2 =	sadd.s32 s2, s4;
	[dreg:$0x0] =	wrdreg $0x0  }
0xa8: {  	s4 =	sshll.u32 s28, $0x1;
	[dreg:$0x2] =	wrdreg s2  }
0xa9: {  	[dreg:$0x3] =	wrdreg s4  }
0xaa: {  	[dreg:$0x4] =	wrdreg $0xC0  }
0xab: {  	_ =	task [dreg:s6], $0x5FFFF  }
0xac: {  	[dreg:$0x1] =	wrdreg $0xFFFFFFFF  }
0xad: {  	[dreg:$0x0] =	wrdreg $0x60  }
0xae: {  	[dreg:$0x2] =	wrdreg s24  }
0xaf: {  	[dreg:$0x3] =	wrdreg $0x6A000  }
0xb0: {  	[dreg:$0x4] =	wrdreg $0x9  }
0xb1: {  	_ =	task.clear_ibuf [dreg:s6], $0x5FFFF;
	_ =	strace $0x90000061  }
0xb2: {  	s29 =	simm.s32 $0x9;
	_ =	strace $0x80000063  }
0xb3: {  	_ =	swait.ge [sflag:s29], $0x1  }
0xb4: {  	[sflag:s29] =	ssyncadd.s32 $0xFFFFFFFF  }
0xb5: {  	_ =	strace $0x90000063  }
0xb6: {  	_ =	sfence  }
0xb7: {  	s30 =	sld [smem:$0x0];
	_ =	sdelay $0x2  }
0xb8: {  	s31 =	sshll.u32 s1, $0xD;
	s1 =	sshrl.u32 s1, $0x2  }
0xb9: {  	s3 =	sand.u32 $0x4000, s31;
	s1 =	sadd.s32 s1, s30  }
0xba: {  	s0 =	sor.u32 s3, s0;
	s1 =	sshll.u32 s1, $0x11  }
0xbb: {  	s0 =	sor.u32 s1, s0  }
0xbc: {  	s0 =	sadd.s32 $0x8F2B, s0  }
0xbd: {  	[sflag:s0] =	ssyncadd.remote.s32 $0x1  }
0xbe: {  	_ =	sfence.sel $0xFFFF  }
0xbf: {  	[dreg:$0x0] =	wrdreg $0xFFFFFFFF;
	(pc) =	sbr.abs _section_cstart, $3  }
0xc0: {  	[dreg:$0x1] =	wrdreg $0xFFFFFFFF  }
0xc1: {  	_ =	task.clear_ibuf [dreg:s6], $0x2FFFF;
	_ =	strace $0x9FFFFFFF  }
0xc2: {  	(tm) =	ssettm $0x7FFFFFFF  }
0xc3: {  	_ =	shalt  }
tec
execute0_lowered:
.L_overlay_start_1:
0x0: {  	(tag) =	ssettag $0x1  }
0x1: {  	s0 =	rddreg [dreg:$0x0];
	s1 =	srdreg.scid  }
0x2: {  	s9 =	stileid.u32;
	s6 =	rddreg [dreg:$0x1];
	s2 =	simm.s32 $0x0  }
0x3: {  	s24 =	simm.s32 $0x1;
	s29 =	simm.s32 $0x6600;
	s30 =	simm.s32 $0x6800  }
0x4: {  	s31 =	simm.s32 $0x0;
	s1 =	sand.u32 $0x1, s1;
	s3 =	sshll.u32 s9, $0x1  }
0x5: {  	[smem:$0x7FF] =	sst s2;
	s25 =	sshll.u32 s9, $0x6;
	s3 =	sor.u32 s1, s3  }
0x6: {  	s26 =	sshll.u32 s9, $0xD;
	s4 =	ssub.s32 $0x2, s1;
	s3 =	smul.u32 $0x280, s3  }
0x7: {  	s28 =	sshll.u32 s9, $0x9;
	_ =	strace $0x80000062;
	s7 =	sshrl.u32 s4, $0x1  }
0x8: {  	s1 =	sshll.u32 s1, $0xA;
	s8 =	ssub.s32 s4, s7;
	s5 =	sadd.s32 s3, s0  }
0x9: {  	s0 =	sadd.s32 s25, s0;
	s8 =	smax.u32 s8, $0x1;
	s3 =	sadd.s32 $0x2200, s5  }
0xa: {  	s4 =	sadd.s32 $0xE000, s5;
	s5 =	sadd.s32 s26, s6;
	s0 =	sadd.s32 s1, s0  }
0xb: {  	s6 =	sadd.s32 s28, s6;
	s26 =	simm.s32 $0x2800;
	s7 =	sadd.s32 $0x7200, s0  }
0xc: {  	s9 =	sadd.s32 $0x2000, s6;
	s10 =	sadd.s32 $0x4000, s6;
	s11 =	sadd.s32 $0x6000, s6  }
0xd: {  	s12 =	sadd.s32 $0x8000, s6;
	s13 =	sadd.s32 $0xA000, s6;
	s14 =	sadd.s32 $0xC000, s6  }
0xe: {  	s15 =	sadd.s32 $0xE000, s6;
	s16 =	sadd.s32 $0x10000, s6;
	s17 =	sadd.s32 $0x12000, s6  }
0xf: {  	s18 =	sadd.s32 $0x14000, s6;
	s19 =	sadd.s32 $0x16000, s6;
	s20 =	sadd.s32 $0x18000, s6  }
0x10: {  	v0 =	vimm.f32 $0.0e+00;
	s21 =	sadd.s32 $0x1A000, s6;
	s22 =	sadd.s32 $0x1C000, s6;
	s23 =	sadd.s32 $0x1E000, s6  }
.LBB2_1:
0x11: {  	[tilespmem:s2], [sflag:$0x1] =	stream.linear.gather [hbm4b:s3+s2], $0x1400, $0x38;
	[tilespmem:$0x8A00] =	vst v63  }
0x12: {  	_ =	swait.ge [sflag:s24], $0x1400  }
0x13: {  	[sflag:s24] =	ssyncset.done $0x0  }
0x14: {  	s0 =	simm.s32 $0x1400;
	[sflag:s24] =	ssyncadd.s32 $0xFFFFEC00  }
0x15: {  	[tilespmem:s0], [sflag:$0x1] =	stream.linear.gather [hbm4b:s4+s2], $0x1400, $0x38;
	[tilespmem:$0x8A00] =	vst v63  }
0x16: {  	_ =	swait.ge [sflag:s24], $0x1400  }
0x17: {  	[sflag:s24] =	ssyncset.done $0x0  }
0x18: {  	s0 =	simm.s32 $0x0;
	[sflag:s24] =	ssyncadd.s32 $0xFFFFEC00  }
.LBB2_2:
0x19: {  	p0 =	sne.s32 s0, $0x7FC0  }
.Ltmp0:
0x1a: {  	_ = 	snop;
	(pc) =	sbr.rel @p0 .LBB2_2-.Ltmp0, $3  }
0x1b: {  	_ =	sdelay $0x1  }
0x1c: {  	s1 =	sshra.s32 s0, $0x2  }
0x1d: {  	s0 =	sadd.s32 $0x40, s0;
	[tilespmem:s1+$0x2800] =	vst v0  }
0x1e: {  	s1 =	simm.s32 $0x0;
	s0 =	simm.s32 $0x40  }
.LBB2_4:
0x1f: {  	p0 =	sne.s32 s0, $0x4FC0;
	v1 =	vld [tilespmem:s1+$0x1400];
	_ =	sdelay $0x2  }
0x20: {  	v2 =	vld [tilespmem:s1+$0x0]  }
.Ltmp1:
0x21: {  	(pc) =	sbr.rel @p0 .LBB2_4-.Ltmp1, $2  }
0x22: {  	_ =	sdelay $0x2  }
0x23: {  	s1 =	sshra.s32 s0, $0x2;
	s0 =	sadd.s32 $0x40, s0;
	[tilespmem:v1+s26+$0x0] =	vst.idx.add.f32.msk $0xffff, v2  }
0x24: {  	v1 =	vld [tilespmem:s1+$0x1400];
	_ =	sdelay $0x2  }
0x25: {  	v2 =	vld [tilespmem:s1+$0x0];
	_ =	sdelay $0x4  }
0x26: {  	[tilespmem:v1+s26+$0x0] =	vst.idx.add.f32.msk $0xffff, v2  }
0x27: {  	[spmem:s5] =	stream.linear.scatter [tilespmem:s26], [sflag:$0x1], $0x2000, $0x38;
	[tilespmem:$0x8A00] =	vst v63  }
0x28: {  	_ =	swait.ge [sflag:s24], $0x2000  }
0x29: {  	[sflag:s24] =	ssyncset.done $0x0  }
0x2a: {  	[sflag:s24] =	ssyncadd.s32 $0xFFFFE000  }
0x2b: {  	s0 =	simm.s32 $0x4800;
	[bflag:$0x0] =	sbarrier.arrive $0xFFFF  }
0x2c: {  	[tilespmem:s0], [sflag:$0x1] =	stream.linear.gather [spmem:s6], $0x200, $0x38;
	[tilespmem:$0x8A00] =	vst v63  }
0x2d: {  	_ =	swait.ge [sflag:s24], $0x200  }
0x2e: {  	[sflag:s24] =	ssyncset.done $0x0  }
0x2f: {  	s1 =	simm.s32 $0x4A00;
	[sflag:s24] =	ssyncadd.s32 $0xFFFFFE00  }
0x30: {  	[tilespmem:s1], [sflag:$0x1] =	stream.linear.gather [spmem:s9], $0x200, $0x38;
	[tilespmem:$0x8A00] =	vst v63  }
0x31: {  	_ =	swait.ge [sflag:s24], $0x200  }
0x32: {  	[sflag:s24] =	ssyncset.done $0x0  }
0x33: {  	s25 =	simm.s32 $0x4C00;
	[sflag:s24] =	ssyncadd.s32 $0xFFFFFE00  }
0x34: {  	[tilespmem:s25], [sflag:$0x1] =	stream.linear.gather [spmem:s10], $0x200, $0x38;
	[tilespmem:$0x8A00] =	vst v63  }
0x35: {  	_ =	swait.ge [sflag:s24], $0x200  }
0x36: {  	[sflag:s24] =	ssyncset.done $0x0  }
0x37: {  	s1 =	simm.s32 $0x4E00;
	[sflag:s24] =	ssyncadd.s32 $0xFFFFFE00  }
0x38: {  	[tilespmem:s1], [sflag:$0x1] =	stream.linear.gather [spmem:s11], $0x200, $0x38;
	[tilespmem:$0x8A00] =	vst v63  }
0x39: {  	_ =	swait.ge [sflag:s24], $0x200  }
0x3a: {  	[sflag:s24] =	ssyncset.done $0x0  }
0x3b: {  	s25 =	simm.s32 $0x5000;
	[sflag:s24] =	ssyncadd.s32 $0xFFFFFE00  }
0x3c: {  	[tilespmem:s25], [sflag:$0x1] =	stream.linear.gather [spmem:s12], $0x200, $0x38;
	[tilespmem:$0x8A00] =	vst v63  }
0x3d: {  	_ =	swait.ge [sflag:s24], $0x200  }
0x3e: {  	[sflag:s24] =	ssyncset.done $0x0  }
0x3f: {  	s1 =	simm.s32 $0x5200;
	[sflag:s24] =	ssyncadd.s32 $0xFFFFFE00  }
0x40: {  	[tilespmem:s1], [sflag:$0x1] =	stream.linear.gather [spmem:s13], $0x200, $0x38;
	[tilespmem:$0x8A00] =	vst v63  }
0x41: {  	_ =	swait.ge [sflag:s24], $0x200  }
0x42: {  	[sflag:s24] =	ssyncset.done $0x0  }
0x43: {  	s25 =	simm.s32 $0x5400;
	[sflag:s24] =	ssyncadd.s32 $0xFFFFFE00  }
0x44: {  	[tilespmem:s25], [sflag:$0x1] =	stream.linear.gather [spmem:s14], $0x200, $0x38;
	[tilespmem:$0x8A00] =	vst v63  }
0x45: {  	_ =	swait.ge [sflag:s24], $0x200  }
0x46: {  	[sflag:s24] =	ssyncset.done $0x0  }
0x47: {  	s1 =	simm.s32 $0x5600;
	[sflag:s24] =	ssyncadd.s32 $0xFFFFFE00  }
0x48: {  	[tilespmem:s1], [sflag:$0x1] =	stream.linear.gather [spmem:s15], $0x200, $0x38;
	[tilespmem:$0x8A00] =	vst v63  }
0x49: {  	_ =	swait.ge [sflag:s24], $0x200  }
0x4a: {  	[sflag:s24] =	ssyncset.done $0x0  }
0x4b: {  	s25 =	simm.s32 $0x5800;
	[sflag:s24] =	ssyncadd.s32 $0xFFFFFE00  }
0x4c: {  	[tilespmem:s25], [sflag:$0x1] =	stream.linear.gather [spmem:s16], $0x200, $0x38;
	[tilespmem:$0x8A00] =	vst v63  }
0x4d: {  	_ =	swait.ge [sflag:s24], $0x200  }
0x4e: {  	[sflag:s24] =	ssyncset.done $0x0  }
0x4f: {  	s1 =	simm.s32 $0x5A00;
	[sflag:s24] =	ssyncadd.s32 $0xFFFFFE00  }
0x50: {  	[tilespmem:s1], [sflag:$0x1] =	stream.linear.gather [spmem:s17], $0x200, $0x38;
	[tilespmem:$0x8A00] =	vst v63  }
0x51: {  	_ =	swait.ge [sflag:s24], $0x200  }
0x52: {  	[sflag:s24] =	ssyncset.done $0x0  }
0x53: {  	s25 =	simm.s32 $0x5C00;
	[sflag:s24] =	ssyncadd.s32 $0xFFFFFE00  }
0x54: {  	[tilespmem:s25], [sflag:$0x1] =	stream.linear.gather [spmem:s18], $0x200, $0x38;
	[tilespmem:$0x8A00] =	vst v63  }
0x55: {  	_ =	swait.ge [sflag:s24], $0x200  }
0x56: {  	[sflag:s24] =	ssyncset.done $0x0  }
0x57: {  	s1 =	simm.s32 $0x5E00;
	[sflag:s24] =	ssyncadd.s32 $0xFFFFFE00  }
0x58: {  	[tilespmem:s1], [sflag:$0x1] =	stream.linear.gather [spmem:s19], $0x200, $0x38;
	[tilespmem:$0x8A00] =	vst v63  }
0x59: {  	_ =	swait.ge [sflag:s24], $0x200  }
0x5a: {  	[sflag:s24] =	ssyncset.done $0x0  }
0x5b: {  	s25 =	simm.s32 $0x6000;
	[sflag:s24] =	ssyncadd.s32 $0xFFFFFE00  }
0x5c: {  	[tilespmem:s25], [sflag:$0x1] =	stream.linear.gather [spmem:s20], $0x200, $0x38;
	[tilespmem:$0x8A00] =	vst v63  }
0x5d: {  	_ =	swait.ge [sflag:s24], $0x200  }
0x5e: {  	[sflag:s24] =	ssyncset.done $0x0  }
0x5f: {  	s1 =	simm.s32 $0x6200;
	[sflag:s24] =	ssyncadd.s32 $0xFFFFFE00  }
0x60: {  	[tilespmem:s1], [sflag:$0x1] =	stream.linear.gather [spmem:s21], $0x200, $0x38;
	[tilespmem:$0x8A00] =	vst v63  }
0x61: {  	_ =	swait.ge [sflag:s24], $0x200  }
0x62: {  	[sflag:s24] =	ssyncset.done $0x0  }
0x63: {  	s25 =	simm.s32 $0x6400;
	[sflag:s24] =	ssyncadd.s32 $0xFFFFFE00  }
0x64: {  	[tilespmem:s25], [sflag:$0x1] =	stream.linear.gather [spmem:s22], $0x200, $0x38;
	[tilespmem:$0x8A00] =	vst v63  }
0x65: {  	_ =	swait.ge [sflag:s24], $0x200  }
0x66: {  	[sflag:s24] =	ssyncset.done $0x0  }
0x67: {  	[sflag:s24] =	ssyncadd.s32 $0xFFFFFE00  }
0x68: {  	[tilespmem:s29], [sflag:$0x1] =	stream.linear.gather [spmem:s23], $0x200, $0x38;
	[tilespmem:$0x8A00] =	vst v63  }
0x69: {  	_ =	swait.ge [sflag:s24], $0x200  }
0x6a: {  	[sflag:s24] =	ssyncset.done $0x0  }
0x6b: {  	s0 =	simm.s32 $0x0;
	[sflag:s24] =	ssyncadd.s32 $0xFFFFFE00  }
0x6c: {  	v1 =	vld [tilespmem:s0+$0x4800]  }
0x6d: {  	v2 =	vld [tilespmem:s0+$0x4A00];
	_ =	sdelay $0x1  }
0x6e: {  	v3 =	vld [tilespmem:s0+$0x4C00];
	_ =	sdelay $0x1  }
0x6f: {  	v4 =	vld [tilespmem:s0+$0x4E00]  }
0x70: {  	v1 =	vadd.f32 v2, v1  }
0x71: {  	v2 =	vld [tilespmem:s0+$0x5000]  }
0x72: {  	v1 =	vadd.f32 v3, v1  }
0x73: {  	v3 =	vld [tilespmem:s0+$0x5200]  }
0x74: {  	v1 =	vadd.f32 v4, v1  }
0x75: {  	v4 =	vld [tilespmem:s0+$0x5400]  }
0x76: {  	v1 =	vadd.f32 v2, v1  }
0x77: {  	v2 =	vld [tilespmem:s0+$0x5600]  }
0x78: {  	s1 =	simm.s32 $0x10;
	v5 =	vld [tilespmem:s0+$0x5800];
	v1 =	vadd.f32 v3, v1  }
0x79: {  	v6 =	vld [tilespmem:s1+$0x4800]  }
0x7a: {  	v3 =	vld [tilespmem:s0+$0x5A00];
	v1 =	vadd.f32 v4, v1  }
0x7b: {  	v4 =	vld [tilespmem:s1+$0x4A00]  }
0x7c: {  	v7 =	vld [tilespmem:s1+$0x4C00];
	v1 =	vadd.f32 v2, v1  }
0x7d: {  	v2 =	vld [tilespmem:s0+$0x5C00]  }
0x7e: {  	v8 =	vld [tilespmem:s1+$0x4E00];
	v1 =	vadd.f32 v5, v1  }
0x7f: {  	v5 =	vld [tilespmem:s0+$0x5E00]  }
0x80: {  	v4 =	vadd.f32 v4, v6;
	v6 =	vld [tilespmem:s1+$0x5000];
	v1 =	vadd.f32 v3, v1  }
0x81: {  	v3 =	vld [tilespmem:s0+$0x6000]  }
0x82: {  	v4 =	vadd.f32 v7, v4;
	v7 =	vld [tilespmem:s1+$0x5200];
	v1 =	vadd.f32 v2, v1  }
0x83: {  	v2 =	vld [tilespmem:s0+$0x6200]  }
0x84: {  	v9 =	vld [tilespmem:s1+$0x5400];
	v4 =	vadd.f32 v8, v4;
	v1 =	vadd.f32 v5, v1  }
0x85: {  	v8 =	vld [tilespmem:s0+$0x6400]  }
0x86: {  	v5 =	vadd.f32 v6, v4;
	v4 =	vld [tilespmem:s1+$0x5600];
	v6 =	vadd.f32 v3, v1  }
0x87: {  	v3 =	vld [tilespmem:s0+$0x6600]  }
0x88: {  	v1 =	vld [tilespmem:s1+$0x5A00];
	v7 =	vadd.f32 v7, v5;
	v10 =	vadd.f32 v2, v6  }
0x89: {  	s25 =	simm.s32 $0x20;
	v5 =	vld [tilespmem:s1+$0x5800]  }
0x8a: {  	s28 =	simm.s32 $0xC0;
	v2 =	vld [tilespmem:s25+$0x4800];
	v6 =	vadd.f32 v9, v7;
	v7 =	vadd.f32 v8, v10  }
.LBB2_6:
0x8b: {  	p0 =	sne.s32 s28, $0x7C0;
	v8 =	vld [tilespmem:s25+$0x4A00]  }
0x8c: {  	v4 =	vadd.f32 v4, v6;
	v6 =	vld [tilespmem:s1+$0x5C00];
	v3 =	vadd.f32 v3, v7  }
0x8d: {  	v7 =	vld [tilespmem:s25+$0x4C00]  }
0x8e: {  	v4 =	vadd.f32 v5, v4;
	v5 =	vld [tilespmem:s1+$0x5E00];
	[tilespmem:s0+$0x6800] =	vst v3;
	s0 =	smov.u32 s1;
	s1 =	smov.u32 s25  }
0x8f: {  	v3 =	vld [tilespmem:s1+$0x4E00]  }
0x90: {  	v2 =	vadd.f32 v8, v2;
	v1 =	vadd.f32 v1, v4;
	v4 =	vld [tilespmem:s0+$0x6000]  }
0x91: {  	v8 =	vld [tilespmem:s1+$0x5000]  }
0x92: {  	v2 =	vadd.f32 v7, v2;
	v1 =	vadd.f32 v6, v1;
	v6 =	vld [tilespmem:s0+$0x6200]  }
0x93: {  	v7 =	vld [tilespmem:s1+$0x5200]  }
0x94: {  	v2 =	vadd.f32 v3, v2;
	v1 =	vadd.f32 v5, v1;
	v9 =	vld [tilespmem:s0+$0x6400]  }
0x95: {  	v10 =	vld [tilespmem:s1+$0x5400]  }
.Ltmp2:
0x96: {  	v2 =	vadd.f32 v8, v2;
	v5 =	vadd.f32 v4, v1;
	v3 =	vld [tilespmem:s0+$0x6600];
	(pc) =	sbr.rel @p0 .LBB2_6-.Ltmp2, $4  }
0x97: {  	v4 =	vld [tilespmem:s1+$0x5600]  }
0x98: {  	v7 =	vadd.f32 v7, v2;
	v1 =	vld [tilespmem:s1+$0x5A00];
	v8 =	vadd.f32 v6, v5  }
0x99: {  	s25 =	sshra.s32 s28, $0x2;
	v5 =	vld [tilespmem:s1+$0x5800]  }
0x9a: {  	s28 =	sadd.s32 $0x40, s28;
	v2 =	vld [tilespmem:s25+$0x4800];
	v6 =	vadd.f32 v10, v7;
	v7 =	vadd.f32 v9, v8  }
0x9b: {  	v8 =	vld [tilespmem:s25+$0x4A00]  }
0x9c: {  	v9 =	vld [tilespmem:s1+$0x5C00];
	v3 =	vadd.f32 v3, v7  }
0x9d: {  	v52 =	vld [tilespmem:s25+$0x4C00]  }
0x9e: {  	v10 =	vld [tilespmem:s1+$0x5E00];
	v4 =	vadd.f32 v4, v6;
	[tilespmem:s0+$0x6800] =	vst v3  }
0x9f: {  	v3 =	vld [tilespmem:s25+$0x4E00]  }
0xa0: {  	v4 =	vadd.f32 v5, v4;
	v2 =	vadd.f32 v8, v2  }
0xa1: {  	v53 =	vld [tilespmem:s25+$0x5000]  }
0xa2: {  	v54 =	vld [tilespmem:s1+$0x6000];
	v1 =	vadd.f32 v1, v4;
	v2 =	vadd.f32 v52, v2  }
0xa3: {  	v55 =	vld [tilespmem:s25+$0x5200]  }
0xa4: {  	v56 =	vld [tilespmem:s1+$0x6200];
	v1 =	vadd.f32 v9, v1;
	v2 =	vadd.f32 v3, v2  }
0xa5: {  	v3 =	vld [tilespmem:s25+$0x5400]  }
0xa6: {  	v57 =	vld [tilespmem:s1+$0x6400];
	v1 =	vadd.f32 v10, v1;
	v2 =	vadd.f32 v53, v2  }
0xa7: {  	v58 =	vld [tilespmem:s25+$0x5600]  }
0xa8: {  	v59 =	vld [tilespmem:s1+$0x6600];
	v1 =	vadd.f32 v54, v1;
	v2 =	vadd.f32 v55, v2  }
0xa9: {  	v60 =	vld [tilespmem:s25+$0x5800]  }
0xaa: {  	v1 =	vadd.f32 v56, v1;
	v2 =	vadd.f32 v3, v2  }
0xab: {  	v3 =	vld [tilespmem:s25+$0x5A00]  }
0xac: {  	v1 =	vadd.f32 v57, v1;
	v2 =	vadd.f32 v58, v2  }
0xad: {  	v61 =	vld [tilespmem:s25+$0x5C00]  }
0xae: {  	v1 =	vadd.f32 v59, v1;
	v2 =	vadd.f32 v60, v2  }
0xaf: {  	v62 =	vld [tilespmem:s25+$0x5E00]  }
0xb0: {  	[tilespmem:s1+$0x6800] =	vst v1;
	v1 =	vadd.f32 v3, v2  }
0xb1: {  	v2 =	vld [tilespmem:s25+$0x6000]  }
0xb2: {  	v1 =	vadd.f32 v61, v1  }
0xb3: {  	v3 =	vld [tilespmem:s25+$0x6200]  }
0xb4: {  	v1 =	vadd.f32 v62, v1  }
0xb5: {  	v63 =	vld [tilespmem:s25+$0x6400]  }
0xb6: {  	v1 =	vadd.f32 v2, v1  }
0xb7: {  	v2 =	vld [tilespmem:s25+$0x6600]  }
0xb8: {  	v1 =	vadd.f32 v3, v1;
	_ =	sdelay $0x1  }
0xb9: {  	v1 =	vadd.f32 v63, v1;
	_ =	sdelay $0x1  }
0xba: {  	s31 =	sadd.s32 $0x1, s31;
	v1 =	vadd.f32 v2, v1  }
0xbb: {  	p0 =	sne.s32 s31, s8  }
.Ltmp3:
0xbc: {  	[tilespmem:s25+$0x6800] =	vst v1;
	(pc) =	sbr.rel @p0 .LBB2_1-.Ltmp3, $4  }
0xbd: {  	[hbm4b:s7+s2] =	stream.linear.scatter [tilespmem:s30], [sflag:$0x1], $0x200, $0x38;
	[tilespmem:$0x8A00] =	vst v63  }
0xbe: {  	_ =	swait.ge [sflag:s24], $0x200  }
0xbf: {  	[sflag:s24] =	ssyncset.done $0x0  }
0xc0: {  	[sflag:s24] =	ssyncadd.s32 $0xFFFFFE00  }
0xc1: {  	_ =	sfence.sel $0x180000  }
0xc2: {  	[bflag:$0x0] =	sbarrier.arrive $0xFFFF  }
0xc3: {  	_ =	strace $0x90000062  }
0xc4: {  	s0 =	stileid.u32;
	[bflag:$0x2] =	sbarrier.arrive $0xFFFF  }
0xc5: {  	p0 =	sne.s32 s0, $0x0;
	s0 =	rddreg [dreg:$0x2]  }
0xc6: {  	s0 =	sadd.s32 @!p0 $0x100000, s0  }
0xc7: {  	[sflag:s0] =	ssyncadd.tile.s32 @!p0 $0x1;
	_ =	shalt  }
.Lfunc_end2:
_tile_overlayer_lowered:
.L_overlay_start_2:
0xc8: {  	(tag) =	ssettag $0x2  }
0xc9: {  	s0 =	rddreg [dreg:$0x0];
	s2 =	stileid.u32  }
0xca: {  	s1 =	rddreg [dreg:$0x1];
	p0 =	sne.s32 s2, $0x0  }
0xcb: {  	s3 =	rddreg [dreg:$0x2];
	[bflag:$0x3] =	sbarrier.arrive $0xFFFF;
	s2 =	simm.s32 @!p0 $0x1C01  }
0xcc: {  	[timem:s3], [sflag:s2] =	dma.local @!p0 [hbm:s0], s1  }
0xcd: {  	s0 =	simm.s32 @!p0 $0x1  }
0xce: {  	_ =	swait.ge @!p0 [sflag:s0], s1  }
0xcf: {  	s1 =	ssub.s32 @!p0 $0x0, s1;
	[sflag:s0] =	ssyncset.done @!p0 $0x0  }
0xd0: {  	[sflag:s0] =	ssyncadd.s32 @!p0 s1  }
0xd1: {  	[bflag:$0x3] =	sbarrier.arrive $0xFFFF  }
0xd2: {  	_ =	shalt  }

</sc_bundles>
